<compile_context>
chip_gen: v7x
topology: tpu7x:2x2x1
jax: 0.10.2.dev20260603
libtpu: 0.0.44.dev20260713+nightly
codegen_flags: <defaults>
</compile_context>

<pallas_src>
import functools

import numpy as np
import jax
import jax.numpy as jnp
from jax import lax
from jax.experimental import pallas as pl
from jax.experimental.pallas import tpu as pltpu
from jax.experimental.pallas import tpu_sc as plsc

_VOCAB = 1000000
_D = 64
_B = 1024
_L = 200

_NW = 32
_ROWS = _B * _L
_RPW = _ROWS // _NW
_CHUNK = 400
_GSUB = 100
_NCHUNK = _RPW // _CHUNK
_NSUB = _CHUNK // _GSUB


def _sinusoidal_pe_np(length, d_model):
    pos = np.arange(length, dtype=np.float32)[:, None]
    div = np.exp(
        np.arange(0, d_model, 2, dtype=np.float32) * (-np.log(10000.0) / d_model)
    )
    pe = np.zeros((length, d_model), dtype=np.float32)
    pe[:, 0::2] = np.sin(pos * div)
    pe[:, 1::2] = np.cos(pos * div)
    return pe


_mesh = plsc.VectorSubcoreMesh(core_axis_name="c", subcore_axis_name="s")


@functools.partial(
    pl.kernel,
    mesh=_mesh,
    compiler_params=pltpu.CompilerParams(
        use_tc_tiling_on_sc=False, needs_layout_passes=False),
    out_type=jax.ShapeDtypeStruct((_ROWS // _CHUNK, _L, 2 * _D), jnp.float32),
    scratch_types=[
        pltpu.VMEM((_NCHUNK * _NSUB, _GSUB), jnp.int32),
        pltpu.VMEM((_L, _D), jnp.float32),
        pltpu.VMEM((2, _CHUNK, _D), jnp.float32),
        pltpu.VMEM((2, _CHUNK // 2, 2 * _D), jnp.float32),
        pltpu.SemaphoreType.DMA,
        pltpu.SemaphoreType.DMA,
        pltpu.SemaphoreType.DMA,
        pltpu.SemaphoreType.DMA,
    ],
)
def _embed_kernel(idx_hbm, pe_hbm, table_hbm, out_hbm,
                  idx_v, pe_v, inb, outb, g0, g1, s0, s1):
    wid = lax.axis_index("s") * 2 + lax.axis_index("c")
    cbase = wid * _NCHUNK
    gsem = (g0, g1)
    ssem = (s0, s1)

    pltpu.sync_copy(idx_hbm.at[wid], idx_v)
    pltpu.sync_copy(pe_hbm, pe_v)

    def gather(i, b):
        for s in range(_NSUB):
            pltpu.async_copy(table_hbm.at[idx_v.at[_NSUB * i + s]],
                             inb.at[b, pl.ds(s * _GSUB, _GSUB)], gsem[b])

    def wait_gather(b):
        for _ in range(_NSUB):
            pltpu.make_async_copy(table_hbm.at[idx_v.at[0]],
                                  inb.at[b, pl.ds(0, _GSUB)], gsem[b]).wait()

    def store(i, b):
        pltpu.async_copy(outb.at[b], out_hbm.at[cbase + i], ssem[b])

    def wait_store(b):
        pltpu.make_async_copy(outb.at[b], out_hbm.at[cbase], ssem[b]).wait()

    def add_pe(b):
        def rowpair(off, moff):
            def body(m, _):
                for h in range(2):
                    l = 2 * m + h
                    for q in range(_D // 16):
                        sl = pl.ds(q * 16, 16)
                        osl = pl.ds(h * _D + q * 16, 16)
                        outb[b, moff + m, osl] = inb[b, off + l, sl] + pe_v[l, sl]
                return 0

            lax.fori_loop(0, _L // 2, body, 0)

        rowpair(0, 0)
        rowpair(_L, _L // 2)

    gather(0, 0)
    gather(1, 1)
    for b in (0, 1):
        wait_gather(b)
        add_pe(b)
        store(b, b)
        gather(b + 2, b)

    def body(i2, _):
        for b in (0, 1):
            i = 2 * i2 + b
            wait_gather(b)
            wait_store(b)
            add_pe(b)
            store(i, b)
            gather(i + 2, b)
        return 0

    lax.fori_loop(1, _NCHUNK // 2 - 1, body, 0)

    for b in (0, 1):
        i = _NCHUNK - 2 + b
        wait_gather(b)
        wait_store(b)
        add_pe(b)
        store(i, b)
    wait_store(0)
    wait_store(1)


def kernel(sequence, token_table):
    seq2 = (sequence.reshape(-1).astype(jnp.int32) * 2).reshape(
        _NW, _NCHUNK * _NSUB, _GSUB)
    pe = jnp.asarray(_sinusoidal_pe_np(_L, _D))
    t2m = jnp.pad(token_table, ((0, 0), (0, _D))).reshape(2 * _VOCAB, _D)
    out = _embed_kernel(seq2, pe, t2m)
    return out.reshape(_B, _L, _D)

# --- scband reference (transcript-rebuilt; emitter-appended) ---
"""Pipeline reference for scband-bertembedding-23725399343772 (READ-ONLY COPY).

The authoritative reference and input builder live on the scoring server;
editing this copy changes nothing except your own understanding.
"""

import jax, jax.numpy as jnp
import numpy as np

VOCAB = 1000000
D = 64
B = 1024
L = 200


def _sinusoidal_pe(length, d_model):
    pos = np.arange(length, dtype=np.float32)[:, None]
    div = np.exp(np.arange(0, d_model, 2, dtype=np.float32) * (-np.log(10000.0) / d_model))
    pe = np.zeros((length, d_model), dtype=np.float32)
    pe[:, 0::2] = np.sin(pos * div)
    pe[:, 1::2] = np.cos(pos * div)
    return jnp.asarray(pe)


def setup_inputs(seed: int = 0) -> dict:
    key = jax.random.key(seed)
    k1, k2 = jax.random.split(key)
    sequence = jax.random.randint(k1, (B, L), 0, VOCAB).astype(jnp.int64)
    # Learned token embedding table (nn.Embedding weight), init ~ N(0, 0.02)
    token_table = jax.random.normal(k2, (VOCAB, D), dtype=jnp.float32) * 0.02
    return {"sequence": sequence, "token_table": token_table}


def reference(sequence, token_table):
    # TokenEmbedding: gather rows from the embedding table
    tok = jnp.take(token_table, sequence, axis=0)  # [B, L, D]
    # PositionalEmbedding: add fixed sinusoidal encodings, then dropout
    # (dropout is identity in eval / deterministic mode)
    pe = _sinusoidal_pe(sequence.shape[1], token_table.shape[1])
    return tok + pe[None, :, :]

if __name__ == "__main__":
    import jax
    _d = setup_inputs()
    print(jax.jit(kernel)(*tuple(_d.values())))

</pallas_src>

<mosaic_0001>
#map = affine_map<(d0, d1) -> (0, 0, 0)>
#map1 = affine_map<(d0, d1) -> (0, 0)>
module attributes {stable_mosaic.version = 14 : i64} {
  func.func @_embed_kernel(%arg0: i32, %arg1: i32, %arg2: memref<32x64x100xi32, #tpu.memory_space<hbm>>, %arg3: memref<200x64xf32, #tpu.memory_space<hbm>>, %arg4: memref<2000000x64xf32, #tpu.memory_space<hbm>>, %arg5: memref<512x200x128xf32, #tpu.memory_space<hbm>>, %arg6: memref<64x100xi32, #tpu.memory_space<vmem>>, %arg7: memref<200x64xf32, #tpu.memory_space<vmem>>, %arg8: memref<2x400x64xf32, #tpu.memory_space<vmem>>, %arg9: memref<2x200x128xf32, #tpu.memory_space<vmem>>, %arg10: memref<!tpu.dma_semaphore, #tpu.memory_space<semaphore_mem>>, %arg11: memref<!tpu.dma_semaphore, #tpu.memory_space<semaphore_mem>>, %arg12: memref<!tpu.dma_semaphore, #tpu.memory_space<semaphore_mem>>, %arg13: memref<!tpu.dma_semaphore, #tpu.memory_space<semaphore_mem>>) attributes {dimension_semantics = [#tpu.dimension_semantics<core_parallel>, #tpu.dimension_semantics<subcore_parallel>], iteration_bounds = array<i64: 2, 16>, scalar_prefetch = 0 : i64, scratch_operands = 8 : i64, tpu.core_type = #tpu.core_type<sc_vector_subcore>, window_params = [{transform_indices = #map}, {transform_indices = #map1}, {transform_indices = #map1}, {transform_indices = #map}]} {
    %mul3A = arith.constant 2 : i32
    %mul3A_0 = arith.muli %arg1, %mul3A : i32
    %add3A = arith.addi %mul3A_0, %arg0 : i32
    %mul3A_1 = arith.constant 16 : i32
    %mul3A_2 = arith.muli %add3A, %mul3A_1 : i32
    "tpu.region"() ({
      %run_scoped3A = tpu.sem_alloc : memref<!tpu.dma_semaphore, #tpu.memory_space<semaphore_mem>>
      %dma_start3A_591 = arith.constant 0 : i32
      %dma_start3A_592 = arith.constant 0 : i32
      %dma_start3A_593 = tpu.memref_slice %arg2[%add3A, %dma_start3A_591, %dma_start3A_592] : memref<32x64x100xi32, #tpu.memory_space<hbm>> -> memref<1x64x100xi32, #tpu.memory_space<hbm>>
      %dma_start3A_594 = tpu.memref_squeeze %dma_start3A_593 : memref<1x64x100xi32, #tpu.memory_space<hbm>> -> memref<64x100xi32, #tpu.memory_space<hbm>>
      %dma_start3A_595 = arith.constant 0 : i32
      %dma_start3A_596 = arith.constant 0 : i32
      %dma_start3A_597 = tpu.memref_slice %arg2[%add3A, %dma_start3A_595, %dma_start3A_596] : memref<32x64x100xi32, #tpu.memory_space<hbm>> -> memref<1x64x100xi32, #tpu.memory_space<hbm>>
      %dma_start3A_598 = tpu.memref_squeeze %dma_start3A_597 : memref<1x64x100xi32, #tpu.memory_space<hbm>> -> memref<64x100xi32, #tpu.memory_space<hbm>>
      tpu.enqueue_dma source(%dma_start3A_598 : memref<64x100xi32, #tpu.memory_space<hbm>>) target(%arg6 : memref<64x100xi32, #tpu.memory_space<vmem>>) target_semaphore(%run_scoped3A : memref<!tpu.dma_semaphore, #tpu.memory_space<semaphore_mem>>)
      %dma_wait3A_599 = arith.constant 0 : i32
      %dma_wait3A_600 = arith.constant 0 : i32
      %dma_wait3A_601 = tpu.memref_slice %arg2[%add3A, %dma_wait3A_599, %dma_wait3A_600] : memref<32x64x100xi32, #tpu.memory_space<hbm>> -> memref<1x64x100xi32, #tpu.memory_space<hbm>>
      %dma_wait3A_602 = tpu.memref_squeeze %dma_wait3A_601 : memref<1x64x100xi32, #tpu.memory_space<hbm>> -> memref<64x100xi32, #tpu.memory_space<hbm>>
      %dma_wait3A_603 = arith.constant 0 : i32
      %dma_wait3A_604 = arith.constant 0 : i32
      %dma_wait3A_605 = tpu.memref_slice %arg2[%add3A, %dma_wait3A_603, %dma_wait3A_604] : memref<32x64x100xi32, #tpu.memory_space<hbm>> -> memref<1x64x100xi32, #tpu.memory_space<hbm>>
      %dma_wait3A_606 = tpu.memref_squeeze %dma_wait3A_605 : memref<1x64x100xi32, #tpu.memory_space<hbm>> -> memref<64x100xi32, #tpu.memory_space<hbm>>
      tpu.wait_dma2 semaphore(%run_scoped3A : memref<!tpu.dma_semaphore, #tpu.memory_space<semaphore_mem>>) src(%dma_wait3A_606 : memref<64x100xi32, #tpu.memory_space<hbm>>) dst(%arg6 : memref<64x100xi32, #tpu.memory_space<vmem>>)
      tpu.yield
    }) : () -> ()
    "tpu.region"() ({
      %run_scoped3A = tpu.sem_alloc : memref<!tpu.dma_semaphore, #tpu.memory_space<semaphore_mem>>
      tpu.enqueue_dma source(%arg3 : memref<200x64xf32, #tpu.memory_space<hbm>>) target(%arg7 : memref<200x64xf32, #tpu.memory_space<vmem>>) target_semaphore(%run_scoped3A : memref<!tpu.dma_semaphore, #tpu.memory_space<semaphore_mem>>)
      tpu.wait_dma2 semaphore(%run_scoped3A : memref<!tpu.dma_semaphore, #tpu.memory_space<semaphore_mem>>) src(%arg3 : memref<200x64xf32, #tpu.memory_space<hbm>>) dst(%arg7 : memref<200x64xf32, #tpu.memory_space<vmem>>)
      tpu.yield
    }) : () -> ()
    %dma_start3A = arith.constant 0 : i32
    %dma_start3A_3 = arith.constant 0 : i32
    %dma_start3A_4 = arith.constant 0 : i32
    %dma_start3A_5 = arith.constant 0 : i32
    %dma_start3A_6 = tpu.memref_slice %arg8[%dma_start3A_3, %dma_start3A_4, %dma_start3A_5] : memref<2x400x64xf32, #tpu.memory_space<vmem>> -> memref<1x100x64xf32, #tpu.memory_space<vmem>>
    %dma_start3A_7 = tpu.memref_squeeze %dma_start3A_6 : memref<1x100x64xf32, #tpu.memory_space<vmem>> -> memref<100x64xf32, #tpu.memory_space<vmem>>
    %dma_start3A_8 = arith.constant 0 : i32
    %dma_start3A_9 = tpu.memref_slice %arg6[%dma_start3A, %dma_start3A_8] : memref<64x100xi32, #tpu.memory_space<vmem>> -> memref<1x100xi32, #tpu.memory_space<vmem>>
    %dma_start3A_10 = tpu.memref_squeeze %dma_start3A_9 : memref<1x100xi32, #tpu.memory_space<vmem>> -> memref<100xi32, #tpu.memory_space<vmem>>
    %dma_start3A_11 = arith.constant 0 : i32
    %dma_start3A_12 = arith.constant 0 : i32
    %dma_start3A_13 = tpu.memref_slice %arg4[%dma_start3A_11, %dma_start3A_12] : memref<2000000x64xf32, #tpu.memory_space<hbm>> -> memref<2000000x64xf32, #tpu.memory_space<hbm>>
    tpu.enqueue_indirect_dma source(%dma_start3A_13 : memref<2000000x64xf32, #tpu.memory_space<hbm>>) target(%dma_start3A_7 : memref<100x64xf32, #tpu.memory_space<vmem>>) offsets(%dma_start3A_10 : memref<100xi32, #tpu.memory_space<vmem>>) semaphore(%arg10 : memref<!tpu.dma_semaphore, #tpu.memory_space<semaphore_mem>>)
    %dma_start3A_14 = arith.constant 1 : i32
    %dma_start3A_15 = arith.constant 0 : i32
    %dma_start3A_16 = arith.constant 100 : i32
    %dma_start3A_17 = arith.constant 0 : i32
    %dma_start3A_18 = tpu.memref_slice %arg8[%dma_start3A_15, %dma_start3A_16, %dma_start3A_17] : memref<2x400x64xf32, #tpu.memory_space<vmem>> -> memref<1x100x64xf32, #tpu.memory_space<vmem>>
    %dma_start3A_19 = tpu.memref_squeeze %dma_start3A_18 : memref<1x100x64xf32, #tpu.memory_space<vmem>> -> memref<100x64xf32, #tpu.memory_space<vmem>>
    %dma_start3A_20 = arith.constant 0 : i32
    %dma_start3A_21 = tpu.memref_slice %arg6[%dma_start3A_14, %dma_start3A_20] : memref<64x100xi32, #tpu.memory_space<vmem>> -> memref<1x100xi32, #tpu.memory_space<vmem>>
    %dma_start3A_22 = tpu.memref_squeeze %dma_start3A_21 : memref<1x100xi32, #tpu.memory_space<vmem>> -> memref<100xi32, #tpu.memory_space<vmem>>
    %dma_start3A_23 = arith.constant 0 : i32
    %dma_start3A_24 = arith.constant 0 : i32
    %dma_start3A_25 = tpu.memref_slice %arg4[%dma_start3A_23, %dma_start3A_24] : memref<2000000x64xf32, #tpu.memory_space<hbm>> -> memref<2000000x64xf32, #tpu.memory_space<hbm>>
    tpu.enqueue_indirect_dma source(%dma_start3A_25 : memref<2000000x64xf32, #tpu.memory_space<hbm>>) target(%dma_start3A_19 : memref<100x64xf32, #tpu.memory_space<vmem>>) offsets(%dma_start3A_22 : memref<100xi32, #tpu.memory_space<vmem>>) semaphore(%arg10 : memref<!tpu.dma_semaphore, #tpu.memory_space<semaphore_mem>>)
    %dma_start3A_26 = arith.constant 2 : i32
    %dma_start3A_27 = arith.constant 0 : i32
    %dma_start3A_28 = arith.constant 200 : i32
    %dma_start3A_29 = arith.constant 0 : i32
    %dma_start3A_30 = tpu.memref_slice %arg8[%dma_start3A_27, %dma_start3A_28, %dma_start3A_29] : memref<2x400x64xf32, #tpu.memory_space<vmem>> -> memref<1x100x64xf32, #tpu.memory_space<vmem>>
    %dma_start3A_31 = tpu.memref_squeeze %dma_start3A_30 : memref<1x100x64xf32, #tpu.memory_space<vmem>> -> memref<100x64xf32, #tpu.memory_space<vmem>>
    %dma_start3A_32 = arith.constant 0 : i32
    %dma_start3A_33 = tpu.memref_slice %arg6[%dma_start3A_26, %dma_start3A_32] : memref<64x100xi32, #tpu.memory_space<vmem>> -> memref<1x100xi32, #tpu.memory_space<vmem>>
    %dma_start3A_34 = tpu.memref_squeeze %dma_start3A_33 : memref<1x100xi32, #tpu.memory_space<vmem>> -> memref<100xi32, #tpu.memory_space<vmem>>
    %dma_start3A_35 = arith.constant 0 : i32
    %dma_start3A_36 = arith.constant 0 : i32
    %dma_start3A_37 = tpu.memref_slice %arg4[%dma_start3A_35, %dma_start3A_36] : memref<2000000x64xf32, #tpu.memory_space<hbm>> -> memref<2000000x64xf32, #tpu.memory_space<hbm>>
    tpu.enqueue_indirect_dma source(%dma_start3A_37 : memref<2000000x64xf32, #tpu.memory_space<hbm>>) target(%dma_start3A_31 : memref<100x64xf32, #tpu.memory_space<vmem>>) offsets(%dma_start3A_34 : memref<100xi32, #tpu.memory_space<vmem>>) semaphore(%arg10 : memref<!tpu.dma_semaphore, #tpu.memory_space<semaphore_mem>>)
    %dma_start3A_38 = arith.constant 3 : i32
    %dma_start3A_39 = arith.constant 0 : i32
    %dma_start3A_40 = arith.constant 300 : i32
    %dma_start3A_41 = arith.constant 0 : i32
    %dma_start3A_42 = tpu.memref_slice %arg8[%dma_start3A_39, %dma_start3A_40, %dma_start3A_41] : memref<2x400x64xf32, #tpu.memory_space<vmem>> -> memref<1x100x64xf32, #tpu.memory_space<vmem>>
    %dma_start3A_43 = tpu.memref_squeeze %dma_start3A_42 : memref<1x100x64xf32, #tpu.memory_space<vmem>> -> memref<100x64xf32, #tpu.memory_space<vmem>>
    %dma_start3A_44 = arith.constant 0 : i32
    %dma_start3A_45 = tpu.memref_slice %arg6[%dma_start3A_38, %dma_start3A_44] : memref<64x100xi32, #tpu.memory_space<vmem>> -> memref<1x100xi32, #tpu.memory_space<vmem>>
    %dma_start3A_46 = tpu.memref_squeeze %dma_start3A_45 : memref<1x100xi32, #tpu.memory_space<vmem>> -> memref<100xi32, #tpu.memory_space<vmem>>
    %dma_start3A_47 = arith.constant 0 : i32
    %dma_start3A_48 = arith.constant 0 : i32
    %dma_start3A_49 = tpu.memref_slice %arg4[%dma_start3A_47, %dma_start3A_48] : memref<2000000x64xf32, #tpu.memory_space<hbm>> -> memref<2000000x64xf32, #tpu.memory_space<hbm>>
    tpu.enqueue_indirect_dma source(%dma_start3A_49 : memref<2000000x64xf32, #tpu.memory_space<hbm>>) target(%dma_start3A_43 : memref<100x64xf32, #tpu.memory_space<vmem>>) offsets(%dma_start3A_46 : memref<100xi32, #tpu.memory_space<vmem>>) semaphore(%arg10 : memref<!tpu.dma_semaphore, #tpu.memory_space<semaphore_mem>>)
    %dma_start3A_50 = arith.constant 4 : i32
    %dma_start3A_51 = arith.constant 1 : i32
    %dma_start3A_52 = arith.constant 0 : i32
    %dma_start3A_53 = arith.constant 0 : i32
    %dma_start3A_54 = tpu.memref_slice %arg8[%dma_start3A_51, %dma_start3A_52, %dma_start3A_53] : memref<2x400x64xf32, #tpu.memory_space<vmem>> -> memref<1x100x64xf32, #tpu.memory_space<vmem>>
    %dma_start3A_55 = tpu.memref_squeeze %dma_start3A_54 : memref<1x100x64xf32, #tpu.memory_space<vmem>> -> memref<100x64xf32, #tpu.memory_space<vmem>>
    %dma_start3A_56 = arith.constant 0 : i32
    %dma_start3A_57 = tpu.memref_slice %arg6[%dma_start3A_50, %dma_start3A_56] : memref<64x100xi32, #tpu.memory_space<vmem>> -> memref<1x100xi32, #tpu.memory_space<vmem>>
    %dma_start3A_58 = tpu.memref_squeeze %dma_start3A_57 : memref<1x100xi32, #tpu.memory_space<vmem>> -> memref<100xi32, #tpu.memory_space<vmem>>
    %dma_start3A_59 = arith.constant 0 : i32
    %dma_start3A_60 = arith.constant 0 : i32
    %dma_start3A_61 = tpu.memref_slice %arg4[%dma_start3A_59, %dma_start3A_60] : memref<2000000x64xf32, #tpu.memory_space<hbm>> -> memref<2000000x64xf32, #tpu.memory_space<hbm>>
    tpu.enqueue_indirect_dma source(%dma_start3A_61 : memref<2000000x64xf32, #tpu.memory_space<hbm>>) target(%dma_start3A_55 : memref<100x64xf32, #tpu.memory_space<vmem>>) offsets(%dma_start3A_58 : memref<100xi32, #tpu.memory_space<vmem>>) semaphore(%arg11 : memref<!tpu.dma_semaphore, #tpu.memory_space<semaphore_mem>>)
    %dma_start3A_62 = arith.constant 5 : i32
    %dma_start3A_63 = arith.constant 1 : i32
    %dma_start3A_64 = arith.constant 100 : i32
    %dma_start3A_65 = arith.constant 0 : i32
    %dma_start3A_66 = tpu.memref_slice %arg8[%dma_start3A_63, %dma_start3A_64, %dma_start3A_65] : memref<2x400x64xf32, #tpu.memory_space<vmem>> -> memref<1x100x64xf32, #tpu.memory_space<vmem>>
    %dma_start3A_67 = tpu.memref_squeeze %dma_start3A_66 : memref<1x100x64xf32, #tpu.memory_space<vmem>> -> memref<100x64xf32, #tpu.memory_space<vmem>>
    %dma_start3A_68 = arith.constant 0 : i32
    %dma_start3A_69 = tpu.memref_slice %arg6[%dma_start3A_62, %dma_start3A_68] : memref<64x100xi32, #tpu.memory_space<vmem>> -> memref<1x100xi32, #tpu.memory_space<vmem>>
    %dma_start3A_70 = tpu.memref_squeeze %dma_start3A_69 : memref<1x100xi32, #tpu.memory_space<vmem>> -> memref<100xi32, #tpu.memory_space<vmem>>
    %dma_start3A_71 = arith.constant 0 : i32
    %dma_start3A_72 = arith.constant 0 : i32
    %dma_start3A_73 = tpu.memref_slice %arg4[%dma_start3A_71, %dma_start3A_72] : memref<2000000x64xf32, #tpu.memory_space<hbm>> -> memref<2000000x64xf32, #tpu.memory_space<hbm>>
    tpu.enqueue_indirect_dma source(%dma_start3A_73 : memref<2000000x64xf32, #tpu.memory_space<hbm>>) target(%dma_start3A_67 : memref<100x64xf32, #tpu.memory_space<vmem>>) offsets(%dma_start3A_70 : memref<100xi32, #tpu.memory_space<vmem>>) semaphore(%arg11 : memref<!tpu.dma_semaphore, #tpu.memory_space<semaphore_mem>>)
    %dma_start3A_74 = arith.constant 6 : i32
    %dma_start3A_75 = arith.constant 1 : i32
    %dma_start3A_76 = arith.constant 200 : i32
    %dma_start3A_77 = arith.constant 0 : i32
    %dma_start3A_78 = tpu.memref_slice %arg8[%dma_start3A_75, %dma_start3A_76, %dma_start3A_77] : memref<2x400x64xf32, #tpu.memory_space<vmem>> -> memref<1x100x64xf32, #tpu.memory_space<vmem>>
    %dma_start3A_79 = tpu.memref_squeeze %dma_start3A_78 : memref<1x100x64xf32, #tpu.memory_space<vmem>> -> memref<100x64xf32, #tpu.memory_space<vmem>>
    %dma_start3A_80 = arith.constant 0 : i32
    %dma_start3A_81 = tpu.memref_slice %arg6[%dma_start3A_74, %dma_start3A_80] : memref<64x100xi32, #tpu.memory_space<vmem>> -> memref<1x100xi32, #tpu.memory_space<vmem>>
    %dma_start3A_82 = tpu.memref_squeeze %dma_start3A_81 : memref<1x100xi32, #tpu.memory_space<vmem>> -> memref<100xi32, #tpu.memory_space<vmem>>
    %dma_start3A_83 = arith.constant 0 : i32
    %dma_start3A_84 = arith.constant 0 : i32
    %dma_start3A_85 = tpu.memref_slice %arg4[%dma_start3A_83, %dma_start3A_84] : memref<2000000x64xf32, #tpu.memory_space<hbm>> -> memref<2000000x64xf32, #tpu.memory_space<hbm>>
    tpu.enqueue_indirect_dma source(%dma_start3A_85 : memref<2000000x64xf32, #tpu.memory_space<hbm>>) target(%dma_start3A_79 : memref<100x64xf32, #tpu.memory_space<vmem>>) offsets(%dma_start3A_82 : memref<100xi32, #tpu.memory_space<vmem>>) semaphore(%arg11 : memref<!tpu.dma_semaphore, #tpu.memory_space<semaphore_mem>>)
    %dma_start3A_86 = arith.constant 7 : i32
    %dma_start3A_87 = arith.constant 1 : i32
    %dma_start3A_88 = arith.constant 300 : i32
    %dma_start3A_89 = arith.constant 0 : i32
    %dma_start3A_90 = tpu.memref_slice %arg8[%dma_start3A_87, %dma_start3A_88, %dma_start3A_89] : memref<2x400x64xf32, #tpu.memory_space<vmem>> -> memref<1x100x64xf32, #tpu.memory_space<vmem>>
    %dma_start3A_91 = tpu.memref_squeeze %dma_start3A_90 : memref<1x100x64xf32, #tpu.memory_space<vmem>> -> memref<100x64xf32, #tpu.memory_space<vmem>>
    %dma_start3A_92 = arith.constant 0 : i32
    %dma_start3A_93 = tpu.memref_slice %arg6[%dma_start3A_86, %dma_start3A_92] : memref<64x100xi32, #tpu.memory_space<vmem>> -> memref<1x100xi32, #tpu.memory_space<vmem>>
    %dma_start3A_94 = tpu.memref_squeeze %dma_start3A_93 : memref<1x100xi32, #tpu.memory_space<vmem>> -> memref<100xi32, #tpu.memory_space<vmem>>
    %dma_start3A_95 = arith.constant 0 : i32
    %dma_start3A_96 = arith.constant 0 : i32
    %dma_start3A_97 = tpu.memref_slice %arg4[%dma_start3A_95, %dma_start3A_96] : memref<2000000x64xf32, #tpu.memory_space<hbm>> -> memref<2000000x64xf32, #tpu.memory_space<hbm>>
    tpu.enqueue_indirect_dma source(%dma_start3A_97 : memref<2000000x64xf32, #tpu.memory_space<hbm>>) target(%dma_start3A_91 : memref<100x64xf32, #tpu.memory_space<vmem>>) offsets(%dma_start3A_94 : memref<100xi32, #tpu.memory_space<vmem>>) semaphore(%arg11 : memref<!tpu.dma_semaphore, #tpu.memory_space<semaphore_mem>>)
    %dma_wait3A = arith.constant 0 : i32
    %dma_wait3A_98 = arith.constant 0 : i32
    %dma_wait3A_99 = arith.constant 0 : i32
    %dma_wait3A_100 = arith.constant 0 : i32
    %dma_wait3A_101 = tpu.memref_slice %arg8[%dma_wait3A_98, %dma_wait3A_99, %dma_wait3A_100] : memref<2x400x64xf32, #tpu.memory_space<vmem>> -> memref<1x100x64xf32, #tpu.memory_space<vmem>>
    %dma_wait3A_102 = tpu.memref_squeeze %dma_wait3A_101 : memref<1x100x64xf32, #tpu.memory_space<vmem>> -> memref<100x64xf32, #tpu.memory_space<vmem>>
    %dma_wait3A_103 = arith.constant 0 : i32
    %dma_wait3A_104 = tpu.memref_slice %arg6[%dma_wait3A, %dma_wait3A_103] : memref<64x100xi32, #tpu.memory_space<vmem>> -> memref<1x100xi32, #tpu.memory_space<vmem>>
    %dma_wait3A_105 = tpu.memref_squeeze %dma_wait3A_104 : memref<1x100xi32, #tpu.memory_space<vmem>> -> memref<100xi32, #tpu.memory_space<vmem>>
    %dma_wait3A_106 = arith.constant 0 : i32
    %dma_wait3A_107 = arith.constant 0 : i32
    %dma_wait3A_108 = tpu.memref_slice %arg4[%dma_wait3A_106, %dma_wait3A_107] : memref<2000000x64xf32, #tpu.memory_space<hbm>> -> memref<2000000x64xf32, #tpu.memory_space<hbm>>
    tpu.wait_indirect_dma semaphore(%arg10 : memref<!tpu.dma_semaphore, #tpu.memory_space<semaphore_mem>>) src(%dma_wait3A_108 : memref<2000000x64xf32, #tpu.memory_space<hbm>>) dst(%dma_wait3A_102 : memref<100x64xf32, #tpu.memory_space<vmem>>)
    %dma_wait3A_109 = arith.constant 0 : i32
    %dma_wait3A_110 = arith.constant 0 : i32
    %dma_wait3A_111 = arith.constant 0 : i32
    %dma_wait3A_112 = arith.constant 0 : i32
    %dma_wait3A_113 = tpu.memref_slice %arg8[%dma_wait3A_110, %dma_wait3A_111, %dma_wait3A_112] : memref<2x400x64xf32, #tpu.memory_space<vmem>> -> memref<1x100x64xf32, #tpu.memory_space<vmem>>
    %dma_wait3A_114 = tpu.memref_squeeze %dma_wait3A_113 : memref<1x100x64xf32, #tpu.memory_space<vmem>> -> memref<100x64xf32, #tpu.memory_space<vmem>>
    %dma_wait3A_115 = arith.constant 0 : i32
    %dma_wait3A_116 = tpu.memref_slice %arg6[%dma_wait3A_109, %dma_wait3A_115] : memref<64x100xi32, #tpu.memory_space<vmem>> -> memref<1x100xi32, #tpu.memory_space<vmem>>
    %dma_wait3A_117 = tpu.memref_squeeze %dma_wait3A_116 : memref<1x100xi32, #tpu.memory_space<vmem>> -> memref<100xi32, #tpu.memory_space<vmem>>
    %dma_wait3A_118 = arith.constant 0 : i32
    %dma_wait3A_119 = arith.constant 0 : i32
    %dma_wait3A_120 = tpu.memref_slice %arg4[%dma_wait3A_118, %dma_wait3A_119] : memref<2000000x64xf32, #tpu.memory_space<hbm>> -> memref<2000000x64xf32, #tpu.memory_space<hbm>>
    tpu.wait_indirect_dma semaphore(%arg10 : memref<!tpu.dma_semaphore, #tpu.memory_space<semaphore_mem>>) src(%dma_wait3A_120 : memref<2000000x64xf32, #tpu.memory_space<hbm>>) dst(%dma_wait3A_114 : memref<100x64xf32, #tpu.memory_space<vmem>>)
    %dma_wait3A_121 = arith.constant 0 : i32
    %dma_wait3A_122 = arith.constant 0 : i32
    %dma_wait3A_123 = arith.constant 0 : i32
    %dma_wait3A_124 = arith.constant 0 : i32
    %dma_wait3A_125 = tpu.memref_slice %arg8[%dma_wait3A_122, %dma_wait3A_123, %dma_wait3A_124] : memref<2x400x64xf32, #tpu.memory_space<vmem>> -> memref<1x100x64xf32, #tpu.memory_space<vmem>>
    %dma_wait3A_126 = tpu.memref_squeeze %dma_wait3A_125 : memref<1x100x64xf32, #tpu.memory_space<vmem>> -> memref<100x64xf32, #tpu.memory_space<vmem>>
    %dma_wait3A_127 = arith.constant 0 : i32
    %dma_wait3A_128 = tpu.memref_slice %arg6[%dma_wait3A_121, %dma_wait3A_127] : memref<64x100xi32, #tpu.memory_space<vmem>> -> memref<1x100xi32, #tpu.memory_space<vmem>>
    %dma_wait3A_129 = tpu.memref_squeeze %dma_wait3A_128 : memref<1x100xi32, #tpu.memory_space<vmem>> -> memref<100xi32, #tpu.memory_space<vmem>>
    %dma_wait3A_130 = arith.constant 0 : i32
    %dma_wait3A_131 = arith.constant 0 : i32
    %dma_wait3A_132 = tpu.memref_slice %arg4[%dma_wait3A_130, %dma_wait3A_131] : memref<2000000x64xf32, #tpu.memory_space<hbm>> -> memref<2000000x64xf32, #tpu.memory_space<hbm>>
    tpu.wait_indirect_dma semaphore(%arg10 : memref<!tpu.dma_semaphore, #tpu.memory_space<semaphore_mem>>) src(%dma_wait3A_132 : memref<2000000x64xf32, #tpu.memory_space<hbm>>) dst(%dma_wait3A_126 : memref<100x64xf32, #tpu.memory_space<vmem>>)
    %dma_wait3A_133 = arith.constant 0 : i32
    %dma_wait3A_134 = arith.constant 0 : i32
    %dma_wait3A_135 = arith.constant 0 : i32
    %dma_wait3A_136 = arith.constant 0 : i32
    %dma_wait3A_137 = tpu.memref_slice %arg8[%dma_wait3A_134, %dma_wait3A_135, %dma_wait3A_136] : memref<2x400x64xf32, #tpu.memory_space<vmem>> -> memref<1x100x64xf32, #tpu.memory_space<vmem>>
    %dma_wait3A_138 = tpu.memref_squeeze %dma_wait3A_137 : memref<1x100x64xf32, #tpu.memory_space<vmem>> -> memref<100x64xf32, #tpu.memory_space<vmem>>
    %dma_wait3A_139 = arith.constant 0 : i32
    %dma_wait3A_140 = tpu.memref_slice %arg6[%dma_wait3A_133, %dma_wait3A_139] : memref<64x100xi32, #tpu.memory_space<vmem>> -> memref<1x100xi32, #tpu.memory_space<vmem>>
    %dma_wait3A_141 = tpu.memref_squeeze %dma_wait3A_140 : memref<1x100xi32, #tpu.memory_space<vmem>> -> memref<100xi32, #tpu.memory_space<vmem>>
    %dma_wait3A_142 = arith.constant 0 : i32
    %dma_wait3A_143 = arith.constant 0 : i32
    %dma_wait3A_144 = tpu.memref_slice %arg4[%dma_wait3A_142, %dma_wait3A_143] : memref<2000000x64xf32, #tpu.memory_space<hbm>> -> memref<2000000x64xf32, #tpu.memory_space<hbm>>
    tpu.wait_indirect_dma semaphore(%arg10 : memref<!tpu.dma_semaphore, #tpu.memory_space<semaphore_mem>>) src(%dma_wait3A_144 : memref<2000000x64xf32, #tpu.memory_space<hbm>>) dst(%dma_wait3A_138 : memref<100x64xf32, #tpu.memory_space<vmem>>)
    %scan3A = arith.constant 0 : i32
    %scan3A_145 = arith.constant 0 : i32
    %scan3A_146 = arith.constant 100 : i32
    %scan3A_147 = arith.addi %scan3A_145, %scan3A_146 : i32
    %scan3A_148 = arith.constant 1 : i32
    %scan3A_149 = scf.for %scan3A_591 = %scan3A_145 to %scan3A_147 step %scan3A_148 iter_args(%scan3A_592 = %scan3A) -> (i32)  : i32 {
      %mul3A_593 = arith.constant 2 : i32
      %mul3A_594 = arith.muli %mul3A_593, %scan3A_591 : i32
      %add3A_595 = arith.constant 0 : i32
      %add3A_596 = arith.addi %mul3A_594, %add3A_595 : i32
      %add3A_597 = arith.constant 0 : i32
      %add3A_598 = arith.addi %add3A_597, %add3A_596 : i32
      %get3A = arith.constant 0 : i32
      %get3A_599 = arith.index_cast %get3A : i32 to index
      %get3A_600 = arith.index_cast %add3A_598 : i32 to index
      %get3A_601 = arith.constant 0 : index
      %get3A_602 = tpu.vector_load %arg8[%get3A_599, %get3A_600, %get3A_601] {strides = array<i32>} : memref<2x400x64xf32, #tpu.memory_space<vmem>>, vector<16xf32>,
      %get3A_603 = arith.index_cast %add3A_596 : i32 to index
      %get3A_604 = arith.constant 0 : index
      %get3A_605 = tpu.vector_load %arg7[%get3A_603, %get3A_604] {strides = array<i32>} : memref<200x64xf32, #tpu.memory_space<vmem>>, vector<16xf32>,
      %add3A_606 = arith.addf %get3A_602, %get3A_605 : vector<16xf32>
      %add3A_607 = arith.constant 0 : i32
      %add3A_608 = arith.addi %add3A_607, %scan3A_591 : i32
      %swap3A = arith.constant 0 : i32
      %swap3A_609 = arith.index_cast %swap3A : i32 to index
      %swap3A_610 = arith.index_cast %add3A_608 : i32 to index
      %swap3A_611 = arith.constant 0 : index
      %swap3A_612 = tpu.vector_load %arg9[%swap3A_609, %swap3A_610, %swap3A_611] {strides = array<i32>} : memref<2x200x128xf32, #tpu.memory_space<vmem>>, vector<16xf32>,
      tpu.vector_store %arg9[%swap3A_609, %swap3A_610, %swap3A_611], %add3A_606 {strides = array<i32>} : memref<2x200x128xf32, #tpu.memory_space<vmem>>, vector<16xf32>,
      %add3A_613 = arith.constant 0 : i32
      %add3A_614 = arith.addi %add3A_613, %add3A_596 : i32
      %get3A_615 = arith.constant 0 : i32
      %get3A_616 = arith.index_cast %get3A_615 : i32 to index
      %get3A_617 = arith.index_cast %add3A_614 : i32 to index
      %get3A_618 = arith.constant 16 : index
      %get3A_619 = tpu.vector_load %arg8[%get3A_616, %get3A_617, %get3A_618] {strides = array<i32>} : memref<2x400x64xf32, #tpu.memory_space<vmem>>, vector<16xf32>,
      %get3A_620 = arith.index_cast %add3A_596 : i32 to index
      %get3A_621 = arith.constant 16 : index
      %get3A_622 = tpu.vector_load %arg7[%get3A_620, %get3A_621] {strides = array<i32>} : memref<200x64xf32, #tpu.memory_space<vmem>>, vector<16xf32>,
      %add3A_623 = arith.addf %get3A_619, %get3A_622 : vector<16xf32>
      %add3A_624 = arith.constant 0 : i32
      %add3A_625 = arith.addi %add3A_624, %scan3A_591 : i32
      %swap3A_626 = arith.constant 0 : i32
      %swap3A_627 = arith.index_cast %swap3A_626 : i32 to index
      %swap3A_628 = arith.index_cast %add3A_625 : i32 to index
      %swap3A_629 = arith.constant 16 : index
      %swap3A_630 = tpu.vector_load %arg9[%swap3A_627, %swap3A_628, %swap3A_629] {strides = array<i32>} : memref<2x200x128xf32, #tpu.memory_space<vmem>>, vector<16xf32>,
      tpu.vector_store %arg9[%swap3A_627, %swap3A_628, %swap3A_629], %add3A_623 {strides = array<i32>} : memref<2x200x128xf32, #tpu.memory_space<vmem>>, vector<16xf32>,
      %add3A_631 = arith.constant 0 : i32
      %add3A_632 = arith.addi %add3A_631, %add3A_596 : i32
      %get3A_633 = arith.constant 0 : i32
      %get3A_634 = arith.index_cast %get3A_633 : i32 to index
      %get3A_635 = arith.index_cast %add3A_632 : i32 to index
      %get3A_636 = arith.constant 32 : index
      %get3A_637 = tpu.vector_load %arg8[%get3A_634, %get3A_635, %get3A_636] {strides = array<i32>} : memref<2x400x64xf32, #tpu.memory_space<vmem>>, vector<16xf32>,
      %get3A_638 = arith.index_cast %add3A_596 : i32 to index
      %get3A_639 = arith.constant 32 : index
      %get3A_640 = tpu.vector_load %arg7[%get3A_638, %get3A_639] {strides = array<i32>} : memref<200x64xf32, #tpu.memory_space<vmem>>, vector<16xf32>,
      %add3A_641 = arith.addf %get3A_637, %get3A_640 : vector<16xf32>
      %add3A_642 = arith.constant 0 : i32
      %add3A_643 = arith.addi %add3A_642, %scan3A_591 : i32
      %swap3A_644 = arith.constant 0 : i32
      %swap3A_645 = arith.index_cast %swap3A_644 : i32 to index
      %swap3A_646 = arith.index_cast %add3A_643 : i32 to index
      %swap3A_647 = arith.constant 32 : index
      %swap3A_648 = tpu.vector_load %arg9[%swap3A_645, %swap3A_646, %swap3A_647] {strides = array<i32>} : memref<2x200x128xf32, #tpu.memory_space<vmem>>, vector<16xf32>,
      tpu.vector_store %arg9[%swap3A_645, %swap3A_646, %swap3A_647], %add3A_641 {strides = array<i32>} : memref<2x200x128xf32, #tpu.memory_space<vmem>>, vector<16xf32>,
      %add3A_649 = arith.constant 0 : i32
      %add3A_650 = arith.addi %add3A_649, %add3A_596 : i32
      %get3A_651 = arith.constant 0 : i32
      %get3A_652 = arith.index_cast %get3A_651 : i32 to index
      %get3A_653 = arith.index_cast %add3A_650 : i32 to index
      %get3A_654 = arith.constant 48 : index
      %get3A_655 = tpu.vector_load %arg8[%get3A_652, %get3A_653, %get3A_654] {strides = array<i32>} : memref<2x400x64xf32, #tpu.memory_space<vmem>>, vector<16xf32>,
      %get3A_656 = arith.index_cast %add3A_596 : i32 to index
      %get3A_657 = arith.constant 48 : index
      %get3A_658 = tpu.vector_load %arg7[%get3A_656, %get3A_657] {strides = array<i32>} : memref<200x64xf32, #tpu.memory_space<vmem>>, vector<16xf32>,
      %add3A_659 = arith.addf %get3A_655, %get3A_658 : vector<16xf32>
      %add3A_660 = arith.constant 0 : i32
      %add3A_661 = arith.addi %add3A_660, %scan3A_591 : i32
      %swap3A_662 = arith.constant 0 : i32
      %swap3A_663 = arith.index_cast %swap3A_662 : i32 to index
      %swap3A_664 = arith.index_cast %add3A_661 : i32 to index
      %swap3A_665 = arith.constant 48 : index
      %swap3A_666 = tpu.vector_load %arg9[%swap3A_663, %swap3A_664, %swap3A_665] {strides = array<i32>} : memref<2x200x128xf32, #tpu.memory_space<vmem>>, vector<16xf32>,
      tpu.vector_store %arg9[%swap3A_663, %swap3A_664, %swap3A_665], %add3A_659 {strides = array<i32>} : memref<2x200x128xf32, #tpu.memory_space<vmem>>, vector<16xf32>,
      %mul3A_667 = arith.constant 2 : i32
      %mul3A_668 = arith.muli %mul3A_667, %scan3A_591 : i32
      %add3A_669 = arith.constant 1 : i32
      %add3A_670 = arith.addi %mul3A_668, %add3A_669 : i32
      %add3A_671 = arith.constant 0 : i32
      %add3A_672 = arith.addi %add3A_671, %add3A_670 : i32
      %get3A_673 = arith.constant 0 : i32
      %get3A_674 = arith.index_cast %get3A_673 : i32 to index
      %get3A_675 = arith.index_cast %add3A_672 : i32 to index
      %get3A_676 = arith.constant 0 : index
      %get3A_677 = tpu.vector_load %arg8[%get3A_674, %get3A_675, %get3A_676] {strides = array<i32>} : memref<2x400x64xf32, #tpu.memory_space<vmem>>, vector<16xf32>,
      %get3A_678 = arith.index_cast %add3A_670 : i32 to index
      %get3A_679 = arith.constant 0 : index
      %get3A_680 = tpu.vector_load %arg7[%get3A_678, %get3A_679] {strides = array<i32>} : memref<200x64xf32, #tpu.memory_space<vmem>>, vector<16xf32>,
      %add3A_681 = arith.addf %get3A_677, %get3A_680 : vector<16xf32>
      %add3A_682 = arith.constant 0 : i32
      %add3A_683 = arith.addi %add3A_682, %scan3A_591 : i32
      %swap3A_684 = arith.constant 0 : i32
      %swap3A_685 = arith.index_cast %swap3A_684 : i32 to index
      %swap3A_686 = arith.index_cast %add3A_683 : i32 to index
      %swap3A_687 = arith.constant 64 : index
      %swap3A_688 = tpu.vector_load %arg9[%swap3A_685, %swap3A_686, %swap3A_687] {strides = array<i32>} : memref<2x200x128xf32, #tpu.memory_space<vmem>>, vector<16xf32>,
      tpu.vector_store %arg9[%swap3A_685, %swap3A_686, %swap3A_687], %add3A_681 {strides = array<i32>} : memref<2x200x128xf32, #tpu.memory_space<vmem>>, vector<16xf32>,
      %add3A_689 = arith.constant 0 : i32
      %add3A_690 = arith.addi %add3A_689, %add3A_670 : i32
      %get3A_691 = arith.constant 0 : i32
      %get3A_692 = arith.index_cast %get3A_691 : i32 to index
      %get3A_693 = arith.index_cast %add3A_690 : i32 to index
      %get3A_694 = arith.constant 16 : index
      %get3A_695 = tpu.vector_load %arg8[%get3A_692, %get3A_693, %get3A_694] {strides = array<i32>} : memref<2x400x64xf32, #tpu.memory_space<vmem>>, vector<16xf32>,
      %get3A_696 = arith.index_cast %add3A_670 : i32 to index
      %get3A_697 = arith.constant 16 : index
      %get3A_698 = tpu.vector_load %arg7[%get3A_696, %get3A_697] {strides = array<i32>} : memref<200x64xf32, #tpu.memory_space<vmem>>, vector<16xf32>,
      %add3A_699 = arith.addf %get3A_695, %get3A_698 : vector<16xf32>
      %add3A_700 = arith.constant 0 : i32
      %add3A_701 = arith.addi %add3A_700, %scan3A_591 : i32
      %swap3A_702 = arith.constant 0 : i32
      %swap3A_703 = arith.index_cast %swap3A_702 : i32 to index
      %swap3A_704 = arith.index_cast %add3A_701 : i32 to index
      %swap3A_705 = arith.constant 80 : index
      %swap3A_706 = tpu.vector_load %arg9[%swap3A_703, %swap3A_704, %swap3A_705] {strides = array<i32>} : memref<2x200x128xf32, #tpu.memory_space<vmem>>, vector<16xf32>,
      tpu.vector_store %arg9[%swap3A_703, %swap3A_704, %swap3A_705], %add3A_699 {strides = array<i32>} : memref<2x200x128xf32, #tpu.memory_space<vmem>>, vector<16xf32>,
      %add3A_707 = arith.constant 0 : i32
      %add3A_708 = arith.addi %add3A_707, %add3A_670 : i32
      %get3A_709 = arith.constant 0 : i32
      %get3A_710 = arith.index_cast %get3A_709 : i32 to index
      %get3A_711 = arith.index_cast %add3A_708 : i32 to index
      %get3A_712 = arith.constant 32 : index
      %get3A_713 = tpu.vector_load %arg8[%get3A_710, %get3A_711, %get3A_712] {strides = array<i32>} : memref<2x400x64xf32, #tpu.memory_space<vmem>>, vector<16xf32>,
      %get3A_714 = arith.index_cast %add3A_670 : i32 to index
      %get3A_715 = arith.constant 32 : index
      %get3A_716 = tpu.vector_load %arg7[%get3A_714, %get3A_715] {strides = array<i32>} : memref<200x64xf32, #tpu.memory_space<vmem>>, vector<16xf32>,
      %add3A_717 = arith.addf %get3A_713, %get3A_716 : vector<16xf32>
      %add3A_718 = arith.constant 0 : i32
      %add3A_719 = arith.addi %add3A_718, %scan3A_591 : i32
      %swap3A_720 = arith.constant 0 : i32
      %swap3A_721 = arith.index_cast %swap3A_720 : i32 to index
      %swap3A_722 = arith.index_cast %add3A_719 : i32 to index
      %swap3A_723 = arith.constant 96 : index
      %swap3A_724 = tpu.vector_load %arg9[%swap3A_721, %swap3A_722, %swap3A_723] {strides = array<i32>} : memref<2x200x128xf32, #tpu.memory_space<vmem>>, vector<16xf32>,
      tpu.vector_store %arg9[%swap3A_721, %swap3A_722, %swap3A_723], %add3A_717 {strides = array<i32>} : memref<2x200x128xf32, #tpu.memory_space<vmem>>, vector<16xf32>,
      %add3A_725 = arith.constant 0 : i32
      %add3A_726 = arith.addi %add3A_725, %add3A_670 : i32
      %get3A_727 = arith.constant 0 : i32
      %get3A_728 = arith.index_cast %get3A_727 : i32 to index
      %get3A_729 = arith.index_cast %add3A_726 : i32 to index
      %get3A_730 = arith.constant 48 : index
      %get3A_731 = tpu.vector_load %arg8[%get3A_728, %get3A_729, %get3A_730] {strides = array<i32>} : memref<2x400x64xf32, #tpu.memory_space<vmem>>, vector<16xf32>,
      %get3A_732 = arith.index_cast %add3A_670 : i32 to index
      %get3A_733 = arith.constant 48 : index
      %get3A_734 = tpu.vector_load %arg7[%get3A_732, %get3A_733] {strides = array<i32>} : memref<200x64xf32, #tpu.memory_space<vmem>>, vector<16xf32>,
      %add3A_735 = arith.addf %get3A_731, %get3A_734 : vector<16xf32>
      %add3A_736 = arith.constant 0 : i32
      %add3A_737 = arith.addi %add3A_736, %scan3A_591 : i32
      %swap3A_738 = arith.constant 0 : i32
      %swap3A_739 = arith.index_cast %swap3A_738 : i32 to index
      %swap3A_740 = arith.index_cast %add3A_737 : i32 to index
      %swap3A_741 = arith.constant 112 : index
      %swap3A_742 = tpu.vector_load %arg9[%swap3A_739, %swap3A_740, %swap3A_741] {strides = array<i32>} : memref<2x200x128xf32, #tpu.memory_space<vmem>>, vector<16xf32>,
      tpu.vector_store %arg9[%swap3A_739, %swap3A_740, %swap3A_741], %add3A_735 {strides = array<i32>} : memref<2x200x128xf32, #tpu.memory_space<vmem>>, vector<16xf32>,
      %scan3A_743 = arith.constant 0 : i32
      scf.yield %scan3A_743 : i32
    }
    %scan3A_150 = arith.constant 100 : i32
    %scan3A_151 = arith.constant 0 : i32
    %scan3A_152 = arith.constant 0 : i32
    %scan3A_153 = arith.constant 100 : i32
    %scan3A_154 = arith.addi %scan3A_152, %scan3A_153 : i32
    %scan3A_155 = arith.constant 1 : i32
    %scan3A_156 = scf.for %scan3A_591 = %scan3A_152 to %scan3A_154 step %scan3A_155 iter_args(%scan3A_592 = %scan3A_151) -> (i32)  : i32 {
      %mul3A_593 = arith.constant 2 : i32
      %mul3A_594 = arith.muli %mul3A_593, %scan3A_591 : i32
      %add3A_595 = arith.constant 0 : i32
      %add3A_596 = arith.addi %mul3A_594, %add3A_595 : i32
      %add3A_597 = arith.constant 200 : i32
      %add3A_598 = arith.addi %add3A_597, %add3A_596 : i32
      %get3A = arith.constant 0 : i32
      %get3A_599 = arith.index_cast %get3A : i32 to index
      %get3A_600 = arith.index_cast %add3A_598 : i32 to index
      %get3A_601 = arith.constant 0 : index
      %get3A_602 = tpu.vector_load %arg8[%get3A_599, %get3A_600, %get3A_601] {strides = array<i32>} : memref<2x400x64xf32, #tpu.memory_space<vmem>>, vector<16xf32>,
      %get3A_603 = arith.index_cast %add3A_596 : i32 to index
      %get3A_604 = arith.constant 0 : index
      %get3A_605 = tpu.vector_load %arg7[%get3A_603, %get3A_604] {strides = array<i32>} : memref<200x64xf32, #tpu.memory_space<vmem>>, vector<16xf32>,
      %add3A_606 = arith.addf %get3A_602, %get3A_605 : vector<16xf32>
      %add3A_607 = arith.constant 100 : i32
      %add3A_608 = arith.addi %add3A_607, %scan3A_591 : i32
      %swap3A = arith.constant 0 : i32
      %swap3A_609 = arith.index_cast %swap3A : i32 to index
      %swap3A_610 = arith.index_cast %add3A_608 : i32 to index
      %swap3A_611 = arith.constant 0 : index
      %swap3A_612 = tpu.vector_load %arg9[%swap3A_609, %swap3A_610, %swap3A_611] {strides = array<i32>} : memref<2x200x128xf32, #tpu.memory_space<vmem>>, vector<16xf32>,
      tpu.vector_store %arg9[%swap3A_609, %swap3A_610, %swap3A_611], %add3A_606 {strides = array<i32>} : memref<2x200x128xf32, #tpu.memory_space<vmem>>, vector<16xf32>,
      %add3A_613 = arith.constant 200 : i32
      %add3A_614 = arith.addi %add3A_613, %add3A_596 : i32
      %get3A_615 = arith.constant 0 : i32
      %get3A_616 = arith.index_cast %get3A_615 : i32 to index
      %get3A_617 = arith.index_cast %add3A_614 : i32 to index
      %get3A_618 = arith.constant 16 : index
      %get3A_619 = tpu.vector_load %arg8[%get3A_616, %get3A_617, %get3A_618] {strides = array<i32>} : memref<2x400x64xf32, #tpu.memory_space<vmem>>, vector<16xf32>,
      %get3A_620 = arith.index_cast %add3A_596 : i32 to index
      %get3A_621 = arith.constant 16 : index
      %get3A_622 = tpu.vector_load %arg7[%get3A_620, %get3A_621] {strides = array<i32>} : memref<200x64xf32, #tpu.memory_space<vmem>>, vector<16xf32>,
      %add3A_623 = arith.addf %get3A_619, %get3A_622 : vector<16xf32>
      %add3A_624 = arith.constant 100 : i32
      %add3A_625 = arith.addi %add3A_624, %scan3A_591 : i32
      %swap3A_626 = arith.constant 0 : i32
      %swap3A_627 = arith.index_cast %swap3A_626 : i32 to index
      %swap3A_628 = arith.index_cast %add3A_625 : i32 to index
      %swap3A_629 = arith.constant 16 : index
      %swap3A_630 = tpu.vector_load %arg9[%swap3A_627, %swap3A_628, %swap3A_629] {strides = array<i32>} : memref<2x200x128xf32, #tpu.memory_space<vmem>>, vector<16xf32>,
      tpu.vector_store %arg9[%swap3A_627, %swap3A_628, %swap3A_629], %add3A_623 {strides = array<i32>} : memref<2x200x128xf32, #tpu.memory_space<vmem>>, vector<16xf32>,
      %add3A_631 = arith.constant 200 : i32
      %add3A_632 = arith.addi %add3A_631, %add3A_596 : i32
      %get3A_633 = arith.constant 0 : i32
      %get3A_634 = arith.index_cast %get3A_633 : i32 to index
      %get3A_635 = arith.index_cast %add3A_632 : i32 to index
      %get3A_636 = arith.constant 32 : index
      %get3A_637 = tpu.vector_load %arg8[%get3A_634, %get3A_635, %get3A_636] {strides = array<i32>} : memref<2x400x64xf32, #tpu.memory_space<vmem>>, vector<16xf32>,
      %get3A_638 = arith.index_cast %add3A_596 : i32 to index
      %get3A_639 = arith.constant 32 : index
      %get3A_640 = tpu.vector_load %arg7[%get3A_638, %get3A_639] {strides = array<i32>} : memref<200x64xf32, #tpu.memory_space<vmem>>, vector<16xf32>,
      %add3A_641 = arith.addf %get3A_637, %get3A_640 : vector<16xf32>
      %add3A_642 = arith.constant 100 : i32
      %add3A_643 = arith.addi %add3A_642, %scan3A_591 : i32
      %swap3A_644 = arith.constant 0 : i32
      %swap3A_645 = arith.index_cast %swap3A_644 : i32 to index
      %swap3A_646 = arith.index_cast %add3A_643 : i32 to index
      %swap3A_647 = arith.constant 32 : index
      %swap3A_648 = tpu.vector_load %arg9[%swap3A_645, %swap3A_646, %swap3A_647] {strides = array<i32>} : memref<2x200x128xf32, #tpu.memory_space<vmem>>, vector<16xf32>,
      tpu.vector_store %arg9[%swap3A_645, %swap3A_646, %swap3A_647], %add3A_641 {strides = array<i32>} : memref<2x200x128xf32, #tpu.memory_space<vmem>>, vector<16xf32>,
      %add3A_649 = arith.constant 200 : i32
      %add3A_650 = arith.addi %add3A_649, %add3A_596 : i32
      %get3A_651 = arith.constant 0 : i32
      %get3A_652 = arith.index_cast %get3A_651 : i32 to index
      %get3A_653 = arith.index_cast %add3A_650 : i32 to index
      %get3A_654 = arith.constant 48 : index
      %get3A_655 = tpu.vector_load %arg8[%get3A_652, %get3A_653, %get3A_654] {strides = array<i32>} : memref<2x400x64xf32, #tpu.memory_space<vmem>>, vector<16xf32>,
      %get3A_656 = arith.index_cast %add3A_596 : i32 to index
      %get3A_657 = arith.constant 48 : index
      %get3A_658 = tpu.vector_load %arg7[%get3A_656, %get3A_657] {strides = array<i32>} : memref<200x64xf32, #tpu.memory_space<vmem>>, vector<16xf32>,
      %add3A_659 = arith.addf %get3A_655, %get3A_658 : vector<16xf32>
      %add3A_660 = arith.constant 100 : i32
      %add3A_661 = arith.addi %add3A_660, %scan3A_591 : i32
      %swap3A_662 = arith.constant 0 : i32
      %swap3A_663 = arith.index_cast %swap3A_662 : i32 to index
      %swap3A_664 = arith.index_cast %add3A_661 : i32 to index
      %swap3A_665 = arith.constant 48 : index
      %swap3A_666 = tpu.vector_load %arg9[%swap3A_663, %swap3A_664, %swap3A_665] {strides = array<i32>} : memref<2x200x128xf32, #tpu.memory_space<vmem>>, vector<16xf32>,
      tpu.vector_store %arg9[%swap3A_663, %swap3A_664, %swap3A_665], %add3A_659 {strides = array<i32>} : memref<2x200x128xf32, #tpu.memory_space<vmem>>, vector<16xf32>,
      %mul3A_667 = arith.constant 2 : i32
      %mul3A_668 = arith.muli %mul3A_667, %scan3A_591 : i32
      %add3A_669 = arith.constant 1 : i32
      %add3A_670 = arith.addi %mul3A_668, %add3A_669 : i32
      %add3A_671 = arith.constant 200 : i32
      %add3A_672 = arith.addi %add3A_671, %add3A_670 : i32
      %get3A_673 = arith.constant 0 : i32
      %get3A_674 = arith.index_cast %get3A_673 : i32 to index
      %get3A_675 = arith.index_cast %add3A_672 : i32 to index
      %get3A_676 = arith.constant 0 : index
      %get3A_677 = tpu.vector_load %arg8[%get3A_674, %get3A_675, %get3A_676] {strides = array<i32>} : memref<2x400x64xf32, #tpu.memory_space<vmem>>, vector<16xf32>,
      %get3A_678 = arith.index_cast %add3A_670 : i32 to index
      %get3A_679 = arith.constant 0 : index
      %get3A_680 = tpu.vector_load %arg7[%get3A_678, %get3A_679] {strides = array<i32>} : memref<200x64xf32, #tpu.memory_space<vmem>>, vector<16xf32>,
      %add3A_681 = arith.addf %get3A_677, %get3A_680 : vector<16xf32>
      %add3A_682 = arith.constant 100 : i32
      %add3A_683 = arith.addi %add3A_682, %scan3A_591 : i32
      %swap3A_684 = arith.constant 0 : i32
      %swap3A_685 = arith.index_cast %swap3A_684 : i32 to index
      %swap3A_686 = arith.index_cast %add3A_683 : i32 to index
      %swap3A_687 = arith.constant 64 : index
      %swap3A_688 = tpu.vector_load %arg9[%swap3A_685, %swap3A_686, %swap3A_687] {strides = array<i32>} : memref<2x200x128xf32, #tpu.memory_space<vmem>>, vector<16xf32>,
      tpu.vector_store %arg9[%swap3A_685, %swap3A_686, %swap3A_687], %add3A_681 {strides = array<i32>} : memref<2x200x128xf32, #tpu.memory_space<vmem>>, vector<16xf32>,
      %add3A_689 = arith.constant 200 : i32
      %add3A_690 = arith.addi %add3A_689, %add3A_670 : i32
      %get3A_691 = arith.constant 0 : i32
      %get3A_692 = arith.index_cast %get3A_691 : i32 to index
      %get3A_693 = arith.index_cast %add3A_690 : i32 to index
      %get3A_694 = arith.constant 16 : index
      %get3A_695 = tpu.vector_load %arg8[%get3A_692, %get3A_693, %get3A_694] {strides = array<i32>} : memref<2x400x64xf32, #tpu.memory_space<vmem>>, vector<16xf32>,
      %get3A_696 = arith.index_cast %add3A_670 : i32 to index
      %get3A_697 = arith.constant 16 : index
      %get3A_698 = tpu.vector_load %arg7[%get3A_696, %get3A_697] {strides = array<i32>} : memref<200x64xf32, #tpu.memory_space<vmem>>, vector<16xf32>,
      %add3A_699 = arith.addf %get3A_695, %get3A_698 : vector<16xf32>
      %add3A_700 = arith.constant 100 : i32
      %add3A_701 = arith.addi %add3A_700, %scan3A_591 : i32
      %swap3A_702 = arith.constant 0 : i32
      %swap3A_703 = arith.index_cast %swap3A_702 : i32 to index
      %swap3A_704 = arith.index_cast %add3A_701 : i32 to index
      %swap3A_705 = arith.constant 80 : index
      %swap3A_706 = tpu.vector_load %arg9[%swap3A_703, %swap3A_704, %swap3A_705] {strides = array<i32>} : memref<2x200x128xf32, #tpu.memory_space<vmem>>, vector<16xf32>,
      tpu.vector_store %arg9[%swap3A_703, %swap3A_704, %swap3A_705], %add3A_699 {strides = array<i32>} : memref<2x200x128xf32, #tpu.memory_space<vmem>>, vector<16xf32>,
      %add3A_707 = arith.constant 200 : i32
      %add3A_708 = arith.addi %add3A_707, %add3A_670 : i32
      %get3A_709 = arith.constant 0 : i32
      %get3A_710 = arith.index_cast %get3A_709 : i32 to index
      %get3A_711 = arith.index_cast %add3A_708 : i32 to index
      %get3A_712 = arith.constant 32 : index
      %get3A_713 = tpu.vector_load %arg8[%get3A_710, %get3A_711, %get3A_712] {strides = array<i32>} : memref<2x400x64xf32, #tpu.memory_space<vmem>>, vector<16xf32>,
      %get3A_714 = arith.index_cast %add3A_670 : i32 to index
      %get3A_715 = arith.constant 32 : index
      %get3A_716 = tpu.vector_load %arg7[%get3A_714, %get3A_715] {strides = array<i32>} : memref<200x64xf32, #tpu.memory_space<vmem>>, vector<16xf32>,
      %add3A_717 = arith.addf %get3A_713, %get3A_716 : vector<16xf32>
      %add3A_718 = arith.constant 100 : i32
      %add3A_719 = arith.addi %add3A_718, %scan3A_591 : i32
      %swap3A_720 = arith.constant 0 : i32
      %swap3A_721 = arith.index_cast %swap3A_720 : i32 to index
      %swap3A_722 = arith.index_cast %add3A_719 : i32 to index
      %swap3A_723 = arith.constant 96 : index
      %swap3A_724 = tpu.vector_load %arg9[%swap3A_721, %swap3A_722, %swap3A_723] {strides = array<i32>} : memref<2x200x128xf32, #tpu.memory_space<vmem>>, vector<16xf32>,
      tpu.vector_store %arg9[%swap3A_721, %swap3A_722, %swap3A_723], %add3A_717 {strides = array<i32>} : memref<2x200x128xf32, #tpu.memory_space<vmem>>, vector<16xf32>,
      %add3A_725 = arith.constant 200 : i32
      %add3A_726 = arith.addi %add3A_725, %add3A_670 : i32
      %get3A_727 = arith.constant 0 : i32
      %get3A_728 = arith.index_cast %get3A_727 : i32 to index
      %get3A_729 = arith.index_cast %add3A_726 : i32 to index
      %get3A_730 = arith.constant 48 : index
      %get3A_731 = tpu.vector_load %arg8[%get3A_728, %get3A_729, %get3A_730] {strides = array<i32>} : memref<2x400x64xf32, #tpu.memory_space<vmem>>, vector<16xf32>,
      %get3A_732 = arith.index_cast %add3A_670 : i32 to index
      %get3A_733 = arith.constant 48 : index
      %get3A_734 = tpu.vector_load %arg7[%get3A_732, %get3A_733] {strides = array<i32>} : memref<200x64xf32, #tpu.memory_space<vmem>>, vector<16xf32>,
      %add3A_735 = arith.addf %get3A_731, %get3A_734 : vector<16xf32>
      %add3A_736 = arith.constant 100 : i32
      %add3A_737 = arith.addi %add3A_736, %scan3A_591 : i32
      %swap3A_738 = arith.constant 0 : i32
      %swap3A_739 = arith.index_cast %swap3A_738 : i32 to index
      %swap3A_740 = arith.index_cast %add3A_737 : i32 to index
      %swap3A_741 = arith.constant 112 : index
      %swap3A_742 = tpu.vector_load %arg9[%swap3A_739, %swap3A_740, %swap3A_741] {strides = array<i32>} : memref<2x200x128xf32, #tpu.memory_space<vmem>>, vector<16xf32>,
      tpu.vector_store %arg9[%swap3A_739, %swap3A_740, %swap3A_741], %add3A_735 {strides = array<i32>} : memref<2x200x128xf32, #tpu.memory_space<vmem>>, vector<16xf32>,
      %scan3A_743 = arith.constant 0 : i32
      scf.yield %scan3A_743 : i32
    }
    %scan3A_157 = arith.constant 100 : i32
    %add3A_158 = arith.constant 0 : i32
    %add3A_159 = arith.addi %mul3A_2, %add3A_158 : i32
    %dma_start3A_160 = arith.constant 0 : i32
    %dma_start3A_161 = arith.constant 0 : i32
    %dma_start3A_162 = arith.constant 0 : i32
    %dma_start3A_163 = tpu.memref_slice %arg9[%dma_start3A_160, %dma_start3A_161, %dma_start3A_162] : memref<2x200x128xf32, #tpu.memory_space<vmem>> -> memref<1x200x128xf32, #tpu.memory_space<vmem>>
    %dma_start3A_164 = tpu.memref_squeeze %dma_start3A_163 : memref<1x200x128xf32, #tpu.memory_space<vmem>> -> memref<200x128xf32, #tpu.memory_space<vmem>>
    %dma_start3A_165 = arith.constant 0 : i32
    %dma_start3A_166 = arith.constant 0 : i32
    %dma_start3A_167 = tpu.memref_slice %arg5[%add3A_159, %dma_start3A_165, %dma_start3A_166] : memref<512x200x128xf32, #tpu.memory_space<hbm>> -> memref<1x200x128xf32, #tpu.memory_space<hbm>>
    %dma_start3A_168 = tpu.memref_squeeze %dma_start3A_167 : memref<1x200x128xf32, #tpu.memory_space<hbm>> -> memref<200x128xf32, #tpu.memory_space<hbm>>
    %dma_start3A_169 = arith.constant 0 : i32
    %dma_start3A_170 = arith.constant 0 : i32
    %dma_start3A_171 = tpu.memref_slice %arg5[%add3A_159, %dma_start3A_169, %dma_start3A_170] : memref<512x200x128xf32, #tpu.memory_space<hbm>> -> memref<1x200x128xf32, #tpu.memory_space<hbm>>
    %dma_start3A_172 = tpu.memref_squeeze %dma_start3A_171 : memref<1x200x128xf32, #tpu.memory_space<hbm>> -> memref<200x128xf32, #tpu.memory_space<hbm>>
    %dma_start3A_173 = arith.constant 0 : i32
    %dma_start3A_174 = arith.constant 0 : i32
    %dma_start3A_175 = tpu.memref_slice %arg9[%dma_start3A_160, %dma_start3A_173, %dma_start3A_174] : memref<2x200x128xf32, #tpu.memory_space<vmem>> -> memref<1x200x128xf32, #tpu.memory_space<vmem>>
    %dma_start3A_176 = tpu.memref_squeeze %dma_start3A_175 : memref<1x200x128xf32, #tpu.memory_space<vmem>> -> memref<200x128xf32, #tpu.memory_space<vmem>>
    tpu.enqueue_dma source(%dma_start3A_176 : memref<200x128xf32, #tpu.memory_space<vmem>>) target(%dma_start3A_172 : memref<200x128xf32, #tpu.memory_space<hbm>>) target_semaphore(%arg12 : memref<!tpu.dma_semaphore, #tpu.memory_space<semaphore_mem>>)
    %dma_start3A_177 = arith.constant 8 : i32
    %dma_start3A_178 = arith.constant 0 : i32
    %dma_start3A_179 = arith.constant 0 : i32
    %dma_start3A_180 = arith.constant 0 : i32
    %dma_start3A_181 = tpu.memref_slice %arg8[%dma_start3A_178, %dma_start3A_179, %dma_start3A_180] : memref<2x400x64xf32, #tpu.memory_space<vmem>> -> memref<1x100x64xf32, #tpu.memory_space<vmem>>
    %dma_start3A_182 = tpu.memref_squeeze %dma_start3A_181 : memref<1x100x64xf32, #tpu.memory_space<vmem>> -> memref<100x64xf32, #tpu.memory_space<vmem>>
    %dma_start3A_183 = arith.constant 0 : i32
    %dma_start3A_184 = tpu.memref_slice %arg6[%dma_start3A_177, %dma_start3A_183] : memref<64x100xi32, #tpu.memory_space<vmem>> -> memref<1x100xi32, #tpu.memory_space<vmem>>
    %dma_start3A_185 = tpu.memref_squeeze %dma_start3A_184 : memref<1x100xi32, #tpu.memory_space<vmem>> -> memref<100xi32, #tpu.memory_space<vmem>>
    %dma_start3A_186 = arith.constant 0 : i32
    %dma_start3A_187 = arith.constant 0 : i32
    %dma_start3A_188 = tpu.memref_slice %arg4[%dma_start3A_186, %dma_start3A_187] : memref<2000000x64xf32, #tpu.memory_space<hbm>> -> memref<2000000x64xf32, #tpu.memory_space<hbm>>
    tpu.enqueue_indirect_dma source(%dma_start3A_188 : memref<2000000x64xf32, #tpu.memory_space<hbm>>) target(%dma_start3A_182 : memref<100x64xf32, #tpu.memory_space<vmem>>) offsets(%dma_start3A_185 : memref<100xi32, #tpu.memory_space<vmem>>) semaphore(%arg10 : memref<!tpu.dma_semaphore, #tpu.memory_space<semaphore_mem>>)
    %dma_start3A_189 = arith.constant 9 : i32
    %dma_start3A_190 = arith.constant 0 : i32
    %dma_start3A_191 = arith.constant 100 : i32
    %dma_start3A_192 = arith.constant 0 : i32
    %dma_start3A_193 = tpu.memref_slice %arg8[%dma_start3A_190, %dma_start3A_191, %dma_start3A_192] : memref<2x400x64xf32, #tpu.memory_space<vmem>> -> memref<1x100x64xf32, #tpu.memory_space<vmem>>
    %dma_start3A_194 = tpu.memref_squeeze %dma_start3A_193 : memref<1x100x64xf32, #tpu.memory_space<vmem>> -> memref<100x64xf32, #tpu.memory_space<vmem>>
    %dma_start3A_195 = arith.constant 0 : i32
    %dma_start3A_196 = tpu.memref_slice %arg6[%dma_start3A_189, %dma_start3A_195] : memref<64x100xi32, #tpu.memory_space<vmem>> -> memref<1x100xi32, #tpu.memory_space<vmem>>
    %dma_start3A_197 = tpu.memref_squeeze %dma_start3A_196 : memref<1x100xi32, #tpu.memory_space<vmem>> -> memref<100xi32, #tpu.memory_space<vmem>>
    %dma_start3A_198 = arith.constant 0 : i32
    %dma_start3A_199 = arith.constant 0 : i32
    %dma_start3A_200 = tpu.memref_slice %arg4[%dma_start3A_198, %dma_start3A_199] : memref<2000000x64xf32, #tpu.memory_space<hbm>> -> memref<2000000x64xf32, #tpu.memory_space<hbm>>
    tpu.enqueue_indirect_dma source(%dma_start3A_200 : memref<2000000x64xf32, #tpu.memory_space<hbm>>) target(%dma_start3A_194 : memref<100x64xf32, #tpu.memory_space<vmem>>) offsets(%dma_start3A_197 : memref<100xi32, #tpu.memory_space<vmem>>) semaphore(%arg10 : memref<!tpu.dma_semaphore, #tpu.memory_space<semaphore_mem>>)
    %dma_start3A_201 = arith.constant 10 : i32
    %dma_start3A_202 = arith.constant 0 : i32
    %dma_start3A_203 = arith.constant 200 : i32
    %dma_start3A_204 = arith.constant 0 : i32
    %dma_start3A_205 = tpu.memref_slice %arg8[%dma_start3A_202, %dma_start3A_203, %dma_start3A_204] : memref<2x400x64xf32, #tpu.memory_space<vmem>> -> memref<1x100x64xf32, #tpu.memory_space<vmem>>
    %dma_start3A_206 = tpu.memref_squeeze %dma_start3A_205 : memref<1x100x64xf32, #tpu.memory_space<vmem>> -> memref<100x64xf32, #tpu.memory_space<vmem>>
    %dma_start3A_207 = arith.constant 0 : i32
    %dma_start3A_208 = tpu.memref_slice %arg6[%dma_start3A_201, %dma_start3A_207] : memref<64x100xi32, #tpu.memory_space<vmem>> -> memref<1x100xi32, #tpu.memory_space<vmem>>
    %dma_start3A_209 = tpu.memref_squeeze %dma_start3A_208 : memref<1x100xi32, #tpu.memory_space<vmem>> -> memref<100xi32, #tpu.memory_space<vmem>>
    %dma_start3A_210 = arith.constant 0 : i32
    %dma_start3A_211 = arith.constant 0 : i32
    %dma_start3A_212 = tpu.memref_slice %arg4[%dma_start3A_210, %dma_start3A_211] : memref<2000000x64xf32, #tpu.memory_space<hbm>> -> memref<2000000x64xf32, #tpu.memory_space<hbm>>
    tpu.enqueue_indirect_dma source(%dma_start3A_212 : memref<2000000x64xf32, #tpu.memory_space<hbm>>) target(%dma_start3A_206 : memref<100x64xf32, #tpu.memory_space<vmem>>) offsets(%dma_start3A_209 : memref<100xi32, #tpu.memory_space<vmem>>) semaphore(%arg10 : memref<!tpu.dma_semaphore, #tpu.memory_space<semaphore_mem>>)
    %dma_start3A_213 = arith.constant 11 : i32
    %dma_start3A_214 = arith.constant 0 : i32
    %dma_start3A_215 = arith.constant 300 : i32
    %dma_start3A_216 = arith.constant 0 : i32
    %dma_start3A_217 = tpu.memref_slice %arg8[%dma_start3A_214, %dma_start3A_215, %dma_start3A_216] : memref<2x400x64xf32, #tpu.memory_space<vmem>> -> memref<1x100x64xf32, #tpu.memory_space<vmem>>
    %dma_start3A_218 = tpu.memref_squeeze %dma_start3A_217 : memref<1x100x64xf32, #tpu.memory_space<vmem>> -> memref<100x64xf32, #tpu.memory_space<vmem>>
    %dma_start3A_219 = arith.constant 0 : i32
    %dma_start3A_220 = tpu.memref_slice %arg6[%dma_start3A_213, %dma_start3A_219] : memref<64x100xi32, #tpu.memory_space<vmem>> -> memref<1x100xi32, #tpu.memory_space<vmem>>
    %dma_start3A_221 = tpu.memref_squeeze %dma_start3A_220 : memref<1x100xi32, #tpu.memory_space<vmem>> -> memref<100xi32, #tpu.memory_space<vmem>>
    %dma_start3A_222 = arith.constant 0 : i32
    %dma_start3A_223 = arith.constant 0 : i32
    %dma_start3A_224 = tpu.memref_slice %arg4[%dma_start3A_222, %dma_start3A_223] : memref<2000000x64xf32, #tpu.memory_space<hbm>> -> memref<2000000x64xf32, #tpu.memory_space<hbm>>
    tpu.enqueue_indirect_dma source(%dma_start3A_224 : memref<2000000x64xf32, #tpu.memory_space<hbm>>) target(%dma_start3A_218 : memref<100x64xf32, #tpu.memory_space<vmem>>) offsets(%dma_start3A_221 : memref<100xi32, #tpu.memory_space<vmem>>) semaphore(%arg10 : memref<!tpu.dma_semaphore, #tpu.memory_space<semaphore_mem>>)
    %dma_wait3A_225 = arith.constant 0 : i32
    %dma_wait3A_226 = arith.constant 1 : i32
    %dma_wait3A_227 = arith.constant 0 : i32
    %dma_wait3A_228 = arith.constant 0 : i32
    %dma_wait3A_229 = tpu.memref_slice %arg8[%dma_wait3A_226, %dma_wait3A_227, %dma_wait3A_228] : memref<2x400x64xf32, #tpu.memory_space<vmem>> -> memref<1x100x64xf32, #tpu.memory_space<vmem>>
    %dma_wait3A_230 = tpu.memref_squeeze %dma_wait3A_229 : memref<1x100x64xf32, #tpu.memory_space<vmem>> -> memref<100x64xf32, #tpu.memory_space<vmem>>
    %dma_wait3A_231 = arith.constant 0 : i32
    %dma_wait3A_232 = tpu.memref_slice %arg6[%dma_wait3A_225, %dma_wait3A_231] : memref<64x100xi32, #tpu.memory_space<vmem>> -> memref<1x100xi32, #tpu.memory_space<vmem>>
    %dma_wait3A_233 = tpu.memref_squeeze %dma_wait3A_232 : memref<1x100xi32, #tpu.memory_space<vmem>> -> memref<100xi32, #tpu.memory_space<vmem>>
    %dma_wait3A_234 = arith.constant 0 : i32
    %dma_wait3A_235 = arith.constant 0 : i32
    %dma_wait3A_236 = tpu.memref_slice %arg4[%dma_wait3A_234, %dma_wait3A_235] : memref<2000000x64xf32, #tpu.memory_space<hbm>> -> memref<2000000x64xf32, #tpu.memory_space<hbm>>
    tpu.wait_indirect_dma semaphore(%arg11 : memref<!tpu.dma_semaphore, #tpu.memory_space<semaphore_mem>>) src(%dma_wait3A_236 : memref<2000000x64xf32, #tpu.memory_space<hbm>>) dst(%dma_wait3A_230 : memref<100x64xf32, #tpu.memory_space<vmem>>)
    %dma_wait3A_237 = arith.constant 0 : i32
    %dma_wait3A_238 = arith.constant 1 : i32
    %dma_wait3A_239 = arith.constant 0 : i32
    %dma_wait3A_240 = arith.constant 0 : i32
    %dma_wait3A_241 = tpu.memref_slice %arg8[%dma_wait3A_238, %dma_wait3A_239, %dma_wait3A_240] : memref<2x400x64xf32, #tpu.memory_space<vmem>> -> memref<1x100x64xf32, #tpu.memory_space<vmem>>
    %dma_wait3A_242 = tpu.memref_squeeze %dma_wait3A_241 : memref<1x100x64xf32, #tpu.memory_space<vmem>> -> memref<100x64xf32, #tpu.memory_space<vmem>>
    %dma_wait3A_243 = arith.constant 0 : i32
    %dma_wait3A_244 = tpu.memref_slice %arg6[%dma_wait3A_237, %dma_wait3A_243] : memref<64x100xi32, #tpu.memory_space<vmem>> -> memref<1x100xi32, #tpu.memory_space<vmem>>
    %dma_wait3A_245 = tpu.memref_squeeze %dma_wait3A_244 : memref<1x100xi32, #tpu.memory_space<vmem>> -> memref<100xi32, #tpu.memory_space<vmem>>
    %dma_wait3A_246 = arith.constant 0 : i32
    %dma_wait3A_247 = arith.constant 0 : i32
    %dma_wait3A_248 = tpu.memref_slice %arg4[%dma_wait3A_246, %dma_wait3A_247] : memref<2000000x64xf32, #tpu.memory_space<hbm>> -> memref<2000000x64xf32, #tpu.memory_space<hbm>>
    tpu.wait_indirect_dma semaphore(%arg11 : memref<!tpu.dma_semaphore, #tpu.memory_space<semaphore_mem>>) src(%dma_wait3A_248 : memref<2000000x64xf32, #tpu.memory_space<hbm>>) dst(%dma_wait3A_242 : memref<100x64xf32, #tpu.memory_space<vmem>>)
    %dma_wait3A_249 = arith.constant 0 : i32
    %dma_wait3A_250 = arith.constant 1 : i32
    %dma_wait3A_251 = arith.constant 0 : i32
    %dma_wait3A_252 = arith.constant 0 : i32
    %dma_wait3A_253 = tpu.memref_slice %arg8[%dma_wait3A_250, %dma_wait3A_251, %dma_wait3A_252] : memref<2x400x64xf32, #tpu.memory_space<vmem>> -> memref<1x100x64xf32, #tpu.memory_space<vmem>>
    %dma_wait3A_254 = tpu.memref_squeeze %dma_wait3A_253 : memref<1x100x64xf32, #tpu.memory_space<vmem>> -> memref<100x64xf32, #tpu.memory_space<vmem>>
    %dma_wait3A_255 = arith.constant 0 : i32
    %dma_wait3A_256 = tpu.memref_slice %arg6[%dma_wait3A_249, %dma_wait3A_255] : memref<64x100xi32, #tpu.memory_space<vmem>> -> memref<1x100xi32, #tpu.memory_space<vmem>>
    %dma_wait3A_257 = tpu.memref_squeeze %dma_wait3A_256 : memref<1x100xi32, #tpu.memory_space<vmem>> -> memref<100xi32, #tpu.memory_space<vmem>>
    %dma_wait3A_258 = arith.constant 0 : i32
    %dma_wait3A_259 = arith.constant 0 : i32
    %dma_wait3A_260 = tpu.memref_slice %arg4[%dma_wait3A_258, %dma_wait3A_259] : memref<2000000x64xf32, #tpu.memory_space<hbm>> -> memref<2000000x64xf32, #tpu.memory_space<hbm>>
    tpu.wait_indirect_dma semaphore(%arg11 : memref<!tpu.dma_semaphore, #tpu.memory_space<semaphore_mem>>) src(%dma_wait3A_260 : memref<2000000x64xf32, #tpu.memory_space<hbm>>) dst(%dma_wait3A_254 : memref<100x64xf32, #tpu.memory_space<vmem>>)
    %dma_wait3A_261 = arith.constant 0 : i32
    %dma_wait3A_262 = arith.constant 1 : i32
    %dma_wait3A_263 = arith.constant 0 : i32
    %dma_wait3A_264 = arith.constant 0 : i32
    %dma_wait3A_265 = tpu.memref_slice %arg8[%dma_wait3A_262, %dma_wait3A_263, %dma_wait3A_264] : memref<2x400x64xf32, #tpu.memory_space<vmem>> -> memref<1x100x64xf32, #tpu.memory_space<vmem>>
    %dma_wait3A_266 = tpu.memref_squeeze %dma_wait3A_265 : memref<1x100x64xf32, #tpu.memory_space<vmem>> -> memref<100x64xf32, #tpu.memory_space<vmem>>
    %dma_wait3A_267 = arith.constant 0 : i32
    %dma_wait3A_268 = tpu.memref_slice %arg6[%dma_wait3A_261, %dma_wait3A_267] : memref<64x100xi32, #tpu.memory_space<vmem>> -> memref<1x100xi32, #tpu.memory_space<vmem>>
    %dma_wait3A_269 = tpu.memref_squeeze %dma_wait3A_268 : memref<1x100xi32, #tpu.memory_space<vmem>> -> memref<100xi32, #tpu.memory_space<vmem>>
    %dma_wait3A_270 = arith.constant 0 : i32
    %dma_wait3A_271 = arith.constant 0 : i32
    %dma_wait3A_272 = tpu.memref_slice %arg4[%dma_wait3A_270, %dma_wait3A_271] : memref<2000000x64xf32, #tpu.memory_space<hbm>> -> memref<2000000x64xf32, #tpu.memory_space<hbm>>
    tpu.wait_indirect_dma semaphore(%arg11 : memref<!tpu.dma_semaphore, #tpu.memory_space<semaphore_mem>>) src(%dma_wait3A_272 : memref<2000000x64xf32, #tpu.memory_space<hbm>>) dst(%dma_wait3A_266 : memref<100x64xf32, #tpu.memory_space<vmem>>)
    %scan3A_273 = arith.constant 0 : i32
    %scan3A_274 = arith.constant 0 : i32
    %scan3A_275 = arith.constant 100 : i32
    %scan3A_276 = arith.addi %scan3A_274, %scan3A_275 : i32
    %scan3A_277 = arith.constant 1 : i32
    %scan3A_278 = scf.for %scan3A_591 = %scan3A_274 to %scan3A_276 step %scan3A_277 iter_args(%scan3A_592 = %scan3A_273) -> (i32)  : i32 {
      %mul3A_593 = arith.constant 2 : i32
      %mul3A_594 = arith.muli %mul3A_593, %scan3A_591 : i32
      %add3A_595 = arith.constant 0 : i32
      %add3A_596 = arith.addi %mul3A_594, %add3A_595 : i32
      %add3A_597 = arith.constant 0 : i32
      %add3A_598 = arith.addi %add3A_597, %add3A_596 : i32
      %get3A = arith.constant 1 : i32
      %get3A_599 = arith.index_cast %get3A : i32 to index
      %get3A_600 = arith.index_cast %add3A_598 : i32 to index
      %get3A_601 = arith.constant 0 : index
      %get3A_602 = tpu.vector_load %arg8[%get3A_599, %get3A_600, %get3A_601] {strides = array<i32>} : memref<2x400x64xf32, #tpu.memory_space<vmem>>, vector<16xf32>,
      %get3A_603 = arith.index_cast %add3A_596 : i32 to index
      %get3A_604 = arith.constant 0 : index
      %get3A_605 = tpu.vector_load %arg7[%get3A_603, %get3A_604] {strides = array<i32>} : memref<200x64xf32, #tpu.memory_space<vmem>>, vector<16xf32>,
      %add3A_606 = arith.addf %get3A_602, %get3A_605 : vector<16xf32>
      %add3A_607 = arith.constant 0 : i32
      %add3A_608 = arith.addi %add3A_607, %scan3A_591 : i32
      %swap3A = arith.constant 1 : i32
      %swap3A_609 = arith.index_cast %swap3A : i32 to index
      %swap3A_610 = arith.index_cast %add3A_608 : i32 to index
      %swap3A_611 = arith.constant 0 : index
      %swap3A_612 = tpu.vector_load %arg9[%swap3A_609, %swap3A_610, %swap3A_611] {strides = array<i32>} : memref<2x200x128xf32, #tpu.memory_space<vmem>>, vector<16xf32>,
      tpu.vector_store %arg9[%swap3A_609, %swap3A_610, %swap3A_611], %add3A_606 {strides = array<i32>} : memref<2x200x128xf32, #tpu.memory_space<vmem>>, vector<16xf32>,
      %add3A_613 = arith.constant 0 : i32
      %add3A_614 = arith.addi %add3A_613, %add3A_596 : i32
      %get3A_615 = arith.constant 1 : i32
      %get3A_616 = arith.index_cast %get3A_615 : i32 to index
      %get3A_617 = arith.index_cast %add3A_614 : i32 to index
      %get3A_618 = arith.constant 16 : index
      %get3A_619 = tpu.vector_load %arg8[%get3A_616, %get3A_617, %get3A_618] {strides = array<i32>} : memref<2x400x64xf32, #tpu.memory_space<vmem>>, vector<16xf32>,
      %get3A_620 = arith.index_cast %add3A_596 : i32 to index
      %get3A_621 = arith.constant 16 : index
      %get3A_622 = tpu.vector_load %arg7[%get3A_620, %get3A_621] {strides = array<i32>} : memref<200x64xf32, #tpu.memory_space<vmem>>, vector<16xf32>,
      %add3A_623 = arith.addf %get3A_619, %get3A_622 : vector<16xf32>
      %add3A_624 = arith.constant 0 : i32
      %add3A_625 = arith.addi %add3A_624, %scan3A_591 : i32
      %swap3A_626 = arith.constant 1 : i32
      %swap3A_627 = arith.index_cast %swap3A_626 : i32 to index
      %swap3A_628 = arith.index_cast %add3A_625 : i32 to index
      %swap3A_629 = arith.constant 16 : index
      %swap3A_630 = tpu.vector_load %arg9[%swap3A_627, %swap3A_628, %swap3A_629] {strides = array<i32>} : memref<2x200x128xf32, #tpu.memory_space<vmem>>, vector<16xf32>,
      tpu.vector_store %arg9[%swap3A_627, %swap3A_628, %swap3A_629], %add3A_623 {strides = array<i32>} : memref<2x200x128xf32, #tpu.memory_space<vmem>>, vector<16xf32>,
      %add3A_631 = arith.constant 0 : i32
      %add3A_632 = arith.addi %add3A_631, %add3A_596 : i32
      %get3A_633 = arith.constant 1 : i32
      %get3A_634 = arith.index_cast %get3A_633 : i32 to index
      %get3A_635 = arith.index_cast %add3A_632 : i32 to index
      %get3A_636 = arith.constant 32 : index
      %get3A_637 = tpu.vector_load %arg8[%get3A_634, %get3A_635, %get3A_636] {strides = array<i32>} : memref<2x400x64xf32, #tpu.memory_space<vmem>>, vector<16xf32>,
      %get3A_638 = arith.index_cast %add3A_596 : i32 to index
      %get3A_639 = arith.constant 32 : index
      %get3A_640 = tpu.vector_load %arg7[%get3A_638, %get3A_639] {strides = array<i32>} : memref<200x64xf32, #tpu.memory_space<vmem>>, vector<16xf32>,
      %add3A_641 = arith.addf %get3A_637, %get3A_640 : vector<16xf32>
      %add3A_642 = arith.constant 0 : i32
      %add3A_643 = arith.addi %add3A_642, %scan3A_591 : i32
      %swap3A_644 = arith.constant 1 : i32
      %swap3A_645 = arith.index_cast %swap3A_644 : i32 to index
      %swap3A_646 = arith.index_cast %add3A_643 : i32 to index
      %swap3A_647 = arith.constant 32 : index
      %swap3A_648 = tpu.vector_load %arg9[%swap3A_645, %swap3A_646, %swap3A_647] {strides = array<i32>} : memref<2x200x128xf32, #tpu.memory_space<vmem>>, vector<16xf32>,
      tpu.vector_store %arg9[%swap3A_645, %swap3A_646, %swap3A_647], %add3A_641 {strides = array<i32>} : memref<2x200x128xf32, #tpu.memory_space<vmem>>, vector<16xf32>,
      %add3A_649 = arith.constant 0 : i32
      %add3A_650 = arith.addi %add3A_649, %add3A_596 : i32
      %get3A_651 = arith.constant 1 : i32
      %get3A_652 = arith.index_cast %get3A_651 : i32 to index
      %get3A_653 = arith.index_cast %add3A_650 : i32 to index
      %get3A_654 = arith.constant 48 : index
      %get3A_655 = tpu.vector_load %arg8[%get3A_652, %get3A_653, %get3A_654] {strides = array<i32>} : memref<2x400x64xf32, #tpu.memory_space<vmem>>, vector<16xf32>,
      %get3A_656 = arith.index_cast %add3A_596 : i32 to index
      %get3A_657 = arith.constant 48 : index
      %get3A_658 = tpu.vector_load %arg7[%get3A_656, %get3A_657] {strides = array<i32>} : memref<200x64xf32, #tpu.memory_space<vmem>>, vector<16xf32>,
      %add3A_659 = arith.addf %get3A_655, %get3A_658 : vector<16xf32>
      %add3A_660 = arith.constant 0 : i32
      %add3A_661 = arith.addi %add3A_660, %scan3A_591 : i32
      %swap3A_662 = arith.constant 1 : i32
      %swap3A_663 = arith.index_cast %swap3A_662 : i32 to index
      %swap3A_664 = arith.index_cast %add3A_661 : i32 to index
      %swap3A_665 = arith.constant 48 : index
      %swap3A_666 = tpu.vector_load %arg9[%swap3A_663, %swap3A_664, %swap3A_665] {strides = array<i32>} : memref<2x200x128xf32, #tpu.memory_space<vmem>>, vector<16xf32>,
      tpu.vector_store %arg9[%swap3A_663, %swap3A_664, %swap3A_665], %add3A_659 {strides = array<i32>} : memref<2x200x128xf32, #tpu.memory_space<vmem>>, vector<16xf32>,
      %mul3A_667 = arith.constant 2 : i32
      %mul3A_668 = arith.muli %mul3A_667, %scan3A_591 : i32
      %add3A_669 = arith.constant 1 : i32
      %add3A_670 = arith.addi %mul3A_668, %add3A_669 : i32
      %add3A_671 = arith.constant 0 : i32
      %add3A_672 = arith.addi %add3A_671, %add3A_670 : i32
      %get3A_673 = arith.constant 1 : i32
      %get3A_674 = arith.index_cast %get3A_673 : i32 to index
      %get3A_675 = arith.index_cast %add3A_672 : i32 to index
      %get3A_676 = arith.constant 0 : index
      %get3A_677 = tpu.vector_load %arg8[%get3A_674, %get3A_675, %get3A_676] {strides = array<i32>} : memref<2x400x64xf32, #tpu.memory_space<vmem>>, vector<16xf32>,
      %get3A_678 = arith.index_cast %add3A_670 : i32 to index
      %get3A_679 = arith.constant 0 : index
      %get3A_680 = tpu.vector_load %arg7[%get3A_678, %get3A_679] {strides = array<i32>} : memref<200x64xf32, #tpu.memory_space<vmem>>, vector<16xf32>,
      %add3A_681 = arith.addf %get3A_677, %get3A_680 : vector<16xf32>
      %add3A_682 = arith.constant 0 : i32
      %add3A_683 = arith.addi %add3A_682, %scan3A_591 : i32
      %swap3A_684 = arith.constant 1 : i32
      %swap3A_685 = arith.index_cast %swap3A_684 : i32 to index
      %swap3A_686 = arith.index_cast %add3A_683 : i32 to index
      %swap3A_687 = arith.constant 64 : index
      %swap3A_688 = tpu.vector_load %arg9[%swap3A_685, %swap3A_686, %swap3A_687] {strides = array<i32>} : memref<2x200x128xf32, #tpu.memory_space<vmem>>, vector<16xf32>,
      tpu.vector_store %arg9[%swap3A_685, %swap3A_686, %swap3A_687], %add3A_681 {strides = array<i32>} : memref<2x200x128xf32, #tpu.memory_space<vmem>>, vector<16xf32>,
      %add3A_689 = arith.constant 0 : i32
      %add3A_690 = arith.addi %add3A_689, %add3A_670 : i32
      %get3A_691 = arith.constant 1 : i32
      %get3A_692 = arith.index_cast %get3A_691 : i32 to index
      %get3A_693 = arith.index_cast %add3A_690 : i32 to index
      %get3A_694 = arith.constant 16 : index
      %get3A_695 = tpu.vector_load %arg8[%get3A_692, %get3A_693, %get3A_694] {strides = array<i32>} : memref<2x400x64xf32, #tpu.memory_space<vmem>>, vector<16xf32>,
      %get3A_696 = arith.index_cast %add3A_670 : i32 to index
      %get3A_697 = arith.constant 16 : index
      %get3A_698 = tpu.vector_load %arg7[%get3A_696, %get3A_697] {strides = array<i32>} : memref<200x64xf32, #tpu.memory_space<vmem>>, vector<16xf32>,
      %add3A_699 = arith.addf %get3A_695, %get3A_698 : vector<16xf32>
      %add3A_700 = arith.constant 0 : i32
      %add3A_701 = arith.addi %add3A_700, %scan3A_591 : i32
      %swap3A_702 = arith.constant 1 : i32
      %swap3A_703 = arith.index_cast %swap3A_702 : i32 to index
      %swap3A_704 = arith.index_cast %add3A_701 : i32 to index
      %swap3A_705 = arith.constant 80 : index
      %swap3A_706 = tpu.vector_load %arg9[%swap3A_703, %swap3A_704, %swap3A_705] {strides = array<i32>} : memref<2x200x128xf32, #tpu.memory_space<vmem>>, vector<16xf32>,
      tpu.vector_store %arg9[%swap3A_703, %swap3A_704, %swap3A_705], %add3A_699 {strides = array<i32>} : memref<2x200x128xf32, #tpu.memory_space<vmem>>, vector<16xf32>,
      %add3A_707 = arith.constant 0 : i32
      %add3A_708 = arith.addi %add3A_707, %add3A_670 : i32
      %get3A_709 = arith.constant 1 : i32
      %get3A_710 = arith.index_cast %get3A_709 : i32 to index
      %get3A_711 = arith.index_cast %add3A_708 : i32 to index
      %get3A_712 = arith.constant 32 : index
      %get3A_713 = tpu.vector_load %arg8[%get3A_710, %get3A_711, %get3A_712] {strides = array<i32>} : memref<2x400x64xf32, #tpu.memory_space<vmem>>, vector<16xf32>,
      %get3A_714 = arith.index_cast %add3A_670 : i32 to index
      %get3A_715 = arith.constant 32 : index
      %get3A_716 = tpu.vector_load %arg7[%get3A_714, %get3A_715] {strides = array<i32>} : memref<200x64xf32, #tpu.memory_space<vmem>>, vector<16xf32>,
      %add3A_717 = arith.addf %get3A_713, %get3A_716 : vector<16xf32>
      %add3A_718 = arith.constant 0 : i32
      %add3A_719 = arith.addi %add3A_718, %scan3A_591 : i32
      %swap3A_720 = arith.constant 1 : i32
      %swap3A_721 = arith.index_cast %swap3A_720 : i32 to index
      %swap3A_722 = arith.index_cast %add3A_719 : i32 to index
      %swap3A_723 = arith.constant 96 : index
      %swap3A_724 = tpu.vector_load %arg9[%swap3A_721, %swap3A_722, %swap3A_723] {strides = array<i32>} : memref<2x200x128xf32, #tpu.memory_space<vmem>>, vector<16xf32>,
      tpu.vector_store %arg9[%swap3A_721, %swap3A_722, %swap3A_723], %add3A_717 {strides = array<i32>} : memref<2x200x128xf32, #tpu.memory_space<vmem>>, vector<16xf32>,
      %add3A_725 = arith.constant 0 : i32
      %add3A_726 = arith.addi %add3A_725, %add3A_670 : i32
      %get3A_727 = arith.constant 1 : i32
      %get3A_728 = arith.index_cast %get3A_727 : i32 to index
      %get3A_729 = arith.index_cast %add3A_726 : i32 to index
      %get3A_730 = arith.constant 48 : index
      %get3A_731 = tpu.vector_load %arg8[%get3A_728, %get3A_729, %get3A_730] {strides = array<i32>} : memref<2x400x64xf32, #tpu.memory_space<vmem>>, vector<16xf32>,
      %get3A_732 = arith.index_cast %add3A_670 : i32 to index
      %get3A_733 = arith.constant 48 : index
      %get3A_734 = tpu.vector_load %arg7[%get3A_732, %get3A_733] {strides = array<i32>} : memref<200x64xf32, #tpu.memory_space<vmem>>, vector<16xf32>,
      %add3A_735 = arith.addf %get3A_731, %get3A_734 : vector<16xf32>
      %add3A_736 = arith.constant 0 : i32
      %add3A_737 = arith.addi %add3A_736, %scan3A_591 : i32
      %swap3A_738 = arith.constant 1 : i32
      %swap3A_739 = arith.index_cast %swap3A_738 : i32 to index
      %swap3A_740 = arith.index_cast %add3A_737 : i32 to index
      %swap3A_741 = arith.constant 112 : index
      %swap3A_742 = tpu.vector_load %arg9[%swap3A_739, %swap3A_740, %swap3A_741] {strides = array<i32>} : memref<2x200x128xf32, #tpu.memory_space<vmem>>, vector<16xf32>,
      tpu.vector_store %arg9[%swap3A_739, %swap3A_740, %swap3A_741], %add3A_735 {strides = array<i32>} : memref<2x200x128xf32, #tpu.memory_space<vmem>>, vector<16xf32>,
      %scan3A_743 = arith.constant 0 : i32
      scf.yield %scan3A_743 : i32
    }
    %scan3A_279 = arith.constant 100 : i32
    %scan3A_280 = arith.constant 0 : i32
    %scan3A_281 = arith.constant 0 : i32
    %scan3A_282 = arith.constant 100 : i32
    %scan3A_283 = arith.addi %scan3A_281, %scan3A_282 : i32
    %scan3A_284 = arith.constant 1 : i32
    %scan3A_285 = scf.for %scan3A_591 = %scan3A_281 to %scan3A_283 step %scan3A_284 iter_args(%scan3A_592 = %scan3A_280) -> (i32)  : i32 {
      %mul3A_593 = arith.constant 2 : i32
      %mul3A_594 = arith.muli %mul3A_593, %scan3A_591 : i32
      %add3A_595 = arith.constant 0 : i32
      %add3A_596 = arith.addi %mul3A_594, %add3A_595 : i32
      %add3A_597 = arith.constant 200 : i32
      %add3A_598 = arith.addi %add3A_597, %add3A_596 : i32
      %get3A = arith.constant 1 : i32
      %get3A_599 = arith.index_cast %get3A : i32 to index
      %get3A_600 = arith.index_cast %add3A_598 : i32 to index
      %get3A_601 = arith.constant 0 : index
      %get3A_602 = tpu.vector_load %arg8[%get3A_599, %get3A_600, %get3A_601] {strides = array<i32>} : memref<2x400x64xf32, #tpu.memory_space<vmem>>, vector<16xf32>,
      %get3A_603 = arith.index_cast %add3A_596 : i32 to index
      %get3A_604 = arith.constant 0 : index
      %get3A_605 = tpu.vector_load %arg7[%get3A_603, %get3A_604] {strides = array<i32>} : memref<200x64xf32, #tpu.memory_space<vmem>>, vector<16xf32>,
      %add3A_606 = arith.addf %get3A_602, %get3A_605 : vector<16xf32>
      %add3A_607 = arith.constant 100 : i32
      %add3A_608 = arith.addi %add3A_607, %scan3A_591 : i32
      %swap3A = arith.constant 1 : i32
      %swap3A_609 = arith.index_cast %swap3A : i32 to index
      %swap3A_610 = arith.index_cast %add3A_608 : i32 to index
      %swap3A_611 = arith.constant 0 : index
      %swap3A_612 = tpu.vector_load %arg9[%swap3A_609, %swap3A_610, %swap3A_611] {strides = array<i32>} : memref<2x200x128xf32, #tpu.memory_space<vmem>>, vector<16xf32>,
      tpu.vector_store %arg9[%swap3A_609, %swap3A_610, %swap3A_611], %add3A_606 {strides = array<i32>} : memref<2x200x128xf32, #tpu.memory_space<vmem>>, vector<16xf32>,
      %add3A_613 = arith.constant 200 : i32
      %add3A_614 = arith.addi %add3A_613, %add3A_596 : i32
      %get3A_615 = arith.constant 1 : i32
      %get3A_616 = arith.index_cast %get3A_615 : i32 to index
      %get3A_617 = arith.index_cast %add3A_614 : i32 to index
      %get3A_618 = arith.constant 16 : index
      %get3A_619 = tpu.vector_load %arg8[%get3A_616, %get3A_617, %get3A_618] {strides = array<i32>} : memref<2x400x64xf32, #tpu.memory_space<vmem>>, vector<16xf32>,
      %get3A_620 = arith.index_cast %add3A_596 : i32 to index
      %get3A_621 = arith.constant 16 : index
      %get3A_622 = tpu.vector_load %arg7[%get3A_620, %get3A_621] {strides = array<i32>} : memref<200x64xf32, #tpu.memory_space<vmem>>, vector<16xf32>,
      %add3A_623 = arith.addf %get3A_619, %get3A_622 : vector<16xf32>
      %add3A_624 = arith.constant 100 : i32
      %add3A_625 = arith.addi %add3A_624, %scan3A_591 : i32
      %swap3A_626 = arith.constant 1 : i32
      %swap3A_627 = arith.index_cast %swap3A_626 : i32 to index
      %swap3A_628 = arith.index_cast %add3A_625 : i32 to index
      %swap3A_629 = arith.constant 16 : index
      %swap3A_630 = tpu.vector_load %arg9[%swap3A_627, %swap3A_628, %swap3A_629] {strides = array<i32>} : memref<2x200x128xf32, #tpu.memory_space<vmem>>, vector<16xf32>,
      tpu.vector_store %arg9[%swap3A_627, %swap3A_628, %swap3A_629], %add3A_623 {strides = array<i32>} : memref<2x200x128xf32, #tpu.memory_space<vmem>>, vector<16xf32>,
      %add3A_631 = arith.constant 200 : i32
      %add3A_632 = arith.addi %add3A_631, %add3A_596 : i32
      %get3A_633 = arith.constant 1 : i32
      %get3A_634 = arith.index_cast %get3A_633 : i32 to index
      %get3A_635 = arith.index_cast %add3A_632 : i32 to index
      %get3A_636 = arith.constant 32 : index
      %get3A_637 = tpu.vector_load %arg8[%get3A_634, %get3A_635, %get3A_636] {strides = array<i32>} : memref<2x400x64xf32, #tpu.memory_space<vmem>>, vector<16xf32>,
      %get3A_638 = arith.index_cast %add3A_596 : i32 to index
      %get3A_639 = arith.constant 32 : index
      %get3A_640 = tpu.vector_load %arg7[%get3A_638, %get3A_639] {strides = array<i32>} : memref<200x64xf32, #tpu.memory_space<vmem>>, vector<16xf32>,
      %add3A_641 = arith.addf %get3A_637, %get3A_640 : vector<16xf32>
      %add3A_642 = arith.constant 100 : i32
      %add3A_643 = arith.addi %add3A_642, %scan3A_591 : i32
      %swap3A_644 = arith.constant 1 : i32
      %swap3A_645 = arith.index_cast %swap3A_644 : i32 to index
      %swap3A_646 = arith.index_cast %add3A_643 : i32 to index
      %swap3A_647 = arith.constant 32 : index
      %swap3A_648 = tpu.vector_load %arg9[%swap3A_645, %swap3A_646, %swap3A_647] {strides = array<i32>} : memref<2x200x128xf32, #tpu.memory_space<vmem>>, vector<16xf32>,
      tpu.vector_store %arg9[%swap3A_645, %swap3A_646, %swap3A_647], %add3A_641 {strides = array<i32>} : memref<2x200x128xf32, #tpu.memory_space<vmem>>, vector<16xf32>,
      %add3A_649 = arith.constant 200 : i32
      %add3A_650 = arith.addi %add3A_649, %add3A_596 : i32
      %get3A_651 = arith.constant 1 : i32
      %get3A_652 = arith.index_cast %get3A_651 : i32 to index
      %get3A_653 = arith.index_cast %add3A_650 : i32 to index
      %get3A_654 = arith.constant 48 : index
      %get3A_655 = tpu.vector_load %arg8[%get3A_652, %get3A_653, %get3A_654] {strides = array<i32>} : memref<2x400x64xf32, #tpu.memory_space<vmem>>, vector<16xf32>,
      %get3A_656 = arith.index_cast %add3A_596 : i32 to index
      %get3A_657 = arith.constant 48 : index
      %get3A_658 = tpu.vector_load %arg7[%get3A_656, %get3A_657] {strides = array<i32>} : memref<200x64xf32, #tpu.memory_space<vmem>>, vector<16xf32>,
      %add3A_659 = arith.addf %get3A_655, %get3A_658 : vector<16xf32>
      %add3A_660 = arith.constant 100 : i32
      %add3A_661 = arith.addi %add3A_660, %scan3A_591 : i32
      %swap3A_662 = arith.constant 1 : i32
      %swap3A_663 = arith.index_cast %swap3A_662 : i32 to index
      %swap3A_664 = arith.index_cast %add3A_661 : i32 to index
      %swap3A_665 = arith.constant 48 : index
      %swap3A_666 = tpu.vector_load %arg9[%swap3A_663, %swap3A_664, %swap3A_665] {strides = array<i32>} : memref<2x200x128xf32, #tpu.memory_space<vmem>>, vector<16xf32>,
      tpu.vector_store %arg9[%swap3A_663, %swap3A_664, %swap3A_665], %add3A_659 {strides = array<i32>} : memref<2x200x128xf32, #tpu.memory_space<vmem>>, vector<16xf32>,
      %mul3A_667 = arith.constant 2 : i32
      %mul3A_668 = arith.muli %mul3A_667, %scan3A_591 : i32
      %add3A_669 = arith.constant 1 : i32
      %add3A_670 = arith.addi %mul3A_668, %add3A_669 : i32
      %add3A_671 = arith.constant 200 : i32
      %add3A_672 = arith.addi %add3A_671, %add3A_670 : i32
      %get3A_673 = arith.constant 1 : i32
      %get3A_674 = arith.index_cast %get3A_673 : i32 to index
      %get3A_675 = arith.index_cast %add3A_672 : i32 to index
      %get3A_676 = arith.constant 0 : index
      %get3A_677 = tpu.vector_load %arg8[%get3A_674, %get3A_675, %get3A_676] {strides = array<i32>} : memref<2x400x64xf32, #tpu.memory_space<vmem>>, vector<16xf32>,
      %get3A_678 = arith.index_cast %add3A_670 : i32 to index
      %get3A_679 = arith.constant 0 : index
      %get3A_680 = tpu.vector_load %arg7[%get3A_678, %get3A_679] {strides = array<i32>} : memref<200x64xf32, #tpu.memory_space<vmem>>, vector<16xf32>,
      %add3A_681 = arith.addf %get3A_677, %get3A_680 : vector<16xf32>
      %add3A_682 = arith.constant 100 : i32
      %add3A_683 = arith.addi %add3A_682, %scan3A_591 : i32
      %swap3A_684 = arith.constant 1 : i32
      %swap3A_685 = arith.index_cast %swap3A_684 : i32 to index
      %swap3A_686 = arith.index_cast %add3A_683 : i32 to index
      %swap3A_687 = arith.constant 64 : index
      %swap3A_688 = tpu.vector_load %arg9[%swap3A_685, %swap3A_686, %swap3A_687] {strides = array<i32>} : memref<2x200x128xf32, #tpu.memory_space<vmem>>, vector<16xf32>,
      tpu.vector_store %arg9[%swap3A_685, %swap3A_686, %swap3A_687], %add3A_681 {strides = array<i32>} : memref<2x200x128xf32, #tpu.memory_space<vmem>>, vector<16xf32>,
      %add3A_689 = arith.constant 200 : i32
      %add3A_690 = arith.addi %add3A_689, %add3A_670 : i32
      %get3A_691 = arith.constant 1 : i32
      %get3A_692 = arith.index_cast %get3A_691 : i32 to index
      %get3A_693 = arith.index_cast %add3A_690 : i32 to index
      %get3A_694 = arith.constant 16 : index
      %get3A_695 = tpu.vector_load %arg8[%get3A_692, %get3A_693, %get3A_694] {strides = array<i32>} : memref<2x400x64xf32, #tpu.memory_space<vmem>>, vector<16xf32>,
      %get3A_696 = arith.index_cast %add3A_670 : i32 to index
      %get3A_697 = arith.constant 16 : index
      %get3A_698 = tpu.vector_load %arg7[%get3A_696, %get3A_697] {strides = array<i32>} : memref<200x64xf32, #tpu.memory_space<vmem>>, vector<16xf32>,
      %add3A_699 = arith.addf %get3A_695, %get3A_698 : vector<16xf32>
      %add3A_700 = arith.constant 100 : i32
      %add3A_701 = arith.addi %add3A_700, %scan3A_591 : i32
      %swap3A_702 = arith.constant 1 : i32
      %swap3A_703 = arith.index_cast %swap3A_702 : i32 to index
      %swap3A_704 = arith.index_cast %add3A_701 : i32 to index
      %swap3A_705 = arith.constant 80 : index
      %swap3A_706 = tpu.vector_load %arg9[%swap3A_703, %swap3A_704, %swap3A_705] {strides = array<i32>} : memref<2x200x128xf32, #tpu.memory_space<vmem>>, vector<16xf32>,
      tpu.vector_store %arg9[%swap3A_703, %swap3A_704, %swap3A_705], %add3A_699 {strides = array<i32>} : memref<2x200x128xf32, #tpu.memory_space<vmem>>, vector<16xf32>,
      %add3A_707 = arith.constant 200 : i32
      %add3A_708 = arith.addi %add3A_707, %add3A_670 : i32
      %get3A_709 = arith.constant 1 : i32
      %get3A_710 = arith.index_cast %get3A_709 : i32 to index
      %get3A_711 = arith.index_cast %add3A_708 : i32 to index
      %get3A_712 = arith.constant 32 : index
      %get3A_713 = tpu.vector_load %arg8[%get3A_710, %get3A_711, %get3A_712] {strides = array<i32>} : memref<2x400x64xf32, #tpu.memory_space<vmem>>, vector<16xf32>,
      %get3A_714 = arith.index_cast %add3A_670 : i32 to index
      %get3A_715 = arith.constant 32 : index
      %get3A_716 = tpu.vector_load %arg7[%get3A_714, %get3A_715] {strides = array<i32>} : memref<200x64xf32, #tpu.memory_space<vmem>>, vector<16xf32>,
      %add3A_717 = arith.addf %get3A_713, %get3A_716 : vector<16xf32>
      %add3A_718 = arith.constant 100 : i32
      %add3A_719 = arith.addi %add3A_718, %scan3A_591 : i32
      %swap3A_720 = arith.constant 1 : i32
      %swap3A_721 = arith.index_cast %swap3A_720 : i32 to index
      %swap3A_722 = arith.index_cast %add3A_719 : i32 to index
      %swap3A_723 = arith.constant 96 : index
      %swap3A_724 = tpu.vector_load %arg9[%swap3A_721, %swap3A_722, %swap3A_723] {strides = array<i32>} : memref<2x200x128xf32, #tpu.memory_space<vmem>>, vector<16xf32>,
      tpu.vector_store %arg9[%swap3A_721, %swap3A_722, %swap3A_723], %add3A_717 {strides = array<i32>} : memref<2x200x128xf32, #tpu.memory_space<vmem>>, vector<16xf32>,
      %add3A_725 = arith.constant 200 : i32
      %add3A_726 = arith.addi %add3A_725, %add3A_670 : i32
      %get3A_727 = arith.constant 1 : i32
      %get3A_728 = arith.index_cast %get3A_727 : i32 to index
      %get3A_729 = arith.index_cast %add3A_726 : i32 to index
      %get3A_730 = arith.constant 48 : index
      %get3A_731 = tpu.vector_load %arg8[%get3A_728, %get3A_729, %get3A_730] {strides = array<i32>} : memref<2x400x64xf32, #tpu.memory_space<vmem>>, vector<16xf32>,
      %get3A_732 = arith.index_cast %add3A_670 : i32 to index
      %get3A_733 = arith.constant 48 : index
      %get3A_734 = tpu.vector_load %arg7[%get3A_732, %get3A_733] {strides = array<i32>} : memref<200x64xf32, #tpu.memory_space<vmem>>, vector<16xf32>,
      %add3A_735 = arith.addf %get3A_731, %get3A_734 : vector<16xf32>
      %add3A_736 = arith.constant 100 : i32
      %add3A_737 = arith.addi %add3A_736, %scan3A_591 : i32
      %swap3A_738 = arith.constant 1 : i32
      %swap3A_739 = arith.index_cast %swap3A_738 : i32 to index
      %swap3A_740 = arith.index_cast %add3A_737 : i32 to index
      %swap3A_741 = arith.constant 112 : index
      %swap3A_742 = tpu.vector_load %arg9[%swap3A_739, %swap3A_740, %swap3A_741] {strides = array<i32>} : memref<2x200x128xf32, #tpu.memory_space<vmem>>, vector<16xf32>,
      tpu.vector_store %arg9[%swap3A_739, %swap3A_740, %swap3A_741], %add3A_735 {strides = array<i32>} : memref<2x200x128xf32, #tpu.memory_space<vmem>>, vector<16xf32>,
      %scan3A_743 = arith.constant 0 : i32
      scf.yield %scan3A_743 : i32
    }
    %scan3A_286 = arith.constant 100 : i32
    %add3A_287 = arith.constant 1 : i32
    %add3A_288 = arith.addi %mul3A_2, %add3A_287 : i32
    %dma_start3A_289 = arith.constant 1 : i32
    %dma_start3A_290 = arith.constant 0 : i32
    %dma_start3A_291 = arith.constant 0 : i32
    %dma_start3A_292 = tpu.memref_slice %arg9[%dma_start3A_289, %dma_start3A_290, %dma_start3A_291] : memref<2x200x128xf32, #tpu.memory_space<vmem>> -> memref<1x200x128xf32, #tpu.memory_space<vmem>>
    %dma_start3A_293 = tpu.memref_squeeze %dma_start3A_292 : memref<1x200x128xf32, #tpu.memory_space<vmem>> -> memref<200x128xf32, #tpu.memory_space<vmem>>
    %dma_start3A_294 = arith.constant 0 : i32
    %dma_start3A_295 = arith.constant 0 : i32
    %dma_start3A_296 = tpu.memref_slice %arg5[%add3A_288, %dma_start3A_294, %dma_start3A_295] : memref<512x200x128xf32, #tpu.memory_space<hbm>> -> memref<1x200x128xf32, #tpu.memory_space<hbm>>
    %dma_start3A_297 = tpu.memref_squeeze %dma_start3A_296 : memref<1x200x128xf32, #tpu.memory_space<hbm>> -> memref<200x128xf32, #tpu.memory_space<hbm>>
    %dma_start3A_298 = arith.constant 0 : i32
    %dma_start3A_299 = arith.constant 0 : i32
    %dma_start3A_300 = tpu.memref_slice %arg5[%add3A_288, %dma_start3A_298, %dma_start3A_299] : memref<512x200x128xf32, #tpu.memory_space<hbm>> -> memref<1x200x128xf32, #tpu.memory_space<hbm>>
    %dma_start3A_301 = tpu.memref_squeeze %dma_start3A_300 : memref<1x200x128xf32, #tpu.memory_space<hbm>> -> memref<200x128xf32, #tpu.memory_space<hbm>>
    %dma_start3A_302 = arith.constant 0 : i32
    %dma_start3A_303 = arith.constant 0 : i32
    %dma_start3A_304 = tpu.memref_slice %arg9[%dma_start3A_289, %dma_start3A_302, %dma_start3A_303] : memref<2x200x128xf32, #tpu.memory_space<vmem>> -> memref<1x200x128xf32, #tpu.memory_space<vmem>>
    %dma_start3A_305 = tpu.memref_squeeze %dma_start3A_304 : memref<1x200x128xf32, #tpu.memory_space<vmem>> -> memref<200x128xf32, #tpu.memory_space<vmem>>
    tpu.enqueue_dma source(%dma_start3A_305 : memref<200x128xf32, #tpu.memory_space<vmem>>) target(%dma_start3A_301 : memref<200x128xf32, #tpu.memory_space<hbm>>) target_semaphore(%arg13 : memref<!tpu.dma_semaphore, #tpu.memory_space<semaphore_mem>>)
    %dma_start3A_306 = arith.constant 12 : i32
    %dma_start3A_307 = arith.constant 1 : i32
    %dma_start3A_308 = arith.constant 0 : i32
    %dma_start3A_309 = arith.constant 0 : i32
    %dma_start3A_310 = tpu.memref_slice %arg8[%dma_start3A_307, %dma_start3A_308, %dma_start3A_309] : memref<2x400x64xf32, #tpu.memory_space<vmem>> -> memref<1x100x64xf32, #tpu.memory_space<vmem>>
    %dma_start3A_311 = tpu.memref_squeeze %dma_start3A_310 : memref<1x100x64xf32, #tpu.memory_space<vmem>> -> memref<100x64xf32, #tpu.memory_space<vmem>>
    %dma_start3A_312 = arith.constant 0 : i32
    %dma_start3A_313 = tpu.memref_slice %arg6[%dma_start3A_306, %dma_start3A_312] : memref<64x100xi32, #tpu.memory_space<vmem>> -> memref<1x100xi32, #tpu.memory_space<vmem>>
    %dma_start3A_314 = tpu.memref_squeeze %dma_start3A_313 : memref<1x100xi32, #tpu.memory_space<vmem>> -> memref<100xi32, #tpu.memory_space<vmem>>
    %dma_start3A_315 = arith.constant 0 : i32
    %dma_start3A_316 = arith.constant 0 : i32
    %dma_start3A_317 = tpu.memref_slice %arg4[%dma_start3A_315, %dma_start3A_316] : memref<2000000x64xf32, #tpu.memory_space<hbm>> -> memref<2000000x64xf32, #tpu.memory_space<hbm>>
    tpu.enqueue_indirect_dma source(%dma_start3A_317 : memref<2000000x64xf32, #tpu.memory_space<hbm>>) target(%dma_start3A_311 : memref<100x64xf32, #tpu.memory_space<vmem>>) offsets(%dma_start3A_314 : memref<100xi32, #tpu.memory_space<vmem>>) semaphore(%arg11 : memref<!tpu.dma_semaphore, #tpu.memory_space<semaphore_mem>>)
    %dma_start3A_318 = arith.constant 13 : i32
    %dma_start3A_319 = arith.constant 1 : i32
    %dma_start3A_320 = arith.constant 100 : i32
    %dma_start3A_321 = arith.constant 0 : i32
    %dma_start3A_322 = tpu.memref_slice %arg8[%dma_start3A_319, %dma_start3A_320, %dma_start3A_321] : memref<2x400x64xf32, #tpu.memory_space<vmem>> -> memref<1x100x64xf32, #tpu.memory_space<vmem>>
    %dma_start3A_323 = tpu.memref_squeeze %dma_start3A_322 : memref<1x100x64xf32, #tpu.memory_space<vmem>> -> memref<100x64xf32, #tpu.memory_space<vmem>>
    %dma_start3A_324 = arith.constant 0 : i32
    %dma_start3A_325 = tpu.memref_slice %arg6[%dma_start3A_318, %dma_start3A_324] : memref<64x100xi32, #tpu.memory_space<vmem>> -> memref<1x100xi32, #tpu.memory_space<vmem>>
    %dma_start3A_326 = tpu.memref_squeeze %dma_start3A_325 : memref<1x100xi32, #tpu.memory_space<vmem>> -> memref<100xi32, #tpu.memory_space<vmem>>
    %dma_start3A_327 = arith.constant 0 : i32
    %dma_start3A_328 = arith.constant 0 : i32
    %dma_start3A_329 = tpu.memref_slice %arg4[%dma_start3A_327, %dma_start3A_328] : memref<2000000x64xf32, #tpu.memory_space<hbm>> -> memref<2000000x64xf32, #tpu.memory_space<hbm>>
    tpu.enqueue_indirect_dma source(%dma_start3A_329 : memref<2000000x64xf32, #tpu.memory_space<hbm>>) target(%dma_start3A_323 : memref<100x64xf32, #tpu.memory_space<vmem>>) offsets(%dma_start3A_326 : memref<100xi32, #tpu.memory_space<vmem>>) semaphore(%arg11 : memref<!tpu.dma_semaphore, #tpu.memory_space<semaphore_mem>>)
    %dma_start3A_330 = arith.constant 14 : i32
    %dma_start3A_331 = arith.constant 1 : i32
    %dma_start3A_332 = arith.constant 200 : i32
    %dma_start3A_333 = arith.constant 0 : i32
    %dma_start3A_334 = tpu.memref_slice %arg8[%dma_start3A_331, %dma_start3A_332, %dma_start3A_333] : memref<2x400x64xf32, #tpu.memory_space<vmem>> -> memref<1x100x64xf32, #tpu.memory_space<vmem>>
    %dma_start3A_335 = tpu.memref_squeeze %dma_start3A_334 : memref<1x100x64xf32, #tpu.memory_space<vmem>> -> memref<100x64xf32, #tpu.memory_space<vmem>>
    %dma_start3A_336 = arith.constant 0 : i32
    %dma_start3A_337 = tpu.memref_slice %arg6[%dma_start3A_330, %dma_start3A_336] : memref<64x100xi32, #tpu.memory_space<vmem>> -> memref<1x100xi32, #tpu.memory_space<vmem>>
    %dma_start3A_338 = tpu.memref_squeeze %dma_start3A_337 : memref<1x100xi32, #tpu.memory_space<vmem>> -> memref<100xi32, #tpu.memory_space<vmem>>
    %dma_start3A_339 = arith.constant 0 : i32
    %dma_start3A_340 = arith.constant 0 : i32
    %dma_start3A_341 = tpu.memref_slice %arg4[%dma_start3A_339, %dma_start3A_340] : memref<2000000x64xf32, #tpu.memory_space<hbm>> -> memref<2000000x64xf32, #tpu.memory_space<hbm>>
    tpu.enqueue_indirect_dma source(%dma_start3A_341 : memref<2000000x64xf32, #tpu.memory_space<hbm>>) target(%dma_start3A_335 : memref<100x64xf32, #tpu.memory_space<vmem>>) offsets(%dma_start3A_338 : memref<100xi32, #tpu.memory_space<vmem>>) semaphore(%arg11 : memref<!tpu.dma_semaphore, #tpu.memory_space<semaphore_mem>>)
    %dma_start3A_342 = arith.constant 15 : i32
    %dma_start3A_343 = arith.constant 1 : i32
    %dma_start3A_344 = arith.constant 300 : i32
    %dma_start3A_345 = arith.constant 0 : i32
    %dma_start3A_346 = tpu.memref_slice %arg8[%dma_start3A_343, %dma_start3A_344, %dma_start3A_345] : memref<2x400x64xf32, #tpu.memory_space<vmem>> -> memref<1x100x64xf32, #tpu.memory_space<vmem>>
    %dma_start3A_347 = tpu.memref_squeeze %dma_start3A_346 : memref<1x100x64xf32, #tpu.memory_space<vmem>> -> memref<100x64xf32, #tpu.memory_space<vmem>>
    %dma_start3A_348 = arith.constant 0 : i32
    %dma_start3A_349 = tpu.memref_slice %arg6[%dma_start3A_342, %dma_start3A_348] : memref<64x100xi32, #tpu.memory_space<vmem>> -> memref<1x100xi32, #tpu.memory_space<vmem>>
    %dma_start3A_350 = tpu.memref_squeeze %dma_start3A_349 : memref<1x100xi32, #tpu.memory_space<vmem>> -> memref<100xi32, #tpu.memory_space<vmem>>
    %dma_start3A_351 = arith.constant 0 : i32
    %dma_start3A_352 = arith.constant 0 : i32
    %dma_start3A_353 = tpu.memref_slice %arg4[%dma_start3A_351, %dma_start3A_352] : memref<2000000x64xf32, #tpu.memory_space<hbm>> -> memref<2000000x64xf32, #tpu.memory_space<hbm>>
    tpu.enqueue_indirect_dma source(%dma_start3A_353 : memref<2000000x64xf32, #tpu.memory_space<hbm>>) target(%dma_start3A_347 : memref<100x64xf32, #tpu.memory_space<vmem>>) offsets(%dma_start3A_350 : memref<100xi32, #tpu.memory_space<vmem>>) semaphore(%arg11 : memref<!tpu.dma_semaphore, #tpu.memory_space<semaphore_mem>>)
    %scan3A_354 = arith.constant 0 : i32
    %scan3A_355 = arith.constant 1 : i32
    %scan3A_356 = arith.constant 6 : i32
    %scan3A_357 = arith.addi %scan3A_355, %scan3A_356 : i32
    %scan3A_358 = arith.constant 1 : i32
    %scan3A_359 = scf.for %scan3A_591 = %scan3A_355 to %scan3A_357 step %scan3A_358 iter_args(%scan3A_592 = %scan3A_354) -> (i32)  : i32 {
      %mul3A_593 = arith.constant 2 : i32
      %mul3A_594 = arith.muli %mul3A_593, %scan3A_591 : i32
      %add3A_595 = arith.constant 0 : i32
      %add3A_596 = arith.addi %mul3A_594, %add3A_595 : i32
      %dma_wait3A_597 = arith.constant 0 : i32
      %dma_wait3A_598 = arith.constant 0 : i32
      %dma_wait3A_599 = arith.constant 0 : i32
      %dma_wait3A_600 = arith.constant 0 : i32
      %dma_wait3A_601 = tpu.memref_slice %arg8[%dma_wait3A_598, %dma_wait3A_599, %dma_wait3A_600] : memref<2x400x64xf32, #tpu.memory_space<vmem>> -> memref<1x100x64xf32, #tpu.memory_space<vmem>>
      %dma_wait3A_602 = tpu.memref_squeeze %dma_wait3A_601 : memref<1x100x64xf32, #tpu.memory_space<vmem>> -> memref<100x64xf32, #tpu.memory_space<vmem>>
      %dma_wait3A_603 = arith.constant 0 : i32
      %dma_wait3A_604 = tpu.memref_slice %arg6[%dma_wait3A_597, %dma_wait3A_603] : memref<64x100xi32, #tpu.memory_space<vmem>> -> memref<1x100xi32, #tpu.memory_space<vmem>>
      %dma_wait3A_605 = tpu.memref_squeeze %dma_wait3A_604 : memref<1x100xi32, #tpu.memory_space<vmem>> -> memref<100xi32, #tpu.memory_space<vmem>>
      %dma_wait3A_606 = arith.constant 0 : i32
      %dma_wait3A_607 = arith.constant 0 : i32
      %dma_wait3A_608 = tpu.memref_slice %arg4[%dma_wait3A_606, %dma_wait3A_607] : memref<2000000x64xf32, #tpu.memory_space<hbm>> -> memref<2000000x64xf32, #tpu.memory_space<hbm>>
      tpu.wait_indirect_dma semaphore(%arg10 : memref<!tpu.dma_semaphore, #tpu.memory_space<semaphore_mem>>) src(%dma_wait3A_608 : memref<2000000x64xf32, #tpu.memory_space<hbm>>) dst(%dma_wait3A_602 : memref<100x64xf32, #tpu.memory_space<vmem>>)
      %dma_wait3A_609 = arith.constant 0 : i32
      %dma_wait3A_610 = arith.constant 0 : i32
      %dma_wait3A_611 = arith.constant 0 : i32
      %dma_wait3A_612 = arith.constant 0 : i32
      %dma_wait3A_613 = tpu.memref_slice %arg8[%dma_wait3A_610, %dma_wait3A_611, %dma_wait3A_612] : memref<2x400x64xf32, #tpu.memory_space<vmem>> -> memref<1x100x64xf32, #tpu.memory_space<vmem>>
      %dma_wait3A_614 = tpu.memref_squeeze %dma_wait3A_613 : memref<1x100x64xf32, #tpu.memory_space<vmem>> -> memref<100x64xf32, #tpu.memory_space<vmem>>
      %dma_wait3A_615 = arith.constant 0 : i32
      %dma_wait3A_616 = tpu.memref_slice %arg6[%dma_wait3A_609, %dma_wait3A_615] : memref<64x100xi32, #tpu.memory_space<vmem>> -> memref<1x100xi32, #tpu.memory_space<vmem>>
      %dma_wait3A_617 = tpu.memref_squeeze %dma_wait3A_616 : memref<1x100xi32, #tpu.memory_space<vmem>> -> memref<100xi32, #tpu.memory_space<vmem>>
      %dma_wait3A_618 = arith.constant 0 : i32
      %dma_wait3A_619 = arith.constant 0 : i32
      %dma_wait3A_620 = tpu.memref_slice %arg4[%dma_wait3A_618, %dma_wait3A_619] : memref<2000000x64xf32, #tpu.memory_space<hbm>> -> memref<2000000x64xf32, #tpu.memory_space<hbm>>
      tpu.wait_indirect_dma semaphore(%arg10 : memref<!tpu.dma_semaphore, #tpu.memory_space<semaphore_mem>>) src(%dma_wait3A_620 : memref<2000000x64xf32, #tpu.memory_space<hbm>>) dst(%dma_wait3A_614 : memref<100x64xf32, #tpu.memory_space<vmem>>)
      %dma_wait3A_621 = arith.constant 0 : i32
      %dma_wait3A_622 = arith.constant 0 : i32
      %dma_wait3A_623 = arith.constant 0 : i32
      %dma_wait3A_624 = arith.constant 0 : i32
      %dma_wait3A_625 = tpu.memref_slice %arg8[%dma_wait3A_622, %dma_wait3A_623, %dma_wait3A_624] : memref<2x400x64xf32, #tpu.memory_space<vmem>> -> memref<1x100x64xf32, #tpu.memory_space<vmem>>
      %dma_wait3A_626 = tpu.memref_squeeze %dma_wait3A_625 : memref<1x100x64xf32, #tpu.memory_space<vmem>> -> memref<100x64xf32, #tpu.memory_space<vmem>>
      %dma_wait3A_627 = arith.constant 0 : i32
      %dma_wait3A_628 = tpu.memref_slice %arg6[%dma_wait3A_621, %dma_wait3A_627] : memref<64x100xi32, #tpu.memory_space<vmem>> -> memref<1x100xi32, #tpu.memory_space<vmem>>
      %dma_wait3A_629 = tpu.memref_squeeze %dma_wait3A_628 : memref<1x100xi32, #tpu.memory_space<vmem>> -> memref<100xi32, #tpu.memory_space<vmem>>
      %dma_wait3A_630 = arith.constant 0 : i32
      %dma_wait3A_631 = arith.constant 0 : i32
      %dma_wait3A_632 = tpu.memref_slice %arg4[%dma_wait3A_630, %dma_wait3A_631] : memref<2000000x64xf32, #tpu.memory_space<hbm>> -> memref<2000000x64xf32, #tpu.memory_space<hbm>>
      tpu.wait_indirect_dma semaphore(%arg10 : memref<!tpu.dma_semaphore, #tpu.memory_space<semaphore_mem>>) src(%dma_wait3A_632 : memref<2000000x64xf32, #tpu.memory_space<hbm>>) dst(%dma_wait3A_626 : memref<100x64xf32, #tpu.memory_space<vmem>>)
      %dma_wait3A_633 = arith.constant 0 : i32
      %dma_wait3A_634 = arith.constant 0 : i32
      %dma_wait3A_635 = arith.constant 0 : i32
      %dma_wait3A_636 = arith.constant 0 : i32
      %dma_wait3A_637 = tpu.memref_slice %arg8[%dma_wait3A_634, %dma_wait3A_635, %dma_wait3A_636] : memref<2x400x64xf32, #tpu.memory_space<vmem>> -> memref<1x100x64xf32, #tpu.memory_space<vmem>>
      %dma_wait3A_638 = tpu.memref_squeeze %dma_wait3A_637 : memref<1x100x64xf32, #tpu.memory_space<vmem>> -> memref<100x64xf32, #tpu.memory_space<vmem>>
      %dma_wait3A_639 = arith.constant 0 : i32
      %dma_wait3A_640 = tpu.memref_slice %arg6[%dma_wait3A_633, %dma_wait3A_639] : memref<64x100xi32, #tpu.memory_space<vmem>> -> memref<1x100xi32, #tpu.memory_space<vmem>>
      %dma_wait3A_641 = tpu.memref_squeeze %dma_wait3A_640 : memref<1x100xi32, #tpu.memory_space<vmem>> -> memref<100xi32, #tpu.memory_space<vmem>>
      %dma_wait3A_642 = arith.constant 0 : i32
      %dma_wait3A_643 = arith.constant 0 : i32
      %dma_wait3A_644 = tpu.memref_slice %arg4[%dma_wait3A_642, %dma_wait3A_643] : memref<2000000x64xf32, #tpu.memory_space<hbm>> -> memref<2000000x64xf32, #tpu.memory_space<hbm>>
      tpu.wait_indirect_dma semaphore(%arg10 : memref<!tpu.dma_semaphore, #tpu.memory_space<semaphore_mem>>) src(%dma_wait3A_644 : memref<2000000x64xf32, #tpu.memory_space<hbm>>) dst(%dma_wait3A_638 : memref<100x64xf32, #tpu.memory_space<vmem>>)
      %dma_wait3A_645 = arith.constant 0 : i32
      %dma_wait3A_646 = arith.constant 0 : i32
      %dma_wait3A_647 = arith.constant 0 : i32
      %dma_wait3A_648 = tpu.memref_slice %arg9[%dma_wait3A_645, %dma_wait3A_646, %dma_wait3A_647] : memref<2x200x128xf32, #tpu.memory_space<vmem>> -> memref<1x200x128xf32, #tpu.memory_space<vmem>>
      %dma_wait3A_649 = tpu.memref_squeeze %dma_wait3A_648 : memref<1x200x128xf32, #tpu.memory_space<vmem>> -> memref<200x128xf32, #tpu.memory_space<vmem>>
      %dma_wait3A_650 = arith.constant 0 : i32
      %dma_wait3A_651 = arith.constant 0 : i32
      %dma_wait3A_652 = tpu.memref_slice %arg5[%mul3A_2, %dma_wait3A_650, %dma_wait3A_651] : memref<512x200x128xf32, #tpu.memory_space<hbm>> -> memref<1x200x128xf32, #tpu.memory_space<hbm>>
      %dma_wait3A_653 = tpu.memref_squeeze %dma_wait3A_652 : memref<1x200x128xf32, #tpu.memory_space<hbm>> -> memref<200x128xf32, #tpu.memory_space<hbm>>
      %dma_wait3A_654 = arith.constant 0 : i32
      %dma_wait3A_655 = arith.constant 0 : i32
      %dma_wait3A_656 = tpu.memref_slice %arg5[%mul3A_2, %dma_wait3A_654, %dma_wait3A_655] : memref<512x200x128xf32, #tpu.memory_space<hbm>> -> memref<1x200x128xf32, #tpu.memory_space<hbm>>
      %dma_wait3A_657 = tpu.memref_squeeze %dma_wait3A_656 : memref<1x200x128xf32, #tpu.memory_space<hbm>> -> memref<200x128xf32, #tpu.memory_space<hbm>>
      %dma_wait3A_658 = arith.constant 0 : i32
      %dma_wait3A_659 = arith.constant 0 : i32
      %dma_wait3A_660 = tpu.memref_slice %arg9[%dma_wait3A_645, %dma_wait3A_658, %dma_wait3A_659] : memref<2x200x128xf32, #tpu.memory_space<vmem>> -> memref<1x200x128xf32, #tpu.memory_space<vmem>>
      %dma_wait3A_661 = tpu.memref_squeeze %dma_wait3A_660 : memref<1x200x128xf32, #tpu.memory_space<vmem>> -> memref<200x128xf32, #tpu.memory_space<vmem>>
      tpu.wait_dma2 semaphore(%arg12 : memref<!tpu.dma_semaphore, #tpu.memory_space<semaphore_mem>>) src(%dma_wait3A_661 : memref<200x128xf32, #tpu.memory_space<vmem>>) dst(%dma_wait3A_657 : memref<200x128xf32, #tpu.memory_space<hbm>>)
      %scan3A_662 = arith.constant 0 : i32
      %scan3A_663 = arith.constant 0 : i32
      %scan3A_664 = arith.constant 100 : i32
      %scan3A_665 = arith.addi %scan3A_663, %scan3A_664 : i32
      %scan3A_666 = arith.constant 1 : i32
      %scan3A_667 = scf.for %scan3A_920 = %scan3A_663 to %scan3A_665 step %scan3A_666 iter_args(%scan3A_921 = %scan3A_662) -> (i32)  : i32 {
        %mul3A_922 = arith.constant 2 : i32
        %mul3A_923 = arith.muli %mul3A_922, %scan3A_920 : i32
        %add3A_924 = arith.constant 0 : i32
        %add3A_925 = arith.addi %mul3A_923, %add3A_924 : i32
        %add3A_926 = arith.constant 0 : i32
        %add3A_927 = arith.addi %add3A_926, %add3A_925 : i32
        %get3A = arith.constant 0 : i32
        %get3A_928 = arith.index_cast %get3A : i32 to index
        %get3A_929 = arith.index_cast %add3A_927 : i32 to index
        %get3A_930 = arith.constant 0 : index
        %get3A_931 = tpu.vector_load %arg8[%get3A_928, %get3A_929, %get3A_930] {strides = array<i32>} : memref<2x400x64xf32, #tpu.memory_space<vmem>>, vector<16xf32>,
        %get3A_932 = arith.index_cast %add3A_925 : i32 to index
        %get3A_933 = arith.constant 0 : index
        %get3A_934 = tpu.vector_load %arg7[%get3A_932, %get3A_933] {strides = array<i32>} : memref<200x64xf32, #tpu.memory_space<vmem>>, vector<16xf32>,
        %add3A_935 = arith.addf %get3A_931, %get3A_934 : vector<16xf32>
        %add3A_936 = arith.constant 0 : i32
        %add3A_937 = arith.addi %add3A_936, %scan3A_920 : i32
        %swap3A = arith.constant 0 : i32
        %swap3A_938 = arith.index_cast %swap3A : i32 to index
        %swap3A_939 = arith.index_cast %add3A_937 : i32 to index
        %swap3A_940 = arith.constant 0 : index
        %swap3A_941 = tpu.vector_load %arg9[%swap3A_938, %swap3A_939, %swap3A_940] {strides = array<i32>} : memref<2x200x128xf32, #tpu.memory_space<vmem>>, vector<16xf32>,
        tpu.vector_store %arg9[%swap3A_938, %swap3A_939, %swap3A_940], %add3A_935 {strides = array<i32>} : memref<2x200x128xf32, #tpu.memory_space<vmem>>, vector<16xf32>,
        %add3A_942 = arith.constant 0 : i32
        %add3A_943 = arith.addi %add3A_942, %add3A_925 : i32
        %get3A_944 = arith.constant 0 : i32
        %get3A_945 = arith.index_cast %get3A_944 : i32 to index
        %get3A_946 = arith.index_cast %add3A_943 : i32 to index
        %get3A_947 = arith.constant 16 : index
        %get3A_948 = tpu.vector_load %arg8[%get3A_945, %get3A_946, %get3A_947] {strides = array<i32>} : memref<2x400x64xf32, #tpu.memory_space<vmem>>, vector<16xf32>,
        %get3A_949 = arith.index_cast %add3A_925 : i32 to index
        %get3A_950 = arith.constant 16 : index
        %get3A_951 = tpu.vector_load %arg7[%get3A_949, %get3A_950] {strides = array<i32>} : memref<200x64xf32, #tpu.memory_space<vmem>>, vector<16xf32>,
        %add3A_952 = arith.addf %get3A_948, %get3A_951 : vector<16xf32>
        %add3A_953 = arith.constant 0 : i32
        %add3A_954 = arith.addi %add3A_953, %scan3A_920 : i32
        %swap3A_955 = arith.constant 0 : i32
        %swap3A_956 = arith.index_cast %swap3A_955 : i32 to index
        %swap3A_957 = arith.index_cast %add3A_954 : i32 to index
        %swap3A_958 = arith.constant 16 : index
        %swap3A_959 = tpu.vector_load %arg9[%swap3A_956, %swap3A_957, %swap3A_958] {strides = array<i32>} : memref<2x200x128xf32, #tpu.memory_space<vmem>>, vector<16xf32>,
        tpu.vector_store %arg9[%swap3A_956, %swap3A_957, %swap3A_958], %add3A_952 {strides = array<i32>} : memref<2x200x128xf32, #tpu.memory_space<vmem>>, vector<16xf32>,
        %add3A_960 = arith.constant 0 : i32
        %add3A_961 = arith.addi %add3A_960, %add3A_925 : i32
        %get3A_962 = arith.constant 0 : i32
        %get3A_963 = arith.index_cast %get3A_962 : i32 to index
        %get3A_964 = arith.index_cast %add3A_961 : i32 to index
        %get3A_965 = arith.constant 32 : index
        %get3A_966 = tpu.vector_load %arg8[%get3A_963, %get3A_964, %get3A_965] {strides = array<i32>} : memref<2x400x64xf32, #tpu.memory_space<vmem>>, vector<16xf32>,
        %get3A_967 = arith.index_cast %add3A_925 : i32 to index
        %get3A_968 = arith.constant 32 : index
        %get3A_969 = tpu.vector_load %arg7[%get3A_967, %get3A_968] {strides = array<i32>} : memref<200x64xf32, #tpu.memory_space<vmem>>, vector<16xf32>,
        %add3A_970 = arith.addf %get3A_966, %get3A_969 : vector<16xf32>
        %add3A_971 = arith.constant 0 : i32
        %add3A_972 = arith.addi %add3A_971, %scan3A_920 : i32
        %swap3A_973 = arith.constant 0 : i32
        %swap3A_974 = arith.index_cast %swap3A_973 : i32 to index
        %swap3A_975 = arith.index_cast %add3A_972 : i32 to index
        %swap3A_976 = arith.constant 32 : index
        %swap3A_977 = tpu.vector_load %arg9[%swap3A_974, %swap3A_975, %swap3A_976] {strides = array<i32>} : memref<2x200x128xf32, #tpu.memory_space<vmem>>, vector<16xf32>,
        tpu.vector_store %arg9[%swap3A_974, %swap3A_975, %swap3A_976], %add3A_970 {strides = array<i32>} : memref<2x200x128xf32, #tpu.memory_space<vmem>>, vector<16xf32>,
        %add3A_978 = arith.constant 0 : i32
        %add3A_979 = arith.addi %add3A_978, %add3A_925 : i32
        %get3A_980 = arith.constant 0 : i32
        %get3A_981 = arith.index_cast %get3A_980 : i32 to index
        %get3A_982 = arith.index_cast %add3A_979 : i32 to index
        %get3A_983 = arith.constant 48 : index
        %get3A_984 = tpu.vector_load %arg8[%get3A_981, %get3A_982, %get3A_983] {strides = array<i32>} : memref<2x400x64xf32, #tpu.memory_space<vmem>>, vector<16xf32>,
        %get3A_985 = arith.index_cast %add3A_925 : i32 to index
        %get3A_986 = arith.constant 48 : index
        %get3A_987 = tpu.vector_load %arg7[%get3A_985, %get3A_986] {strides = array<i32>} : memref<200x64xf32, #tpu.memory_space<vmem>>, vector<16xf32>,
        %add3A_988 = arith.addf %get3A_984, %get3A_987 : vector<16xf32>
        %add3A_989 = arith.constant 0 : i32
        %add3A_990 = arith.addi %add3A_989, %scan3A_920 : i32
        %swap3A_991 = arith.constant 0 : i32
        %swap3A_992 = arith.index_cast %swap3A_991 : i32 to index
        %swap3A_993 = arith.index_cast %add3A_990 : i32 to index
        %swap3A_994 = arith.constant 48 : index
        %swap3A_995 = tpu.vector_load %arg9[%swap3A_992, %swap3A_993, %swap3A_994] {strides = array<i32>} : memref<2x200x128xf32, #tpu.memory_space<vmem>>, vector<16xf32>,
        tpu.vector_store %arg9[%swap3A_992, %swap3A_993, %swap3A_994], %add3A_988 {strides = array<i32>} : memref<2x200x128xf32, #tpu.memory_space<vmem>>, vector<16xf32>,
        %mul3A_996 = arith.constant 2 : i32
        %mul3A_997 = arith.muli %mul3A_996, %scan3A_920 : i32
        %add3A_998 = arith.constant 1 : i32
        %add3A_999 = arith.addi %mul3A_997, %add3A_998 : i32
        %add3A_1000 = arith.constant 0 : i32
        %add3A_1001 = arith.addi %add3A_1000, %add3A_999 : i32
        %get3A_1002 = arith.constant 0 : i32
        %get3A_1003 = arith.index_cast %get3A_1002 : i32 to index
        %get3A_1004 = arith.index_cast %add3A_1001 : i32 to index
        %get3A_1005 = arith.constant 0 : index
        %get3A_1006 = tpu.vector_load %arg8[%get3A_1003, %get3A_1004, %get3A_1005] {strides = array<i32>} : memref<2x400x64xf32, #tpu.memory_space<vmem>>, vector<16xf32>,
        %get3A_1007 = arith.index_cast %add3A_999 : i32 to index
        %get3A_1008 = arith.constant 0 : index
        %get3A_1009 = tpu.vector_load %arg7[%get3A_1007, %get3A_1008] {strides = array<i32>} : memref<200x64xf32, #tpu.memory_space<vmem>>, vector<16xf32>,
        %add3A_1010 = arith.addf %get3A_1006, %get3A_1009 : vector<16xf32>
        %add3A_1011 = arith.constant 0 : i32
        %add3A_1012 = arith.addi %add3A_1011, %scan3A_920 : i32
        %swap3A_1013 = arith.constant 0 : i32
        %swap3A_1014 = arith.index_cast %swap3A_1013 : i32 to index
        %swap3A_1015 = arith.index_cast %add3A_1012 : i32 to index
        %swap3A_1016 = arith.constant 64 : index
        %swap3A_1017 = tpu.vector_load %arg9[%swap3A_1014, %swap3A_1015, %swap3A_1016] {strides = array<i32>} : memref<2x200x128xf32, #tpu.memory_space<vmem>>, vector<16xf32>,
        tpu.vector_store %arg9[%swap3A_1014, %swap3A_1015, %swap3A_1016], %add3A_1010 {strides = array<i32>} : memref<2x200x128xf32, #tpu.memory_space<vmem>>, vector<16xf32>,
        %add3A_1018 = arith.constant 0 : i32
        %add3A_1019 = arith.addi %add3A_1018, %add3A_999 : i32
        %get3A_1020 = arith.constant 0 : i32
        %get3A_1021 = arith.index_cast %get3A_1020 : i32 to index
        %get3A_1022 = arith.index_cast %add3A_1019 : i32 to index
        %get3A_1023 = arith.constant 16 : index
        %get3A_1024 = tpu.vector_load %arg8[%get3A_1021, %get3A_1022, %get3A_1023] {strides = array<i32>} : memref<2x400x64xf32, #tpu.memory_space<vmem>>, vector<16xf32>,
        %get3A_1025 = arith.index_cast %add3A_999 : i32 to index
        %get3A_1026 = arith.constant 16 : index
        %get3A_1027 = tpu.vector_load %arg7[%get3A_1025, %get3A_1026] {strides = array<i32>} : memref<200x64xf32, #tpu.memory_space<vmem>>, vector<16xf32>,
        %add3A_1028 = arith.addf %get3A_1024, %get3A_1027 : vector<16xf32>
        %add3A_1029 = arith.constant 0 : i32
        %add3A_1030 = arith.addi %add3A_1029, %scan3A_920 : i32
        %swap3A_1031 = arith.constant 0 : i32
        %swap3A_1032 = arith.index_cast %swap3A_1031 : i32 to index
        %swap3A_1033 = arith.index_cast %add3A_1030 : i32 to index
        %swap3A_1034 = arith.constant 80 : index
        %swap3A_1035 = tpu.vector_load %arg9[%swap3A_1032, %swap3A_1033, %swap3A_1034] {strides = array<i32>} : memref<2x200x128xf32, #tpu.memory_space<vmem>>, vector<16xf32>,
        tpu.vector_store %arg9[%swap3A_1032, %swap3A_1033, %swap3A_1034], %add3A_1028 {strides = array<i32>} : memref<2x200x128xf32, #tpu.memory_space<vmem>>, vector<16xf32>,
        %add3A_1036 = arith.constant 0 : i32
        %add3A_1037 = arith.addi %add3A_1036, %add3A_999 : i32
        %get3A_1038 = arith.constant 0 : i32
        %get3A_1039 = arith.index_cast %get3A_1038 : i32 to index
        %get3A_1040 = arith.index_cast %add3A_1037 : i32 to index
        %get3A_1041 = arith.constant 32 : index
        %get3A_1042 = tpu.vector_load %arg8[%get3A_1039, %get3A_1040, %get3A_1041] {strides = array<i32>} : memref<2x400x64xf32, #tpu.memory_space<vmem>>, vector<16xf32>,
        %get3A_1043 = arith.index_cast %add3A_999 : i32 to index
        %get3A_1044 = arith.constant 32 : index
        %get3A_1045 = tpu.vector_load %arg7[%get3A_1043, %get3A_1044] {strides = array<i32>} : memref<200x64xf32, #tpu.memory_space<vmem>>, vector<16xf32>,
        %add3A_1046 = arith.addf %get3A_1042, %get3A_1045 : vector<16xf32>
        %add3A_1047 = arith.constant 0 : i32
        %add3A_1048 = arith.addi %add3A_1047, %scan3A_920 : i32
        %swap3A_1049 = arith.constant 0 : i32
        %swap3A_1050 = arith.index_cast %swap3A_1049 : i32 to index
        %swap3A_1051 = arith.index_cast %add3A_1048 : i32 to index
        %swap3A_1052 = arith.constant 96 : index
        %swap3A_1053 = tpu.vector_load %arg9[%swap3A_1050, %swap3A_1051, %swap3A_1052] {strides = array<i32>} : memref<2x200x128xf32, #tpu.memory_space<vmem>>, vector<16xf32>,
        tpu.vector_store %arg9[%swap3A_1050, %swap3A_1051, %swap3A_1052], %add3A_1046 {strides = array<i32>} : memref<2x200x128xf32, #tpu.memory_space<vmem>>, vector<16xf32>,
        %add3A_1054 = arith.constant 0 : i32
        %add3A_1055 = arith.addi %add3A_1054, %add3A_999 : i32
        %get3A_1056 = arith.constant 0 : i32
        %get3A_1057 = arith.index_cast %get3A_1056 : i32 to index
        %get3A_1058 = arith.index_cast %add3A_1055 : i32 to index
        %get3A_1059 = arith.constant 48 : index
        %get3A_1060 = tpu.vector_load %arg8[%get3A_1057, %get3A_1058, %get3A_1059] {strides = array<i32>} : memref<2x400x64xf32, #tpu.memory_space<vmem>>, vector<16xf32>,
        %get3A_1061 = arith.index_cast %add3A_999 : i32 to index
        %get3A_1062 = arith.constant 48 : index
        %get3A_1063 = tpu.vector_load %arg7[%get3A_1061, %get3A_1062] {strides = array<i32>} : memref<200x64xf32, #tpu.memory_space<vmem>>, vector<16xf32>,
        %add3A_1064 = arith.addf %get3A_1060, %get3A_1063 : vector<16xf32>
        %add3A_1065 = arith.constant 0 : i32
        %add3A_1066 = arith.addi %add3A_1065, %scan3A_920 : i32
        %swap3A_1067 = arith.constant 0 : i32
        %swap3A_1068 = arith.index_cast %swap3A_1067 : i32 to index
        %swap3A_1069 = arith.index_cast %add3A_1066 : i32 to index
        %swap3A_1070 = arith.constant 112 : index
        %swap3A_1071 = tpu.vector_load %arg9[%swap3A_1068, %swap3A_1069, %swap3A_1070] {strides = array<i32>} : memref<2x200x128xf32, #tpu.memory_space<vmem>>, vector<16xf32>,
        tpu.vector_store %arg9[%swap3A_1068, %swap3A_1069, %swap3A_1070], %add3A_1064 {strides = array<i32>} : memref<2x200x128xf32, #tpu.memory_space<vmem>>, vector<16xf32>,
        %scan3A_1072 = arith.constant 0 : i32
        scf.yield %scan3A_1072 : i32
      }
      %scan3A_668 = arith.constant 100 : i32
      %scan3A_669 = arith.constant 0 : i32
      %scan3A_670 = arith.constant 0 : i32
      %scan3A_671 = arith.constant 100 : i32
      %scan3A_672 = arith.addi %scan3A_670, %scan3A_671 : i32
      %scan3A_673 = arith.constant 1 : i32
      %scan3A_674 = scf.for %scan3A_920 = %scan3A_670 to %scan3A_672 step %scan3A_673 iter_args(%scan3A_921 = %scan3A_669) -> (i32)  : i32 {
        %mul3A_922 = arith.constant 2 : i32
        %mul3A_923 = arith.muli %mul3A_922, %scan3A_920 : i32
        %add3A_924 = arith.constant 0 : i32
        %add3A_925 = arith.addi %mul3A_923, %add3A_924 : i32
        %add3A_926 = arith.constant 200 : i32
        %add3A_927 = arith.addi %add3A_926, %add3A_925 : i32
        %get3A = arith.constant 0 : i32
        %get3A_928 = arith.index_cast %get3A : i32 to index
        %get3A_929 = arith.index_cast %add3A_927 : i32 to index
        %get3A_930 = arith.constant 0 : index
        %get3A_931 = tpu.vector_load %arg8[%get3A_928, %get3A_929, %get3A_930] {strides = array<i32>} : memref<2x400x64xf32, #tpu.memory_space<vmem>>, vector<16xf32>,
        %get3A_932 = arith.index_cast %add3A_925 : i32 to index
        %get3A_933 = arith.constant 0 : index
        %get3A_934 = tpu.vector_load %arg7[%get3A_932, %get3A_933] {strides = array<i32>} : memref<200x64xf32, #tpu.memory_space<vmem>>, vector<16xf32>,
        %add3A_935 = arith.addf %get3A_931, %get3A_934 : vector<16xf32>
        %add3A_936 = arith.constant 100 : i32
        %add3A_937 = arith.addi %add3A_936, %scan3A_920 : i32
        %swap3A = arith.constant 0 : i32
        %swap3A_938 = arith.index_cast %swap3A : i32 to index
        %swap3A_939 = arith.index_cast %add3A_937 : i32 to index
        %swap3A_940 = arith.constant 0 : index
        %swap3A_941 = tpu.vector_load %arg9[%swap3A_938, %swap3A_939, %swap3A_940] {strides = array<i32>} : memref<2x200x128xf32, #tpu.memory_space<vmem>>, vector<16xf32>,
        tpu.vector_store %arg9[%swap3A_938, %swap3A_939, %swap3A_940], %add3A_935 {strides = array<i32>} : memref<2x200x128xf32, #tpu.memory_space<vmem>>, vector<16xf32>,
        %add3A_942 = arith.constant 200 : i32
        %add3A_943 = arith.addi %add3A_942, %add3A_925 : i32
        %get3A_944 = arith.constant 0 : i32
        %get3A_945 = arith.index_cast %get3A_944 : i32 to index
        %get3A_946 = arith.index_cast %add3A_943 : i32 to index
        %get3A_947 = arith.constant 16 : index
        %get3A_948 = tpu.vector_load %arg8[%get3A_945, %get3A_946, %get3A_947] {strides = array<i32>} : memref<2x400x64xf32, #tpu.memory_space<vmem>>, vector<16xf32>,
        %get3A_949 = arith.index_cast %add3A_925 : i32 to index
        %get3A_950 = arith.constant 16 : index
        %get3A_951 = tpu.vector_load %arg7[%get3A_949, %get3A_950] {strides = array<i32>} : memref<200x64xf32, #tpu.memory_space<vmem>>, vector<16xf32>,
        %add3A_952 = arith.addf %get3A_948, %get3A_951 : vector<16xf32>
        %add3A_953 = arith.constant 100 : i32
        %add3A_954 = arith.addi %add3A_953, %scan3A_920 : i32
        %swap3A_955 = arith.constant 0 : i32
        %swap3A_956 = arith.index_cast %swap3A_955 : i32 to index
        %swap3A_957 = arith.index_cast %add3A_954 : i32 to index
        %swap3A_958 = arith.constant 16 : index
        %swap3A_959 = tpu.vector_load %arg9[%swap3A_956, %swap3A_957, %swap3A_958] {strides = array<i32>} : memref<2x200x128xf32, #tpu.memory_space<vmem>>, vector<16xf32>,
        tpu.vector_store %arg9[%swap3A_956, %swap3A_957, %swap3A_958], %add3A_952 {strides = array<i32>} : memref<2x200x128xf32, #tpu.memory_space<vmem>>, vector<16xf32>,
        %add3A_960 = arith.constant 200 : i32
        %add3A_961 = arith.addi %add3A_960, %add3A_925 : i32
        %get3A_962 = arith.constant 0 : i32
        %get3A_963 = arith.index_cast %get3A_962 : i32 to index
        %get3A_964 = arith.index_cast %add3A_961 : i32 to index
        %get3A_965 = arith.constant 32 : index
        %get3A_966 = tpu.vector_load %arg8[%get3A_963, %get3A_964, %get3A_965] {strides = array<i32>} : memref<2x400x64xf32, #tpu.memory_space<vmem>>, vector<16xf32>,
        %get3A_967 = arith.index_cast %add3A_925 : i32 to index
        %get3A_968 = arith.constant 32 : index
        %get3A_969 = tpu.vector_load %arg7[%get3A_967, %get3A_968] {strides = array<i32>} : memref<200x64xf32, #tpu.memory_space<vmem>>, vector<16xf32>,
        %add3A_970 = arith.addf %get3A_966, %get3A_969 : vector<16xf32>
        %add3A_971 = arith.constant 100 : i32
        %add3A_972 = arith.addi %add3A_971, %scan3A_920 : i32
        %swap3A_973 = arith.constant 0 : i32
        %swap3A_974 = arith.index_cast %swap3A_973 : i32 to index
        %swap3A_975 = arith.index_cast %add3A_972 : i32 to index
        %swap3A_976 = arith.constant 32 : index
        %swap3A_977 = tpu.vector_load %arg9[%swap3A_974, %swap3A_975, %swap3A_976] {strides = array<i32>} : memref<2x200x128xf32, #tpu.memory_space<vmem>>, vector<16xf32>,
        tpu.vector_store %arg9[%swap3A_974, %swap3A_975, %swap3A_976], %add3A_970 {strides = array<i32>} : memref<2x200x128xf32, #tpu.memory_space<vmem>>, vector<16xf32>,
        %add3A_978 = arith.constant 200 : i32
        %add3A_979 = arith.addi %add3A_978, %add3A_925 : i32
        %get3A_980 = arith.constant 0 : i32
        %get3A_981 = arith.index_cast %get3A_980 : i32 to index
        %get3A_982 = arith.index_cast %add3A_979 : i32 to index
        %get3A_983 = arith.constant 48 : index
        %get3A_984 = tpu.vector_load %arg8[%get3A_981, %get3A_982, %get3A_983] {strides = array<i32>} : memref<2x400x64xf32, #tpu.memory_space<vmem>>, vector<16xf32>,
        %get3A_985 = arith.index_cast %add3A_925 : i32 to index
        %get3A_986 = arith.constant 48 : index
        %get3A_987 = tpu.vector_load %arg7[%get3A_985, %get3A_986] {strides = array<i32>} : memref<200x64xf32, #tpu.memory_space<vmem>>, vector<16xf32>,
        %add3A_988 = arith.addf %get3A_984, %get3A_987 : vector<16xf32>
        %add3A_989 = arith.constant 100 : i32
        %add3A_990 = arith.addi %add3A_989, %scan3A_920 : i32
        %swap3A_991 = arith.constant 0 : i32
        %swap3A_992 = arith.index_cast %swap3A_991 : i32 to index
        %swap3A_993 = arith.index_cast %add3A_990 : i32 to index
        %swap3A_994 = arith.constant 48 : index
        %swap3A_995 = tpu.vector_load %arg9[%swap3A_992, %swap3A_993, %swap3A_994] {strides = array<i32>} : memref<2x200x128xf32, #tpu.memory_space<vmem>>, vector<16xf32>,
        tpu.vector_store %arg9[%swap3A_992, %swap3A_993, %swap3A_994], %add3A_988 {strides = array<i32>} : memref<2x200x128xf32, #tpu.memory_space<vmem>>, vector<16xf32>,
        %mul3A_996 = arith.constant 2 : i32
        %mul3A_997 = arith.muli %mul3A_996, %scan3A_920 : i32
        %add3A_998 = arith.constant 1 : i32
        %add3A_999 = arith.addi %mul3A_997, %add3A_998 : i32
        %add3A_1000 = arith.constant 200 : i32
        %add3A_1001 = arith.addi %add3A_1000, %add3A_999 : i32
        %get3A_1002 = arith.constant 0 : i32
        %get3A_1003 = arith.index_cast %get3A_1002 : i32 to index
        %get3A_1004 = arith.index_cast %add3A_1001 : i32 to index
        %get3A_1005 = arith.constant 0 : index
        %get3A_1006 = tpu.vector_load %arg8[%get3A_1003, %get3A_1004, %get3A_1005] {strides = array<i32>} : memref<2x400x64xf32, #tpu.memory_space<vmem>>, vector<16xf32>,
        %get3A_1007 = arith.index_cast %add3A_999 : i32 to index
        %get3A_1008 = arith.constant 0 : index
        %get3A_1009 = tpu.vector_load %arg7[%get3A_1007, %get3A_1008] {strides = array<i32>} : memref<200x64xf32, #tpu.memory_space<vmem>>, vector<16xf32>,
        %add3A_1010 = arith.addf %get3A_1006, %get3A_1009 : vector<16xf32>
        %add3A_1011 = arith.constant 100 : i32
        %add3A_1012 = arith.addi %add3A_1011, %scan3A_920 : i32
        %swap3A_1013 = arith.constant 0 : i32
        %swap3A_1014 = arith.index_cast %swap3A_1013 : i32 to index
        %swap3A_1015 = arith.index_cast %add3A_1012 : i32 to index
        %swap3A_1016 = arith.constant 64 : index
        %swap3A_1017 = tpu.vector_load %arg9[%swap3A_1014, %swap3A_1015, %swap3A_1016] {strides = array<i32>} : memref<2x200x128xf32, #tpu.memory_space<vmem>>, vector<16xf32>,
        tpu.vector_store %arg9[%swap3A_1014, %swap3A_1015, %swap3A_1016], %add3A_1010 {strides = array<i32>} : memref<2x200x128xf32, #tpu.memory_space<vmem>>, vector<16xf32>,
        %add3A_1018 = arith.constant 200 : i32
        %add3A_1019 = arith.addi %add3A_1018, %add3A_999 : i32
        %get3A_1020 = arith.constant 0 : i32
        %get3A_1021 = arith.index_cast %get3A_1020 : i32 to index
        %get3A_1022 = arith.index_cast %add3A_1019 : i32 to index
        %get3A_1023 = arith.constant 16 : index
        %get3A_1024 = tpu.vector_load %arg8[%get3A_1021, %get3A_1022, %get3A_1023] {strides = array<i32>} : memref<2x400x64xf32, #tpu.memory_space<vmem>>, vector<16xf32>,
        %get3A_1025 = arith.index_cast %add3A_999 : i32 to index
        %get3A_1026 = arith.constant 16 : index
        %get3A_1027 = tpu.vector_load %arg7[%get3A_1025, %get3A_1026] {strides = array<i32>} : memref<200x64xf32, #tpu.memory_space<vmem>>, vector<16xf32>,
        %add3A_1028 = arith.addf %get3A_1024, %get3A_1027 : vector<16xf32>
        %add3A_1029 = arith.constant 100 : i32
        %add3A_1030 = arith.addi %add3A_1029, %scan3A_920 : i32
        %swap3A_1031 = arith.constant 0 : i32
        %swap3A_1032 = arith.index_cast %swap3A_1031 : i32 to index
        %swap3A_1033 = arith.index_cast %add3A_1030 : i32 to index
        %swap3A_1034 = arith.constant 80 : index
        %swap3A_1035 = tpu.vector_load %arg9[%swap3A_1032, %swap3A_1033, %swap3A_1034] {strides = array<i32>} : memref<2x200x128xf32, #tpu.memory_space<vmem>>, vector<16xf32>,
        tpu.vector_store %arg9[%swap3A_1032, %swap3A_1033, %swap3A_1034], %add3A_1028 {strides = array<i32>} : memref<2x200x128xf32, #tpu.memory_space<vmem>>, vector<16xf32>,
        %add3A_1036 = arith.constant 200 : i32
        %add3A_1037 = arith.addi %add3A_1036, %add3A_999 : i32
        %get3A_1038 = arith.constant 0 : i32
        %get3A_1039 = arith.index_cast %get3A_1038 : i32 to index
        %get3A_1040 = arith.index_cast %add3A_1037 : i32 to index
        %get3A_1041 = arith.constant 32 : index
        %get3A_1042 = tpu.vector_load %arg8[%get3A_1039, %get3A_1040, %get3A_1041] {strides = array<i32>} : memref<2x400x64xf32, #tpu.memory_space<vmem>>, vector<16xf32>,
        %get3A_1043 = arith.index_cast %add3A_999 : i32 to index
        %get3A_1044 = arith.constant 32 : index
        %get3A_1045 = tpu.vector_load %arg7[%get3A_1043, %get3A_1044] {strides = array<i32>} : memref<200x64xf32, #tpu.memory_space<vmem>>, vector<16xf32>,
        %add3A_1046 = arith.addf %get3A_1042, %get3A_1045 : vector<16xf32>
        %add3A_1047 = arith.constant 100 : i32
        %add3A_1048 = arith.addi %add3A_1047, %scan3A_920 : i32
        %swap3A_1049 = arith.constant 0 : i32
        %swap3A_1050 = arith.index_cast %swap3A_1049 : i32 to index
        %swap3A_1051 = arith.index_cast %add3A_1048 : i32 to index
        %swap3A_1052 = arith.constant 96 : index
        %swap3A_1053 = tpu.vector_load %arg9[%swap3A_1050, %swap3A_1051, %swap3A_1052] {strides = array<i32>} : memref<2x200x128xf32, #tpu.memory_space<vmem>>, vector<16xf32>,
        tpu.vector_store %arg9[%swap3A_1050, %swap3A_1051, %swap3A_1052], %add3A_1046 {strides = array<i32>} : memref<2x200x128xf32, #tpu.memory_space<vmem>>, vector<16xf32>,
        %add3A_1054 = arith.constant 200 : i32
        %add3A_1055 = arith.addi %add3A_1054, %add3A_999 : i32
        %get3A_1056 = arith.constant 0 : i32
        %get3A_1057 = arith.index_cast %get3A_1056 : i32 to index
        %get3A_1058 = arith.index_cast %add3A_1055 : i32 to index
        %get3A_1059 = arith.constant 48 : index
        %get3A_1060 = tpu.vector_load %arg8[%get3A_1057, %get3A_1058, %get3A_1059] {strides = array<i32>} : memref<2x400x64xf32, #tpu.memory_space<vmem>>, vector<16xf32>,
        %get3A_1061 = arith.index_cast %add3A_999 : i32 to index
        %get3A_1062 = arith.constant 48 : index
        %get3A_1063 = tpu.vector_load %arg7[%get3A_1061, %get3A_1062] {strides = array<i32>} : memref<200x64xf32, #tpu.memory_space<vmem>>, vector<16xf32>,
        %add3A_1064 = arith.addf %get3A_1060, %get3A_1063 : vector<16xf32>
        %add3A_1065 = arith.constant 100 : i32
        %add3A_1066 = arith.addi %add3A_1065, %scan3A_920 : i32
        %swap3A_1067 = arith.constant 0 : i32
        %swap3A_1068 = arith.index_cast %swap3A_1067 : i32 to index
        %swap3A_1069 = arith.index_cast %add3A_1066 : i32 to index
        %swap3A_1070 = arith.constant 112 : index
        %swap3A_1071 = tpu.vector_load %arg9[%swap3A_1068, %swap3A_1069, %swap3A_1070] {strides = array<i32>} : memref<2x200x128xf32, #tpu.memory_space<vmem>>, vector<16xf32>,
        tpu.vector_store %arg9[%swap3A_1068, %swap3A_1069, %swap3A_1070], %add3A_1064 {strides = array<i32>} : memref<2x200x128xf32, #tpu.memory_space<vmem>>, vector<16xf32>,
        %scan3A_1072 = arith.constant 0 : i32
        scf.yield %scan3A_1072 : i32
      }
      %scan3A_675 = arith.constant 100 : i32
      %add3A_676 = arith.addi %mul3A_2, %add3A_596 : i32
      %dma_start3A_677 = arith.constant 0 : i32
      %dma_start3A_678 = arith.constant 0 : i32
      %dma_start3A_679 = arith.constant 0 : i32
      %dma_start3A_680 = tpu.memref_slice %arg9[%dma_start3A_677, %dma_start3A_678, %dma_start3A_679] : memref<2x200x128xf32, #tpu.memory_space<vmem>> -> memref<1x200x128xf32, #tpu.memory_space<vmem>>
      %dma_start3A_681 = tpu.memref_squeeze %dma_start3A_680 : memref<1x200x128xf32, #tpu.memory_space<vmem>> -> memref<200x128xf32, #tpu.memory_space<vmem>>
      %dma_start3A_682 = arith.constant 0 : i32
      %dma_start3A_683 = arith.constant 0 : i32
      %dma_start3A_684 = tpu.memref_slice %arg5[%add3A_676, %dma_start3A_682, %dma_start3A_683] : memref<512x200x128xf32, #tpu.memory_space<hbm>> -> memref<1x200x128xf32, #tpu.memory_space<hbm>>
      %dma_start3A_685 = tpu.memref_squeeze %dma_start3A_684 : memref<1x200x128xf32, #tpu.memory_space<hbm>> -> memref<200x128xf32, #tpu.memory_space<hbm>>
      %dma_start3A_686 = arith.constant 0 : i32
      %dma_start3A_687 = arith.constant 0 : i32
      %dma_start3A_688 = tpu.memref_slice %arg5[%add3A_676, %dma_start3A_686, %dma_start3A_687] : memref<512x200x128xf32, #tpu.memory_space<hbm>> -> memref<1x200x128xf32, #tpu.memory_space<hbm>>
      %dma_start3A_689 = tpu.memref_squeeze %dma_start3A_688 : memref<1x200x128xf32, #tpu.memory_space<hbm>> -> memref<200x128xf32, #tpu.memory_space<hbm>>
      %dma_start3A_690 = arith.constant 0 : i32
      %dma_start3A_691 = arith.constant 0 : i32
      %dma_start3A_692 = tpu.memref_slice %arg9[%dma_start3A_677, %dma_start3A_690, %dma_start3A_691] : memref<2x200x128xf32, #tpu.memory_space<vmem>> -> memref<1x200x128xf32, #tpu.memory_space<vmem>>
      %dma_start3A_693 = tpu.memref_squeeze %dma_start3A_692 : memref<1x200x128xf32, #tpu.memory_space<vmem>> -> memref<200x128xf32, #tpu.memory_space<vmem>>
      tpu.enqueue_dma source(%dma_start3A_693 : memref<200x128xf32, #tpu.memory_space<vmem>>) target(%dma_start3A_689 : memref<200x128xf32, #tpu.memory_space<hbm>>) target_semaphore(%arg12 : memref<!tpu.dma_semaphore, #tpu.memory_space<semaphore_mem>>)
      %add3A_694 = arith.constant 2 : i32
      %add3A_695 = arith.addi %add3A_596, %add3A_694 : i32
      %mul3A_696 = arith.constant 4 : i32
      %mul3A_697 = arith.muli %mul3A_696, %add3A_695 : i32
      %add3A_698 = arith.constant 0 : i32
      %add3A_699 = arith.addi %mul3A_697, %add3A_698 : i32
      %dma_start3A_700 = arith.constant 0 : i32
      %dma_start3A_701 = arith.constant 0 : i32
      %dma_start3A_702 = arith.constant 0 : i32
      %dma_start3A_703 = tpu.memref_slice %arg8[%dma_start3A_700, %dma_start3A_701, %dma_start3A_702] : memref<2x400x64xf32, #tpu.memory_space<vmem>> -> memref<1x100x64xf32, #tpu.memory_space<vmem>>
      %dma_start3A_704 = tpu.memref_squeeze %dma_start3A_703 : memref<1x100x64xf32, #tpu.memory_space<vmem>> -> memref<100x64xf32, #tpu.memory_space<vmem>>
      %dma_start3A_705 = arith.constant 0 : i32
      %dma_start3A_706 = tpu.memref_slice %arg6[%add3A_699, %dma_start3A_705] : memref<64x100xi32, #tpu.memory_space<vmem>> -> memref<1x100xi32, #tpu.memory_space<vmem>>
      %dma_start3A_707 = tpu.memref_squeeze %dma_start3A_706 : memref<1x100xi32, #tpu.memory_space<vmem>> -> memref<100xi32, #tpu.memory_space<vmem>>
      %dma_start3A_708 = arith.constant 0 : i32
      %dma_start3A_709 = arith.constant 0 : i32
      %dma_start3A_710 = tpu.memref_slice %arg4[%dma_start3A_708, %dma_start3A_709] : memref<2000000x64xf32, #tpu.memory_space<hbm>> -> memref<2000000x64xf32, #tpu.memory_space<hbm>>
      tpu.enqueue_indirect_dma source(%dma_start3A_710 : memref<2000000x64xf32, #tpu.memory_space<hbm>>) target(%dma_start3A_704 : memref<100x64xf32, #tpu.memory_space<vmem>>) offsets(%dma_start3A_707 : memref<100xi32, #tpu.memory_space<vmem>>) semaphore(%arg10 : memref<!tpu.dma_semaphore, #tpu.memory_space<semaphore_mem>>)
      %mul3A_711 = arith.constant 4 : i32
      %mul3A_712 = arith.muli %mul3A_711, %add3A_695 : i32
      %add3A_713 = arith.constant 1 : i32
      %add3A_714 = arith.addi %mul3A_712, %add3A_713 : i32
      %dma_start3A_715 = arith.constant 0 : i32
      %dma_start3A_716 = arith.constant 100 : i32
      %dma_start3A_717 = arith.constant 0 : i32
      %dma_start3A_718 = tpu.memref_slice %arg8[%dma_start3A_715, %dma_start3A_716, %dma_start3A_717] : memref<2x400x64xf32, #tpu.memory_space<vmem>> -> memref<1x100x64xf32, #tpu.memory_space<vmem>>
      %dma_start3A_719 = tpu.memref_squeeze %dma_start3A_718 : memref<1x100x64xf32, #tpu.memory_space<vmem>> -> memref<100x64xf32, #tpu.memory_space<vmem>>
      %dma_start3A_720 = arith.constant 0 : i32
      %dma_start3A_721 = tpu.memref_slice %arg6[%add3A_714, %dma_start3A_720] : memref<64x100xi32, #tpu.memory_space<vmem>> -> memref<1x100xi32, #tpu.memory_space<vmem>>
      %dma_start3A_722 = tpu.memref_squeeze %dma_start3A_721 : memref<1x100xi32, #tpu.memory_space<vmem>> -> memref<100xi32, #tpu.memory_space<vmem>>
      %dma_start3A_723 = arith.constant 0 : i32
      %dma_start3A_724 = arith.constant 0 : i32
      %dma_start3A_725 = tpu.memref_slice %arg4[%dma_start3A_723, %dma_start3A_724] : memref<2000000x64xf32, #tpu.memory_space<hbm>> -> memref<2000000x64xf32, #tpu.memory_space<hbm>>
      tpu.enqueue_indirect_dma source(%dma_start3A_725 : memref<2000000x64xf32, #tpu.memory_space<hbm>>) target(%dma_start3A_719 : memref<100x64xf32, #tpu.memory_space<vmem>>) offsets(%dma_start3A_722 : memref<100xi32, #tpu.memory_space<vmem>>) semaphore(%arg10 : memref<!tpu.dma_semaphore, #tpu.memory_space<semaphore_mem>>)
      %mul3A_726 = arith.constant 4 : i32
      %mul3A_727 = arith.muli %mul3A_726, %add3A_695 : i32
      %add3A_728 = arith.constant 2 : i32
      %add3A_729 = arith.addi %mul3A_727, %add3A_728 : i32
      %dma_start3A_730 = arith.constant 0 : i32
      %dma_start3A_731 = arith.constant 200 : i32
      %dma_start3A_732 = arith.constant 0 : i32
      %dma_start3A_733 = tpu.memref_slice %arg8[%dma_start3A_730, %dma_start3A_731, %dma_start3A_732] : memref<2x400x64xf32, #tpu.memory_space<vmem>> -> memref<1x100x64xf32, #tpu.memory_space<vmem>>
      %dma_start3A_734 = tpu.memref_squeeze %dma_start3A_733 : memref<1x100x64xf32, #tpu.memory_space<vmem>> -> memref<100x64xf32, #tpu.memory_space<vmem>>
      %dma_start3A_735 = arith.constant 0 : i32
      %dma_start3A_736 = tpu.memref_slice %arg6[%add3A_729, %dma_start3A_735] : memref<64x100xi32, #tpu.memory_space<vmem>> -> memref<1x100xi32, #tpu.memory_space<vmem>>
      %dma_start3A_737 = tpu.memref_squeeze %dma_start3A_736 : memref<1x100xi32, #tpu.memory_space<vmem>> -> memref<100xi32, #tpu.memory_space<vmem>>
      %dma_start3A_738 = arith.constant 0 : i32
      %dma_start3A_739 = arith.constant 0 : i32
      %dma_start3A_740 = tpu.memref_slice %arg4[%dma_start3A_738, %dma_start3A_739] : memref<2000000x64xf32, #tpu.memory_space<hbm>> -> memref<2000000x64xf32, #tpu.memory_space<hbm>>
      tpu.enqueue_indirect_dma source(%dma_start3A_740 : memref<2000000x64xf32, #tpu.memory_space<hbm>>) target(%dma_start3A_734 : memref<100x64xf32, #tpu.memory_space<vmem>>) offsets(%dma_start3A_737 : memref<100xi32, #tpu.memory_space<vmem>>) semaphore(%arg10 : memref<!tpu.dma_semaphore, #tpu.memory_space<semaphore_mem>>)
      %mul3A_741 = arith.constant 4 : i32
      %mul3A_742 = arith.muli %mul3A_741, %add3A_695 : i32
      %add3A_743 = arith.constant 3 : i32
      %add3A_744 = arith.addi %mul3A_742, %add3A_743 : i32
      %dma_start3A_745 = arith.constant 0 : i32
      %dma_start3A_746 = arith.constant 300 : i32
      %dma_start3A_747 = arith.constant 0 : i32
      %dma_start3A_748 = tpu.memref_slice %arg8[%dma_start3A_745, %dma_start3A_746, %dma_start3A_747] : memref<2x400x64xf32, #tpu.memory_space<vmem>> -> memref<1x100x64xf32, #tpu.memory_space<vmem>>
      %dma_start3A_749 = tpu.memref_squeeze %dma_start3A_748 : memref<1x100x64xf32, #tpu.memory_space<vmem>> -> memref<100x64xf32, #tpu.memory_space<vmem>>
      %dma_start3A_750 = arith.constant 0 : i32
      %dma_start3A_751 = tpu.memref_slice %arg6[%add3A_744, %dma_start3A_750] : memref<64x100xi32, #tpu.memory_space<vmem>> -> memref<1x100xi32, #tpu.memory_space<vmem>>
      %dma_start3A_752 = tpu.memref_squeeze %dma_start3A_751 : memref<1x100xi32, #tpu.memory_space<vmem>> -> memref<100xi32, #tpu.memory_space<vmem>>
      %dma_start3A_753 = arith.constant 0 : i32
      %dma_start3A_754 = arith.constant 0 : i32
      %dma_start3A_755 = tpu.memref_slice %arg4[%dma_start3A_753, %dma_start3A_754] : memref<2000000x64xf32, #tpu.memory_space<hbm>> -> memref<2000000x64xf32, #tpu.memory_space<hbm>>
      tpu.enqueue_indirect_dma source(%dma_start3A_755 : memref<2000000x64xf32, #tpu.memory_space<hbm>>) target(%dma_start3A_749 : memref<100x64xf32, #tpu.memory_space<vmem>>) offsets(%dma_start3A_752 : memref<100xi32, #tpu.memory_space<vmem>>) semaphore(%arg10 : memref<!tpu.dma_semaphore, #tpu.memory_space<semaphore_mem>>)
      %mul3A_756 = arith.constant 2 : i32
      %mul3A_757 = arith.muli %mul3A_756, %scan3A_591 : i32
      %add3A_758 = arith.constant 1 : i32
      %add3A_759 = arith.addi %mul3A_757, %add3A_758 : i32
      %dma_wait3A_760 = arith.constant 0 : i32
      %dma_wait3A_761 = arith.constant 1 : i32
      %dma_wait3A_762 = arith.constant 0 : i32
      %dma_wait3A_763 = arith.constant 0 : i32
      %dma_wait3A_764 = tpu.memref_slice %arg8[%dma_wait3A_761, %dma_wait3A_762, %dma_wait3A_763] : memref<2x400x64xf32, #tpu.memory_space<vmem>> -> memref<1x100x64xf32, #tpu.memory_space<vmem>>
      %dma_wait3A_765 = tpu.memref_squeeze %dma_wait3A_764 : memref<1x100x64xf32, #tpu.memory_space<vmem>> -> memref<100x64xf32, #tpu.memory_space<vmem>>
      %dma_wait3A_766 = arith.constant 0 : i32
      %dma_wait3A_767 = tpu.memref_slice %arg6[%dma_wait3A_760, %dma_wait3A_766] : memref<64x100xi32, #tpu.memory_space<vmem>> -> memref<1x100xi32, #tpu.memory_space<vmem>>
      %dma_wait3A_768 = tpu.memref_squeeze %dma_wait3A_767 : memref<1x100xi32, #tpu.memory_space<vmem>> -> memref<100xi32, #tpu.memory_space<vmem>>
      %dma_wait3A_769 = arith.constant 0 : i32
      %dma_wait3A_770 = arith.constant 0 : i32
      %dma_wait3A_771 = tpu.memref_slice %arg4[%dma_wait3A_769, %dma_wait3A_770] : memref<2000000x64xf32, #tpu.memory_space<hbm>> -> memref<2000000x64xf32, #tpu.memory_space<hbm>>
      tpu.wait_indirect_dma semaphore(%arg11 : memref<!tpu.dma_semaphore, #tpu.memory_space<semaphore_mem>>) src(%dma_wait3A_771 : memref<2000000x64xf32, #tpu.memory_space<hbm>>) dst(%dma_wait3A_765 : memref<100x64xf32, #tpu.memory_space<vmem>>)
      %dma_wait3A_772 = arith.constant 0 : i32
      %dma_wait3A_773 = arith.constant 1 : i32
      %dma_wait3A_774 = arith.constant 0 : i32
      %dma_wait3A_775 = arith.constant 0 : i32
      %dma_wait3A_776 = tpu.memref_slice %arg8[%dma_wait3A_773, %dma_wait3A_774, %dma_wait3A_775] : memref<2x400x64xf32, #tpu.memory_space<vmem>> -> memref<1x100x64xf32, #tpu.memory_space<vmem>>
      %dma_wait3A_777 = tpu.memref_squeeze %dma_wait3A_776 : memref<1x100x64xf32, #tpu.memory_space<vmem>> -> memref<100x64xf32, #tpu.memory_space<vmem>>
      %dma_wait3A_778 = arith.constant 0 : i32
      %dma_wait3A_779 = tpu.memref_slice %arg6[%dma_wait3A_772, %dma_wait3A_778] : memref<64x100xi32, #tpu.memory_space<vmem>> -> memref<1x100xi32, #tpu.memory_space<vmem>>
      %dma_wait3A_780 = tpu.memref_squeeze %dma_wait3A_779 : memref<1x100xi32, #tpu.memory_space<vmem>> -> memref<100xi32, #tpu.memory_space<vmem>>
      %dma_wait3A_781 = arith.constant 0 : i32
      %dma_wait3A_782 = arith.constant 0 : i32
      %dma_wait3A_783 = tpu.memref_slice %arg4[%dma_wait3A_781, %dma_wait3A_782] : memref<2000000x64xf32, #tpu.memory_space<hbm>> -> memref<2000000x64xf32, #tpu.memory_space<hbm>>
      tpu.wait_indirect_dma semaphore(%arg11 : memref<!tpu.dma_semaphore, #tpu.memory_space<semaphore_mem>>) src(%dma_wait3A_783 : memref<2000000x64xf32, #tpu.memory_space<hbm>>) dst(%dma_wait3A_777 : memref<100x64xf32, #tpu.memory_space<vmem>>)
      %dma_wait3A_784 = arith.constant 0 : i32
      %dma_wait3A_785 = arith.constant 1 : i32
      %dma_wait3A_786 = arith.constant 0 : i32
      %dma_wait3A_787 = arith.constant 0 : i32
      %dma_wait3A_788 = tpu.memref_slice %arg8[%dma_wait3A_785, %dma_wait3A_786, %dma_wait3A_787] : memref<2x400x64xf32, #tpu.memory_space<vmem>> -> memref<1x100x64xf32, #tpu.memory_space<vmem>>
      %dma_wait3A_789 = tpu.memref_squeeze %dma_wait3A_788 : memref<1x100x64xf32, #tpu.memory_space<vmem>> -> memref<100x64xf32, #tpu.memory_space<vmem>>
      %dma_wait3A_790 = arith.constant 0 : i32
      %dma_wait3A_791 = tpu.memref_slice %arg6[%dma_wait3A_784, %dma_wait3A_790] : memref<64x100xi32, #tpu.memory_space<vmem>> -> memref<1x100xi32, #tpu.memory_space<vmem>>
      %dma_wait3A_792 = tpu.memref_squeeze %dma_wait3A_791 : memref<1x100xi32, #tpu.memory_space<vmem>> -> memref<100xi32, #tpu.memory_space<vmem>>
      %dma_wait3A_793 = arith.constant 0 : i32
      %dma_wait3A_794 = arith.constant 0 : i32
      %dma_wait3A_795 = tpu.memref_slice %arg4[%dma_wait3A_793, %dma_wait3A_794] : memref<2000000x64xf32, #tpu.memory_space<hbm>> -> memref<2000000x64xf32, #tpu.memory_space<hbm>>
      tpu.wait_indirect_dma semaphore(%arg11 : memref<!tpu.dma_semaphore, #tpu.memory_space<semaphore_mem>>) src(%dma_wait3A_795 : memref<2000000x64xf32, #tpu.memory_space<hbm>>) dst(%dma_wait3A_789 : memref<100x64xf32, #tpu.memory_space<vmem>>)
      %dma_wait3A_796 = arith.constant 0 : i32
      %dma_wait3A_797 = arith.constant 1 : i32
      %dma_wait3A_798 = arith.constant 0 : i32
      %dma_wait3A_799 = arith.constant 0 : i32
      %dma_wait3A_800 = tpu.memref_slice %arg8[%dma_wait3A_797, %dma_wait3A_798, %dma_wait3A_799] : memref<2x400x64xf32, #tpu.memory_space<vmem>> -> memref<1x100x64xf32, #tpu.memory_space<vmem>>
      %dma_wait3A_801 = tpu.memref_squeeze %dma_wait3A_800 : memref<1x100x64xf32, #tpu.memory_space<vmem>> -> memref<100x64xf32, #tpu.memory_space<vmem>>
      %dma_wait3A_802 = arith.constant 0 : i32
      %dma_wait3A_803 = tpu.memref_slice %arg6[%dma_wait3A_796, %dma_wait3A_802] : memref<64x100xi32, #tpu.memory_space<vmem>> -> memref<1x100xi32, #tpu.memory_space<vmem>>
      %dma_wait3A_804 = tpu.memref_squeeze %dma_wait3A_803 : memref<1x100xi32, #tpu.memory_space<vmem>> -> memref<100xi32, #tpu.memory_space<vmem>>
      %dma_wait3A_805 = arith.constant 0 : i32
      %dma_wait3A_806 = arith.constant 0 : i32
      %dma_wait3A_807 = tpu.memref_slice %arg4[%dma_wait3A_805, %dma_wait3A_806] : memref<2000000x64xf32, #tpu.memory_space<hbm>> -> memref<2000000x64xf32, #tpu.memory_space<hbm>>
      tpu.wait_indirect_dma semaphore(%arg11 : memref<!tpu.dma_semaphore, #tpu.memory_space<semaphore_mem>>) src(%dma_wait3A_807 : memref<2000000x64xf32, #tpu.memory_space<hbm>>) dst(%dma_wait3A_801 : memref<100x64xf32, #tpu.memory_space<vmem>>)
      %dma_wait3A_808 = arith.constant 1 : i32
      %dma_wait3A_809 = arith.constant 0 : i32
      %dma_wait3A_810 = arith.constant 0 : i32
      %dma_wait3A_811 = tpu.memref_slice %arg9[%dma_wait3A_808, %dma_wait3A_809, %dma_wait3A_810] : memref<2x200x128xf32, #tpu.memory_space<vmem>> -> memref<1x200x128xf32, #tpu.memory_space<vmem>>
      %dma_wait3A_812 = tpu.memref_squeeze %dma_wait3A_811 : memref<1x200x128xf32, #tpu.memory_space<vmem>> -> memref<200x128xf32, #tpu.memory_space<vmem>>
      %dma_wait3A_813 = arith.constant 0 : i32
      %dma_wait3A_814 = arith.constant 0 : i32
      %dma_wait3A_815 = tpu.memref_slice %arg5[%mul3A_2, %dma_wait3A_813, %dma_wait3A_814] : memref<512x200x128xf32, #tpu.memory_space<hbm>> -> memref<1x200x128xf32, #tpu.memory_space<hbm>>
      %dma_wait3A_816 = tpu.memref_squeeze %dma_wait3A_815 : memref<1x200x128xf32, #tpu.memory_space<hbm>> -> memref<200x128xf32, #tpu.memory_space<hbm>>
      %dma_wait3A_817 = arith.constant 0 : i32
      %dma_wait3A_818 = arith.constant 0 : i32
      %dma_wait3A_819 = tpu.memref_slice %arg5[%mul3A_2, %dma_wait3A_817, %dma_wait3A_818] : memref<512x200x128xf32, #tpu.memory_space<hbm>> -> memref<1x200x128xf32, #tpu.memory_space<hbm>>
      %dma_wait3A_820 = tpu.memref_squeeze %dma_wait3A_819 : memref<1x200x128xf32, #tpu.memory_space<hbm>> -> memref<200x128xf32, #tpu.memory_space<hbm>>
      %dma_wait3A_821 = arith.constant 0 : i32
      %dma_wait3A_822 = arith.constant 0 : i32
      %dma_wait3A_823 = tpu.memref_slice %arg9[%dma_wait3A_808, %dma_wait3A_821, %dma_wait3A_822] : memref<2x200x128xf32, #tpu.memory_space<vmem>> -> memref<1x200x128xf32, #tpu.memory_space<vmem>>
      %dma_wait3A_824 = tpu.memref_squeeze %dma_wait3A_823 : memref<1x200x128xf32, #tpu.memory_space<vmem>> -> memref<200x128xf32, #tpu.memory_space<vmem>>
      tpu.wait_dma2 semaphore(%arg13 : memref<!tpu.dma_semaphore, #tpu.memory_space<semaphore_mem>>) src(%dma_wait3A_824 : memref<200x128xf32, #tpu.memory_space<vmem>>) dst(%dma_wait3A_820 : memref<200x128xf32, #tpu.memory_space<hbm>>)
      %scan3A_825 = arith.constant 0 : i32
      %scan3A_826 = arith.constant 0 : i32
      %scan3A_827 = arith.constant 100 : i32
      %scan3A_828 = arith.addi %scan3A_826, %scan3A_827 : i32
      %scan3A_829 = arith.constant 1 : i32
      %scan3A_830 = scf.for %scan3A_920 = %scan3A_826 to %scan3A_828 step %scan3A_829 iter_args(%scan3A_921 = %scan3A_825) -> (i32)  : i32 {
        %mul3A_922 = arith.constant 2 : i32
        %mul3A_923 = arith.muli %mul3A_922, %scan3A_920 : i32
        %add3A_924 = arith.constant 0 : i32
        %add3A_925 = arith.addi %mul3A_923, %add3A_924 : i32
        %add3A_926 = arith.constant 0 : i32
        %add3A_927 = arith.addi %add3A_926, %add3A_925 : i32
        %get3A = arith.constant 1 : i32
        %get3A_928 = arith.index_cast %get3A : i32 to index
        %get3A_929 = arith.index_cast %add3A_927 : i32 to index
        %get3A_930 = arith.constant 0 : index
        %get3A_931 = tpu.vector_load %arg8[%get3A_928, %get3A_929, %get3A_930] {strides = array<i32>} : memref<2x400x64xf32, #tpu.memory_space<vmem>>, vector<16xf32>,
        %get3A_932 = arith.index_cast %add3A_925 : i32 to index
        %get3A_933 = arith.constant 0 : index
        %get3A_934 = tpu.vector_load %arg7[%get3A_932, %get3A_933] {strides = array<i32>} : memref<200x64xf32, #tpu.memory_space<vmem>>, vector<16xf32>,
        %add3A_935 = arith.addf %get3A_931, %get3A_934 : vector<16xf32>
        %add3A_936 = arith.constant 0 : i32
        %add3A_937 = arith.addi %add3A_936, %scan3A_920 : i32
        %swap3A = arith.constant 1 : i32
        %swap3A_938 = arith.index_cast %swap3A : i32 to index
        %swap3A_939 = arith.index_cast %add3A_937 : i32 to index
        %swap3A_940 = arith.constant 0 : index
        %swap3A_941 = tpu.vector_load %arg9[%swap3A_938, %swap3A_939, %swap3A_940] {strides = array<i32>} : memref<2x200x128xf32, #tpu.memory_space<vmem>>, vector<16xf32>,
        tpu.vector_store %arg9[%swap3A_938, %swap3A_939, %swap3A_940], %add3A_935 {strides = array<i32>} : memref<2x200x128xf32, #tpu.memory_space<vmem>>, vector<16xf32>,
        %add3A_942 = arith.constant 0 : i32
        %add3A_943 = arith.addi %add3A_942, %add3A_925 : i32
        %get3A_944 = arith.constant 1 : i32
        %get3A_945 = arith.index_cast %get3A_944 : i32 to index
        %get3A_946 = arith.index_cast %add3A_943 : i32 to index
        %get3A_947 = arith.constant 16 : index
        %get3A_948 = tpu.vector_load %arg8[%get3A_945, %get3A_946, %get3A_947] {strides = array<i32>} : memref<2x400x64xf32, #tpu.memory_space<vmem>>, vector<16xf32>,
        %get3A_949 = arith.index_cast %add3A_925 : i32 to index
        %get3A_950 = arith.constant 16 : index
        %get3A_951 = tpu.vector_load %arg7[%get3A_949, %get3A_950] {strides = array<i32>} : memref<200x64xf32, #tpu.memory_space<vmem>>, vector<16xf32>,
        %add3A_952 = arith.addf %get3A_948, %get3A_951 : vector<16xf32>
        %add3A_953 = arith.constant 0 : i32
        %add3A_954 = arith.addi %add3A_953, %scan3A_920 : i32
        %swap3A_955 = arith.constant 1 : i32
        %swap3A_956 = arith.index_cast %swap3A_955 : i32 to index
        %swap3A_957 = arith.index_cast %add3A_954 : i32 to index
        %swap3A_958 = arith.constant 16 : index
        %swap3A_959 = tpu.vector_load %arg9[%swap3A_956, %swap3A_957, %swap3A_958] {strides = array<i32>} : memref<2x200x128xf32, #tpu.memory_space<vmem>>, vector<16xf32>,
        tpu.vector_store %arg9[%swap3A_956, %swap3A_957, %swap3A_958], %add3A_952 {strides = array<i32>} : memref<2x200x128xf32, #tpu.memory_space<vmem>>, vector<16xf32>,
        %add3A_960 = arith.constant 0 : i32
        %add3A_961 = arith.addi %add3A_960, %add3A_925 : i32
        %get3A_962 = arith.constant 1 : i32
        %get3A_963 = arith.index_cast %get3A_962 : i32 to index
        %get3A_964 = arith.index_cast %add3A_961 : i32 to index
        %get3A_965 = arith.constant 32 : index
        %get3A_966 = tpu.vector_load %arg8[%get3A_963, %get3A_964, %get3A_965] {strides = array<i32>} : memref<2x400x64xf32, #tpu.memory_space<vmem>>, vector<16xf32>,
        %get3A_967 = arith.index_cast %add3A_925 : i32 to index
        %get3A_968 = arith.constant 32 : index
        %get3A_969 = tpu.vector_load %arg7[%get3A_967, %get3A_968] {strides = array<i32>} : memref<200x64xf32, #tpu.memory_space<vmem>>, vector<16xf32>,
        %add3A_970 = arith.addf %get3A_966, %get3A_969 : vector<16xf32>
        %add3A_971 = arith.constant 0 : i32
        %add3A_972 = arith.addi %add3A_971, %scan3A_920 : i32
        %swap3A_973 = arith.constant 1 : i32
        %swap3A_974 = arith.index_cast %swap3A_973 : i32 to index
        %swap3A_975 = arith.index_cast %add3A_972 : i32 to index
        %swap3A_976 = arith.constant 32 : index
        %swap3A_977 = tpu.vector_load %arg9[%swap3A_974, %swap3A_975, %swap3A_976] {strides = array<i32>} : memref<2x200x128xf32, #tpu.memory_space<vmem>>, vector<16xf32>,
        tpu.vector_store %arg9[%swap3A_974, %swap3A_975, %swap3A_976], %add3A_970 {strides = array<i32>} : memref<2x200x128xf32, #tpu.memory_space<vmem>>, vector<16xf32>,
        %add3A_978 = arith.constant 0 : i32
        %add3A_979 = arith.addi %add3A_978, %add3A_925 : i32
        %get3A_980 = arith.constant 1 : i32
        %get3A_981 = arith.index_cast %get3A_980 : i32 to index
        %get3A_982 = arith.index_cast %add3A_979 : i32 to index
        %get3A_983 = arith.constant 48 : index
        %get3A_984 = tpu.vector_load %arg8[%get3A_981, %get3A_982, %get3A_983] {strides = array<i32>} : memref<2x400x64xf32, #tpu.memory_space<vmem>>, vector<16xf32>,
        %get3A_985 = arith.index_cast %add3A_925 : i32 to index
        %get3A_986 = arith.constant 48 : index
        %get3A_987 = tpu.vector_load %arg7[%get3A_985, %get3A_986] {strides = array<i32>} : memref<200x64xf32, #tpu.memory_space<vmem>>, vector<16xf32>,
        %add3A_988 = arith.addf %get3A_984, %get3A_987 : vector<16xf32>
        %add3A_989 = arith.constant 0 : i32
        %add3A_990 = arith.addi %add3A_989, %scan3A_920 : i32
        %swap3A_991 = arith.constant 1 : i32
        %swap3A_992 = arith.index_cast %swap3A_991 : i32 to index
        %swap3A_993 = arith.index_cast %add3A_990 : i32 to index
        %swap3A_994 = arith.constant 48 : index
        %swap3A_995 = tpu.vector_load %arg9[%swap3A_992, %swap3A_993, %swap3A_994] {strides = array<i32>} : memref<2x200x128xf32, #tpu.memory_space<vmem>>, vector<16xf32>,
        tpu.vector_store %arg9[%swap3A_992, %swap3A_993, %swap3A_994], %add3A_988 {strides = array<i32>} : memref<2x200x128xf32, #tpu.memory_space<vmem>>, vector<16xf32>,
        %mul3A_996 = arith.constant 2 : i32
        %mul3A_997 = arith.muli %mul3A_996, %scan3A_920 : i32
        %add3A_998 = arith.constant 1 : i32
        %add3A_999 = arith.addi %mul3A_997, %add3A_998 : i32
        %add3A_1000 = arith.constant 0 : i32
        %add3A_1001 = arith.addi %add3A_1000, %add3A_999 : i32
        %get3A_1002 = arith.constant 1 : i32
        %get3A_1003 = arith.index_cast %get3A_1002 : i32 to index
        %get3A_1004 = arith.index_cast %add3A_1001 : i32 to index
        %get3A_1005 = arith.constant 0 : index
        %get3A_1006 = tpu.vector_load %arg8[%get3A_1003, %get3A_1004, %get3A_1005] {strides = array<i32>} : memref<2x400x64xf32, #tpu.memory_space<vmem>>, vector<16xf32>,
        %get3A_1007 = arith.index_cast %add3A_999 : i32 to index
        %get3A_1008 = arith.constant 0 : index
        %get3A_1009 = tpu.vector_load %arg7[%get3A_1007, %get3A_1008] {strides = array<i32>} : memref<200x64xf32, #tpu.memory_space<vmem>>, vector<16xf32>,
        %add3A_1010 = arith.addf %get3A_1006, %get3A_1009 : vector<16xf32>
        %add3A_1011 = arith.constant 0 : i32
        %add3A_1012 = arith.addi %add3A_1011, %scan3A_920 : i32
        %swap3A_1013 = arith.constant 1 : i32
        %swap3A_1014 = arith.index_cast %swap3A_1013 : i32 to index
        %swap3A_1015 = arith.index_cast %add3A_1012 : i32 to index
        %swap3A_1016 = arith.constant 64 : index
        %swap3A_1017 = tpu.vector_load %arg9[%swap3A_1014, %swap3A_1015, %swap3A_1016] {strides = array<i32>} : memref<2x200x128xf32, #tpu.memory_space<vmem>>, vector<16xf32>,
        tpu.vector_store %arg9[%swap3A_1014, %swap3A_1015, %swap3A_1016], %add3A_1010 {strides = array<i32>} : memref<2x200x128xf32, #tpu.memory_space<vmem>>, vector<16xf32>,
        %add3A_1018 = arith.constant 0 : i32
        %add3A_1019 = arith.addi %add3A_1018, %add3A_999 : i32
        %get3A_1020 = arith.constant 1 : i32
        %get3A_1021 = arith.index_cast %get3A_1020 : i32 to index
        %get3A_1022 = arith.index_cast %add3A_1019 : i32 to index
        %get3A_1023 = arith.constant 16 : index
        %get3A_1024 = tpu.vector_load %arg8[%get3A_1021, %get3A_1022, %get3A_1023] {strides = array<i32>} : memref<2x400x64xf32, #tpu.memory_space<vmem>>, vector<16xf32>,
        %get3A_1025 = arith.index_cast %add3A_999 : i32 to index
        %get3A_1026 = arith.constant 16 : index
        %get3A_1027 = tpu.vector_load %arg7[%get3A_1025, %get3A_1026] {strides = array<i32>} : memref<200x64xf32, #tpu.memory_space<vmem>>, vector<16xf32>,
        %add3A_1028 = arith.addf %get3A_1024, %get3A_1027 : vector<16xf32>
        %add3A_1029 = arith.constant 0 : i32
        %add3A_1030 = arith.addi %add3A_1029, %scan3A_920 : i32
        %swap3A_1031 = arith.constant 1 : i32
        %swap3A_1032 = arith.index_cast %swap3A_1031 : i32 to index
        %swap3A_1033 = arith.index_cast %add3A_1030 : i32 to index
        %swap3A_1034 = arith.constant 80 : index
        %swap3A_1035 = tpu.vector_load %arg9[%swap3A_1032, %swap3A_1033, %swap3A_1034] {strides = array<i32>} : memref<2x200x128xf32, #tpu.memory_space<vmem>>, vector<16xf32>,
        tpu.vector_store %arg9[%swap3A_1032, %swap3A_1033, %swap3A_1034], %add3A_1028 {strides = array<i32>} : memref<2x200x128xf32, #tpu.memory_space<vmem>>, vector<16xf32>,
        %add3A_1036 = arith.constant 0 : i32
        %add3A_1037 = arith.addi %add3A_1036, %add3A_999 : i32
        %get3A_1038 = arith.constant 1 : i32
        %get3A_1039 = arith.index_cast %get3A_1038 : i32 to index
        %get3A_1040 = arith.index_cast %add3A_1037 : i32 to index
        %get3A_1041 = arith.constant 32 : index
        %get3A_1042 = tpu.vector_load %arg8[%get3A_1039, %get3A_1040, %get3A_1041] {strides = array<i32>} : memref<2x400x64xf32, #tpu.memory_space<vmem>>, vector<16xf32>,
        %get3A_1043 = arith.index_cast %add3A_999 : i32 to index
        %get3A_1044 = arith.constant 32 : index
        %get3A_1045 = tpu.vector_load %arg7[%get3A_1043, %get3A_1044] {strides = array<i32>} : memref<200x64xf32, #tpu.memory_space<vmem>>, vector<16xf32>,
        %add3A_1046 = arith.addf %get3A_1042, %get3A_1045 : vector<16xf32>
        %add3A_1047 = arith.constant 0 : i32
        %add3A_1048 = arith.addi %add3A_1047, %scan3A_920 : i32
        %swap3A_1049 = arith.constant 1 : i32
        %swap3A_1050 = arith.index_cast %swap3A_1049 : i32 to index
        %swap3A_1051 = arith.index_cast %add3A_1048 : i32 to index
        %swap3A_1052 = arith.constant 96 : index
        %swap3A_1053 = tpu.vector_load %arg9[%swap3A_1050, %swap3A_1051, %swap3A_1052] {strides = array<i32>} : memref<2x200x128xf32, #tpu.memory_space<vmem>>, vector<16xf32>,
        tpu.vector_store %arg9[%swap3A_1050, %swap3A_1051, %swap3A_1052], %add3A_1046 {strides = array<i32>} : memref<2x200x128xf32, #tpu.memory_space<vmem>>, vector<16xf32>,
        %add3A_1054 = arith.constant 0 : i32
        %add3A_1055 = arith.addi %add3A_1054, %add3A_999 : i32
        %get3A_1056 = arith.constant 1 : i32
        %get3A_1057 = arith.index_cast %get3A_1056 : i32 to index
        %get3A_1058 = arith.index_cast %add3A_1055 : i32 to index
        %get3A_1059 = arith.constant 48 : index
        %get3A_1060 = tpu.vector_load %arg8[%get3A_1057, %get3A_1058, %get3A_1059] {strides = array<i32>} : memref<2x400x64xf32, #tpu.memory_space<vmem>>, vector<16xf32>,
        %get3A_1061 = arith.index_cast %add3A_999 : i32 to index
        %get3A_1062 = arith.constant 48 : index
        %get3A_1063 = tpu.vector_load %arg7[%get3A_1061, %get3A_1062] {strides = array<i32>} : memref<200x64xf32, #tpu.memory_space<vmem>>, vector<16xf32>,
        %add3A_1064 = arith.addf %get3A_1060, %get3A_1063 : vector<16xf32>
        %add3A_1065 = arith.constant 0 : i32
        %add3A_1066 = arith.addi %add3A_1065, %scan3A_920 : i32
        %swap3A_1067 = arith.constant 1 : i32
        %swap3A_1068 = arith.index_cast %swap3A_1067 : i32 to index
        %swap3A_1069 = arith.index_cast %add3A_1066 : i32 to index
        %swap3A_1070 = arith.constant 112 : index
        %swap3A_1071 = tpu.vector_load %arg9[%swap3A_1068, %swap3A_1069, %swap3A_1070] {strides = array<i32>} : memref<2x200x128xf32, #tpu.memory_space<vmem>>, vector<16xf32>,
        tpu.vector_store %arg9[%swap3A_1068, %swap3A_1069, %swap3A_1070], %add3A_1064 {strides = array<i32>} : memref<2x200x128xf32, #tpu.memory_space<vmem>>, vector<16xf32>,
        %scan3A_1072 = arith.constant 0 : i32
        scf.yield %scan3A_1072 : i32
      }
      %scan3A_831 = arith.constant 100 : i32
      %scan3A_832 = arith.constant 0 : i32
      %scan3A_833 = arith.constant 0 : i32
      %scan3A_834 = arith.constant 100 : i32
      %scan3A_835 = arith.addi %scan3A_833, %scan3A_834 : i32
      %scan3A_836 = arith.constant 1 : i32
      %scan3A_837 = scf.for %scan3A_920 = %scan3A_833 to %scan3A_835 step %scan3A_836 iter_args(%scan3A_921 = %scan3A_832) -> (i32)  : i32 {
        %mul3A_922 = arith.constant 2 : i32
        %mul3A_923 = arith.muli %mul3A_922, %scan3A_920 : i32
        %add3A_924 = arith.constant 0 : i32
        %add3A_925 = arith.addi %mul3A_923, %add3A_924 : i32
        %add3A_926 = arith.constant 200 : i32
        %add3A_927 = arith.addi %add3A_926, %add3A_925 : i32
        %get3A = arith.constant 1 : i32
        %get3A_928 = arith.index_cast %get3A : i32 to index
        %get3A_929 = arith.index_cast %add3A_927 : i32 to index
        %get3A_930 = arith.constant 0 : index
        %get3A_931 = tpu.vector_load %arg8[%get3A_928, %get3A_929, %get3A_930] {strides = array<i32>} : memref<2x400x64xf32, #tpu.memory_space<vmem>>, vector<16xf32>,
        %get3A_932 = arith.index_cast %add3A_925 : i32 to index
        %get3A_933 = arith.constant 0 : index
        %get3A_934 = tpu.vector_load %arg7[%get3A_932, %get3A_933] {strides = array<i32>} : memref<200x64xf32, #tpu.memory_space<vmem>>, vector<16xf32>,
        %add3A_935 = arith.addf %get3A_931, %get3A_934 : vector<16xf32>
        %add3A_936 = arith.constant 100 : i32
        %add3A_937 = arith.addi %add3A_936, %scan3A_920 : i32
        %swap3A = arith.constant 1 : i32
        %swap3A_938 = arith.index_cast %swap3A : i32 to index
        %swap3A_939 = arith.index_cast %add3A_937 : i32 to index
        %swap3A_940 = arith.constant 0 : index
        %swap3A_941 = tpu.vector_load %arg9[%swap3A_938, %swap3A_939, %swap3A_940] {strides = array<i32>} : memref<2x200x128xf32, #tpu.memory_space<vmem>>, vector<16xf32>,
        tpu.vector_store %arg9[%swap3A_938, %swap3A_939, %swap3A_940], %add3A_935 {strides = array<i32>} : memref<2x200x128xf32, #tpu.memory_space<vmem>>, vector<16xf32>,
        %add3A_942 = arith.constant 200 : i32
        %add3A_943 = arith.addi %add3A_942, %add3A_925 : i32
        %get3A_944 = arith.constant 1 : i32
        %get3A_945 = arith.index_cast %get3A_944 : i32 to index
        %get3A_946 = arith.index_cast %add3A_943 : i32 to index
        %get3A_947 = arith.constant 16 : index
        %get3A_948 = tpu.vector_load %arg8[%get3A_945, %get3A_946, %get3A_947] {strides = array<i32>} : memref<2x400x64xf32, #tpu.memory_space<vmem>>, vector<16xf32>,
        %get3A_949 = arith.index_cast %add3A_925 : i32 to index
        %get3A_950 = arith.constant 16 : index
        %get3A_951 = tpu.vector_load %arg7[%get3A_949, %get3A_950] {strides = array<i32>} : memref<200x64xf32, #tpu.memory_space<vmem>>, vector<16xf32>,
        %add3A_952 = arith.addf %get3A_948, %get3A_951 : vector<16xf32>
        %add3A_953 = arith.constant 100 : i32
        %add3A_954 = arith.addi %add3A_953, %scan3A_920 : i32
        %swap3A_955 = arith.constant 1 : i32
        %swap3A_956 = arith.index_cast %swap3A_955 : i32 to index
        %swap3A_957 = arith.index_cast %add3A_954 : i32 to index
        %swap3A_958 = arith.constant 16 : index
        %swap3A_959 = tpu.vector_load %arg9[%swap3A_956, %swap3A_957, %swap3A_958] {strides = array<i32>} : memref<2x200x128xf32, #tpu.memory_space<vmem>>, vector<16xf32>,
        tpu.vector_store %arg9[%swap3A_956, %swap3A_957, %swap3A_958], %add3A_952 {strides = array<i32>} : memref<2x200x128xf32, #tpu.memory_space<vmem>>, vector<16xf32>,
        %add3A_960 = arith.constant 200 : i32
        %add3A_961 = arith.addi %add3A_960, %add3A_925 : i32
        %get3A_962 = arith.constant 1 : i32
        %get3A_963 = arith.index_cast %get3A_962 : i32 to index
        %get3A_964 = arith.index_cast %add3A_961 : i32 to index
        %get3A_965 = arith.constant 32 : index
        %get3A_966 = tpu.vector_load %arg8[%get3A_963, %get3A_964, %get3A_965] {strides = array<i32>} : memref<2x400x64xf32, #tpu.memory_space<vmem>>, vector<16xf32>,
        %get3A_967 = arith.index_cast %add3A_925 : i32 to index
        %get3A_968 = arith.constant 32 : index
        %get3A_969 = tpu.vector_load %arg7[%get3A_967, %get3A_968] {strides = array<i32>} : memref<200x64xf32, #tpu.memory_space<vmem>>, vector<16xf32>,
        %add3A_970 = arith.addf %get3A_966, %get3A_969 : vector<16xf32>
        %add3A_971 = arith.constant 100 : i32
        %add3A_972 = arith.addi %add3A_971, %scan3A_920 : i32
        %swap3A_973 = arith.constant 1 : i32
        %swap3A_974 = arith.index_cast %swap3A_973 : i32 to index
        %swap3A_975 = arith.index_cast %add3A_972 : i32 to index
        %swap3A_976 = arith.constant 32 : index
        %swap3A_977 = tpu.vector_load %arg9[%swap3A_974, %swap3A_975, %swap3A_976] {strides = array<i32>} : memref<2x200x128xf32, #tpu.memory_space<vmem>>, vector<16xf32>,
        tpu.vector_store %arg9[%swap3A_974, %swap3A_975, %swap3A_976], %add3A_970 {strides = array<i32>} : memref<2x200x128xf32, #tpu.memory_space<vmem>>, vector<16xf32>,
        %add3A_978 = arith.constant 200 : i32
        %add3A_979 = arith.addi %add3A_978, %add3A_925 : i32
        %get3A_980 = arith.constant 1 : i32
        %get3A_981 = arith.index_cast %get3A_980 : i32 to index
        %get3A_982 = arith.index_cast %add3A_979 : i32 to index
        %get3A_983 = arith.constant 48 : index
        %get3A_984 = tpu.vector_load %arg8[%get3A_981, %get3A_982, %get3A_983] {strides = array<i32>} : memref<2x400x64xf32, #tpu.memory_space<vmem>>, vector<16xf32>,
        %get3A_985 = arith.index_cast %add3A_925 : i32 to index
        %get3A_986 = arith.constant 48 : index
        %get3A_987 = tpu.vector_load %arg7[%get3A_985, %get3A_986] {strides = array<i32>} : memref<200x64xf32, #tpu.memory_space<vmem>>, vector<16xf32>,
        %add3A_988 = arith.addf %get3A_984, %get3A_987 : vector<16xf32>
        %add3A_989 = arith.constant 100 : i32
        %add3A_990 = arith.addi %add3A_989, %scan3A_920 : i32
        %swap3A_991 = arith.constant 1 : i32
        %swap3A_992 = arith.index_cast %swap3A_991 : i32 to index
        %swap3A_993 = arith.index_cast %add3A_990 : i32 to index
        %swap3A_994 = arith.constant 48 : index
        %swap3A_995 = tpu.vector_load %arg9[%swap3A_992, %swap3A_993, %swap3A_994] {strides = array<i32>} : memref<2x200x128xf32, #tpu.memory_space<vmem>>, vector<16xf32>,
        tpu.vector_store %arg9[%swap3A_992, %swap3A_993, %swap3A_994], %add3A_988 {strides = array<i32>} : memref<2x200x128xf32, #tpu.memory_space<vmem>>, vector<16xf32>,
        %mul3A_996 = arith.constant 2 : i32
        %mul3A_997 = arith.muli %mul3A_996, %scan3A_920 : i32
        %add3A_998 = arith.constant 1 : i32
        %add3A_999 = arith.addi %mul3A_997, %add3A_998 : i32
        %add3A_1000 = arith.constant 200 : i32
        %add3A_1001 = arith.addi %add3A_1000, %add3A_999 : i32
        %get3A_1002 = arith.constant 1 : i32
        %get3A_1003 = arith.index_cast %get3A_1002 : i32 to index
        %get3A_1004 = arith.index_cast %add3A_1001 : i32 to index
        %get3A_1005 = arith.constant 0 : index
        %get3A_1006 = tpu.vector_load %arg8[%get3A_1003, %get3A_1004, %get3A_1005] {strides = array<i32>} : memref<2x400x64xf32, #tpu.memory_space<vmem>>, vector<16xf32>,
        %get3A_1007 = arith.index_cast %add3A_999 : i32 to index
        %get3A_1008 = arith.constant 0 : index
        %get3A_1009 = tpu.vector_load %arg7[%get3A_1007, %get3A_1008] {strides = array<i32>} : memref<200x64xf32, #tpu.memory_space<vmem>>, vector<16xf32>,
        %add3A_1010 = arith.addf %get3A_1006, %get3A_1009 : vector<16xf32>
        %add3A_1011 = arith.constant 100 : i32
        %add3A_1012 = arith.addi %add3A_1011, %scan3A_920 : i32
        %swap3A_1013 = arith.constant 1 : i32
        %swap3A_1014 = arith.index_cast %swap3A_1013 : i32 to index
        %swap3A_1015 = arith.index_cast %add3A_1012 : i32 to index
        %swap3A_1016 = arith.constant 64 : index
        %swap3A_1017 = tpu.vector_load %arg9[%swap3A_1014, %swap3A_1015, %swap3A_1016] {strides = array<i32>} : memref<2x200x128xf32, #tpu.memory_space<vmem>>, vector<16xf32>,
        tpu.vector_store %arg9[%swap3A_1014, %swap3A_1015, %swap3A_1016], %add3A_1010 {strides = array<i32>} : memref<2x200x128xf32, #tpu.memory_space<vmem>>, vector<16xf32>,
        %add3A_1018 = arith.constant 200 : i32
        %add3A_1019 = arith.addi %add3A_1018, %add3A_999 : i32
        %get3A_1020 = arith.constant 1 : i32
        %get3A_1021 = arith.index_cast %get3A_1020 : i32 to index
        %get3A_1022 = arith.index_cast %add3A_1019 : i32 to index
        %get3A_1023 = arith.constant 16 : index
        %get3A_1024 = tpu.vector_load %arg8[%get3A_1021, %get3A_1022, %get3A_1023] {strides = array<i32>} : memref<2x400x64xf32, #tpu.memory_space<vmem>>, vector<16xf32>,
        %get3A_1025 = arith.index_cast %add3A_999 : i32 to index
        %get3A_1026 = arith.constant 16 : index
        %get3A_1027 = tpu.vector_load %arg7[%get3A_1025, %get3A_1026] {strides = array<i32>} : memref<200x64xf32, #tpu.memory_space<vmem>>, vector<16xf32>,
        %add3A_1028 = arith.addf %get3A_1024, %get3A_1027 : vector<16xf32>
        %add3A_1029 = arith.constant 100 : i32
        %add3A_1030 = arith.addi %add3A_1029, %scan3A_920 : i32
        %swap3A_1031 = arith.constant 1 : i32
        %swap3A_1032 = arith.index_cast %swap3A_1031 : i32 to index
        %swap3A_1033 = arith.index_cast %add3A_1030 : i32 to index
        %swap3A_1034 = arith.constant 80 : index
        %swap3A_1035 = tpu.vector_load %arg9[%swap3A_1032, %swap3A_1033, %swap3A_1034] {strides = array<i32>} : memref<2x200x128xf32, #tpu.memory_space<vmem>>, vector<16xf32>,
        tpu.vector_store %arg9[%swap3A_1032, %swap3A_1033, %swap3A_1034], %add3A_1028 {strides = array<i32>} : memref<2x200x128xf32, #tpu.memory_space<vmem>>, vector<16xf32>,
        %add3A_1036 = arith.constant 200 : i32
        %add3A_1037 = arith.addi %add3A_1036, %add3A_999 : i32
        %get3A_1038 = arith.constant 1 : i32
        %get3A_1039 = arith.index_cast %get3A_1038 : i32 to index
        %get3A_1040 = arith.index_cast %add3A_1037 : i32 to index
        %get3A_1041 = arith.constant 32 : index
        %get3A_1042 = tpu.vector_load %arg8[%get3A_1039, %get3A_1040, %get3A_1041] {strides = array<i32>} : memref<2x400x64xf32, #tpu.memory_space<vmem>>, vector<16xf32>,
        %get3A_1043 = arith.index_cast %add3A_999 : i32 to index
        %get3A_1044 = arith.constant 32 : index
        %get3A_1045 = tpu.vector_load %arg7[%get3A_1043, %get3A_1044] {strides = array<i32>} : memref<200x64xf32, #tpu.memory_space<vmem>>, vector<16xf32>,
        %add3A_1046 = arith.addf %get3A_1042, %get3A_1045 : vector<16xf32>
        %add3A_1047 = arith.constant 100 : i32
        %add3A_1048 = arith.addi %add3A_1047, %scan3A_920 : i32
        %swap3A_1049 = arith.constant 1 : i32
        %swap3A_1050 = arith.index_cast %swap3A_1049 : i32 to index
        %swap3A_1051 = arith.index_cast %add3A_1048 : i32 to index
        %swap3A_1052 = arith.constant 96 : index
        %swap3A_1053 = tpu.vector_load %arg9[%swap3A_1050, %swap3A_1051, %swap3A_1052] {strides = array<i32>} : memref<2x200x128xf32, #tpu.memory_space<vmem>>, vector<16xf32>,
        tpu.vector_store %arg9[%swap3A_1050, %swap3A_1051, %swap3A_1052], %add3A_1046 {strides = array<i32>} : memref<2x200x128xf32, #tpu.memory_space<vmem>>, vector<16xf32>,
        %add3A_1054 = arith.constant 200 : i32
        %add3A_1055 = arith.addi %add3A_1054, %add3A_999 : i32
        %get3A_1056 = arith.constant 1 : i32
        %get3A_1057 = arith.index_cast %get3A_1056 : i32 to index
        %get3A_1058 = arith.index_cast %add3A_1055 : i32 to index
        %get3A_1059 = arith.constant 48 : index
        %get3A_1060 = tpu.vector_load %arg8[%get3A_1057, %get3A_1058, %get3A_1059] {strides = array<i32>} : memref<2x400x64xf32, #tpu.memory_space<vmem>>, vector<16xf32>,
        %get3A_1061 = arith.index_cast %add3A_999 : i32 to index
        %get3A_1062 = arith.constant 48 : index
        %get3A_1063 = tpu.vector_load %arg7[%get3A_1061, %get3A_1062] {strides = array<i32>} : memref<200x64xf32, #tpu.memory_space<vmem>>, vector<16xf32>,
        %add3A_1064 = arith.addf %get3A_1060, %get3A_1063 : vector<16xf32>
        %add3A_1065 = arith.constant 100 : i32
        %add3A_1066 = arith.addi %add3A_1065, %scan3A_920 : i32
        %swap3A_1067 = arith.constant 1 : i32
        %swap3A_1068 = arith.index_cast %swap3A_1067 : i32 to index
        %swap3A_1069 = arith.index_cast %add3A_1066 : i32 to index
        %swap3A_1070 = arith.constant 112 : index
        %swap3A_1071 = tpu.vector_load %arg9[%swap3A_1068, %swap3A_1069, %swap3A_1070] {strides = array<i32>} : memref<2x200x128xf32, #tpu.memory_space<vmem>>, vector<16xf32>,
        tpu.vector_store %arg9[%swap3A_1068, %swap3A_1069, %swap3A_1070], %add3A_1064 {strides = array<i32>} : memref<2x200x128xf32, #tpu.memory_space<vmem>>, vector<16xf32>,
        %scan3A_1072 = arith.constant 0 : i32
        scf.yield %scan3A_1072 : i32
      }
      %scan3A_838 = arith.constant 100 : i32
      %add3A_839 = arith.addi %mul3A_2, %add3A_759 : i32
      %dma_start3A_840 = arith.constant 1 : i32
      %dma_start3A_841 = arith.constant 0 : i32
      %dma_start3A_842 = arith.constant 0 : i32
      %dma_start3A_843 = tpu.memref_slice %arg9[%dma_start3A_840, %dma_start3A_841, %dma_start3A_842] : memref<2x200x128xf32, #tpu.memory_space<vmem>> -> memref<1x200x128xf32, #tpu.memory_space<vmem>>
      %dma_start3A_844 = tpu.memref_squeeze %dma_start3A_843 : memref<1x200x128xf32, #tpu.memory_space<vmem>> -> memref<200x128xf32, #tpu.memory_space<vmem>>
      %dma_start3A_845 = arith.constant 0 : i32
      %dma_start3A_846 = arith.constant 0 : i32
      %dma_start3A_847 = tpu.memref_slice %arg5[%add3A_839, %dma_start3A_845, %dma_start3A_846] : memref<512x200x128xf32, #tpu.memory_space<hbm>> -> memref<1x200x128xf32, #tpu.memory_space<hbm>>
      %dma_start3A_848 = tpu.memref_squeeze %dma_start3A_847 : memref<1x200x128xf32, #tpu.memory_space<hbm>> -> memref<200x128xf32, #tpu.memory_space<hbm>>
      %dma_start3A_849 = arith.constant 0 : i32
      %dma_start3A_850 = arith.constant 0 : i32
      %dma_start3A_851 = tpu.memref_slice %arg5[%add3A_839, %dma_start3A_849, %dma_start3A_850] : memref<512x200x128xf32, #tpu.memory_space<hbm>> -> memref<1x200x128xf32, #tpu.memory_space<hbm>>
      %dma_start3A_852 = tpu.memref_squeeze %dma_start3A_851 : memref<1x200x128xf32, #tpu.memory_space<hbm>> -> memref<200x128xf32, #tpu.memory_space<hbm>>
      %dma_start3A_853 = arith.constant 0 : i32
      %dma_start3A_854 = arith.constant 0 : i32
      %dma_start3A_855 = tpu.memref_slice %arg9[%dma_start3A_840, %dma_start3A_853, %dma_start3A_854] : memref<2x200x128xf32, #tpu.memory_space<vmem>> -> memref<1x200x128xf32, #tpu.memory_space<vmem>>
      %dma_start3A_856 = tpu.memref_squeeze %dma_start3A_855 : memref<1x200x128xf32, #tpu.memory_space<vmem>> -> memref<200x128xf32, #tpu.memory_space<vmem>>
      tpu.enqueue_dma source(%dma_start3A_856 : memref<200x128xf32, #tpu.memory_space<vmem>>) target(%dma_start3A_852 : memref<200x128xf32, #tpu.memory_space<hbm>>) target_semaphore(%arg13 : memref<!tpu.dma_semaphore, #tpu.memory_space<semaphore_mem>>)
      %add3A_857 = arith.constant 2 : i32
      %add3A_858 = arith.addi %add3A_759, %add3A_857 : i32
      %mul3A_859 = arith.constant 4 : i32
      %mul3A_860 = arith.muli %mul3A_859, %add3A_858 : i32
      %add3A_861 = arith.constant 0 : i32
      %add3A_862 = arith.addi %mul3A_860, %add3A_861 : i32
      %dma_start3A_863 = arith.constant 1 : i32
      %dma_start3A_864 = arith.constant 0 : i32
      %dma_start3A_865 = arith.constant 0 : i32
      %dma_start3A_866 = tpu.memref_slice %arg8[%dma_start3A_863, %dma_start3A_864, %dma_start3A_865] : memref<2x400x64xf32, #tpu.memory_space<vmem>> -> memref<1x100x64xf32, #tpu.memory_space<vmem>>
      %dma_start3A_867 = tpu.memref_squeeze %dma_start3A_866 : memref<1x100x64xf32, #tpu.memory_space<vmem>> -> memref<100x64xf32, #tpu.memory_space<vmem>>
      %dma_start3A_868 = arith.constant 0 : i32
      %dma_start3A_869 = tpu.memref_slice %arg6[%add3A_862, %dma_start3A_868] : memref<64x100xi32, #tpu.memory_space<vmem>> -> memref<1x100xi32, #tpu.memory_space<vmem>>
      %dma_start3A_870 = tpu.memref_squeeze %dma_start3A_869 : memref<1x100xi32, #tpu.memory_space<vmem>> -> memref<100xi32, #tpu.memory_space<vmem>>
      %dma_start3A_871 = arith.constant 0 : i32
      %dma_start3A_872 = arith.constant 0 : i32
      %dma_start3A_873 = tpu.memref_slice %arg4[%dma_start3A_871, %dma_start3A_872] : memref<2000000x64xf32, #tpu.memory_space<hbm>> -> memref<2000000x64xf32, #tpu.memory_space<hbm>>
      tpu.enqueue_indirect_dma source(%dma_start3A_873 : memref<2000000x64xf32, #tpu.memory_space<hbm>>) target(%dma_start3A_867 : memref<100x64xf32, #tpu.memory_space<vmem>>) offsets(%dma_start3A_870 : memref<100xi32, #tpu.memory_space<vmem>>) semaphore(%arg11 : memref<!tpu.dma_semaphore, #tpu.memory_space<semaphore_mem>>)
      %mul3A_874 = arith.constant 4 : i32
      %mul3A_875 = arith.muli %mul3A_874, %add3A_858 : i32
      %add3A_876 = arith.constant 1 : i32
      %add3A_877 = arith.addi %mul3A_875, %add3A_876 : i32
      %dma_start3A_878 = arith.constant 1 : i32
      %dma_start3A_879 = arith.constant 100 : i32
      %dma_start3A_880 = arith.constant 0 : i32
      %dma_start3A_881 = tpu.memref_slice %arg8[%dma_start3A_878, %dma_start3A_879, %dma_start3A_880] : memref<2x400x64xf32, #tpu.memory_space<vmem>> -> memref<1x100x64xf32, #tpu.memory_space<vmem>>
      %dma_start3A_882 = tpu.memref_squeeze %dma_start3A_881 : memref<1x100x64xf32, #tpu.memory_space<vmem>> -> memref<100x64xf32, #tpu.memory_space<vmem>>
      %dma_start3A_883 = arith.constant 0 : i32
      %dma_start3A_884 = tpu.memref_slice %arg6[%add3A_877, %dma_start3A_883] : memref<64x100xi32, #tpu.memory_space<vmem>> -> memref<1x100xi32, #tpu.memory_space<vmem>>
      %dma_start3A_885 = tpu.memref_squeeze %dma_start3A_884 : memref<1x100xi32, #tpu.memory_space<vmem>> -> memref<100xi32, #tpu.memory_space<vmem>>
      %dma_start3A_886 = arith.constant 0 : i32
      %dma_start3A_887 = arith.constant 0 : i32
      %dma_start3A_888 = tpu.memref_slice %arg4[%dma_start3A_886, %dma_start3A_887] : memref<2000000x64xf32, #tpu.memory_space<hbm>> -> memref<2000000x64xf32, #tpu.memory_space<hbm>>
      tpu.enqueue_indirect_dma source(%dma_start3A_888 : memref<2000000x64xf32, #tpu.memory_space<hbm>>) target(%dma_start3A_882 : memref<100x64xf32, #tpu.memory_space<vmem>>) offsets(%dma_start3A_885 : memref<100xi32, #tpu.memory_space<vmem>>) semaphore(%arg11 : memref<!tpu.dma_semaphore, #tpu.memory_space<semaphore_mem>>)
      %mul3A_889 = arith.constant 4 : i32
      %mul3A_890 = arith.muli %mul3A_889, %add3A_858 : i32
      %add3A_891 = arith.constant 2 : i32
      %add3A_892 = arith.addi %mul3A_890, %add3A_891 : i32
      %dma_start3A_893 = arith.constant 1 : i32
      %dma_start3A_894 = arith.constant 200 : i32
      %dma_start3A_895 = arith.constant 0 : i32
      %dma_start3A_896 = tpu.memref_slice %arg8[%dma_start3A_893, %dma_start3A_894, %dma_start3A_895] : memref<2x400x64xf32, #tpu.memory_space<vmem>> -> memref<1x100x64xf32, #tpu.memory_space<vmem>>
      %dma_start3A_897 = tpu.memref_squeeze %dma_start3A_896 : memref<1x100x64xf32, #tpu.memory_space<vmem>> -> memref<100x64xf32, #tpu.memory_space<vmem>>
      %dma_start3A_898 = arith.constant 0 : i32
      %dma_start3A_899 = tpu.memref_slice %arg6[%add3A_892, %dma_start3A_898] : memref<64x100xi32, #tpu.memory_space<vmem>> -> memref<1x100xi32, #tpu.memory_space<vmem>>
      %dma_start3A_900 = tpu.memref_squeeze %dma_start3A_899 : memref<1x100xi32, #tpu.memory_space<vmem>> -> memref<100xi32, #tpu.memory_space<vmem>>
      %dma_start3A_901 = arith.constant 0 : i32
      %dma_start3A_902 = arith.constant 0 : i32
      %dma_start3A_903 = tpu.memref_slice %arg4[%dma_start3A_901, %dma_start3A_902] : memref<2000000x64xf32, #tpu.memory_space<hbm>> -> memref<2000000x64xf32, #tpu.memory_space<hbm>>
      tpu.enqueue_indirect_dma source(%dma_start3A_903 : memref<2000000x64xf32, #tpu.memory_space<hbm>>) target(%dma_start3A_897 : memref<100x64xf32, #tpu.memory_space<vmem>>) offsets(%dma_start3A_900 : memref<100xi32, #tpu.memory_space<vmem>>) semaphore(%arg11 : memref<!tpu.dma_semaphore, #tpu.memory_space<semaphore_mem>>)
      %mul3A_904 = arith.constant 4 : i32
      %mul3A_905 = arith.muli %mul3A_904, %add3A_858 : i32
      %add3A_906 = arith.constant 3 : i32
      %add3A_907 = arith.addi %mul3A_905, %add3A_906 : i32
      %dma_start3A_908 = arith.constant 1 : i32
      %dma_start3A_909 = arith.constant 300 : i32
      %dma_start3A_910 = arith.constant 0 : i32
      %dma_start3A_911 = tpu.memref_slice %arg8[%dma_start3A_908, %dma_start3A_909, %dma_start3A_910] : memref<2x400x64xf32, #tpu.memory_space<vmem>> -> memref<1x100x64xf32, #tpu.memory_space<vmem>>
      %dma_start3A_912 = tpu.memref_squeeze %dma_start3A_911 : memref<1x100x64xf32, #tpu.memory_space<vmem>> -> memref<100x64xf32, #tpu.memory_space<vmem>>
      %dma_start3A_913 = arith.constant 0 : i32
      %dma_start3A_914 = tpu.memref_slice %arg6[%add3A_907, %dma_start3A_913] : memref<64x100xi32, #tpu.memory_space<vmem>> -> memref<1x100xi32, #tpu.memory_space<vmem>>
      %dma_start3A_915 = tpu.memref_squeeze %dma_start3A_914 : memref<1x100xi32, #tpu.memory_space<vmem>> -> memref<100xi32, #tpu.memory_space<vmem>>
      %dma_start3A_916 = arith.constant 0 : i32
      %dma_start3A_917 = arith.constant 0 : i32
      %dma_start3A_918 = tpu.memref_slice %arg4[%dma_start3A_916, %dma_start3A_917] : memref<2000000x64xf32, #tpu.memory_space<hbm>> -> memref<2000000x64xf32, #tpu.memory_space<hbm>>
      tpu.enqueue_indirect_dma source(%dma_start3A_918 : memref<2000000x64xf32, #tpu.memory_space<hbm>>) target(%dma_start3A_912 : memref<100x64xf32, #tpu.memory_space<vmem>>) offsets(%dma_start3A_915 : memref<100xi32, #tpu.memory_space<vmem>>) semaphore(%arg11 : memref<!tpu.dma_semaphore, #tpu.memory_space<semaphore_mem>>)
      %scan3A_919 = arith.constant 0 : i32
      scf.yield %scan3A_919 : i32
    }
    %scan3A_360 = arith.constant 6 : i32
    %dma_wait3A_361 = arith.constant 0 : i32
    %dma_wait3A_362 = arith.constant 0 : i32
    %dma_wait3A_363 = arith.constant 0 : i32
    %dma_wait3A_364 = arith.constant 0 : i32
    %dma_wait3A_365 = tpu.memref_slice %arg8[%dma_wait3A_362, %dma_wait3A_363, %dma_wait3A_364] : memref<2x400x64xf32, #tpu.memory_space<vmem>> -> memref<1x100x64xf32, #tpu.memory_space<vmem>>
    %dma_wait3A_366 = tpu.memref_squeeze %dma_wait3A_365 : memref<1x100x64xf32, #tpu.memory_space<vmem>> -> memref<100x64xf32, #tpu.memory_space<vmem>>
    %dma_wait3A_367 = arith.constant 0 : i32
    %dma_wait3A_368 = tpu.memref_slice %arg6[%dma_wait3A_361, %dma_wait3A_367] : memref<64x100xi32, #tpu.memory_space<vmem>> -> memref<1x100xi32, #tpu.memory_space<vmem>>
    %dma_wait3A_369 = tpu.memref_squeeze %dma_wait3A_368 : memref<1x100xi32, #tpu.memory_space<vmem>> -> memref<100xi32, #tpu.memory_space<vmem>>
    %dma_wait3A_370 = arith.constant 0 : i32
    %dma_wait3A_371 = arith.constant 0 : i32
    %dma_wait3A_372 = tpu.memref_slice %arg4[%dma_wait3A_370, %dma_wait3A_371] : memref<2000000x64xf32, #tpu.memory_space<hbm>> -> memref<2000000x64xf32, #tpu.memory_space<hbm>>
    tpu.wait_indirect_dma semaphore(%arg10 : memref<!tpu.dma_semaphore, #tpu.memory_space<semaphore_mem>>) src(%dma_wait3A_372 : memref<2000000x64xf32, #tpu.memory_space<hbm>>) dst(%dma_wait3A_366 : memref<100x64xf32, #tpu.memory_space<vmem>>)
    %dma_wait3A_373 = arith.constant 0 : i32
    %dma_wait3A_374 = arith.constant 0 : i32
    %dma_wait3A_375 = arith.constant 0 : i32
    %dma_wait3A_376 = arith.constant 0 : i32
    %dma_wait3A_377 = tpu.memref_slice %arg8[%dma_wait3A_374, %dma_wait3A_375, %dma_wait3A_376] : memref<2x400x64xf32, #tpu.memory_space<vmem>> -> memref<1x100x64xf32, #tpu.memory_space<vmem>>
    %dma_wait3A_378 = tpu.memref_squeeze %dma_wait3A_377 : memref<1x100x64xf32, #tpu.memory_space<vmem>> -> memref<100x64xf32, #tpu.memory_space<vmem>>
    %dma_wait3A_379 = arith.constant 0 : i32
    %dma_wait3A_380 = tpu.memref_slice %arg6[%dma_wait3A_373, %dma_wait3A_379] : memref<64x100xi32, #tpu.memory_space<vmem>> -> memref<1x100xi32, #tpu.memory_space<vmem>>
    %dma_wait3A_381 = tpu.memref_squeeze %dma_wait3A_380 : memref<1x100xi32, #tpu.memory_space<vmem>> -> memref<100xi32, #tpu.memory_space<vmem>>
    %dma_wait3A_382 = arith.constant 0 : i32
    %dma_wait3A_383 = arith.constant 0 : i32
    %dma_wait3A_384 = tpu.memref_slice %arg4[%dma_wait3A_382, %dma_wait3A_383] : memref<2000000x64xf32, #tpu.memory_space<hbm>> -> memref<2000000x64xf32, #tpu.memory_space<hbm>>
    tpu.wait_indirect_dma semaphore(%arg10 : memref<!tpu.dma_semaphore, #tpu.memory_space<semaphore_mem>>) src(%dma_wait3A_384 : memref<2000000x64xf32, #tpu.memory_space<hbm>>) dst(%dma_wait3A_378 : memref<100x64xf32, #tpu.memory_space<vmem>>)
    %dma_wait3A_385 = arith.constant 0 : i32
    %dma_wait3A_386 = arith.constant 0 : i32
    %dma_wait3A_387 = arith.constant 0 : i32
    %dma_wait3A_388 = arith.constant 0 : i32
    %dma_wait3A_389 = tpu.memref_slice %arg8[%dma_wait3A_386, %dma_wait3A_387, %dma_wait3A_388] : memref<2x400x64xf32, #tpu.memory_space<vmem>> -> memref<1x100x64xf32, #tpu.memory_space<vmem>>
    %dma_wait3A_390 = tpu.memref_squeeze %dma_wait3A_389 : memref<1x100x64xf32, #tpu.memory_space<vmem>> -> memref<100x64xf32, #tpu.memory_space<vmem>>
    %dma_wait3A_391 = arith.constant 0 : i32
    %dma_wait3A_392 = tpu.memref_slice %arg6[%dma_wait3A_385, %dma_wait3A_391] : memref<64x100xi32, #tpu.memory_space<vmem>> -> memref<1x100xi32, #tpu.memory_space<vmem>>
    %dma_wait3A_393 = tpu.memref_squeeze %dma_wait3A_392 : memref<1x100xi32, #tpu.memory_space<vmem>> -> memref<100xi32, #tpu.memory_space<vmem>>
    %dma_wait3A_394 = arith.constant 0 : i32
    %dma_wait3A_395 = arith.constant 0 : i32
    %dma_wait3A_396 = tpu.memref_slice %arg4[%dma_wait3A_394, %dma_wait3A_395] : memref<2000000x64xf32, #tpu.memory_space<hbm>> -> memref<2000000x64xf32, #tpu.memory_space<hbm>>
    tpu.wait_indirect_dma semaphore(%arg10 : memref<!tpu.dma_semaphore, #tpu.memory_space<semaphore_mem>>) src(%dma_wait3A_396 : memref<2000000x64xf32, #tpu.memory_space<hbm>>) dst(%dma_wait3A_390 : memref<100x64xf32, #tpu.memory_space<vmem>>)
    %dma_wait3A_397 = arith.constant 0 : i32
    %dma_wait3A_398 = arith.constant 0 : i32
    %dma_wait3A_399 = arith.constant 0 : i32
    %dma_wait3A_400 = arith.constant 0 : i32
    %dma_wait3A_401 = tpu.memref_slice %arg8[%dma_wait3A_398, %dma_wait3A_399, %dma_wait3A_400] : memref<2x400x64xf32, #tpu.memory_space<vmem>> -> memref<1x100x64xf32, #tpu.memory_space<vmem>>
    %dma_wait3A_402 = tpu.memref_squeeze %dma_wait3A_401 : memref<1x100x64xf32, #tpu.memory_space<vmem>> -> memref<100x64xf32, #tpu.memory_space<vmem>>
    %dma_wait3A_403 = arith.constant 0 : i32
    %dma_wait3A_404 = tpu.memref_slice %arg6[%dma_wait3A_397, %dma_wait3A_403] : memref<64x100xi32, #tpu.memory_space<vmem>> -> memref<1x100xi32, #tpu.memory_space<vmem>>
    %dma_wait3A_405 = tpu.memref_squeeze %dma_wait3A_404 : memref<1x100xi32, #tpu.memory_space<vmem>> -> memref<100xi32, #tpu.memory_space<vmem>>
    %dma_wait3A_406 = arith.constant 0 : i32
    %dma_wait3A_407 = arith.constant 0 : i32
    %dma_wait3A_408 = tpu.memref_slice %arg4[%dma_wait3A_406, %dma_wait3A_407] : memref<2000000x64xf32, #tpu.memory_space<hbm>> -> memref<2000000x64xf32, #tpu.memory_space<hbm>>
    tpu.wait_indirect_dma semaphore(%arg10 : memref<!tpu.dma_semaphore, #tpu.memory_space<semaphore_mem>>) src(%dma_wait3A_408 : memref<2000000x64xf32, #tpu.memory_space<hbm>>) dst(%dma_wait3A_402 : memref<100x64xf32, #tpu.memory_space<vmem>>)
    %dma_wait3A_409 = arith.constant 0 : i32
    %dma_wait3A_410 = arith.constant 0 : i32
    %dma_wait3A_411 = arith.constant 0 : i32
    %dma_wait3A_412 = tpu.memref_slice %arg9[%dma_wait3A_409, %dma_wait3A_410, %dma_wait3A_411] : memref<2x200x128xf32, #tpu.memory_space<vmem>> -> memref<1x200x128xf32, #tpu.memory_space<vmem>>
    %dma_wait3A_413 = tpu.memref_squeeze %dma_wait3A_412 : memref<1x200x128xf32, #tpu.memory_space<vmem>> -> memref<200x128xf32, #tpu.memory_space<vmem>>
    %dma_wait3A_414 = arith.constant 0 : i32
    %dma_wait3A_415 = arith.constant 0 : i32
    %dma_wait3A_416 = tpu.memref_slice %arg5[%mul3A_2, %dma_wait3A_414, %dma_wait3A_415] : memref<512x200x128xf32, #tpu.memory_space<hbm>> -> memref<1x200x128xf32, #tpu.memory_space<hbm>>
    %dma_wait3A_417 = tpu.memref_squeeze %dma_wait3A_416 : memref<1x200x128xf32, #tpu.memory_space<hbm>> -> memref<200x128xf32, #tpu.memory_space<hbm>>
    %dma_wait3A_418 = arith.constant 0 : i32
    %dma_wait3A_419 = arith.constant 0 : i32
    %dma_wait3A_420 = tpu.memref_slice %arg5[%mul3A_2, %dma_wait3A_418, %dma_wait3A_419] : memref<512x200x128xf32, #tpu.memory_space<hbm>> -> memref<1x200x128xf32, #tpu.memory_space<hbm>>
    %dma_wait3A_421 = tpu.memref_squeeze %dma_wait3A_420 : memref<1x200x128xf32, #tpu.memory_space<hbm>> -> memref<200x128xf32, #tpu.memory_space<hbm>>
    %dma_wait3A_422 = arith.constant 0 : i32
    %dma_wait3A_423 = arith.constant 0 : i32
    %dma_wait3A_424 = tpu.memref_slice %arg9[%dma_wait3A_409, %dma_wait3A_422, %dma_wait3A_423] : memref<2x200x128xf32, #tpu.memory_space<vmem>> -> memref<1x200x128xf32, #tpu.memory_space<vmem>>
    %dma_wait3A_425 = tpu.memref_squeeze %dma_wait3A_424 : memref<1x200x128xf32, #tpu.memory_space<vmem>> -> memref<200x128xf32, #tpu.memory_space<vmem>>
    tpu.wait_dma2 semaphore(%arg12 : memref<!tpu.dma_semaphore, #tpu.memory_space<semaphore_mem>>) src(%dma_wait3A_425 : memref<200x128xf32, #tpu.memory_space<vmem>>) dst(%dma_wait3A_421 : memref<200x128xf32, #tpu.memory_space<hbm>>)
    %scan3A_426 = arith.constant 0 : i32
    %scan3A_427 = arith.constant 0 : i32
    %scan3A_428 = arith.constant 100 : i32
    %scan3A_429 = arith.addi %scan3A_427, %scan3A_428 : i32
    %scan3A_430 = arith.constant 1 : i32
    %scan3A_431 = scf.for %scan3A_591 = %scan3A_427 to %scan3A_429 step %scan3A_430 iter_args(%scan3A_592 = %scan3A_426) -> (i32)  : i32 {
      %mul3A_593 = arith.constant 2 : i32
      %mul3A_594 = arith.muli %mul3A_593, %scan3A_591 : i32
      %add3A_595 = arith.constant 0 : i32
      %add3A_596 = arith.addi %mul3A_594, %add3A_595 : i32
      %add3A_597 = arith.constant 0 : i32
      %add3A_598 = arith.addi %add3A_597, %add3A_596 : i32
      %get3A = arith.constant 0 : i32
      %get3A_599 = arith.index_cast %get3A : i32 to index
      %get3A_600 = arith.index_cast %add3A_598 : i32 to index
      %get3A_601 = arith.constant 0 : index
      %get3A_602 = tpu.vector_load %arg8[%get3A_599, %get3A_600, %get3A_601] {strides = array<i32>} : memref<2x400x64xf32, #tpu.memory_space<vmem>>, vector<16xf32>,
      %get3A_603 = arith.index_cast %add3A_596 : i32 to index
      %get3A_604 = arith.constant 0 : index
      %get3A_605 = tpu.vector_load %arg7[%get3A_603, %get3A_604] {strides = array<i32>} : memref<200x64xf32, #tpu.memory_space<vmem>>, vector<16xf32>,
      %add3A_606 = arith.addf %get3A_602, %get3A_605 : vector<16xf32>
      %add3A_607 = arith.constant 0 : i32
      %add3A_608 = arith.addi %add3A_607, %scan3A_591 : i32
      %swap3A = arith.constant 0 : i32
      %swap3A_609 = arith.index_cast %swap3A : i32 to index
      %swap3A_610 = arith.index_cast %add3A_608 : i32 to index
      %swap3A_611 = arith.constant 0 : index
      %swap3A_612 = tpu.vector_load %arg9[%swap3A_609, %swap3A_610, %swap3A_611] {strides = array<i32>} : memref<2x200x128xf32, #tpu.memory_space<vmem>>, vector<16xf32>,
      tpu.vector_store %arg9[%swap3A_609, %swap3A_610, %swap3A_611], %add3A_606 {strides = array<i32>} : memref<2x200x128xf32, #tpu.memory_space<vmem>>, vector<16xf32>,
      %add3A_613 = arith.constant 0 : i32
      %add3A_614 = arith.addi %add3A_613, %add3A_596 : i32
      %get3A_615 = arith.constant 0 : i32
      %get3A_616 = arith.index_cast %get3A_615 : i32 to index
      %get3A_617 = arith.index_cast %add3A_614 : i32 to index
      %get3A_618 = arith.constant 16 : index
      %get3A_619 = tpu.vector_load %arg8[%get3A_616, %get3A_617, %get3A_618] {strides = array<i32>} : memref<2x400x64xf32, #tpu.memory_space<vmem>>, vector<16xf32>,
      %get3A_620 = arith.index_cast %add3A_596 : i32 to index
      %get3A_621 = arith.constant 16 : index
      %get3A_622 = tpu.vector_load %arg7[%get3A_620, %get3A_621] {strides = array<i32>} : memref<200x64xf32, #tpu.memory_space<vmem>>, vector<16xf32>,
      %add3A_623 = arith.addf %get3A_619, %get3A_622 : vector<16xf32>
      %add3A_624 = arith.constant 0 : i32
      %add3A_625 = arith.addi %add3A_624, %scan3A_591 : i32
      %swap3A_626 = arith.constant 0 : i32
      %swap3A_627 = arith.index_cast %swap3A_626 : i32 to index
      %swap3A_628 = arith.index_cast %add3A_625 : i32 to index
      %swap3A_629 = arith.constant 16 : index
      %swap3A_630 = tpu.vector_load %arg9[%swap3A_627, %swap3A_628, %swap3A_629] {strides = array<i32>} : memref<2x200x128xf32, #tpu.memory_space<vmem>>, vector<16xf32>,
      tpu.vector_store %arg9[%swap3A_627, %swap3A_628, %swap3A_629], %add3A_623 {strides = array<i32>} : memref<2x200x128xf32, #tpu.memory_space<vmem>>, vector<16xf32>,
      %add3A_631 = arith.constant 0 : i32
      %add3A_632 = arith.addi %add3A_631, %add3A_596 : i32
      %get3A_633 = arith.constant 0 : i32
      %get3A_634 = arith.index_cast %get3A_633 : i32 to index
      %get3A_635 = arith.index_cast %add3A_632 : i32 to index
      %get3A_636 = arith.constant 32 : index
      %get3A_637 = tpu.vector_load %arg8[%get3A_634, %get3A_635, %get3A_636] {strides = array<i32>} : memref<2x400x64xf32, #tpu.memory_space<vmem>>, vector<16xf32>,
      %get3A_638 = arith.index_cast %add3A_596 : i32 to index
      %get3A_639 = arith.constant 32 : index
      %get3A_640 = tpu.vector_load %arg7[%get3A_638, %get3A_639] {strides = array<i32>} : memref<200x64xf32, #tpu.memory_space<vmem>>, vector<16xf32>,
      %add3A_641 = arith.addf %get3A_637, %get3A_640 : vector<16xf32>
      %add3A_642 = arith.constant 0 : i32
      %add3A_643 = arith.addi %add3A_642, %scan3A_591 : i32
      %swap3A_644 = arith.constant 0 : i32
      %swap3A_645 = arith.index_cast %swap3A_644 : i32 to index
      %swap3A_646 = arith.index_cast %add3A_643 : i32 to index
      %swap3A_647 = arith.constant 32 : index
      %swap3A_648 = tpu.vector_load %arg9[%swap3A_645, %swap3A_646, %swap3A_647] {strides = array<i32>} : memref<2x200x128xf32, #tpu.memory_space<vmem>>, vector<16xf32>,
      tpu.vector_store %arg9[%swap3A_645, %swap3A_646, %swap3A_647], %add3A_641 {strides = array<i32>} : memref<2x200x128xf32, #tpu.memory_space<vmem>>, vector<16xf32>,
      %add3A_649 = arith.constant 0 : i32
      %add3A_650 = arith.addi %add3A_649, %add3A_596 : i32
      %get3A_651 = arith.constant 0 : i32
      %get3A_652 = arith.index_cast %get3A_651 : i32 to index
      %get3A_653 = arith.index_cast %add3A_650 : i32 to index
      %get3A_654 = arith.constant 48 : index
      %get3A_655 = tpu.vector_load %arg8[%get3A_652, %get3A_653, %get3A_654] {strides = array<i32>} : memref<2x400x64xf32, #tpu.memory_space<vmem>>, vector<16xf32>,
      %get3A_656 = arith.index_cast %add3A_596 : i32 to index
      %get3A_657 = arith.constant 48 : index
      %get3A_658 = tpu.vector_load %arg7[%get3A_656, %get3A_657] {strides = array<i32>} : memref<200x64xf32, #tpu.memory_space<vmem>>, vector<16xf32>,
      %add3A_659 = arith.addf %get3A_655, %get3A_658 : vector<16xf32>
      %add3A_660 = arith.constant 0 : i32
      %add3A_661 = arith.addi %add3A_660, %scan3A_591 : i32
      %swap3A_662 = arith.constant 0 : i32
      %swap3A_663 = arith.index_cast %swap3A_662 : i32 to index
      %swap3A_664 = arith.index_cast %add3A_661 : i32 to index
      %swap3A_665 = arith.constant 48 : index
      %swap3A_666 = tpu.vector_load %arg9[%swap3A_663, %swap3A_664, %swap3A_665] {strides = array<i32>} : memref<2x200x128xf32, #tpu.memory_space<vmem>>, vector<16xf32>,
      tpu.vector_store %arg9[%swap3A_663, %swap3A_664, %swap3A_665], %add3A_659 {strides = array<i32>} : memref<2x200x128xf32, #tpu.memory_space<vmem>>, vector<16xf32>,
      %mul3A_667 = arith.constant 2 : i32
      %mul3A_668 = arith.muli %mul3A_667, %scan3A_591 : i32
      %add3A_669 = arith.constant 1 : i32
      %add3A_670 = arith.addi %mul3A_668, %add3A_669 : i32
      %add3A_671 = arith.constant 0 : i32
      %add3A_672 = arith.addi %add3A_671, %add3A_670 : i32
      %get3A_673 = arith.constant 0 : i32
      %get3A_674 = arith.index_cast %get3A_673 : i32 to index
      %get3A_675 = arith.index_cast %add3A_672 : i32 to index
      %get3A_676 = arith.constant 0 : index
      %get3A_677 = tpu.vector_load %arg8[%get3A_674, %get3A_675, %get3A_676] {strides = array<i32>} : memref<2x400x64xf32, #tpu.memory_space<vmem>>, vector<16xf32>,
      %get3A_678 = arith.index_cast %add3A_670 : i32 to index
      %get3A_679 = arith.constant 0 : index
      %get3A_680 = tpu.vector_load %arg7[%get3A_678, %get3A_679] {strides = array<i32>} : memref<200x64xf32, #tpu.memory_space<vmem>>, vector<16xf32>,
      %add3A_681 = arith.addf %get3A_677, %get3A_680 : vector<16xf32>
      %add3A_682 = arith.constant 0 : i32
      %add3A_683 = arith.addi %add3A_682, %scan3A_591 : i32
      %swap3A_684 = arith.constant 0 : i32
      %swap3A_685 = arith.index_cast %swap3A_684 : i32 to index
      %swap3A_686 = arith.index_cast %add3A_683 : i32 to index
      %swap3A_687 = arith.constant 64 : index
      %swap3A_688 = tpu.vector_load %arg9[%swap3A_685, %swap3A_686, %swap3A_687] {strides = array<i32>} : memref<2x200x128xf32, #tpu.memory_space<vmem>>, vector<16xf32>,
      tpu.vector_store %arg9[%swap3A_685, %swap3A_686, %swap3A_687], %add3A_681 {strides = array<i32>} : memref<2x200x128xf32, #tpu.memory_space<vmem>>, vector<16xf32>,
      %add3A_689 = arith.constant 0 : i32
      %add3A_690 = arith.addi %add3A_689, %add3A_670 : i32
      %get3A_691 = arith.constant 0 : i32
      %get3A_692 = arith.index_cast %get3A_691 : i32 to index
      %get3A_693 = arith.index_cast %add3A_690 : i32 to index
      %get3A_694 = arith.constant 16 : index
      %get3A_695 = tpu.vector_load %arg8[%get3A_692, %get3A_693, %get3A_694] {strides = array<i32>} : memref<2x400x64xf32, #tpu.memory_space<vmem>>, vector<16xf32>,
      %get3A_696 = arith.index_cast %add3A_670 : i32 to index
      %get3A_697 = arith.constant 16 : index
      %get3A_698 = tpu.vector_load %arg7[%get3A_696, %get3A_697] {strides = array<i32>} : memref<200x64xf32, #tpu.memory_space<vmem>>, vector<16xf32>,
      %add3A_699 = arith.addf %get3A_695, %get3A_698 : vector<16xf32>
      %add3A_700 = arith.constant 0 : i32
      %add3A_701 = arith.addi %add3A_700, %scan3A_591 : i32
      %swap3A_702 = arith.constant 0 : i32
      %swap3A_703 = arith.index_cast %swap3A_702 : i32 to index
      %swap3A_704 = arith.index_cast %add3A_701 : i32 to index
      %swap3A_705 = arith.constant 80 : index
      %swap3A_706 = tpu.vector_load %arg9[%swap3A_703, %swap3A_704, %swap3A_705] {strides = array<i32>} : memref<2x200x128xf32, #tpu.memory_space<vmem>>, vector<16xf32>,
      tpu.vector_store %arg9[%swap3A_703, %swap3A_704, %swap3A_705], %add3A_699 {strides = array<i32>} : memref<2x200x128xf32, #tpu.memory_space<vmem>>, vector<16xf32>,
      %add3A_707 = arith.constant 0 : i32
      %add3A_708 = arith.addi %add3A_707, %add3A_670 : i32
      %get3A_709 = arith.constant 0 : i32
      %get3A_710 = arith.index_cast %get3A_709 : i32 to index
      %get3A_711 = arith.index_cast %add3A_708 : i32 to index
      %get3A_712 = arith.constant 32 : index
      %get3A_713 = tpu.vector_load %arg8[%get3A_710, %get3A_711, %get3A_712] {strides = array<i32>} : memref<2x400x64xf32, #tpu.memory_space<vmem>>, vector<16xf32>,
      %get3A_714 = arith.index_cast %add3A_670 : i32 to index
      %get3A_715 = arith.constant 32 : index
      %get3A_716 = tpu.vector_load %arg7[%get3A_714, %get3A_715] {strides = array<i32>} : memref<200x64xf32, #tpu.memory_space<vmem>>, vector<16xf32>,
      %add3A_717 = arith.addf %get3A_713, %get3A_716 : vector<16xf32>
      %add3A_718 = arith.constant 0 : i32
      %add3A_719 = arith.addi %add3A_718, %scan3A_591 : i32
      %swap3A_720 = arith.constant 0 : i32
      %swap3A_721 = arith.index_cast %swap3A_720 : i32 to index
      %swap3A_722 = arith.index_cast %add3A_719 : i32 to index
      %swap3A_723 = arith.constant 96 : index
      %swap3A_724 = tpu.vector_load %arg9[%swap3A_721, %swap3A_722, %swap3A_723] {strides = array<i32>} : memref<2x200x128xf32, #tpu.memory_space<vmem>>, vector<16xf32>,
      tpu.vector_store %arg9[%swap3A_721, %swap3A_722, %swap3A_723], %add3A_717 {strides = array<i32>} : memref<2x200x128xf32, #tpu.memory_space<vmem>>, vector<16xf32>,
      %add3A_725 = arith.constant 0 : i32
      %add3A_726 = arith.addi %add3A_725, %add3A_670 : i32
      %get3A_727 = arith.constant 0 : i32
      %get3A_728 = arith.index_cast %get3A_727 : i32 to index
      %get3A_729 = arith.index_cast %add3A_726 : i32 to index
      %get3A_730 = arith.constant 48 : index
      %get3A_731 = tpu.vector_load %arg8[%get3A_728, %get3A_729, %get3A_730] {strides = array<i32>} : memref<2x400x64xf32, #tpu.memory_space<vmem>>, vector<16xf32>,
      %get3A_732 = arith.index_cast %add3A_670 : i32 to index
      %get3A_733 = arith.constant 48 : index
      %get3A_734 = tpu.vector_load %arg7[%get3A_732, %get3A_733] {strides = array<i32>} : memref<200x64xf32, #tpu.memory_space<vmem>>, vector<16xf32>,
      %add3A_735 = arith.addf %get3A_731, %get3A_734 : vector<16xf32>
      %add3A_736 = arith.constant 0 : i32
      %add3A_737 = arith.addi %add3A_736, %scan3A_591 : i32
      %swap3A_738 = arith.constant 0 : i32
      %swap3A_739 = arith.index_cast %swap3A_738 : i32 to index
      %swap3A_740 = arith.index_cast %add3A_737 : i32 to index
      %swap3A_741 = arith.constant 112 : index
      %swap3A_742 = tpu.vector_load %arg9[%swap3A_739, %swap3A_740, %swap3A_741] {strides = array<i32>} : memref<2x200x128xf32, #tpu.memory_space<vmem>>, vector<16xf32>,
      tpu.vector_store %arg9[%swap3A_739, %swap3A_740, %swap3A_741], %add3A_735 {strides = array<i32>} : memref<2x200x128xf32, #tpu.memory_space<vmem>>, vector<16xf32>,
      %scan3A_743 = arith.constant 0 : i32
      scf.yield %scan3A_743 : i32
    }
    %scan3A_432 = arith.constant 100 : i32
    %scan3A_433 = arith.constant 0 : i32
    %scan3A_434 = arith.constant 0 : i32
    %scan3A_435 = arith.constant 100 : i32
    %scan3A_436 = arith.addi %scan3A_434, %scan3A_435 : i32
    %scan3A_437 = arith.constant 1 : i32
    %scan3A_438 = scf.for %scan3A_591 = %scan3A_434 to %scan3A_436 step %scan3A_437 iter_args(%scan3A_592 = %scan3A_433) -> (i32)  : i32 {
      %mul3A_593 = arith.constant 2 : i32
      %mul3A_594 = arith.muli %mul3A_593, %scan3A_591 : i32
      %add3A_595 = arith.constant 0 : i32
      %add3A_596 = arith.addi %mul3A_594, %add3A_595 : i32
      %add3A_597 = arith.constant 200 : i32
      %add3A_598 = arith.addi %add3A_597, %add3A_596 : i32
      %get3A = arith.constant 0 : i32
      %get3A_599 = arith.index_cast %get3A : i32 to index
      %get3A_600 = arith.index_cast %add3A_598 : i32 to index
      %get3A_601 = arith.constant 0 : index
      %get3A_602 = tpu.vector_load %arg8[%get3A_599, %get3A_600, %get3A_601] {strides = array<i32>} : memref<2x400x64xf32, #tpu.memory_space<vmem>>, vector<16xf32>,
      %get3A_603 = arith.index_cast %add3A_596 : i32 to index
      %get3A_604 = arith.constant 0 : index
      %get3A_605 = tpu.vector_load %arg7[%get3A_603, %get3A_604] {strides = array<i32>} : memref<200x64xf32, #tpu.memory_space<vmem>>, vector<16xf32>,
      %add3A_606 = arith.addf %get3A_602, %get3A_605 : vector<16xf32>
      %add3A_607 = arith.constant 100 : i32
      %add3A_608 = arith.addi %add3A_607, %scan3A_591 : i32
      %swap3A = arith.constant 0 : i32
      %swap3A_609 = arith.index_cast %swap3A : i32 to index
      %swap3A_610 = arith.index_cast %add3A_608 : i32 to index
      %swap3A_611 = arith.constant 0 : index
      %swap3A_612 = tpu.vector_load %arg9[%swap3A_609, %swap3A_610, %swap3A_611] {strides = array<i32>} : memref<2x200x128xf32, #tpu.memory_space<vmem>>, vector<16xf32>,
      tpu.vector_store %arg9[%swap3A_609, %swap3A_610, %swap3A_611], %add3A_606 {strides = array<i32>} : memref<2x200x128xf32, #tpu.memory_space<vmem>>, vector<16xf32>,
      %add3A_613 = arith.constant 200 : i32
      %add3A_614 = arith.addi %add3A_613, %add3A_596 : i32
      %get3A_615 = arith.constant 0 : i32
      %get3A_616 = arith.index_cast %get3A_615 : i32 to index
      %get3A_617 = arith.index_cast %add3A_614 : i32 to index
      %get3A_618 = arith.constant 16 : index
      %get3A_619 = tpu.vector_load %arg8[%get3A_616, %get3A_617, %get3A_618] {strides = array<i32>} : memref<2x400x64xf32, #tpu.memory_space<vmem>>, vector<16xf32>,
      %get3A_620 = arith.index_cast %add3A_596 : i32 to index
      %get3A_621 = arith.constant 16 : index
      %get3A_622 = tpu.vector_load %arg7[%get3A_620, %get3A_621] {strides = array<i32>} : memref<200x64xf32, #tpu.memory_space<vmem>>, vector<16xf32>,
      %add3A_623 = arith.addf %get3A_619, %get3A_622 : vector<16xf32>
      %add3A_624 = arith.constant 100 : i32
      %add3A_625 = arith.addi %add3A_624, %scan3A_591 : i32
      %swap3A_626 = arith.constant 0 : i32
      %swap3A_627 = arith.index_cast %swap3A_626 : i32 to index
      %swap3A_628 = arith.index_cast %add3A_625 : i32 to index
      %swap3A_629 = arith.constant 16 : index
      %swap3A_630 = tpu.vector_load %arg9[%swap3A_627, %swap3A_628, %swap3A_629] {strides = array<i32>} : memref<2x200x128xf32, #tpu.memory_space<vmem>>, vector<16xf32>,
      tpu.vector_store %arg9[%swap3A_627, %swap3A_628, %swap3A_629], %add3A_623 {strides = array<i32>} : memref<2x200x128xf32, #tpu.memory_space<vmem>>, vector<16xf32>,
      %add3A_631 = arith.constant 200 : i32
      %add3A_632 = arith.addi %add3A_631, %add3A_596 : i32
      %get3A_633 = arith.constant 0 : i32
      %get3A_634 = arith.index_cast %get3A_633 : i32 to index
      %get3A_635 = arith.index_cast %add3A_632 : i32 to index
      %get3A_636 = arith.constant 32 : index
      %get3A_637 = tpu.vector_load %arg8[%get3A_634, %get3A_635, %get3A_636] {strides = array<i32>} : memref<2x400x64xf32, #tpu.memory_space<vmem>>, vector<16xf32>,
      %get3A_638 = arith.index_cast %add3A_596 : i32 to index
      %get3A_639 = arith.constant 32 : index
      %get3A_640 = tpu.vector_load %arg7[%get3A_638, %get3A_639] {strides = array<i32>} : memref<200x64xf32, #tpu.memory_space<vmem>>, vector<16xf32>,
      %add3A_641 = arith.addf %get3A_637, %get3A_640 : vector<16xf32>
      %add3A_642 = arith.constant 100 : i32
      %add3A_643 = arith.addi %add3A_642, %scan3A_591 : i32
      %swap3A_644 = arith.constant 0 : i32
      %swap3A_645 = arith.index_cast %swap3A_644 : i32 to index
      %swap3A_646 = arith.index_cast %add3A_643 : i32 to index
      %swap3A_647 = arith.constant 32 : index
      %swap3A_648 = tpu.vector_load %arg9[%swap3A_645, %swap3A_646, %swap3A_647] {strides = array<i32>} : memref<2x200x128xf32, #tpu.memory_space<vmem>>, vector<16xf32>,
      tpu.vector_store %arg9[%swap3A_645, %swap3A_646, %swap3A_647], %add3A_641 {strides = array<i32>} : memref<2x200x128xf32, #tpu.memory_space<vmem>>, vector<16xf32>,
      %add3A_649 = arith.constant 200 : i32
      %add3A_650 = arith.addi %add3A_649, %add3A_596 : i32
      %get3A_651 = arith.constant 0 : i32
      %get3A_652 = arith.index_cast %get3A_651 : i32 to index
      %get3A_653 = arith.index_cast %add3A_650 : i32 to index
      %get3A_654 = arith.constant 48 : index
      %get3A_655 = tpu.vector_load %arg8[%get3A_652, %get3A_653, %get3A_654] {strides = array<i32>} : memref<2x400x64xf32, #tpu.memory_space<vmem>>, vector<16xf32>,
      %get3A_656 = arith.index_cast %add3A_596 : i32 to index
      %get3A_657 = arith.constant 48 : index
      %get3A_658 = tpu.vector_load %arg7[%get3A_656, %get3A_657] {strides = array<i32>} : memref<200x64xf32, #tpu.memory_space<vmem>>, vector<16xf32>,
      %add3A_659 = arith.addf %get3A_655, %get3A_658 : vector<16xf32>
      %add3A_660 = arith.constant 100 : i32
      %add3A_661 = arith.addi %add3A_660, %scan3A_591 : i32
      %swap3A_662 = arith.constant 0 : i32
      %swap3A_663 = arith.index_cast %swap3A_662 : i32 to index
      %swap3A_664 = arith.index_cast %add3A_661 : i32 to index
      %swap3A_665 = arith.constant 48 : index
      %swap3A_666 = tpu.vector_load %arg9[%swap3A_663, %swap3A_664, %swap3A_665] {strides = array<i32>} : memref<2x200x128xf32, #tpu.memory_space<vmem>>, vector<16xf32>,
      tpu.vector_store %arg9[%swap3A_663, %swap3A_664, %swap3A_665], %add3A_659 {strides = array<i32>} : memref<2x200x128xf32, #tpu.memory_space<vmem>>, vector<16xf32>,
      %mul3A_667 = arith.constant 2 : i32
      %mul3A_668 = arith.muli %mul3A_667, %scan3A_591 : i32
      %add3A_669 = arith.constant 1 : i32
      %add3A_670 = arith.addi %mul3A_668, %add3A_669 : i32
      %add3A_671 = arith.constant 200 : i32
      %add3A_672 = arith.addi %add3A_671, %add3A_670 : i32
      %get3A_673 = arith.constant 0 : i32
      %get3A_674 = arith.index_cast %get3A_673 : i32 to index
      %get3A_675 = arith.index_cast %add3A_672 : i32 to index
      %get3A_676 = arith.constant 0 : index
      %get3A_677 = tpu.vector_load %arg8[%get3A_674, %get3A_675, %get3A_676] {strides = array<i32>} : memref<2x400x64xf32, #tpu.memory_space<vmem>>, vector<16xf32>,
      %get3A_678 = arith.index_cast %add3A_670 : i32 to index
      %get3A_679 = arith.constant 0 : index
      %get3A_680 = tpu.vector_load %arg7[%get3A_678, %get3A_679] {strides = array<i32>} : memref<200x64xf32, #tpu.memory_space<vmem>>, vector<16xf32>,
      %add3A_681 = arith.addf %get3A_677, %get3A_680 : vector<16xf32>
      %add3A_682 = arith.constant 100 : i32
      %add3A_683 = arith.addi %add3A_682, %scan3A_591 : i32
      %swap3A_684 = arith.constant 0 : i32
      %swap3A_685 = arith.index_cast %swap3A_684 : i32 to index
      %swap3A_686 = arith.index_cast %add3A_683 : i32 to index
      %swap3A_687 = arith.constant 64 : index
      %swap3A_688 = tpu.vector_load %arg9[%swap3A_685, %swap3A_686, %swap3A_687] {strides = array<i32>} : memref<2x200x128xf32, #tpu.memory_space<vmem>>, vector<16xf32>,
      tpu.vector_store %arg9[%swap3A_685, %swap3A_686, %swap3A_687], %add3A_681 {strides = array<i32>} : memref<2x200x128xf32, #tpu.memory_space<vmem>>, vector<16xf32>,
      %add3A_689 = arith.constant 200 : i32
      %add3A_690 = arith.addi %add3A_689, %add3A_670 : i32
      %get3A_691 = arith.constant 0 : i32
      %get3A_692 = arith.index_cast %get3A_691 : i32 to index
      %get3A_693 = arith.index_cast %add3A_690 : i32 to index
      %get3A_694 = arith.constant 16 : index
      %get3A_695 = tpu.vector_load %arg8[%get3A_692, %get3A_693, %get3A_694] {strides = array<i32>} : memref<2x400x64xf32, #tpu.memory_space<vmem>>, vector<16xf32>,
      %get3A_696 = arith.index_cast %add3A_670 : i32 to index
      %get3A_697 = arith.constant 16 : index
      %get3A_698 = tpu.vector_load %arg7[%get3A_696, %get3A_697] {strides = array<i32>} : memref<200x64xf32, #tpu.memory_space<vmem>>, vector<16xf32>,
      %add3A_699 = arith.addf %get3A_695, %get3A_698 : vector<16xf32>
      %add3A_700 = arith.constant 100 : i32
      %add3A_701 = arith.addi %add3A_700, %scan3A_591 : i32
      %swap3A_702 = arith.constant 0 : i32
      %swap3A_703 = arith.index_cast %swap3A_702 : i32 to index
      %swap3A_704 = arith.index_cast %add3A_701 : i32 to index
      %swap3A_705 = arith.constant 80 : index
      %swap3A_706 = tpu.vector_load %arg9[%swap3A_703, %swap3A_704, %swap3A_705] {strides = array<i32>} : memref<2x200x128xf32, #tpu.memory_space<vmem>>, vector<16xf32>,
      tpu.vector_store %arg9[%swap3A_703, %swap3A_704, %swap3A_705], %add3A_699 {strides = array<i32>} : memref<2x200x128xf32, #tpu.memory_space<vmem>>, vector<16xf32>,
      %add3A_707 = arith.constant 200 : i32
      %add3A_708 = arith.addi %add3A_707, %add3A_670 : i32
      %get3A_709 = arith.constant 0 : i32
      %get3A_710 = arith.index_cast %get3A_709 : i32 to index
      %get3A_711 = arith.index_cast %add3A_708 : i32 to index
      %get3A_712 = arith.constant 32 : index
      %get3A_713 = tpu.vector_load %arg8[%get3A_710, %get3A_711, %get3A_712] {strides = array<i32>} : memref<2x400x64xf32, #tpu.memory_space<vmem>>, vector<16xf32>,
      %get3A_714 = arith.index_cast %add3A_670 : i32 to index
      %get3A_715 = arith.constant 32 : index
      %get3A_716 = tpu.vector_load %arg7[%get3A_714, %get3A_715] {strides = array<i32>} : memref<200x64xf32, #tpu.memory_space<vmem>>, vector<16xf32>,
      %add3A_717 = arith.addf %get3A_713, %get3A_716 : vector<16xf32>
      %add3A_718 = arith.constant 100 : i32
      %add3A_719 = arith.addi %add3A_718, %scan3A_591 : i32
      %swap3A_720 = arith.constant 0 : i32
      %swap3A_721 = arith.index_cast %swap3A_720 : i32 to index
      %swap3A_722 = arith.index_cast %add3A_719 : i32 to index
      %swap3A_723 = arith.constant 96 : index
      %swap3A_724 = tpu.vector_load %arg9[%swap3A_721, %swap3A_722, %swap3A_723] {strides = array<i32>} : memref<2x200x128xf32, #tpu.memory_space<vmem>>, vector<16xf32>,
      tpu.vector_store %arg9[%swap3A_721, %swap3A_722, %swap3A_723], %add3A_717 {strides = array<i32>} : memref<2x200x128xf32, #tpu.memory_space<vmem>>, vector<16xf32>,
      %add3A_725 = arith.constant 200 : i32
      %add3A_726 = arith.addi %add3A_725, %add3A_670 : i32
      %get3A_727 = arith.constant 0 : i32
      %get3A_728 = arith.index_cast %get3A_727 : i32 to index
      %get3A_729 = arith.index_cast %add3A_726 : i32 to index
      %get3A_730 = arith.constant 48 : index
      %get3A_731 = tpu.vector_load %arg8[%get3A_728, %get3A_729, %get3A_730] {strides = array<i32>} : memref<2x400x64xf32, #tpu.memory_space<vmem>>, vector<16xf32>,
      %get3A_732 = arith.index_cast %add3A_670 : i32 to index
      %get3A_733 = arith.constant 48 : index
      %get3A_734 = tpu.vector_load %arg7[%get3A_732, %get3A_733] {strides = array<i32>} : memref<200x64xf32, #tpu.memory_space<vmem>>, vector<16xf32>,
      %add3A_735 = arith.addf %get3A_731, %get3A_734 : vector<16xf32>
      %add3A_736 = arith.constant 100 : i32
      %add3A_737 = arith.addi %add3A_736, %scan3A_591 : i32
      %swap3A_738 = arith.constant 0 : i32
      %swap3A_739 = arith.index_cast %swap3A_738 : i32 to index
      %swap3A_740 = arith.index_cast %add3A_737 : i32 to index
      %swap3A_741 = arith.constant 112 : index
      %swap3A_742 = tpu.vector_load %arg9[%swap3A_739, %swap3A_740, %swap3A_741] {strides = array<i32>} : memref<2x200x128xf32, #tpu.memory_space<vmem>>, vector<16xf32>,
      tpu.vector_store %arg9[%swap3A_739, %swap3A_740, %swap3A_741], %add3A_735 {strides = array<i32>} : memref<2x200x128xf32, #tpu.memory_space<vmem>>, vector<16xf32>,
      %scan3A_743 = arith.constant 0 : i32
      scf.yield %scan3A_743 : i32
    }
    %scan3A_439 = arith.constant 100 : i32
    %add3A_440 = arith.constant 14 : i32
    %add3A_441 = arith.addi %mul3A_2, %add3A_440 : i32
    %dma_start3A_442 = arith.constant 0 : i32
    %dma_start3A_443 = arith.constant 0 : i32
    %dma_start3A_444 = arith.constant 0 : i32
    %dma_start3A_445 = tpu.memref_slice %arg9[%dma_start3A_442, %dma_start3A_443, %dma_start3A_444] : memref<2x200x128xf32, #tpu.memory_space<vmem>> -> memref<1x200x128xf32, #tpu.memory_space<vmem>>
    %dma_start3A_446 = tpu.memref_squeeze %dma_start3A_445 : memref<1x200x128xf32, #tpu.memory_space<vmem>> -> memref<200x128xf32, #tpu.memory_space<vmem>>
    %dma_start3A_447 = arith.constant 0 : i32
    %dma_start3A_448 = arith.constant 0 : i32
    %dma_start3A_449 = tpu.memref_slice %arg5[%add3A_441, %dma_start3A_447, %dma_start3A_448] : memref<512x200x128xf32, #tpu.memory_space<hbm>> -> memref<1x200x128xf32, #tpu.memory_space<hbm>>
    %dma_start3A_450 = tpu.memref_squeeze %dma_start3A_449 : memref<1x200x128xf32, #tpu.memory_space<hbm>> -> memref<200x128xf32, #tpu.memory_space<hbm>>
    %dma_start3A_451 = arith.constant 0 : i32
    %dma_start3A_452 = arith.constant 0 : i32
    %dma_start3A_453 = tpu.memref_slice %arg5[%add3A_441, %dma_start3A_451, %dma_start3A_452] : memref<512x200x128xf32, #tpu.memory_space<hbm>> -> memref<1x200x128xf32, #tpu.memory_space<hbm>>
    %dma_start3A_454 = tpu.memref_squeeze %dma_start3A_453 : memref<1x200x128xf32, #tpu.memory_space<hbm>> -> memref<200x128xf32, #tpu.memory_space<hbm>>
    %dma_start3A_455 = arith.constant 0 : i32
    %dma_start3A_456 = arith.constant 0 : i32
    %dma_start3A_457 = tpu.memref_slice %arg9[%dma_start3A_442, %dma_start3A_455, %dma_start3A_456] : memref<2x200x128xf32, #tpu.memory_space<vmem>> -> memref<1x200x128xf32, #tpu.memory_space<vmem>>
    %dma_start3A_458 = tpu.memref_squeeze %dma_start3A_457 : memref<1x200x128xf32, #tpu.memory_space<vmem>> -> memref<200x128xf32, #tpu.memory_space<vmem>>
    tpu.enqueue_dma source(%dma_start3A_458 : memref<200x128xf32, #tpu.memory_space<vmem>>) target(%dma_start3A_454 : memref<200x128xf32, #tpu.memory_space<hbm>>) target_semaphore(%arg12 : memref<!tpu.dma_semaphore, #tpu.memory_space<semaphore_mem>>)
    %dma_wait3A_459 = arith.constant 0 : i32
    %dma_wait3A_460 = arith.constant 1 : i32
    %dma_wait3A_461 = arith.constant 0 : i32
    %dma_wait3A_462 = arith.constant 0 : i32
    %dma_wait3A_463 = tpu.memref_slice %arg8[%dma_wait3A_460, %dma_wait3A_461, %dma_wait3A_462] : memref<2x400x64xf32, #tpu.memory_space<vmem>> -> memref<1x100x64xf32, #tpu.memory_space<vmem>>
    %dma_wait3A_464 = tpu.memref_squeeze %dma_wait3A_463 : memref<1x100x64xf32, #tpu.memory_space<vmem>> -> memref<100x64xf32, #tpu.memory_space<vmem>>
    %dma_wait3A_465 = arith.constant 0 : i32
    %dma_wait3A_466 = tpu.memref_slice %arg6[%dma_wait3A_459, %dma_wait3A_465] : memref<64x100xi32, #tpu.memory_space<vmem>> -> memref<1x100xi32, #tpu.memory_space<vmem>>
    %dma_wait3A_467 = tpu.memref_squeeze %dma_wait3A_466 : memref<1x100xi32, #tpu.memory_space<vmem>> -> memref<100xi32, #tpu.memory_space<vmem>>
    %dma_wait3A_468 = arith.constant 0 : i32
    %dma_wait3A_469 = arith.constant 0 : i32
    %dma_wait3A_470 = tpu.memref_slice %arg4[%dma_wait3A_468, %dma_wait3A_469] : memref<2000000x64xf32, #tpu.memory_space<hbm>> -> memref<2000000x64xf32, #tpu.memory_space<hbm>>
    tpu.wait_indirect_dma semaphore(%arg11 : memref<!tpu.dma_semaphore, #tpu.memory_space<semaphore_mem>>) src(%dma_wait3A_470 : memref<2000000x64xf32, #tpu.memory_space<hbm>>) dst(%dma_wait3A_464 : memref<100x64xf32, #tpu.memory_space<vmem>>)
    %dma_wait3A_471 = arith.constant 0 : i32
    %dma_wait3A_472 = arith.constant 1 : i32
    %dma_wait3A_473 = arith.constant 0 : i32
    %dma_wait3A_474 = arith.constant 0 : i32
    %dma_wait3A_475 = tpu.memref_slice %arg8[%dma_wait3A_472, %dma_wait3A_473, %dma_wait3A_474] : memref<2x400x64xf32, #tpu.memory_space<vmem>> -> memref<1x100x64xf32, #tpu.memory_space<vmem>>
    %dma_wait3A_476 = tpu.memref_squeeze %dma_wait3A_475 : memref<1x100x64xf32, #tpu.memory_space<vmem>> -> memref<100x64xf32, #tpu.memory_space<vmem>>
    %dma_wait3A_477 = arith.constant 0 : i32
    %dma_wait3A_478 = tpu.memref_slice %arg6[%dma_wait3A_471, %dma_wait3A_477] : memref<64x100xi32, #tpu.memory_space<vmem>> -> memref<1x100xi32, #tpu.memory_space<vmem>>
    %dma_wait3A_479 = tpu.memref_squeeze %dma_wait3A_478 : memref<1x100xi32, #tpu.memory_space<vmem>> -> memref<100xi32, #tpu.memory_space<vmem>>
    %dma_wait3A_480 = arith.constant 0 : i32
    %dma_wait3A_481 = arith.constant 0 : i32
    %dma_wait3A_482 = tpu.memref_slice %arg4[%dma_wait3A_480, %dma_wait3A_481] : memref<2000000x64xf32, #tpu.memory_space<hbm>> -> memref<2000000x64xf32, #tpu.memory_space<hbm>>
    tpu.wait_indirect_dma semaphore(%arg11 : memref<!tpu.dma_semaphore, #tpu.memory_space<semaphore_mem>>) src(%dma_wait3A_482 : memref<2000000x64xf32, #tpu.memory_space<hbm>>) dst(%dma_wait3A_476 : memref<100x64xf32, #tpu.memory_space<vmem>>)
    %dma_wait3A_483 = arith.constant 0 : i32
    %dma_wait3A_484 = arith.constant 1 : i32
    %dma_wait3A_485 = arith.constant 0 : i32
    %dma_wait3A_486 = arith.constant 0 : i32
    %dma_wait3A_487 = tpu.memref_slice %arg8[%dma_wait3A_484, %dma_wait3A_485, %dma_wait3A_486] : memref<2x400x64xf32, #tpu.memory_space<vmem>> -> memref<1x100x64xf32, #tpu.memory_space<vmem>>
    %dma_wait3A_488 = tpu.memref_squeeze %dma_wait3A_487 : memref<1x100x64xf32, #tpu.memory_space<vmem>> -> memref<100x64xf32, #tpu.memory_space<vmem>>
    %dma_wait3A_489 = arith.constant 0 : i32
    %dma_wait3A_490 = tpu.memref_slice %arg6[%dma_wait3A_483, %dma_wait3A_489] : memref<64x100xi32, #tpu.memory_space<vmem>> -> memref<1x100xi32, #tpu.memory_space<vmem>>
    %dma_wait3A_491 = tpu.memref_squeeze %dma_wait3A_490 : memref<1x100xi32, #tpu.memory_space<vmem>> -> memref<100xi32, #tpu.memory_space<vmem>>
    %dma_wait3A_492 = arith.constant 0 : i32
    %dma_wait3A_493 = arith.constant 0 : i32
    %dma_wait3A_494 = tpu.memref_slice %arg4[%dma_wait3A_492, %dma_wait3A_493] : memref<2000000x64xf32, #tpu.memory_space<hbm>> -> memref<2000000x64xf32, #tpu.memory_space<hbm>>
    tpu.wait_indirect_dma semaphore(%arg11 : memref<!tpu.dma_semaphore, #tpu.memory_space<semaphore_mem>>) src(%dma_wait3A_494 : memref<2000000x64xf32, #tpu.memory_space<hbm>>) dst(%dma_wait3A_488 : memref<100x64xf32, #tpu.memory_space<vmem>>)
    %dma_wait3A_495 = arith.constant 0 : i32
    %dma_wait3A_496 = arith.constant 1 : i32
    %dma_wait3A_497 = arith.constant 0 : i32
    %dma_wait3A_498 = arith.constant 0 : i32
    %dma_wait3A_499 = tpu.memref_slice %arg8[%dma_wait3A_496, %dma_wait3A_497, %dma_wait3A_498] : memref<2x400x64xf32, #tpu.memory_space<vmem>> -> memref<1x100x64xf32, #tpu.memory_space<vmem>>
    %dma_wait3A_500 = tpu.memref_squeeze %dma_wait3A_499 : memref<1x100x64xf32, #tpu.memory_space<vmem>> -> memref<100x64xf32, #tpu.memory_space<vmem>>
    %dma_wait3A_501 = arith.constant 0 : i32
    %dma_wait3A_502 = tpu.memref_slice %arg6[%dma_wait3A_495, %dma_wait3A_501] : memref<64x100xi32, #tpu.memory_space<vmem>> -> memref<1x100xi32, #tpu.memory_space<vmem>>
    %dma_wait3A_503 = tpu.memref_squeeze %dma_wait3A_502 : memref<1x100xi32, #tpu.memory_space<vmem>> -> memref<100xi32, #tpu.memory_space<vmem>>
    %dma_wait3A_504 = arith.constant 0 : i32
    %dma_wait3A_505 = arith.constant 0 : i32
    %dma_wait3A_506 = tpu.memref_slice %arg4[%dma_wait3A_504, %dma_wait3A_505] : memref<2000000x64xf32, #tpu.memory_space<hbm>> -> memref<2000000x64xf32, #tpu.memory_space<hbm>>
    tpu.wait_indirect_dma semaphore(%arg11 : memref<!tpu.dma_semaphore, #tpu.memory_space<semaphore_mem>>) src(%dma_wait3A_506 : memref<2000000x64xf32, #tpu.memory_space<hbm>>) dst(%dma_wait3A_500 : memref<100x64xf32, #tpu.memory_space<vmem>>)
    %dma_wait3A_507 = arith.constant 1 : i32
    %dma_wait3A_508 = arith.constant 0 : i32
    %dma_wait3A_509 = arith.constant 0 : i32
    %dma_wait3A_510 = tpu.memref_slice %arg9[%dma_wait3A_507, %dma_wait3A_508, %dma_wait3A_509] : memref<2x200x128xf32, #tpu.memory_space<vmem>> -> memref<1x200x128xf32, #tpu.memory_space<vmem>>
    %dma_wait3A_511 = tpu.memref_squeeze %dma_wait3A_510 : memref<1x200x128xf32, #tpu.memory_space<vmem>> -> memref<200x128xf32, #tpu.memory_space<vmem>>
    %dma_wait3A_512 = arith.constant 0 : i32
    %dma_wait3A_513 = arith.constant 0 : i32
    %dma_wait3A_514 = tpu.memref_slice %arg5[%mul3A_2, %dma_wait3A_512, %dma_wait3A_513] : memref<512x200x128xf32, #tpu.memory_space<hbm>> -> memref<1x200x128xf32, #tpu.memory_space<hbm>>
    %dma_wait3A_515 = tpu.memref_squeeze %dma_wait3A_514 : memref<1x200x128xf32, #tpu.memory_space<hbm>> -> memref<200x128xf32, #tpu.memory_space<hbm>>
    %dma_wait3A_516 = arith.constant 0 : i32
    %dma_wait3A_517 = arith.constant 0 : i32
    %dma_wait3A_518 = tpu.memref_slice %arg5[%mul3A_2, %dma_wait3A_516, %dma_wait3A_517] : memref<512x200x128xf32, #tpu.memory_space<hbm>> -> memref<1x200x128xf32, #tpu.memory_space<hbm>>
    %dma_wait3A_519 = tpu.memref_squeeze %dma_wait3A_518 : memref<1x200x128xf32, #tpu.memory_space<hbm>> -> memref<200x128xf32, #tpu.memory_space<hbm>>
    %dma_wait3A_520 = arith.constant 0 : i32
    %dma_wait3A_521 = arith.constant 0 : i32
    %dma_wait3A_522 = tpu.memref_slice %arg9[%dma_wait3A_507, %dma_wait3A_520, %dma_wait3A_521] : memref<2x200x128xf32, #tpu.memory_space<vmem>> -> memref<1x200x128xf32, #tpu.memory_space<vmem>>
    %dma_wait3A_523 = tpu.memref_squeeze %dma_wait3A_522 : memref<1x200x128xf32, #tpu.memory_space<vmem>> -> memref<200x128xf32, #tpu.memory_space<vmem>>
    tpu.wait_dma2 semaphore(%arg13 : memref<!tpu.dma_semaphore, #tpu.memory_space<semaphore_mem>>) src(%dma_wait3A_523 : memref<200x128xf32, #tpu.memory_space<vmem>>) dst(%dma_wait3A_519 : memref<200x128xf32, #tpu.memory_space<hbm>>)
    %scan3A_524 = arith.constant 0 : i32
    %scan3A_525 = arith.constant 0 : i32
    %scan3A_526 = arith.constant 100 : i32
    %scan3A_527 = arith.addi %scan3A_525, %scan3A_526 : i32
    %scan3A_528 = arith.constant 1 : i32
    %scan3A_529 = scf.for %scan3A_591 = %scan3A_525 to %scan3A_527 step %scan3A_528 iter_args(%scan3A_592 = %scan3A_524) -> (i32)  : i32 {
      %mul3A_593 = arith.constant 2 : i32
      %mul3A_594 = arith.muli %mul3A_593, %scan3A_591 : i32
      %add3A_595 = arith.constant 0 : i32
      %add3A_596 = arith.addi %mul3A_594, %add3A_595 : i32
      %add3A_597 = arith.constant 0 : i32
      %add3A_598 = arith.addi %add3A_597, %add3A_596 : i32
      %get3A = arith.constant 1 : i32
      %get3A_599 = arith.index_cast %get3A : i32 to index
      %get3A_600 = arith.index_cast %add3A_598 : i32 to index
      %get3A_601 = arith.constant 0 : index
      %get3A_602 = tpu.vector_load %arg8[%get3A_599, %get3A_600, %get3A_601] {strides = array<i32>} : memref<2x400x64xf32, #tpu.memory_space<vmem>>, vector<16xf32>,
      %get3A_603 = arith.index_cast %add3A_596 : i32 to index
      %get3A_604 = arith.constant 0 : index
      %get3A_605 = tpu.vector_load %arg7[%get3A_603, %get3A_604] {strides = array<i32>} : memref<200x64xf32, #tpu.memory_space<vmem>>, vector<16xf32>,
      %add3A_606 = arith.addf %get3A_602, %get3A_605 : vector<16xf32>
      %add3A_607 = arith.constant 0 : i32
      %add3A_608 = arith.addi %add3A_607, %scan3A_591 : i32
      %swap3A = arith.constant 1 : i32
      %swap3A_609 = arith.index_cast %swap3A : i32 to index
      %swap3A_610 = arith.index_cast %add3A_608 : i32 to index
      %swap3A_611 = arith.constant 0 : index
      %swap3A_612 = tpu.vector_load %arg9[%swap3A_609, %swap3A_610, %swap3A_611] {strides = array<i32>} : memref<2x200x128xf32, #tpu.memory_space<vmem>>, vector<16xf32>,
      tpu.vector_store %arg9[%swap3A_609, %swap3A_610, %swap3A_611], %add3A_606 {strides = array<i32>} : memref<2x200x128xf32, #tpu.memory_space<vmem>>, vector<16xf32>,
      %add3A_613 = arith.constant 0 : i32
      %add3A_614 = arith.addi %add3A_613, %add3A_596 : i32
      %get3A_615 = arith.constant 1 : i32
      %get3A_616 = arith.index_cast %get3A_615 : i32 to index
      %get3A_617 = arith.index_cast %add3A_614 : i32 to index
      %get3A_618 = arith.constant 16 : index
      %get3A_619 = tpu.vector_load %arg8[%get3A_616, %get3A_617, %get3A_618] {strides = array<i32>} : memref<2x400x64xf32, #tpu.memory_space<vmem>>, vector<16xf32>,
      %get3A_620 = arith.index_cast %add3A_596 : i32 to index
      %get3A_621 = arith.constant 16 : index
      %get3A_622 = tpu.vector_load %arg7[%get3A_620, %get3A_621] {strides = array<i32>} : memref<200x64xf32, #tpu.memory_space<vmem>>, vector<16xf32>,
      %add3A_623 = arith.addf %get3A_619, %get3A_622 : vector<16xf32>
      %add3A_624 = arith.constant 0 : i32
      %add3A_625 = arith.addi %add3A_624, %scan3A_591 : i32
      %swap3A_626 = arith.constant 1 : i32
      %swap3A_627 = arith.index_cast %swap3A_626 : i32 to index
      %swap3A_628 = arith.index_cast %add3A_625 : i32 to index
      %swap3A_629 = arith.constant 16 : index
      %swap3A_630 = tpu.vector_load %arg9[%swap3A_627, %swap3A_628, %swap3A_629] {strides = array<i32>} : memref<2x200x128xf32, #tpu.memory_space<vmem>>, vector<16xf32>,
      tpu.vector_store %arg9[%swap3A_627, %swap3A_628, %swap3A_629], %add3A_623 {strides = array<i32>} : memref<2x200x128xf32, #tpu.memory_space<vmem>>, vector<16xf32>,
      %add3A_631 = arith.constant 0 : i32
      %add3A_632 = arith.addi %add3A_631, %add3A_596 : i32
      %get3A_633 = arith.constant 1 : i32
      %get3A_634 = arith.index_cast %get3A_633 : i32 to index
      %get3A_635 = arith.index_cast %add3A_632 : i32 to index
      %get3A_636 = arith.constant 32 : index
      %get3A_637 = tpu.vector_load %arg8[%get3A_634, %get3A_635, %get3A_636] {strides = array<i32>} : memref<2x400x64xf32, #tpu.memory_space<vmem>>, vector<16xf32>,
      %get3A_638 = arith.index_cast %add3A_596 : i32 to index
      %get3A_639 = arith.constant 32 : index
      %get3A_640 = tpu.vector_load %arg7[%get3A_638, %get3A_639] {strides = array<i32>} : memref<200x64xf32, #tpu.memory_space<vmem>>, vector<16xf32>,
      %add3A_641 = arith.addf %get3A_637, %get3A_640 : vector<16xf32>
      %add3A_642 = arith.constant 0 : i32
      %add3A_643 = arith.addi %add3A_642, %scan3A_591 : i32
      %swap3A_644 = arith.constant 1 : i32
      %swap3A_645 = arith.index_cast %swap3A_644 : i32 to index
      %swap3A_646 = arith.index_cast %add3A_643 : i32 to index
      %swap3A_647 = arith.constant 32 : index
      %swap3A_648 = tpu.vector_load %arg9[%swap3A_645, %swap3A_646, %swap3A_647] {strides = array<i32>} : memref<2x200x128xf32, #tpu.memory_space<vmem>>, vector<16xf32>,
      tpu.vector_store %arg9[%swap3A_645, %swap3A_646, %swap3A_647], %add3A_641 {strides = array<i32>} : memref<2x200x128xf32, #tpu.memory_space<vmem>>, vector<16xf32>,
      %add3A_649 = arith.constant 0 : i32
      %add3A_650 = arith.addi %add3A_649, %add3A_596 : i32
      %get3A_651 = arith.constant 1 : i32
      %get3A_652 = arith.index_cast %get3A_651 : i32 to index
      %get3A_653 = arith.index_cast %add3A_650 : i32 to index
      %get3A_654 = arith.constant 48 : index
      %get3A_655 = tpu.vector_load %arg8[%get3A_652, %get3A_653, %get3A_654] {strides = array<i32>} : memref<2x400x64xf32, #tpu.memory_space<vmem>>, vector<16xf32>,
      %get3A_656 = arith.index_cast %add3A_596 : i32 to index
      %get3A_657 = arith.constant 48 : index
      %get3A_658 = tpu.vector_load %arg7[%get3A_656, %get3A_657] {strides = array<i32>} : memref<200x64xf32, #tpu.memory_space<vmem>>, vector<16xf32>,
      %add3A_659 = arith.addf %get3A_655, %get3A_658 : vector<16xf32>
      %add3A_660 = arith.constant 0 : i32
      %add3A_661 = arith.addi %add3A_660, %scan3A_591 : i32
      %swap3A_662 = arith.constant 1 : i32
      %swap3A_663 = arith.index_cast %swap3A_662 : i32 to index
      %swap3A_664 = arith.index_cast %add3A_661 : i32 to index
      %swap3A_665 = arith.constant 48 : index
      %swap3A_666 = tpu.vector_load %arg9[%swap3A_663, %swap3A_664, %swap3A_665] {strides = array<i32>} : memref<2x200x128xf32, #tpu.memory_space<vmem>>, vector<16xf32>,
      tpu.vector_store %arg9[%swap3A_663, %swap3A_664, %swap3A_665], %add3A_659 {strides = array<i32>} : memref<2x200x128xf32, #tpu.memory_space<vmem>>, vector<16xf32>,
      %mul3A_667 = arith.constant 2 : i32
      %mul3A_668 = arith.muli %mul3A_667, %scan3A_591 : i32
      %add3A_669 = arith.constant 1 : i32
      %add3A_670 = arith.addi %mul3A_668, %add3A_669 : i32
      %add3A_671 = arith.constant 0 : i32
      %add3A_672 = arith.addi %add3A_671, %add3A_670 : i32
      %get3A_673 = arith.constant 1 : i32
      %get3A_674 = arith.index_cast %get3A_673 : i32 to index
      %get3A_675 = arith.index_cast %add3A_672 : i32 to index
      %get3A_676 = arith.constant 0 : index
      %get3A_677 = tpu.vector_load %arg8[%get3A_674, %get3A_675, %get3A_676] {strides = array<i32>} : memref<2x400x64xf32, #tpu.memory_space<vmem>>, vector<16xf32>,
      %get3A_678 = arith.index_cast %add3A_670 : i32 to index
      %get3A_679 = arith.constant 0 : index
      %get3A_680 = tpu.vector_load %arg7[%get3A_678, %get3A_679] {strides = array<i32>} : memref<200x64xf32, #tpu.memory_space<vmem>>, vector<16xf32>,
      %add3A_681 = arith.addf %get3A_677, %get3A_680 : vector<16xf32>
      %add3A_682 = arith.constant 0 : i32
      %add3A_683 = arith.addi %add3A_682, %scan3A_591 : i32
      %swap3A_684 = arith.constant 1 : i32
      %swap3A_685 = arith.index_cast %swap3A_684 : i32 to index
      %swap3A_686 = arith.index_cast %add3A_683 : i32 to index
      %swap3A_687 = arith.constant 64 : index
      %swap3A_688 = tpu.vector_load %arg9[%swap3A_685, %swap3A_686, %swap3A_687] {strides = array<i32>} : memref<2x200x128xf32, #tpu.memory_space<vmem>>, vector<16xf32>,
      tpu.vector_store %arg9[%swap3A_685, %swap3A_686, %swap3A_687], %add3A_681 {strides = array<i32>} : memref<2x200x128xf32, #tpu.memory_space<vmem>>, vector<16xf32>,
      %add3A_689 = arith.constant 0 : i32
      %add3A_690 = arith.addi %add3A_689, %add3A_670 : i32
      %get3A_691 = arith.constant 1 : i32
      %get3A_692 = arith.index_cast %get3A_691 : i32 to index
      %get3A_693 = arith.index_cast %add3A_690 : i32 to index
      %get3A_694 = arith.constant 16 : index
      %get3A_695 = tpu.vector_load %arg8[%get3A_692, %get3A_693, %get3A_694] {strides = array<i32>} : memref<2x400x64xf32, #tpu.memory_space<vmem>>, vector<16xf32>,
      %get3A_696 = arith.index_cast %add3A_670 : i32 to index
      %get3A_697 = arith.constant 16 : index
      %get3A_698 = tpu.vector_load %arg7[%get3A_696, %get3A_697] {strides = array<i32>} : memref<200x64xf32, #tpu.memory_space<vmem>>, vector<16xf32>,
      %add3A_699 = arith.addf %get3A_695, %get3A_698 : vector<16xf32>
      %add3A_700 = arith.constant 0 : i32
      %add3A_701 = arith.addi %add3A_700, %scan3A_591 : i32
      %swap3A_702 = arith.constant 1 : i32
      %swap3A_703 = arith.index_cast %swap3A_702 : i32 to index
      %swap3A_704 = arith.index_cast %add3A_701 : i32 to index
      %swap3A_705 = arith.constant 80 : index
      %swap3A_706 = tpu.vector_load %arg9[%swap3A_703, %swap3A_704, %swap3A_705] {strides = array<i32>} : memref<2x200x128xf32, #tpu.memory_space<vmem>>, vector<16xf32>,
      tpu.vector_store %arg9[%swap3A_703, %swap3A_704, %swap3A_705], %add3A_699 {strides = array<i32>} : memref<2x200x128xf32, #tpu.memory_space<vmem>>, vector<16xf32>,
      %add3A_707 = arith.constant 0 : i32
      %add3A_708 = arith.addi %add3A_707, %add3A_670 : i32
      %get3A_709 = arith.constant 1 : i32
      %get3A_710 = arith.index_cast %get3A_709 : i32 to index
      %get3A_711 = arith.index_cast %add3A_708 : i32 to index
      %get3A_712 = arith.constant 32 : index
      %get3A_713 = tpu.vector_load %arg8[%get3A_710, %get3A_711, %get3A_712] {strides = array<i32>} : memref<2x400x64xf32, #tpu.memory_space<vmem>>, vector<16xf32>,
      %get3A_714 = arith.index_cast %add3A_670 : i32 to index
      %get3A_715 = arith.constant 32 : index
      %get3A_716 = tpu.vector_load %arg7[%get3A_714, %get3A_715] {strides = array<i32>} : memref<200x64xf32, #tpu.memory_space<vmem>>, vector<16xf32>,
      %add3A_717 = arith.addf %get3A_713, %get3A_716 : vector<16xf32>
      %add3A_718 = arith.constant 0 : i32
      %add3A_719 = arith.addi %add3A_718, %scan3A_591 : i32
      %swap3A_720 = arith.constant 1 : i32
      %swap3A_721 = arith.index_cast %swap3A_720 : i32 to index
      %swap3A_722 = arith.index_cast %add3A_719 : i32 to index
      %swap3A_723 = arith.constant 96 : index
      %swap3A_724 = tpu.vector_load %arg9[%swap3A_721, %swap3A_722, %swap3A_723] {strides = array<i32>} : memref<2x200x128xf32, #tpu.memory_space<vmem>>, vector<16xf32>,
      tpu.vector_store %arg9[%swap3A_721, %swap3A_722, %swap3A_723], %add3A_717 {strides = array<i32>} : memref<2x200x128xf32, #tpu.memory_space<vmem>>, vector<16xf32>,
      %add3A_725 = arith.constant 0 : i32
      %add3A_726 = arith.addi %add3A_725, %add3A_670 : i32
      %get3A_727 = arith.constant 1 : i32
      %get3A_728 = arith.index_cast %get3A_727 : i32 to index
      %get3A_729 = arith.index_cast %add3A_726 : i32 to index
      %get3A_730 = arith.constant 48 : index
      %get3A_731 = tpu.vector_load %arg8[%get3A_728, %get3A_729, %get3A_730] {strides = array<i32>} : memref<2x400x64xf32, #tpu.memory_space<vmem>>, vector<16xf32>,
      %get3A_732 = arith.index_cast %add3A_670 : i32 to index
      %get3A_733 = arith.constant 48 : index
      %get3A_734 = tpu.vector_load %arg7[%get3A_732, %get3A_733] {strides = array<i32>} : memref<200x64xf32, #tpu.memory_space<vmem>>, vector<16xf32>,
      %add3A_735 = arith.addf %get3A_731, %get3A_734 : vector<16xf32>
      %add3A_736 = arith.constant 0 : i32
      %add3A_737 = arith.addi %add3A_736, %scan3A_591 : i32
      %swap3A_738 = arith.constant 1 : i32
      %swap3A_739 = arith.index_cast %swap3A_738 : i32 to index
      %swap3A_740 = arith.index_cast %add3A_737 : i32 to index
      %swap3A_741 = arith.constant 112 : index
      %swap3A_742 = tpu.vector_load %arg9[%swap3A_739, %swap3A_740, %swap3A_741] {strides = array<i32>} : memref<2x200x128xf32, #tpu.memory_space<vmem>>, vector<16xf32>,
      tpu.vector_store %arg9[%swap3A_739, %swap3A_740, %swap3A_741], %add3A_735 {strides = array<i32>} : memref<2x200x128xf32, #tpu.memory_space<vmem>>, vector<16xf32>,
      %scan3A_743 = arith.constant 0 : i32
      scf.yield %scan3A_743 : i32
    }
    %scan3A_530 = arith.constant 100 : i32
    %scan3A_531 = arith.constant 0 : i32
    %scan3A_532 = arith.constant 0 : i32
    %scan3A_533 = arith.constant 100 : i32
    %scan3A_534 = arith.addi %scan3A_532, %scan3A_533 : i32
    %scan3A_535 = arith.constant 1 : i32
    %scan3A_536 = scf.for %scan3A_591 = %scan3A_532 to %scan3A_534 step %scan3A_535 iter_args(%scan3A_592 = %scan3A_531) -> (i32)  : i32 {
      %mul3A_593 = arith.constant 2 : i32
      %mul3A_594 = arith.muli %mul3A_593, %scan3A_591 : i32
      %add3A_595 = arith.constant 0 : i32
      %add3A_596 = arith.addi %mul3A_594, %add3A_595 : i32
      %add3A_597 = arith.constant 200 : i32
      %add3A_598 = arith.addi %add3A_597, %add3A_596 : i32
      %get3A = arith.constant 1 : i32
      %get3A_599 = arith.index_cast %get3A : i32 to index
      %get3A_600 = arith.index_cast %add3A_598 : i32 to index
      %get3A_601 = arith.constant 0 : index
      %get3A_602 = tpu.vector_load %arg8[%get3A_599, %get3A_600, %get3A_601] {strides = array<i32>} : memref<2x400x64xf32, #tpu.memory_space<vmem>>, vector<16xf32>,
      %get3A_603 = arith.index_cast %add3A_596 : i32 to index
      %get3A_604 = arith.constant 0 : index
      %get3A_605 = tpu.vector_load %arg7[%get3A_603, %get3A_604] {strides = array<i32>} : memref<200x64xf32, #tpu.memory_space<vmem>>, vector<16xf32>,
      %add3A_606 = arith.addf %get3A_602, %get3A_605 : vector<16xf32>
      %add3A_607 = arith.constant 100 : i32
      %add3A_608 = arith.addi %add3A_607, %scan3A_591 : i32
      %swap3A = arith.constant 1 : i32
      %swap3A_609 = arith.index_cast %swap3A : i32 to index
      %swap3A_610 = arith.index_cast %add3A_608 : i32 to index
      %swap3A_611 = arith.constant 0 : index
      %swap3A_612 = tpu.vector_load %arg9[%swap3A_609, %swap3A_610, %swap3A_611] {strides = array<i32>} : memref<2x200x128xf32, #tpu.memory_space<vmem>>, vector<16xf32>,
      tpu.vector_store %arg9[%swap3A_609, %swap3A_610, %swap3A_611], %add3A_606 {strides = array<i32>} : memref<2x200x128xf32, #tpu.memory_space<vmem>>, vector<16xf32>,
      %add3A_613 = arith.constant 200 : i32
      %add3A_614 = arith.addi %add3A_613, %add3A_596 : i32
      %get3A_615 = arith.constant 1 : i32
      %get3A_616 = arith.index_cast %get3A_615 : i32 to index
      %get3A_617 = arith.index_cast %add3A_614 : i32 to index
      %get3A_618 = arith.constant 16 : index
      %get3A_619 = tpu.vector_load %arg8[%get3A_616, %get3A_617, %get3A_618] {strides = array<i32>} : memref<2x400x64xf32, #tpu.memory_space<vmem>>, vector<16xf32>,
      %get3A_620 = arith.index_cast %add3A_596 : i32 to index
      %get3A_621 = arith.constant 16 : index
      %get3A_622 = tpu.vector_load %arg7[%get3A_620, %get3A_621] {strides = array<i32>} : memref<200x64xf32, #tpu.memory_space<vmem>>, vector<16xf32>,
      %add3A_623 = arith.addf %get3A_619, %get3A_622 : vector<16xf32>
      %add3A_624 = arith.constant 100 : i32
      %add3A_625 = arith.addi %add3A_624, %scan3A_591 : i32
      %swap3A_626 = arith.constant 1 : i32
      %swap3A_627 = arith.index_cast %swap3A_626 : i32 to index
      %swap3A_628 = arith.index_cast %add3A_625 : i32 to index
      %swap3A_629 = arith.constant 16 : index
      %swap3A_630 = tpu.vector_load %arg9[%swap3A_627, %swap3A_628, %swap3A_629] {strides = array<i32>} : memref<2x200x128xf32, #tpu.memory_space<vmem>>, vector<16xf32>,
      tpu.vector_store %arg9[%swap3A_627, %swap3A_628, %swap3A_629], %add3A_623 {strides = array<i32>} : memref<2x200x128xf32, #tpu.memory_space<vmem>>, vector<16xf32>,
      %add3A_631 = arith.constant 200 : i32
      %add3A_632 = arith.addi %add3A_631, %add3A_596 : i32
      %get3A_633 = arith.constant 1 : i32
      %get3A_634 = arith.index_cast %get3A_633 : i32 to index
      %get3A_635 = arith.index_cast %add3A_632 : i32 to index
      %get3A_636 = arith.constant 32 : index
      %get3A_637 = tpu.vector_load %arg8[%get3A_634, %get3A_635, %get3A_636] {strides = array<i32>} : memref<2x400x64xf32, #tpu.memory_space<vmem>>, vector<16xf32>,
      %get3A_638 = arith.index_cast %add3A_596 : i32 to index
      %get3A_639 = arith.constant 32 : index
      %get3A_640 = tpu.vector_load %arg7[%get3A_638, %get3A_639] {strides = array<i32>} : memref<200x64xf32, #tpu.memory_space<vmem>>, vector<16xf32>,
      %add3A_641 = arith.addf %get3A_637, %get3A_640 : vector<16xf32>
      %add3A_642 = arith.constant 100 : i32
      %add3A_643 = arith.addi %add3A_642, %scan3A_591 : i32
      %swap3A_644 = arith.constant 1 : i32
      %swap3A_645 = arith.index_cast %swap3A_644 : i32 to index
      %swap3A_646 = arith.index_cast %add3A_643 : i32 to index
      %swap3A_647 = arith.constant 32 : index
      %swap3A_648 = tpu.vector_load %arg9[%swap3A_645, %swap3A_646, %swap3A_647] {strides = array<i32>} : memref<2x200x128xf32, #tpu.memory_space<vmem>>, vector<16xf32>,
      tpu.vector_store %arg9[%swap3A_645, %swap3A_646, %swap3A_647], %add3A_641 {strides = array<i32>} : memref<2x200x128xf32, #tpu.memory_space<vmem>>, vector<16xf32>,
      %add3A_649 = arith.constant 200 : i32
      %add3A_650 = arith.addi %add3A_649, %add3A_596 : i32
      %get3A_651 = arith.constant 1 : i32
      %get3A_652 = arith.index_cast %get3A_651 : i32 to index
      %get3A_653 = arith.index_cast %add3A_650 : i32 to index
      %get3A_654 = arith.constant 48 : index
      %get3A_655 = tpu.vector_load %arg8[%get3A_652, %get3A_653, %get3A_654] {strides = array<i32>} : memref<2x400x64xf32, #tpu.memory_space<vmem>>, vector<16xf32>,
      %get3A_656 = arith.index_cast %add3A_596 : i32 to index
      %get3A_657 = arith.constant 48 : index
      %get3A_658 = tpu.vector_load %arg7[%get3A_656, %get3A_657] {strides = array<i32>} : memref<200x64xf32, #tpu.memory_space<vmem>>, vector<16xf32>,
      %add3A_659 = arith.addf %get3A_655, %get3A_658 : vector<16xf32>
      %add3A_660 = arith.constant 100 : i32
      %add3A_661 = arith.addi %add3A_660, %scan3A_591 : i32
      %swap3A_662 = arith.constant 1 : i32
      %swap3A_663 = arith.index_cast %swap3A_662 : i32 to index
      %swap3A_664 = arith.index_cast %add3A_661 : i32 to index
      %swap3A_665 = arith.constant 48 : index
      %swap3A_666 = tpu.vector_load %arg9[%swap3A_663, %swap3A_664, %swap3A_665] {strides = array<i32>} : memref<2x200x128xf32, #tpu.memory_space<vmem>>, vector<16xf32>,
      tpu.vector_store %arg9[%swap3A_663, %swap3A_664, %swap3A_665], %add3A_659 {strides = array<i32>} : memref<2x200x128xf32, #tpu.memory_space<vmem>>, vector<16xf32>,
      %mul3A_667 = arith.constant 2 : i32
      %mul3A_668 = arith.muli %mul3A_667, %scan3A_591 : i32
      %add3A_669 = arith.constant 1 : i32
      %add3A_670 = arith.addi %mul3A_668, %add3A_669 : i32
      %add3A_671 = arith.constant 200 : i32
      %add3A_672 = arith.addi %add3A_671, %add3A_670 : i32
      %get3A_673 = arith.constant 1 : i32
      %get3A_674 = arith.index_cast %get3A_673 : i32 to index
      %get3A_675 = arith.index_cast %add3A_672 : i32 to index
      %get3A_676 = arith.constant 0 : index
      %get3A_677 = tpu.vector_load %arg8[%get3A_674, %get3A_675, %get3A_676] {strides = array<i32>} : memref<2x400x64xf32, #tpu.memory_space<vmem>>, vector<16xf32>,
      %get3A_678 = arith.index_cast %add3A_670 : i32 to index
      %get3A_679 = arith.constant 0 : index
      %get3A_680 = tpu.vector_load %arg7[%get3A_678, %get3A_679] {strides = array<i32>} : memref<200x64xf32, #tpu.memory_space<vmem>>, vector<16xf32>,
      %add3A_681 = arith.addf %get3A_677, %get3A_680 : vector<16xf32>
      %add3A_682 = arith.constant 100 : i32
      %add3A_683 = arith.addi %add3A_682, %scan3A_591 : i32
      %swap3A_684 = arith.constant 1 : i32
      %swap3A_685 = arith.index_cast %swap3A_684 : i32 to index
      %swap3A_686 = arith.index_cast %add3A_683 : i32 to index
      %swap3A_687 = arith.constant 64 : index
      %swap3A_688 = tpu.vector_load %arg9[%swap3A_685, %swap3A_686, %swap3A_687] {strides = array<i32>} : memref<2x200x128xf32, #tpu.memory_space<vmem>>, vector<16xf32>,
      tpu.vector_store %arg9[%swap3A_685, %swap3A_686, %swap3A_687], %add3A_681 {strides = array<i32>} : memref<2x200x128xf32, #tpu.memory_space<vmem>>, vector<16xf32>,
      %add3A_689 = arith.constant 200 : i32
      %add3A_690 = arith.addi %add3A_689, %add3A_670 : i32
      %get3A_691 = arith.constant 1 : i32
      %get3A_692 = arith.index_cast %get3A_691 : i32 to index
      %get3A_693 = arith.index_cast %add3A_690 : i32 to index
      %get3A_694 = arith.constant 16 : index
      %get3A_695 = tpu.vector_load %arg8[%get3A_692, %get3A_693, %get3A_694] {strides = array<i32>} : memref<2x400x64xf32, #tpu.memory_space<vmem>>, vector<16xf32>,
      %get3A_696 = arith.index_cast %add3A_670 : i32 to index
      %get3A_697 = arith.constant 16 : index
      %get3A_698 = tpu.vector_load %arg7[%get3A_696, %get3A_697] {strides = array<i32>} : memref<200x64xf32, #tpu.memory_space<vmem>>, vector<16xf32>,
      %add3A_699 = arith.addf %get3A_695, %get3A_698 : vector<16xf32>
      %add3A_700 = arith.constant 100 : i32
      %add3A_701 = arith.addi %add3A_700, %scan3A_591 : i32
      %swap3A_702 = arith.constant 1 : i32
      %swap3A_703 = arith.index_cast %swap3A_702 : i32 to index
      %swap3A_704 = arith.index_cast %add3A_701 : i32 to index
      %swap3A_705 = arith.constant 80 : index
      %swap3A_706 = tpu.vector_load %arg9[%swap3A_703, %swap3A_704, %swap3A_705] {strides = array<i32>} : memref<2x200x128xf32, #tpu.memory_space<vmem>>, vector<16xf32>,
      tpu.vector_store %arg9[%swap3A_703, %swap3A_704, %swap3A_705], %add3A_699 {strides = array<i32>} : memref<2x200x128xf32, #tpu.memory_space<vmem>>, vector<16xf32>,
      %add3A_707 = arith.constant 200 : i32
      %add3A_708 = arith.addi %add3A_707, %add3A_670 : i32
      %get3A_709 = arith.constant 1 : i32
      %get3A_710 = arith.index_cast %get3A_709 : i32 to index
      %get3A_711 = arith.index_cast %add3A_708 : i32 to index
      %get3A_712 = arith.constant 32 : index
      %get3A_713 = tpu.vector_load %arg8[%get3A_710, %get3A_711, %get3A_712] {strides = array<i32>} : memref<2x400x64xf32, #tpu.memory_space<vmem>>, vector<16xf32>,
      %get3A_714 = arith.index_cast %add3A_670 : i32 to index
      %get3A_715 = arith.constant 32 : index
      %get3A_716 = tpu.vector_load %arg7[%get3A_714, %get3A_715] {strides = array<i32>} : memref<200x64xf32, #tpu.memory_space<vmem>>, vector<16xf32>,
      %add3A_717 = arith.addf %get3A_713, %get3A_716 : vector<16xf32>
      %add3A_718 = arith.constant 100 : i32
      %add3A_719 = arith.addi %add3A_718, %scan3A_591 : i32
      %swap3A_720 = arith.constant 1 : i32
      %swap3A_721 = arith.index_cast %swap3A_720 : i32 to index
      %swap3A_722 = arith.index_cast %add3A_719 : i32 to index
      %swap3A_723 = arith.constant 96 : index
      %swap3A_724 = tpu.vector_load %arg9[%swap3A_721, %swap3A_722, %swap3A_723] {strides = array<i32>} : memref<2x200x128xf32, #tpu.memory_space<vmem>>, vector<16xf32>,
      tpu.vector_store %arg9[%swap3A_721, %swap3A_722, %swap3A_723], %add3A_717 {strides = array<i32>} : memref<2x200x128xf32, #tpu.memory_space<vmem>>, vector<16xf32>,
      %add3A_725 = arith.constant 200 : i32
      %add3A_726 = arith.addi %add3A_725, %add3A_670 : i32
      %get3A_727 = arith.constant 1 : i32
      %get3A_728 = arith.index_cast %get3A_727 : i32 to index
      %get3A_729 = arith.index_cast %add3A_726 : i32 to index
      %get3A_730 = arith.constant 48 : index
      %get3A_731 = tpu.vector_load %arg8[%get3A_728, %get3A_729, %get3A_730] {strides = array<i32>} : memref<2x400x64xf32, #tpu.memory_space<vmem>>, vector<16xf32>,
      %get3A_732 = arith.index_cast %add3A_670 : i32 to index
      %get3A_733 = arith.constant 48 : index
      %get3A_734 = tpu.vector_load %arg7[%get3A_732, %get3A_733] {strides = array<i32>} : memref<200x64xf32, #tpu.memory_space<vmem>>, vector<16xf32>,
      %add3A_735 = arith.addf %get3A_731, %get3A_734 : vector<16xf32>
      %add3A_736 = arith.constant 100 : i32
      %add3A_737 = arith.addi %add3A_736, %scan3A_591 : i32
      %swap3A_738 = arith.constant 1 : i32
      %swap3A_739 = arith.index_cast %swap3A_738 : i32 to index
      %swap3A_740 = arith.index_cast %add3A_737 : i32 to index
      %swap3A_741 = arith.constant 112 : index
      %swap3A_742 = tpu.vector_load %arg9[%swap3A_739, %swap3A_740, %swap3A_741] {strides = array<i32>} : memref<2x200x128xf32, #tpu.memory_space<vmem>>, vector<16xf32>,
      tpu.vector_store %arg9[%swap3A_739, %swap3A_740, %swap3A_741], %add3A_735 {strides = array<i32>} : memref<2x200x128xf32, #tpu.memory_space<vmem>>, vector<16xf32>,
      %scan3A_743 = arith.constant 0 : i32
      scf.yield %scan3A_743 : i32
    }
    %scan3A_537 = arith.constant 100 : i32
    %add3A_538 = arith.constant 15 : i32
    %add3A_539 = arith.addi %mul3A_2, %add3A_538 : i32
    %dma_start3A_540 = arith.constant 1 : i32
    %dma_start3A_541 = arith.constant 0 : i32
    %dma_start3A_542 = arith.constant 0 : i32
    %dma_start3A_543 = tpu.memref_slice %arg9[%dma_start3A_540, %dma_start3A_541, %dma_start3A_542] : memref<2x200x128xf32, #tpu.memory_space<vmem>> -> memref<1x200x128xf32, #tpu.memory_space<vmem>>
    %dma_start3A_544 = tpu.memref_squeeze %dma_start3A_543 : memref<1x200x128xf32, #tpu.memory_space<vmem>> -> memref<200x128xf32, #tpu.memory_space<vmem>>
    %dma_start3A_545 = arith.constant 0 : i32
    %dma_start3A_546 = arith.constant 0 : i32
    %dma_start3A_547 = tpu.memref_slice %arg5[%add3A_539, %dma_start3A_545, %dma_start3A_546] : memref<512x200x128xf32, #tpu.memory_space<hbm>> -> memref<1x200x128xf32, #tpu.memory_space<hbm>>
    %dma_start3A_548 = tpu.memref_squeeze %dma_start3A_547 : memref<1x200x128xf32, #tpu.memory_space<hbm>> -> memref<200x128xf32, #tpu.memory_space<hbm>>
    %dma_start3A_549 = arith.constant 0 : i32
    %dma_start3A_550 = arith.constant 0 : i32
    %dma_start3A_551 = tpu.memref_slice %arg5[%add3A_539, %dma_start3A_549, %dma_start3A_550] : memref<512x200x128xf32, #tpu.memory_space<hbm>> -> memref<1x200x128xf32, #tpu.memory_space<hbm>>
    %dma_start3A_552 = tpu.memref_squeeze %dma_start3A_551 : memref<1x200x128xf32, #tpu.memory_space<hbm>> -> memref<200x128xf32, #tpu.memory_space<hbm>>
    %dma_start3A_553 = arith.constant 0 : i32
    %dma_start3A_554 = arith.constant 0 : i32
    %dma_start3A_555 = tpu.memref_slice %arg9[%dma_start3A_540, %dma_start3A_553, %dma_start3A_554] : memref<2x200x128xf32, #tpu.memory_space<vmem>> -> memref<1x200x128xf32, #tpu.memory_space<vmem>>
    %dma_start3A_556 = tpu.memref_squeeze %dma_start3A_555 : memref<1x200x128xf32, #tpu.memory_space<vmem>> -> memref<200x128xf32, #tpu.memory_space<vmem>>
    tpu.enqueue_dma source(%dma_start3A_556 : memref<200x128xf32, #tpu.memory_space<vmem>>) target(%dma_start3A_552 : memref<200x128xf32, #tpu.memory_space<hbm>>) target_semaphore(%arg13 : memref<!tpu.dma_semaphore, #tpu.memory_space<semaphore_mem>>)
    %dma_wait3A_557 = arith.constant 0 : i32
    %dma_wait3A_558 = arith.constant 0 : i32
    %dma_wait3A_559 = arith.constant 0 : i32
    %dma_wait3A_560 = tpu.memref_slice %arg9[%dma_wait3A_557, %dma_wait3A_558, %dma_wait3A_559] : memref<2x200x128xf32, #tpu.memory_space<vmem>> -> memref<1x200x128xf32, #tpu.memory_space<vmem>>
    %dma_wait3A_561 = tpu.memref_squeeze %dma_wait3A_560 : memref<1x200x128xf32, #tpu.memory_space<vmem>> -> memref<200x128xf32, #tpu.memory_space<vmem>>
    %dma_wait3A_562 = arith.constant 0 : i32
    %dma_wait3A_563 = arith.constant 0 : i32
    %dma_wait3A_564 = tpu.memref_slice %arg5[%mul3A_2, %dma_wait3A_562, %dma_wait3A_563] : memref<512x200x128xf32, #tpu.memory_space<hbm>> -> memref<1x200x128xf32, #tpu.memory_space<hbm>>
    %dma_wait3A_565 = tpu.memref_squeeze %dma_wait3A_564 : memref<1x200x128xf32, #tpu.memory_space<hbm>> -> memref<200x128xf32, #tpu.memory_space<hbm>>
    %dma_wait3A_566 = arith.constant 0 : i32
    %dma_wait3A_567 = arith.constant 0 : i32
    %dma_wait3A_568 = tpu.memref_slice %arg5[%mul3A_2, %dma_wait3A_566, %dma_wait3A_567] : memref<512x200x128xf32, #tpu.memory_space<hbm>> -> memref<1x200x128xf32, #tpu.memory_space<hbm>>
    %dma_wait3A_569 = tpu.memref_squeeze %dma_wait3A_568 : memref<1x200x128xf32, #tpu.memory_space<hbm>> -> memref<200x128xf32, #tpu.memory_space<hbm>>
    %dma_wait3A_570 = arith.constant 0 : i32
    %dma_wait3A_571 = arith.constant 0 : i32
    %dma_wait3A_572 = tpu.memref_slice %arg9[%dma_wait3A_557, %dma_wait3A_570, %dma_wait3A_571] : memref<2x200x128xf32, #tpu.memory_space<vmem>> -> memref<1x200x128xf32, #tpu.memory_space<vmem>>
    %dma_wait3A_573 = tpu.memref_squeeze %dma_wait3A_572 : memref<1x200x128xf32, #tpu.memory_space<vmem>> -> memref<200x128xf32, #tpu.memory_space<vmem>>
    tpu.wait_dma2 semaphore(%arg12 : memref<!tpu.dma_semaphore, #tpu.memory_space<semaphore_mem>>) src(%dma_wait3A_573 : memref<200x128xf32, #tpu.memory_space<vmem>>) dst(%dma_wait3A_569 : memref<200x128xf32, #tpu.memory_space<hbm>>)
    %dma_wait3A_574 = arith.constant 1 : i32
    %dma_wait3A_575 = arith.constant 0 : i32
    %dma_wait3A_576 = arith.constant 0 : i32
    %dma_wait3A_577 = tpu.memref_slice %arg9[%dma_wait3A_574, %dma_wait3A_575, %dma_wait3A_576] : memref<2x200x128xf32, #tpu.memory_space<vmem>> -> memref<1x200x128xf32, #tpu.memory_space<vmem>>
    %dma_wait3A_578 = tpu.memref_squeeze %dma_wait3A_577 : memref<1x200x128xf32, #tpu.memory_space<vmem>> -> memref<200x128xf32, #tpu.memory_space<vmem>>
    %dma_wait3A_579 = arith.constant 0 : i32
    %dma_wait3A_580 = arith.constant 0 : i32
    %dma_wait3A_581 = tpu.memref_slice %arg5[%mul3A_2, %dma_wait3A_579, %dma_wait3A_580] : memref<512x200x128xf32, #tpu.memory_space<hbm>> -> memref<1x200x128xf32, #tpu.memory_space<hbm>>
    %dma_wait3A_582 = tpu.memref_squeeze %dma_wait3A_581 : memref<1x200x128xf32, #tpu.memory_space<hbm>> -> memref<200x128xf32, #tpu.memory_space<hbm>>
    %dma_wait3A_583 = arith.constant 0 : i32
    %dma_wait3A_584 = arith.constant 0 : i32
    %dma_wait3A_585 = tpu.memref_slice %arg5[%mul3A_2, %dma_wait3A_583, %dma_wait3A_584] : memref<512x200x128xf32, #tpu.memory_space<hbm>> -> memref<1x200x128xf32, #tpu.memory_space<hbm>>
    %dma_wait3A_586 = tpu.memref_squeeze %dma_wait3A_585 : memref<1x200x128xf32, #tpu.memory_space<hbm>> -> memref<200x128xf32, #tpu.memory_space<hbm>>
    %dma_wait3A_587 = arith.constant 0 : i32
    %dma_wait3A_588 = arith.constant 0 : i32
    %dma_wait3A_589 = tpu.memref_slice %arg9[%dma_wait3A_574, %dma_wait3A_587, %dma_wait3A_588] : memref<2x200x128xf32, #tpu.memory_space<vmem>> -> memref<1x200x128xf32, #tpu.memory_space<vmem>>
    %dma_wait3A_590 = tpu.memref_squeeze %dma_wait3A_589 : memref<1x200x128xf32, #tpu.memory_space<vmem>> -> memref<200x128xf32, #tpu.memory_space<vmem>>
    tpu.wait_dma2 semaphore(%arg13 : memref<!tpu.dma_semaphore, #tpu.memory_space<semaphore_mem>>) src(%dma_wait3A_590 : memref<200x128xf32, #tpu.memory_space<vmem>>) dst(%dma_wait3A_586 : memref<200x128xf32, #tpu.memory_space<hbm>>)
    return
  }
}

</mosaic_0001>

<sc_bundles>
// kernel: kernel.3.cloned.1.call-start
scs
__scs_entry_jumppad:
0x0: {  	(pc) =	sbr.rel $0x88, $3  }
0x1: {  	(tag) =	ssettag $0x0;
	lr =	simm.s32 $0x1  }
0x2: {  	[smem:$0x3F9F] =	sst lr;
	_ =	strace $0xD0000000  }
0x3: {  	_ = 	snop  }
0x4: {  	_ = 	snop  }
0x5: {  	_ = 	snop  }
0x6: {  	_ = 	snop  }
0x7: {  	_ = 	snop  }
__scs_overlays_trampoline_lowered:
0x8: {  	[smem:$0x3FAE] =	sst s0  }
0x9: {  	[smem:$0x3FAF] =	sst s1  }
0xa: {  	[smem:$0x3FB0] =	sst s2  }
0xb: {  	[smem:$0x3FB1] =	sst s3  }
0xc: {  	[smem:$0x3FB2] =	sst s4  }
0xd: {  	[smem:$0x3FB3] =	sst s5  }
0xe: {  	[smem:$0x3FB4] =	sst s6  }
0xf: {  	[smem:$0x3FB5] =	sst s7  }
0x10: {  	[smem:$0x3FB6] =	sst s8  }
0x11: {  	[smem:$0x3FB7] =	sst s9;
	s0 =	simm.s32 @!p0 $0x0  }
0x12: {  	s1 =	sld [smem:$0x3F9D];
	s0 =	simm.s32 @p0 $0x1  }
0x13: {  	[smem:$0x3FB8] =	sst s0;
	s0 =	simm.s32 @!p1 $0x0  }
0x14: {  	s2 =	sld [smem:$0x3F9C];
	s0 =	simm.s32 @p1 $0x1  }
0x15: {  	[smem:$0x3FB9] =	sst s0;
	s0 =	simm.s32 @!p2 $0x0  }
0x16: {  	s3 =	sld [smem:$0x3FDB];
	s0 =	simm.s32 @p2 $0x1  }
0x17: {  	s4 =	simm.s32 $0x1BF5;
	[smem:$0x3FBB] =	sst s0  }
0x18: {  	s0 =	sld [smem:$0x3F9E];
	_ =	swait.ge [sflag:s4], $0x0  }
0x19: {  	s7 =	sld [smem:$0x3F9F]  }
0x1a: {  	s8 =	sadd.s32 $0xFFFFE003, lr  }
0x1b: {  	s9 =	sadd.s32 $0xFFFFFEF7, lr;
	s5 =	simm.s32 $0xFFFFFFFF;
	p2 =	slt.u32 s8, $0xFFFFF086  }
0x1c: {  	p1 =	slt.u32 s9, $0xF7A;
	s5 =	simm.s32 @!p2 $0x0  }
0x1d: {  	s5 =	simm.s32 @p1 $0x1;
	p0 =	seq.s32 s7, s2  }
0x1e: {  	s7 =	smul.u32 @!p0 $0xF7A, s2;
	p2 =	seq.s32 @!p0 s5, $0x0  }
0x1f: {  	s9 =	smul.u32 $0xF7A, s1;
	s8 =	simm.s32 @!p0 $0x1BF5;
	p2 =	por !p2, p0  }
0x20: {  	[sflag:s8] =	ssyncset.s32 @!p0 $0xFFFFF086;
	s6 =	sadd.s32 @!p0 s3, s7;
	s7 =	simm.s32 @!p0 $0x108  }
0x21: {  	s3 =	sadd.s32 s3, s9;
	s6 =	sadd.s32 @!p0 $0x88, s6;
	s7 =	simm.s32 @p2 $0x1082  }
0x22: {  	[simem:s7], [sflag:s8] =	dma.local @!p0 [hbm:s6], $0xF7A  }
0x23: {  	s9 =	sor.u32 $0xD0000000, s2;
	s6 =	simm.s32 $0x108;
	_ =	swait.ge @!p0 [sflag:s8], $0x0  }
0x24: {  	s3 =	sadd.s32 $0x88, s3;
	s6 =	simm.s32 @!p1 $0x1082;
	[sflag:s4] =	ssyncset.s32 $0xFFFFF086  }
0x25: {  	[simem:s6], [sflag:s4] =	dma.local [hbm:s3], $0xF7A  }
0x26: {  	[smem:$0x3F9F] =	sst s1;
	(tag) =	ssettag s2;
	_ =	strace s9  }
0x27: {  	s1 =	sld [smem:$0x3FAF]  }
0x28: {  	s2 =	sld [smem:$0x3FB0]  }
0x29: {  	s4 =	sld [smem:$0x3FB2]  }
0x2a: {  	p0 =	seq.s32 s5, $0x0;
	s5 =	sld [smem:$0x3FB3]  }
0x2b: {  	s6 =	sld [smem:$0x3FB4]  }
0x2c: {  	s7 =	sld [smem:$0x3FB5]  }
0x2d: {  	s3 =	simm.s32 $0x108;
	s8 =	sld [smem:$0x3FB6]  }
0x2e: {  	s3 =	simm.s32 @!p0 $0x1082;
	s9 =	sld [smem:$0x3FB7]  }
0x2f: {  	lr =	sadd.s32 s0, s3;
	s0 =	sld [smem:$0x3FAE]  }
0x30: {  	s3 =	sld [smem:$0x3FB1]  }
0x31: {  	[smem:$0x3FBA] =	sst s10  }
0x32: {  	s10 =	sld [smem:$0x3FB8];
	_ =	sdelay $0x3  }
0x33: {  	p0 =	seq.s32 s10, $0x1;
	s10 =	sld [smem:$0x3FBA];
	_ =	sdelay $0x3  }
0x34: {  	[smem:$0x3FBA] =	sst s10  }
0x35: {  	s10 =	sld [smem:$0x3FB9];
	_ =	sdelay $0x3  }
0x36: {  	p1 =	seq.s32 s10, $0x1;
	s10 =	sld [smem:$0x3FBA];
	_ =	sdelay $0x3  }
0x37: {  	[smem:$0x3FBA] =	sst s10  }
0x38: {  	s10 =	sld [smem:$0x3FBB]  }
0x39: {  	_ = 	snop;
	(pc) =	sbr.ind lr, $3  }
0x3a: {  	_ = 	snop  }
0x3b: {  	_ = 	snop  }
0x3c: {  	p2 =	seq.s32 s10, $0x1;
	s10 =	sld [smem:$0x3FBA]  }
0x3d: {  	_ =	shalt  }
0x3e: {  	_ =	shalt  }
0x3f: {  	_ =	shalt  }
0x40: {  	_ =	shalt  }
0x41: {  	_ =	shalt  }
0x42: {  	_ =	shalt  }
0x43: {  	_ =	shalt  }
0x44: {  	_ =	shalt  }
0x45: {  	_ =	shalt  }
0x46: {  	_ =	shalt  }
0x47: {  	_ =	shalt  }
0x48: {  	_ =	shalt  }
0x49: {  	_ =	shalt  }
0x4a: {  	_ =	shalt  }
0x4b: {  	_ =	shalt  }
0x4c: {  	_ =	shalt  }
0x4d: {  	_ =	shalt  }
0x4e: {  	_ =	shalt  }
0x4f: {  	_ =	shalt  }
0x50: {  	_ =	shalt  }
0x51: {  	_ =	shalt  }
0x52: {  	_ =	shalt  }
0x53: {  	_ =	shalt  }
0x54: {  	_ =	shalt  }
0x55: {  	_ =	shalt  }
0x56: {  	_ =	shalt  }
0x57: {  	_ =	shalt  }
0x58: {  	_ =	shalt  }
0x59: {  	_ =	shalt  }
0x5a: {  	_ =	shalt  }
0x5b: {  	_ =	shalt  }
0x5c: {  	_ =	shalt  }
0x5d: {  	_ =	shalt  }
0x5e: {  	_ =	shalt  }
0x5f: {  	_ =	shalt  }
0x60: {  	_ =	shalt  }
0x61: {  	_ =	shalt  }
0x62: {  	_ =	shalt  }
0x63: {  	_ =	shalt  }
0x64: {  	_ =	shalt  }
0x65: {  	_ =	shalt  }
0x66: {  	_ =	shalt  }
0x67: {  	_ =	shalt  }
0x68: {  	_ =	shalt  }
0x69: {  	_ =	shalt  }
0x6a: {  	_ =	shalt  }
0x6b: {  	_ =	shalt  }
0x6c: {  	_ =	shalt  }
0x6d: {  	_ =	shalt  }
0x6e: {  	_ =	shalt  }
0x6f: {  	_ =	shalt  }
0x70: {  	_ =	shalt  }
0x71: {  	_ =	shalt  }
0x72: {  	_ =	shalt  }
0x73: {  	_ =	shalt  }
0x74: {  	_ =	shalt  }
0x75: {  	_ =	shalt  }
0x76: {  	_ =	shalt  }
0x77: {  	_ =	shalt  }
0x78: {  	_ =	shalt  }
0x79: {  	_ =	shalt  }
0x7a: {  	_ =	shalt  }
0x7b: {  	_ =	shalt  }
0x7c: {  	_ =	shalt  }
0x7d: {  	_ =	shalt  }
0x7e: {  	_ =	shalt  }
0x7f: {  	_ =	shalt  }
0x80: {  	_ =	shalt  }
0x81: {  	_ =	shalt  }
0x82: {  	_ =	shalt  }
0x83: {  	_ =	shalt  }
0x84: {  	_ =	shalt  }
0x85: {  	_ =	shalt  }
0x86: {  	_ =	shalt  }
0x87: {  	_ =	shalt  }
.Lfunc_end0:
.L_simem_size_0:
called_computation.2_lowered:
.L_overlay_start_0:
0x88: {  	s2 =	sld [smem:$0x3FD9]  }
0x89: {  	s3 =	sld [smem:$0x3FFE];
	_ =	sdelay $0x1  }
0x8a: {  	s1 =	srdreg.scid  }
0x8b: {  	s0 =	sand.u32 $0x1, s1  }
0x8c: {  	s17 =	sshll.u32 s0, $0xA;
	s2 =	sadd.s32 s3, s2  }
0x8d: {  	s2 =	sadd.s32 s2, s17  }
0x8e: {  	[smem:$0x3FC6] =	sst s2  }
0x8f: {  	_ = 	snop  }
0x90: {  	s2 =	sld [smem:$0x3FD0];
	(tm) =	ssettm $0x1  }
0x91: {  	s18 =	sld [smem:$0x3FFB];
	_ =	sdelay $0x3  }
0x92: {  	_ =	strace s18  }
0x93: {  	s3 =	sld [smem:$0x3FFC];
	_ =	sdelay $0x3  }
0x94: {  	_ =	strace s3  }
0x95: {  	s3 =	sld [smem:$0x3FFD];
	_ =	sdelay $0x3  }
0x96: {  	_ =	strace s3  }
0x97: {  	_ =	strace $0x8FFFFFFF  }
0x98: {  	s19 =	sld [smem:$0x3FDB];
	_ =	sdelay $0x1  }
0x99: {  	s4 =	simm.s32 $_scs_section_size  }
0x9a: {  	s5 =	simm.s32 $_size__tile_overlayer_lowered;
	s6 =	simm.s32 $_tile_overlayer_lowered  }
0x9b: {  	s22 =	simm.s32 $0x1BFF;
	s21 =	sshll.u32 s6, $0x1;
	s3 =	sadd.s32 s4, s19  }
0x9c: {  	s7 =	simm.s32 $0x0;
	s20 =	sshll.u32 s5, $0x1;
	s5 =	sadd.s32 s21, s3  }
0x9d: {  	[timem:s7], [sflag:s22] =	dma.local [hbm:s5], s20  }
0x9e: {  	_ =	swait.ge [sflag:s22], s20  }
0x9f: {  	s4 =	ssub.s32 $0x0, s20;
	[sflag:s22] =	ssyncset.done $0x0  }
0xa0: {  	[sflag:s22] =	ssyncadd.s32 s4;
	_ =	sdelay $0x1  }
0xa1: {  	s23 =	simm.s32 $0x1B8B  }
0xa2: {  	_ =	swait.ge [sflag:s23], $0x1  }
0xa3: {  	[sflag:s23] =	ssyncset.done $0x0  }
0xa4: {  	s25 =	simm.s32 $0x1B8E;
	s24 =	sld [smem:$0x3FFE];
	[sflag:s23] =	ssyncadd.s32 $0xFFFFFFFF  }
0xa5: {  	s26 =	simm.s32 $execute0_lowered;
	[smem:$0x3FD2] =	sst s25  }
0xa6: {  	s5 =	sshll.u32 s26, $0x1;
	_ =	strace $0x80000049;
	[dreg:$0x1] =	wrdreg $0xFFFFFFFF  }
0xa7: {  	s28 =	simm.s32 $_size_execute0_lowered;
	s3 =	sadd.s32 s3, s5;
	[dreg:$0x0] =	wrdreg $0x0  }
0xa8: {  	s5 =	sshll.u32 s28, $0x1;
	[dreg:$0x2] =	wrdreg s3  }
0xa9: {  	[dreg:$0x3] =	wrdreg s5  }
0xaa: {  	[dreg:$0x4] =	wrdreg $0xC0  }
0xab: {  	_ =	task [dreg:s7], $0x5FFFF  }
0xac: {  	[dreg:$0x1] =	wrdreg $0xFFFFFFFF  }
0xad: {  	[dreg:$0x0] =	wrdreg $0x60  }
0xae: {  	[dreg:$0x2] =	wrdreg s24  }
0xaf: {  	[dreg:$0x3] =	wrdreg s2  }
0xb0: {  	[dreg:$0x4] =	wrdreg $0x9  }
0xb1: {  	_ =	task.clear_ibuf [dreg:s7], $0x5FFFF;
	_ =	strace $0x90000049  }
0xb2: {  	s29 =	simm.s32 $0x9;
	_ =	strace $0x8000004B  }
0xb3: {  	_ =	swait.ge [sflag:s29], $0x1  }
0xb4: {  	[sflag:s29] =	ssyncadd.s32 $0xFFFFFFFF  }
0xb5: {  	_ =	strace $0x9000004B  }
0xb6: {  	_ =	sfence  }
0xb7: {  	s30 =	sld [smem:$0x0];
	_ =	sdelay $0x2  }
0xb8: {  	s31 =	sshll.u32 s1, $0xD;
	s1 =	sshrl.u32 s1, $0x2  }
0xb9: {  	s3 =	sand.u32 $0x4000, s31;
	s1 =	sadd.s32 s1, s30  }
0xba: {  	s0 =	sor.u32 s3, s0;
	s1 =	sshll.u32 s1, $0x11  }
0xbb: {  	s0 =	sor.u32 s1, s0  }
0xbc: {  	s0 =	sadd.s32 $0x8F2B, s0  }
0xbd: {  	[sflag:s0] =	ssyncadd.remote.s32 $0x1  }
0xbe: {  	_ =	sfence.sel $0xFFFF  }
0xbf: {  	[dreg:$0x0] =	wrdreg $0xFFFFFFFF;
	(pc) =	sbr.abs _section_cstart, $3  }
0xc0: {  	[dreg:$0x1] =	wrdreg $0xFFFFFFFF  }
0xc1: {  	_ =	task.clear_ibuf [dreg:s7], $0x2FFFF;
	_ =	strace $0x9FFFFFFF  }
0xc2: {  	(tm) =	ssettm $0x7FFFFFFF  }
0xc3: {  	_ =	shalt  }
tec
execute0_lowered:
.L_overlay_start_1:
0x0: {  	(tag) =	ssettag $0x1  }
0x1: {  	s0 =	srdreg.scid  }
0x2: {  	s2 =	stileid.u32;
	s1 =	rddreg [dreg:$0x0];
	s13 =	simm.s32 $0x5  }
0x3: {  	s15 =	simm.s32 $0x64;
	s16 =	simm.s32 $0x4C00;
	s18 =	simm.s32 $0x6500  }
0x4: {  	s20 =	simm.s32 $0x7E00;
	s29 =	simm.s32 $0xE200;
	s31 =	simm.s32 $0xFB00  }
0x5: {  	s19 =	simm.s32 $0x3;
	s0 =	sand.u32 $0x1, s0;
	s3 =	sshll.u32 s2, $0x1  }
0x6: {  	s21 =	simm.s32 $0x4;
	s28 =	simm.s32 $0x0;
	s4 =	sor.u32 s0, s3  }
0x7: {  	s2 =	rddreg [dreg:$0x1];
	s22 =	sadd.s32 $0xF49C00, s1;
	s5 =	smul.u32 $0x340, s4  }
0x8: {  	s3 =	simm.s32 $0x0;
	s0 =	ssub.s32 $0x2, s0;
	s6 =	smul.u32 $0x64000, s4  }
0x9: {  	[smem:$0x7FF] =	sst s3;
	s23 =	sshrl.u32 s0, $0x1;
	s8 =	smul.u32 $0xC800, s4  }
0xa: {  	_ =	strace $0x8000004A;
	[dreg:$0x3] =	wrdreg s22;
	s0 =	ssub.s32 s0, s23  }
0xb: {  	s22 =	simm.s32 $0x9700;
	s23 =	simm.s32 $0x2;
	s7 =	sadd.s32 s5, s1  }
0xc: {  	s5 =	sadd.s32 $0xF4A400, s1;
	s9 =	sshrl.u32 s6, $0x3;
	s6 =	sshll.u32 s4, $0x4  }
0xd: {  	s26 =	sadd.s32 s2, s8;
	s12 =	smax.u32 s0, $0x1;
	s1 =	simm.s32 $0x1  }
0xe: {  	s0 =	simm.s32 $0x11400;
	s25 =	sadd.s32 $0xF43400, s7;
	[dreg:$0x5] =	wrdreg s26  }
0xf: {  	s24 =	sadd.s32 s2, s9;
	s26 =	simm.s32 $0xC900;
	[dreg:$0x4] =	wrdreg s25  }
0x10: {  	s30 =	sadd.s32 $0xC80, s24;
	s10 =	sadd.s32 $0xAF00, s24;
	s11 =	sadd.s32 $0xBB80, s24  }
0x11: {  	s24 =	simm.s32 $0xB000;
	s25 =	simm.s32 $0x17800;
	[dreg:$0x6] =	wrdreg s30  }
.LBB2_1:
0x12: {  	s4 =	rddreg [dreg:$0x4]  }
0x13: {  	[tilespmem:s3], [sflag:$0x5] =	stream.linear.gather [hbm4b:s4+s3], $0x1A00, $0x38;
	[tilespmem:$0x1DC00] =	vst v63  }
0x14: {  	_ =	swait.ge [sflag:s13], $0x1A00  }
0x15: {  	[sflag:s13] =	ssyncset.done $0x0  }
0x16: {  	s7 =	simm.s32 $0x1A00;
	s17 =	rddreg [dreg:$0x3];
	[sflag:s13] =	ssyncadd.s32 $0xFFFFE600  }
0x17: {  	[tilespmem:s7], [sflag:$0x5] =	stream.linear.gather [hbm4b:s17+s3], $0x3200, $0x38;
	[tilespmem:$0x1DC00] =	vst v63  }
0x18: {  	_ =	swait.ge [sflag:s13], $0x3200  }
0x19: {  	[sflag:s13] =	ssyncset.done $0x0  }
0x1a: {  	[sflag:s13] =	ssyncadd.s32 $0xFFFFCE00  }
0x1b: {  	[tilespmem:s16], [sflag:$0x1] =	stream.indirect.gather [hbm4b:s5+s15], $0x40, s3, s15, $0xb8;
	[tilespmem:$0x1DC00] =	vst v63  }
0x1c: {  	s30 =	simm.s32 $0x68  }
0x1d: {  	[tilespmem:s18], [sflag:$0x1] =	stream.indirect.gather [hbm4b:s5+s15], $0x40, s30, s15, $0xb8;
	[tilespmem:$0x1DC00] =	vst v63  }
0x1e: {  	s7 =	simm.s32 $0xD0  }
0x1f: {  	[tilespmem:s20], [sflag:$0x1] =	stream.indirect.gather [hbm4b:s5+s15], $0x40, s7, s15, $0xb8;
	[tilespmem:$0x1DC00] =	vst v63  }
0x20: {  	s8 =	simm.s32 $0x138  }
0x21: {  	[tilespmem:s22], [sflag:$0x1] =	stream.indirect.gather [hbm4b:s5+s15], $0x40, s8, s15, $0xb8;
	[tilespmem:$0x1DC00] =	vst v63  }
0x22: {  	s9 =	simm.s32 $0x1A0  }
0x23: {  	[tilespmem:s24], [sflag:$0x2] =	stream.indirect.gather [hbm4b:s5+s15], $0x40, s9, s15, $0xb8;
	[tilespmem:$0x1DC00] =	vst v63  }
0x24: {  	s14 =	simm.s32 $0x208  }
0x25: {  	[tilespmem:s26], [sflag:$0x2] =	stream.indirect.gather [hbm4b:s5+s15], $0x40, s14, s15, $0xb8;
	[tilespmem:$0x1DC00] =	vst v63  }
0x26: {  	s17 =	simm.s32 $0x270  }
0x27: {  	[tilespmem:s29], [sflag:$0x2] =	stream.indirect.gather [hbm4b:s5+s15], $0x40, s17, s15, $0xb8;
	[tilespmem:$0x1DC00] =	vst v63  }
0x28: {  	s30 =	simm.s32 $0x2D8  }
0x29: {  	[tilespmem:s31], [sflag:$0x2] =	stream.indirect.gather [hbm4b:s5+s15], $0x40, s30, s15, $0xb8;
	[tilespmem:$0x1DC00] =	vst v63  }
0x2a: {  	_ =	swait.ge [sflag:s1], $0x1900  }
0x2b: {  	[sflag:s1] =	ssyncset.done $0x0  }
0x2c: {  	[sflag:s1] =	ssyncadd.s32 $0xFFFFE700  }
0x2d: {  	_ =	swait.ge [sflag:s1], $0x1900  }
0x2e: {  	[sflag:s1] =	ssyncset.done $0x0  }
0x2f: {  	[sflag:s1] =	ssyncadd.s32 $0xFFFFE700  }
0x30: {  	_ =	swait.ge [sflag:s1], $0x1900  }
0x31: {  	[sflag:s1] =	ssyncset.done $0x0  }
0x32: {  	[sflag:s1] =	ssyncadd.s32 $0xFFFFE700  }
0x33: {  	_ =	swait.ge [sflag:s1], $0x1900  }
0x34: {  	[sflag:s1] =	ssyncset.done $0x0  }
0x35: {  	s4 =	simm.s32 $0x0;
	[sflag:s1] =	ssyncadd.s32 $0xFFFFE700  }
0x36: {  	v0 =	vld [tilespmem:s4+$0x4C70]  }
0x37: {  	v1 =	vld [tilespmem:s4+$0x1A70]  }
0x38: {  	v2 =	vld [tilespmem:s4+$0x4C00]  }
0x39: {  	v3 =	vld [tilespmem:s4+$0x1A00]  }
0x3a: {  	v4 =	vld [tilespmem:s4+$0x4C10]  }
0x3b: {  	v5 =	vld [tilespmem:s4+$0x1A10]  }
0x3c: {  	v6 =	vld [tilespmem:s4+$0x4C20]  }
0x3d: {  	v7 =	vld [tilespmem:s4+$0x4C30]  }
0x3e: {  	v0 =	vadd.f32 v1, v0;
	v1 =	vld [tilespmem:s4+$0x1A20]  }
0x3f: {  	v8 =	vld [tilespmem:s4+$0x1A30]  }
0x40: {  	v9 =	vld [tilespmem:s4+$0x1A40];
	v2 =	vadd.f32 v3, v2  }
0x41: {  	[tilespmem:s4+$0x11470] =	vst v0;
	v0 =	vadd.f32 v5, v4;
	v5 =	vld [tilespmem:s4+$0x4C40]  }
0x42: {  	v3 =	vld [tilespmem:s4+$0x1A50];
	[tilespmem:s4+$0x11400] =	vst v2  }
0x43: {  	v2 =	vld [tilespmem:s4+$0x4C50];
	[tilespmem:s4+$0x11410] =	vst v0;
	v0 =	vadd.f32 v1, v6  }
0x44: {  	v4 =	vld [tilespmem:s4+$0x1A60];
	v6 =	vadd.f32 v8, v7  }
0x45: {  	s7 =	simm.s32 $0x80;
	[tilespmem:s4+$0x11420] =	vst v0;
	v0 =	vld [tilespmem:s4+$0x4C60]  }
0x46: {  	s8 =	simm.s32 $0x400;
	v5 =	vadd.f32 v9, v5;
	v1 =	vld [tilespmem:s7+$0x4C70];
	[tilespmem:s4+$0x11430] =	vst v6  }
.LBB2_2:
0x47: {  	p0 =	sne.s32 s8, $0xC600;
	v6 =	vld [tilespmem:s7+$0x1A70]  }
0x48: {  	v7 =	vld [tilespmem:s7+$0x4C00];
	[tilespmem:s4+$0x11440] =	vst v5;
	v2 =	vadd.f32 v3, v2  }
0x49: {  	v3 =	vld [tilespmem:s7+$0x1A00]  }
0x4a: {  	v5 =	vld [tilespmem:s7+$0x4C10];
	[tilespmem:s4+$0x11450] =	vst v2;
	v0 =	vadd.f32 v4, v0  }
0x4b: {  	v2 =	vld [tilespmem:s7+$0x1A10]  }
0x4c: {  	v4 =	vld [tilespmem:s7+$0x4C20];
	v1 =	vadd.f32 v6, v1;
	[tilespmem:s4+$0x11460] =	vst v0;
	s4 =	smov.u32 s7  }
0x4d: {  	v0 =	vld [tilespmem:s4+$0x1A20]  }
0x4e: {  	v3 =	vadd.f32 v3, v7;
	v6 =	vld [tilespmem:s4+$0x4C30];
	[tilespmem:s4+$0x11470] =	vst v1  }
0x4f: {  	v1 =	vld [tilespmem:s4+$0x1A30]  }
0x50: {  	[tilespmem:s4+$0x11400] =	vst v3;
	v2 =	vadd.f32 v2, v5;
	v5 =	vld [tilespmem:s4+$0x4C40]  }
0x51: {  	v7 =	vld [tilespmem:s4+$0x1A40]  }
.Ltmp0:
0x52: {  	[tilespmem:s4+$0x11410] =	vst v2;
	v0 =	vadd.f32 v0, v4;
	v2 =	vld [tilespmem:s4+$0x4C50];
	(pc) =	sbr.rel @p0 .LBB2_2-.Ltmp0, $4  }
0x53: {  	v3 =	vld [tilespmem:s4+$0x1A50]  }
0x54: {  	[tilespmem:s4+$0x11420] =	vst v0;
	v6 =	vadd.f32 v1, v6;
	v0 =	vld [tilespmem:s4+$0x4C60]  }
0x55: {  	s7 =	sshra.s32 s8, $0x2;
	v4 =	vld [tilespmem:s4+$0x1A60]  }
0x56: {  	s8 =	sadd.s32 $0x200, s8;
	v1 =	vld [tilespmem:s7+$0x4C70];
	[tilespmem:s4+$0x11430] =	vst v6;
	v5 =	vadd.f32 v7, v5  }
0x57: {  	v6 =	vld [tilespmem:s7+$0x1A70]  }
0x58: {  	v7 =	vld [tilespmem:s7+$0x4C00];
	[tilespmem:s4+$0x11440] =	vst v5;
	v2 =	vadd.f32 v3, v2  }
0x59: {  	v3 =	vld [tilespmem:s7+$0x1A00]  }
0x5a: {  	v5 =	vld [tilespmem:s7+$0x4C10];
	[tilespmem:s4+$0x11450] =	vst v2;
	v0 =	vadd.f32 v4, v0  }
0x5b: {  	v2 =	vld [tilespmem:s7+$0x1A10]  }
0x5c: {  	v4 =	vld [tilespmem:s7+$0x4C20];
	[tilespmem:s4+$0x11460] =	vst v0  }
0x5d: {  	v0 =	vadd.f32 v6, v1;
	v1 =	vld [tilespmem:s7+$0x1A20]  }
0x5e: {  	v6 =	vld [tilespmem:s7+$0x4C30]  }
0x5f: {  	v3 =	vadd.f32 v3, v7;
	[tilespmem:s7+$0x11470] =	vst v0;
	v0 =	vld [tilespmem:s7+$0x1A30]  }
0x60: {  	v7 =	vld [tilespmem:s7+$0x1A60]  }
0x61: {  	[tilespmem:s7+$0x11400] =	vst v3;
	v2 =	vadd.f32 v2, v5;
	v3 =	vld [tilespmem:s7+$0x4C40]  }
0x62: {  	v5 =	vld [tilespmem:s7+$0x1A40]  }
0x63: {  	[tilespmem:s7+$0x11410] =	vst v2;
	v1 =	vadd.f32 v1, v4;
	v2 =	vld [tilespmem:s7+$0x4C50]  }
0x64: {  	v4 =	vld [tilespmem:s7+$0x1A50]  }
0x65: {  	[tilespmem:s7+$0x11420] =	vst v1;
	v1 =	vld [tilespmem:s7+$0x4C60];
	_ =	sdelay $0x1  }
0x66: {  	v0 =	vadd.f32 v0, v6  }
0x67: {  	v3 =	vadd.f32 v5, v3  }
0x68: {  	[tilespmem:s7+$0x11430] =	vst v0;
	v0 =	vadd.f32 v4, v2  }
0x69: {  	[tilespmem:s7+$0x11440] =	vst v3;
	v1 =	vadd.f32 v7, v1  }
0x6a: {  	[tilespmem:s7+$0x11450] =	vst v0  }
0x6b: {  	s4 =	simm.s32 $0x0;
	[tilespmem:s7+$0x11460] =	vst v1  }
0x6c: {  	v0 =	vld [tilespmem:s4+$0x7E70]  }
0x6d: {  	v1 =	vld [tilespmem:s4+$0x1A70]  }
0x6e: {  	v2 =	vld [tilespmem:s4+$0x7E00]  }
0x6f: {  	v3 =	vld [tilespmem:s4+$0x1A00]  }
0x70: {  	v4 =	vld [tilespmem:s4+$0x7E10]  }
0x71: {  	v5 =	vld [tilespmem:s4+$0x1A10]  }
0x72: {  	v6 =	vld [tilespmem:s4+$0x7E20]  }
0x73: {  	v7 =	vld [tilespmem:s4+$0x7E30]  }
0x74: {  	v0 =	vadd.f32 v1, v0;
	v1 =	vld [tilespmem:s4+$0x1A20]  }
0x75: {  	v8 =	vld [tilespmem:s4+$0x1A30]  }
0x76: {  	v9 =	vld [tilespmem:s4+$0x1A40];
	v2 =	vadd.f32 v3, v2  }
0x77: {  	[tilespmem:s4+$0x14670] =	vst v0;
	v0 =	vadd.f32 v5, v4;
	v5 =	vld [tilespmem:s4+$0x7E40]  }
0x78: {  	v3 =	vld [tilespmem:s4+$0x1A50];
	[tilespmem:s4+$0x14600] =	vst v2  }
0x79: {  	v2 =	vld [tilespmem:s4+$0x7E50];
	[tilespmem:s4+$0x14610] =	vst v0;
	v0 =	vadd.f32 v1, v6  }
0x7a: {  	v4 =	vld [tilespmem:s4+$0x1A60];
	v6 =	vadd.f32 v8, v7  }
0x7b: {  	s7 =	simm.s32 $0x80;
	[tilespmem:s4+$0x14620] =	vst v0;
	v0 =	vld [tilespmem:s4+$0x7E60]  }
0x7c: {  	s8 =	simm.s32 $0x400;
	v5 =	vadd.f32 v9, v5;
	v1 =	vld [tilespmem:s7+$0x7E70];
	[tilespmem:s4+$0x14630] =	vst v6  }
.LBB2_4:
0x7d: {  	p0 =	sne.s32 s8, $0xC600;
	v6 =	vld [tilespmem:s7+$0x1A70]  }
0x7e: {  	v7 =	vld [tilespmem:s7+$0x7E00];
	[tilespmem:s4+$0x14640] =	vst v5;
	v2 =	vadd.f32 v3, v2  }
0x7f: {  	v3 =	vld [tilespmem:s7+$0x1A00]  }
0x80: {  	v5 =	vld [tilespmem:s7+$0x7E10];
	[tilespmem:s4+$0x14650] =	vst v2;
	v0 =	vadd.f32 v4, v0  }
0x81: {  	v2 =	vld [tilespmem:s7+$0x1A10]  }
0x82: {  	v4 =	vld [tilespmem:s7+$0x7E20];
	v1 =	vadd.f32 v6, v1;
	[tilespmem:s4+$0x14660] =	vst v0;
	s4 =	smov.u32 s7  }
0x83: {  	v0 =	vld [tilespmem:s4+$0x1A20]  }
0x84: {  	v3 =	vadd.f32 v3, v7;
	v6 =	vld [tilespmem:s4+$0x7E30];
	[tilespmem:s4+$0x14670] =	vst v1  }
0x85: {  	v1 =	vld [tilespmem:s4+$0x1A30]  }
0x86: {  	[tilespmem:s4+$0x14600] =	vst v3;
	v2 =	vadd.f32 v2, v5;
	v5 =	vld [tilespmem:s4+$0x7E40]  }
0x87: {  	v7 =	vld [tilespmem:s4+$0x1A40]  }
.Ltmp1:
0x88: {  	[tilespmem:s4+$0x14610] =	vst v2;
	v0 =	vadd.f32 v0, v4;
	v2 =	vld [tilespmem:s4+$0x7E50];
	(pc) =	sbr.rel @p0 .LBB2_4-.Ltmp1, $4  }
0x89: {  	v3 =	vld [tilespmem:s4+$0x1A50]  }
0x8a: {  	[tilespmem:s4+$0x14620] =	vst v0;
	v6 =	vadd.f32 v1, v6;
	v0 =	vld [tilespmem:s4+$0x7E60]  }
0x8b: {  	s7 =	sshra.s32 s8, $0x2;
	v4 =	vld [tilespmem:s4+$0x1A60]  }
0x8c: {  	s8 =	sadd.s32 $0x200, s8;
	v1 =	vld [tilespmem:s7+$0x7E70];
	[tilespmem:s4+$0x14630] =	vst v6;
	v5 =	vadd.f32 v7, v5  }
0x8d: {  	v6 =	vld [tilespmem:s7+$0x1A70]  }
0x8e: {  	v7 =	vld [tilespmem:s7+$0x7E00];
	[tilespmem:s4+$0x14640] =	vst v5;
	v2 =	vadd.f32 v3, v2  }
0x8f: {  	v3 =	vld [tilespmem:s7+$0x1A00]  }
0x90: {  	v5 =	vld [tilespmem:s7+$0x7E10];
	[tilespmem:s4+$0x14650] =	vst v2;
	v0 =	vadd.f32 v4, v0  }
0x91: {  	v2 =	vld [tilespmem:s7+$0x1A10]  }
0x92: {  	v4 =	vld [tilespmem:s7+$0x7E20];
	[tilespmem:s4+$0x14660] =	vst v0  }
0x93: {  	v0 =	vadd.f32 v6, v1;
	v1 =	vld [tilespmem:s7+$0x1A20]  }
0x94: {  	v6 =	vld [tilespmem:s7+$0x7E30]  }
0x95: {  	v3 =	vadd.f32 v3, v7;
	[tilespmem:s7+$0x14670] =	vst v0;
	v0 =	vld [tilespmem:s7+$0x1A30]  }
0x96: {  	v7 =	vld [tilespmem:s7+$0x1A60]  }
0x97: {  	[tilespmem:s7+$0x14600] =	vst v3;
	v2 =	vadd.f32 v2, v5;
	v3 =	vld [tilespmem:s7+$0x7E40]  }
0x98: {  	v5 =	vld [tilespmem:s7+$0x1A40]  }
0x99: {  	[tilespmem:s7+$0x14610] =	vst v2;
	v1 =	vadd.f32 v1, v4;
	v2 =	vld [tilespmem:s7+$0x7E50]  }
0x9a: {  	v4 =	vld [tilespmem:s7+$0x1A50]  }
0x9b: {  	[tilespmem:s7+$0x14620] =	vst v1;
	v1 =	vld [tilespmem:s7+$0x7E60];
	_ =	sdelay $0x1  }
0x9c: {  	v0 =	vadd.f32 v0, v6  }
0x9d: {  	v3 =	vadd.f32 v5, v3  }
0x9e: {  	[tilespmem:s7+$0x14630] =	vst v0;
	v0 =	vadd.f32 v4, v2  }
0x9f: {  	[tilespmem:s7+$0x14640] =	vst v3;
	v1 =	vadd.f32 v7, v1  }
0xa0: {  	[tilespmem:s7+$0x14650] =	vst v0  }
0xa1: {  	s8 =	rddreg [dreg:$0x5];
	[tilespmem:s7+$0x14660] =	vst v1;
	s7 =	simm.s32 $0x0  }
0xa2: {  	[hbm4b:s8+s7] =	stream.linear.scatter [tilespmem:s0], [sflag:$0x3], $0x6400, $0x38;
	[tilespmem:$0x1DC00] =	vst v63  }
0xa3: {  	s9 =	simm.s32 $0x340  }
0xa4: {  	[tilespmem:s16], [sflag:$0x1] =	stream.indirect.gather [hbm4b:s5+s15], $0x40, s9, s15, $0xb8;
	[tilespmem:$0x1DC00] =	vst v63  }
0xa5: {  	s14 =	simm.s32 $0x3A8  }
0xa6: {  	[tilespmem:s18], [sflag:$0x1] =	stream.indirect.gather [hbm4b:s5+s15], $0x40, s14, s15, $0xb8;
	[tilespmem:$0x1DC00] =	vst v63  }
0xa7: {  	s17 =	simm.s32 $0x410  }
0xa8: {  	[tilespmem:s20], [sflag:$0x1] =	stream.indirect.gather [hbm4b:s5+s15], $0x40, s17, s15, $0xb8;
	[tilespmem:$0x1DC00] =	vst v63  }
0xa9: {  	s30 =	simm.s32 $0x478  }
0xaa: {  	[tilespmem:s22], [sflag:$0x1] =	stream.indirect.gather [hbm4b:s5+s15], $0x40, s30, s15, $0xb8;
	[tilespmem:$0x1DC00] =	vst v63  }
0xab: {  	_ =	swait.ge [sflag:s23], $0x1900  }
0xac: {  	[sflag:s23] =	ssyncset.done $0x0  }
0xad: {  	[sflag:s23] =	ssyncadd.s32 $0xFFFFE700  }
0xae: {  	_ =	swait.ge [sflag:s23], $0x1900  }
0xaf: {  	[sflag:s23] =	ssyncset.done $0x0  }
0xb0: {  	[sflag:s23] =	ssyncadd.s32 $0xFFFFE700  }
0xb1: {  	_ =	swait.ge [sflag:s23], $0x1900  }
0xb2: {  	[sflag:s23] =	ssyncset.done $0x0  }
0xb3: {  	[sflag:s23] =	ssyncadd.s32 $0xFFFFE700  }
0xb4: {  	_ =	swait.ge [sflag:s23], $0x1900  }
0xb5: {  	[sflag:s23] =	ssyncset.done $0x0  }
0xb6: {  	s14 =	simm.s32 $0x0;
	[sflag:s23] =	ssyncadd.s32 $0xFFFFE700  }
0xb7: {  	v0 =	vld [tilespmem:s14+$0xB070]  }
0xb8: {  	v1 =	vld [tilespmem:s14+$0x1A70]  }
0xb9: {  	v2 =	vld [tilespmem:s14+$0xB000]  }
0xba: {  	v3 =	vld [tilespmem:s14+$0x1A00]  }
0xbb: {  	v4 =	vld [tilespmem:s14+$0xB010]  }
0xbc: {  	v5 =	vld [tilespmem:s14+$0x1A10]  }
0xbd: {  	v6 =	vld [tilespmem:s14+$0xB020]  }
0xbe: {  	v7 =	vld [tilespmem:s14+$0xB030]  }
0xbf: {  	v0 =	vadd.f32 v1, v0;
	v1 =	vld [tilespmem:s14+$0x1A20]  }
0xc0: {  	v8 =	vld [tilespmem:s14+$0x1A30]  }
0xc1: {  	v9 =	vld [tilespmem:s14+$0x1A40];
	v2 =	vadd.f32 v3, v2  }
0xc2: {  	[tilespmem:s14+$0x17870] =	vst v0;
	v0 =	vadd.f32 v5, v4;
	v5 =	vld [tilespmem:s14+$0xB040]  }
0xc3: {  	v3 =	vld [tilespmem:s14+$0x1A50];
	[tilespmem:s14+$0x17800] =	vst v2  }
0xc4: {  	v2 =	vld [tilespmem:s14+$0xB050];
	[tilespmem:s14+$0x17810] =	vst v0;
	v0 =	vadd.f32 v1, v6  }
0xc5: {  	v4 =	vld [tilespmem:s14+$0x1A60];
	v6 =	vadd.f32 v8, v7  }
0xc6: {  	s4 =	simm.s32 $0x80;
	[tilespmem:s14+$0x17820] =	vst v0;
	v0 =	vld [tilespmem:s14+$0xB060]  }
0xc7: {  	s8 =	simm.s32 $0x400;
	s7 =	simm.s32 $0x0;
	v5 =	vadd.f32 v9, v5;
	v1 =	vld [tilespmem:s4+$0xB070];
	[tilespmem:s14+$0x17830] =	vst v6  }
.LBB2_6:
0xc8: {  	p0 =	sne.s32 s8, $0xC600;
	v6 =	vld [tilespmem:s4+$0x1A70]  }
0xc9: {  	v7 =	vld [tilespmem:s4+$0xB000];
	[tilespmem:s7+$0x17840] =	vst v5;
	v2 =	vadd.f32 v3, v2  }
0xca: {  	v3 =	vld [tilespmem:s4+$0x1A00]  }
0xcb: {  	v5 =	vld [tilespmem:s4+$0xB010];
	[tilespmem:s7+$0x17850] =	vst v2;
	v0 =	vadd.f32 v4, v0  }
0xcc: {  	v2 =	vld [tilespmem:s4+$0x1A10]  }
0xcd: {  	v4 =	vld [tilespmem:s4+$0xB020];
	v1 =	vadd.f32 v6, v1;
	[tilespmem:s7+$0x17860] =	vst v0;
	s7 =	smov.u32 s4  }
0xce: {  	v0 =	vld [tilespmem:s7+$0x1A20]  }
0xcf: {  	v3 =	vadd.f32 v3, v7;
	v6 =	vld [tilespmem:s7+$0xB030];
	[tilespmem:s7+$0x17870] =	vst v1  }
0xd0: {  	v1 =	vld [tilespmem:s7+$0x1A30]  }
0xd1: {  	[tilespmem:s7+$0x17800] =	vst v3;
	v2 =	vadd.f32 v2, v5;
	v5 =	vld [tilespmem:s7+$0xB040]  }
0xd2: {  	v7 =	vld [tilespmem:s7+$0x1A40]  }
.Ltmp2:
0xd3: {  	[tilespmem:s7+$0x17810] =	vst v2;
	v0 =	vadd.f32 v0, v4;
	v2 =	vld [tilespmem:s7+$0xB050];
	(pc) =	sbr.rel @p0 .LBB2_6-.Ltmp2, $4  }
0xd4: {  	v3 =	vld [tilespmem:s7+$0x1A50]  }
0xd5: {  	[tilespmem:s7+$0x17820] =	vst v0;
	v6 =	vadd.f32 v1, v6;
	v0 =	vld [tilespmem:s7+$0xB060]  }
0xd6: {  	s4 =	sshra.s32 s8, $0x2;
	v4 =	vld [tilespmem:s7+$0x1A60]  }
0xd7: {  	s8 =	sadd.s32 $0x200, s8;
	v1 =	vld [tilespmem:s4+$0xB070];
	[tilespmem:s7+$0x17830] =	vst v6;
	v5 =	vadd.f32 v7, v5  }
0xd8: {  	v6 =	vld [tilespmem:s4+$0x1A70]  }
0xd9: {  	v7 =	vld [tilespmem:s4+$0xB000];
	[tilespmem:s7+$0x17840] =	vst v5;
	v2 =	vadd.f32 v3, v2  }
0xda: {  	v3 =	vld [tilespmem:s4+$0x1A00]  }
0xdb: {  	v5 =	vld [tilespmem:s4+$0xB010];
	[tilespmem:s7+$0x17850] =	vst v2;
	v0 =	vadd.f32 v4, v0  }
0xdc: {  	v2 =	vld [tilespmem:s4+$0x1A10]  }
0xdd: {  	v4 =	vld [tilespmem:s4+$0xB020];
	[tilespmem:s7+$0x17860] =	vst v0  }
0xde: {  	v0 =	vadd.f32 v6, v1;
	v1 =	vld [tilespmem:s4+$0x1A20]  }
0xdf: {  	v6 =	vld [tilespmem:s4+$0xB030]  }
0xe0: {  	v3 =	vadd.f32 v3, v7;
	[tilespmem:s4+$0x17870] =	vst v0;
	v0 =	vld [tilespmem:s4+$0x1A30]  }
0xe1: {  	v7 =	vld [tilespmem:s4+$0x1A60]  }
0xe2: {  	[tilespmem:s4+$0x17800] =	vst v3;
	v2 =	vadd.f32 v2, v5;
	v3 =	vld [tilespmem:s4+$0xB040]  }
0xe3: {  	v5 =	vld [tilespmem:s4+$0x1A40]  }
0xe4: {  	[tilespmem:s4+$0x17810] =	vst v2;
	v1 =	vadd.f32 v1, v4;
	v2 =	vld [tilespmem:s4+$0xB050]  }
0xe5: {  	v4 =	vld [tilespmem:s4+$0x1A50]  }
0xe6: {  	[tilespmem:s4+$0x17820] =	vst v1;
	v1 =	vld [tilespmem:s4+$0xB060];
	_ =	sdelay $0x1  }
0xe7: {  	v0 =	vadd.f32 v0, v6  }
0xe8: {  	v3 =	vadd.f32 v5, v3  }
0xe9: {  	[tilespmem:s4+$0x17830] =	vst v0;
	v0 =	vadd.f32 v4, v2  }
0xea: {  	[tilespmem:s4+$0x17840] =	vst v3;
	v1 =	vadd.f32 v7, v1  }
0xeb: {  	[tilespmem:s4+$0x17850] =	vst v0  }
0xec: {  	[tilespmem:s4+$0x17860] =	vst v1  }
0xed: {  	v0 =	vld [tilespmem:s14+$0xE270]  }
0xee: {  	v1 =	vld [tilespmem:s14+$0x1A70]  }
0xef: {  	v2 =	vld [tilespmem:s14+$0xE200]  }
0xf0: {  	v3 =	vld [tilespmem:s14+$0x1A00]  }
0xf1: {  	v4 =	vld [tilespmem:s14+$0xE210]  }
0xf2: {  	v5 =	vld [tilespmem:s14+$0x1A10]  }
0xf3: {  	v6 =	vld [tilespmem:s14+$0xE220]  }
0xf4: {  	v7 =	vld [tilespmem:s14+$0xE230]  }
0xf5: {  	v0 =	vadd.f32 v1, v0;
	v1 =	vld [tilespmem:s14+$0x1A20]  }
0xf6: {  	v8 =	vld [tilespmem:s14+$0x1A30]  }
0xf7: {  	v9 =	vld [tilespmem:s14+$0x1A40];
	v2 =	vadd.f32 v3, v2  }
0xf8: {  	[tilespmem:s14+$0x1AA70] =	vst v0;
	v0 =	vadd.f32 v5, v4;
	v5 =	vld [tilespmem:s14+$0xE240]  }
0xf9: {  	v3 =	vld [tilespmem:s14+$0x1A50];
	[tilespmem:s14+$0x1AA00] =	vst v2  }
0xfa: {  	v2 =	vld [tilespmem:s14+$0xE250];
	[tilespmem:s14+$0x1AA10] =	vst v0;
	v0 =	vadd.f32 v1, v6  }
0xfb: {  	v4 =	vld [tilespmem:s14+$0x1A60];
	v6 =	vadd.f32 v8, v7  }
0xfc: {  	s4 =	simm.s32 $0x80;
	[tilespmem:s14+$0x1AA20] =	vst v0;
	v0 =	vld [tilespmem:s14+$0xE260]  }
0xfd: {  	s7 =	simm.s32 $0x400;
	v5 =	vadd.f32 v9, v5;
	v1 =	vld [tilespmem:s4+$0xE270];
	[tilespmem:s14+$0x1AA30] =	vst v6  }
.LBB2_8:
0xfe: {  	p0 =	sne.s32 s7, $0xC600;
	v6 =	vld [tilespmem:s4+$0x1A70]  }
0xff: {  	v7 =	vld [tilespmem:s4+$0xE200];
	[tilespmem:s14+$0x1AA40] =	vst v5;
	v2 =	vadd.f32 v3, v2  }
0x100: {  	v3 =	vld [tilespmem:s4+$0x1A00]  }
0x101: {  	v5 =	vld [tilespmem:s4+$0xE210];
	[tilespmem:s14+$0x1AA50] =	vst v2;
	v0 =	vadd.f32 v4, v0  }
0x102: {  	v2 =	vld [tilespmem:s4+$0x1A10]  }
0x103: {  	v4 =	vld [tilespmem:s4+$0xE220];
	v1 =	vadd.f32 v6, v1;
	[tilespmem:s14+$0x1AA60] =	vst v0;
	s14 =	smov.u32 s4  }
0x104: {  	v0 =	vld [tilespmem:s14+$0x1A20]  }
0x105: {  	v3 =	vadd.f32 v3, v7;
	v6 =	vld [tilespmem:s14+$0xE230];
	[tilespmem:s14+$0x1AA70] =	vst v1  }
0x106: {  	v1 =	vld [tilespmem:s14+$0x1A30]  }
0x107: {  	[tilespmem:s14+$0x1AA00] =	vst v3;
	v2 =	vadd.f32 v2, v5;
	v5 =	vld [tilespmem:s14+$0xE240]  }
0x108: {  	v7 =	vld [tilespmem:s14+$0x1A40]  }
.Ltmp3:
0x109: {  	[tilespmem:s14+$0x1AA10] =	vst v2;
	v0 =	vadd.f32 v0, v4;
	v2 =	vld [tilespmem:s14+$0xE250];
	(pc) =	sbr.rel @p0 .LBB2_8-.Ltmp3, $4  }
0x10a: {  	v3 =	vld [tilespmem:s14+$0x1A50]  }
0x10b: {  	[tilespmem:s14+$0x1AA20] =	vst v0;
	v6 =	vadd.f32 v1, v6;
	v0 =	vld [tilespmem:s14+$0xE260]  }
0x10c: {  	s4 =	sshra.s32 s7, $0x2;
	v4 =	vld [tilespmem:s14+$0x1A60]  }
0x10d: {  	s7 =	sadd.s32 $0x200, s7;
	v1 =	vld [tilespmem:s4+$0xE270];
	[tilespmem:s14+$0x1AA30] =	vst v6;
	v5 =	vadd.f32 v7, v5  }
0x10e: {  	v6 =	vld [tilespmem:s4+$0x1A70]  }
0x10f: {  	v7 =	vld [tilespmem:s4+$0xE200];
	[tilespmem:s14+$0x1AA40] =	vst v5;
	v2 =	vadd.f32 v3, v2  }
0x110: {  	v51 =	vld [tilespmem:s4+$0x1A00]  }
0x111: {  	v5 =	vld [tilespmem:s4+$0xE210];
	[tilespmem:s14+$0x1AA50] =	vst v2;
	v0 =	vadd.f32 v4, v0  }
0x112: {  	v2 =	vld [tilespmem:s4+$0x1A10]  }
0x113: {  	v52 =	vld [tilespmem:s4+$0xE220];
	[tilespmem:s14+$0x1AA60] =	vst v0  }
0x114: {  	v54 =	vld [tilespmem:s4+$0x1A20]  }
0x115: {  	v55 =	vld [tilespmem:s4+$0xE230]  }
0x116: {  	v56 =	vld [tilespmem:s4+$0x1A30]  }
0x117: {  	v57 =	vld [tilespmem:s4+$0xE240]  }
0x118: {  	v58 =	vld [tilespmem:s4+$0x1A40]  }
0x119: {  	v59 =	vld [tilespmem:s4+$0xE250]  }
0x11a: {  	v53 =	vadd.f32 v6, v1;
	v60 =	vld [tilespmem:s4+$0x1A50]  }
0x11b: {  	v61 =	vld [tilespmem:s4+$0xE260];
	v3 =	vadd.f32 v51, v7  }
0x11c: {  	v62 =	vld [tilespmem:s4+$0x1A60];
	[tilespmem:s4+$0x1AA70] =	vst v53;
	v2 =	vadd.f32 v2, v5  }
0x11d: {  	[tilespmem:s4+$0x1AA00] =	vst v3;
	v1 =	vadd.f32 v54, v52  }
0x11e: {  	[tilespmem:s4+$0x1AA10] =	vst v2;
	v0 =	vadd.f32 v56, v55  }
0x11f: {  	v3 =	vadd.f32 v58, v57;
	[tilespmem:s4+$0x1AA20] =	vst v1  }
0x120: {  	v63 =	vadd.f32 v60, v59;
	[tilespmem:s4+$0x1AA30] =	vst v0  }
0x121: {  	[tilespmem:s4+$0x1AA40] =	vst v3;
	v1 =	vadd.f32 v62, v61  }
0x122: {  	[tilespmem:s4+$0x1AA50] =	vst v63  }
0x123: {  	s7 =	rddreg [dreg:$0x6];
	[tilespmem:s4+$0x1AA60] =	vst v1  }
0x124: {  	[hbm4b:s7+s3] =	stream.linear.scatter [tilespmem:s25], [sflag:$0x4], $0x6400, $0x38;
	[tilespmem:$0x1DC00] =	vst v63  }
0x125: {  	s8 =	simm.s32 $0x4E0  }
0x126: {  	[tilespmem:s24], [sflag:$0x2] =	stream.indirect.gather [hbm4b:s5+s15], $0x40, s8, s15, $0xb8;
	[tilespmem:$0x1DC00] =	vst v63  }
0x127: {  	s9 =	simm.s32 $0x548  }
0x128: {  	[tilespmem:s26], [sflag:$0x2] =	stream.indirect.gather [hbm4b:s5+s15], $0x40, s9, s15, $0xb8;
	[tilespmem:$0x1DC00] =	vst v63  }
0x129: {  	s14 =	simm.s32 $0x5B0  }
0x12a: {  	[tilespmem:s29], [sflag:$0x2] =	stream.indirect.gather [hbm4b:s5+s15], $0x40, s14, s15, $0xb8;
	[tilespmem:$0x1DC00] =	vst v63  }
0x12b: {  	s17 =	simm.s32 $0x618;
	s30 =	simm.s32 $0x1  }
0x12c: {  	[tilespmem:s31], [sflag:$0x2] =	stream.indirect.gather [hbm4b:s5+s15], $0x40, s17, s15, $0xb8;
	[tilespmem:$0x1DC00] =	vst v63  }
.LBB2_10:
0x12d: {  	_ =	swait.ge [sflag:s1], $0x1900  }
0x12e: {  	[sflag:s1] =	ssyncset.done $0x0  }
0x12f: {  	[sflag:s1] =	ssyncadd.s32 $0xFFFFE700  }
0x130: {  	_ =	swait.ge [sflag:s1], $0x1900  }
0x131: {  	[sflag:s1] =	ssyncset.done $0x0  }
0x132: {  	[sflag:s1] =	ssyncadd.s32 $0xFFFFE700  }
0x133: {  	_ =	swait.ge [sflag:s1], $0x1900  }
0x134: {  	[sflag:s1] =	ssyncset.done $0x0  }
0x135: {  	[sflag:s1] =	ssyncadd.s32 $0xFFFFE700  }
0x136: {  	_ =	swait.ge [sflag:s1], $0x1900  }
0x137: {  	[sflag:s1] =	ssyncset.done $0x0  }
0x138: {  	[sflag:s1] =	ssyncadd.s32 $0xFFFFE700  }
0x139: {  	_ =	swait.ge [sflag:s19], $0x6400  }
0x13a: {  	[sflag:s19] =	ssyncset.done $0x0  }
0x13b: {  	s14 =	simm.s32 $0x0;
	[sflag:s19] =	ssyncadd.s32 $0xFFFF9C00  }
0x13c: {  	v0 =	vld [tilespmem:s14+$0x4C70]  }
0x13d: {  	v1 =	vld [tilespmem:s14+$0x1A70]  }
0x13e: {  	v2 =	vld [tilespmem:s14+$0x4C00]  }
0x13f: {  	v3 =	vld [tilespmem:s14+$0x1A00]  }
0x140: {  	v4 =	vld [tilespmem:s14+$0x4C10]  }
0x141: {  	v5 =	vld [tilespmem:s14+$0x1A10]  }
0x142: {  	v6 =	vld [tilespmem:s14+$0x4C20]  }
0x143: {  	v7 =	vld [tilespmem:s14+$0x4C30]  }
0x144: {  	v0 =	vadd.f32 v1, v0;
	v1 =	vld [tilespmem:s14+$0x1A20]  }
0x145: {  	v8 =	vld [tilespmem:s14+$0x1A30]  }
0x146: {  	v9 =	vld [tilespmem:s14+$0x1A40];
	v2 =	vadd.f32 v3, v2  }
0x147: {  	[tilespmem:s14+$0x11470] =	vst v0;
	v0 =	vadd.f32 v5, v4;
	v5 =	vld [tilespmem:s14+$0x4C40]  }
0x148: {  	v3 =	vld [tilespmem:s14+$0x1A50];
	[tilespmem:s14+$0x11400] =	vst v2  }
0x149: {  	v2 =	vld [tilespmem:s14+$0x4C50];
	[tilespmem:s14+$0x11410] =	vst v0;
	v0 =	vadd.f32 v1, v6  }
0x14a: {  	v4 =	vld [tilespmem:s14+$0x1A60];
	v6 =	vadd.f32 v8, v7  }
0x14b: {  	s4 =	simm.s32 $0x80;
	[tilespmem:s14+$0x11420] =	vst v0;
	v0 =	vld [tilespmem:s14+$0x4C60]  }
0x14c: {  	s8 =	simm.s32 $0x400;
	s7 =	simm.s32 $0x0;
	v5 =	vadd.f32 v9, v5;
	v1 =	vld [tilespmem:s4+$0x4C70];
	[tilespmem:s14+$0x11430] =	vst v6  }
.LBB2_11:
0x14d: {  	p0 =	sne.s32 s8, $0xC600;
	v6 =	vld [tilespmem:s4+$0x1A70]  }
0x14e: {  	v7 =	vld [tilespmem:s4+$0x4C00];
	[tilespmem:s7+$0x11440] =	vst v5;
	v2 =	vadd.f32 v3, v2  }
0x14f: {  	v3 =	vld [tilespmem:s4+$0x1A00]  }
0x150: {  	v5 =	vld [tilespmem:s4+$0x4C10];
	[tilespmem:s7+$0x11450] =	vst v2;
	v0 =	vadd.f32 v4, v0  }
0x151: {  	v2 =	vld [tilespmem:s4+$0x1A10]  }
0x152: {  	v4 =	vld [tilespmem:s4+$0x4C20];
	v1 =	vadd.f32 v6, v1;
	[tilespmem:s7+$0x11460] =	vst v0;
	s7 =	smov.u32 s4  }
0x153: {  	v0 =	vld [tilespmem:s7+$0x1A20]  }
0x154: {  	v3 =	vadd.f32 v3, v7;
	v6 =	vld [tilespmem:s7+$0x4C30];
	[tilespmem:s7+$0x11470] =	vst v1  }
0x155: {  	v1 =	vld [tilespmem:s7+$0x1A30]  }
0x156: {  	[tilespmem:s7+$0x11400] =	vst v3;
	v2 =	vadd.f32 v2, v5;
	v5 =	vld [tilespmem:s7+$0x4C40]  }
0x157: {  	v7 =	vld [tilespmem:s7+$0x1A40]  }
.Ltmp4:
0x158: {  	[tilespmem:s7+$0x11410] =	vst v2;
	v0 =	vadd.f32 v0, v4;
	v2 =	vld [tilespmem:s7+$0x4C50];
	(pc) =	sbr.rel @p0 .LBB2_11-.Ltmp4, $4  }
0x159: {  	v3 =	vld [tilespmem:s7+$0x1A50]  }
0x15a: {  	[tilespmem:s7+$0x11420] =	vst v0;
	v6 =	vadd.f32 v1, v6;
	v0 =	vld [tilespmem:s7+$0x4C60]  }
0x15b: {  	s4 =	sshra.s32 s8, $0x2;
	v4 =	vld [tilespmem:s7+$0x1A60]  }
0x15c: {  	s8 =	sadd.s32 $0x200, s8;
	v1 =	vld [tilespmem:s4+$0x4C70];
	[tilespmem:s7+$0x11430] =	vst v6;
	v5 =	vadd.f32 v7, v5  }
0x15d: {  	v6 =	vld [tilespmem:s4+$0x1A70]  }
0x15e: {  	v7 =	vld [tilespmem:s4+$0x4C00];
	[tilespmem:s7+$0x11440] =	vst v5;
	v2 =	vadd.f32 v3, v2  }
0x15f: {  	v3 =	vld [tilespmem:s4+$0x1A00]  }
0x160: {  	v5 =	vld [tilespmem:s4+$0x4C10];
	[tilespmem:s7+$0x11450] =	vst v2;
	v0 =	vadd.f32 v4, v0  }
0x161: {  	v2 =	vld [tilespmem:s4+$0x1A10]  }
0x162: {  	v4 =	vld [tilespmem:s4+$0x4C20];
	[tilespmem:s7+$0x11460] =	vst v0  }
0x163: {  	v0 =	vadd.f32 v6, v1;
	v1 =	vld [tilespmem:s4+$0x1A20]  }
0x164: {  	v6 =	vld [tilespmem:s4+$0x4C30]  }
0x165: {  	v3 =	vadd.f32 v3, v7;
	[tilespmem:s4+$0x11470] =	vst v0;
	v0 =	vld [tilespmem:s4+$0x1A30]  }
0x166: {  	v7 =	vld [tilespmem:s4+$0x1A60]  }
0x167: {  	[tilespmem:s4+$0x11400] =	vst v3;
	v2 =	vadd.f32 v2, v5;
	v3 =	vld [tilespmem:s4+$0x4C40]  }
0x168: {  	v5 =	vld [tilespmem:s4+$0x1A40]  }
0x169: {  	[tilespmem:s4+$0x11410] =	vst v2;
	v1 =	vadd.f32 v1, v4;
	v2 =	vld [tilespmem:s4+$0x4C50]  }
0x16a: {  	v4 =	vld [tilespmem:s4+$0x1A50]  }
0x16b: {  	[tilespmem:s4+$0x11420] =	vst v1;
	v1 =	vld [tilespmem:s4+$0x4C60];
	_ =	sdelay $0x1  }
0x16c: {  	v0 =	vadd.f32 v0, v6  }
0x16d: {  	v3 =	vadd.f32 v5, v3  }
0x16e: {  	[tilespmem:s4+$0x11430] =	vst v0;
	v0 =	vadd.f32 v4, v2  }
0x16f: {  	[tilespmem:s4+$0x11440] =	vst v3;
	v1 =	vadd.f32 v7, v1  }
0x170: {  	[tilespmem:s4+$0x11450] =	vst v0  }
0x171: {  	[tilespmem:s4+$0x11460] =	vst v1  }
0x172: {  	v0 =	vld [tilespmem:s14+$0x7E70]  }
0x173: {  	v1 =	vld [tilespmem:s14+$0x1A70]  }
0x174: {  	v2 =	vld [tilespmem:s14+$0x7E00]  }
0x175: {  	v3 =	vld [tilespmem:s14+$0x1A00]  }
0x176: {  	v4 =	vld [tilespmem:s14+$0x7E10]  }
0x177: {  	v5 =	vld [tilespmem:s14+$0x1A10]  }
0x178: {  	v6 =	vld [tilespmem:s14+$0x7E20]  }
0x179: {  	v7 =	vld [tilespmem:s14+$0x7E30]  }
0x17a: {  	v0 =	vadd.f32 v1, v0;
	v1 =	vld [tilespmem:s14+$0x1A20]  }
0x17b: {  	v8 =	vld [tilespmem:s14+$0x1A30]  }
0x17c: {  	v9 =	vld [tilespmem:s14+$0x1A40];
	v2 =	vadd.f32 v3, v2  }
0x17d: {  	[tilespmem:s14+$0x14670] =	vst v0;
	v0 =	vadd.f32 v5, v4;
	v5 =	vld [tilespmem:s14+$0x7E40]  }
0x17e: {  	v3 =	vld [tilespmem:s14+$0x1A50];
	[tilespmem:s14+$0x14600] =	vst v2  }
0x17f: {  	v2 =	vld [tilespmem:s14+$0x7E50];
	[tilespmem:s14+$0x14610] =	vst v0;
	v0 =	vadd.f32 v1, v6  }
0x180: {  	v4 =	vld [tilespmem:s14+$0x1A60];
	v6 =	vadd.f32 v8, v7  }
0x181: {  	s4 =	simm.s32 $0x80;
	[tilespmem:s14+$0x14620] =	vst v0;
	v0 =	vld [tilespmem:s14+$0x7E60]  }
0x182: {  	s7 =	simm.s32 $0x400;
	v5 =	vadd.f32 v9, v5;
	v1 =	vld [tilespmem:s4+$0x7E70];
	[tilespmem:s14+$0x14630] =	vst v6  }
.LBB2_13:
0x183: {  	p0 =	sne.s32 s7, $0xC600;
	v6 =	vld [tilespmem:s4+$0x1A70]  }
0x184: {  	v7 =	vld [tilespmem:s4+$0x7E00];
	[tilespmem:s14+$0x14640] =	vst v5;
	v2 =	vadd.f32 v3, v2  }
0x185: {  	v3 =	vld [tilespmem:s4+$0x1A00]  }
0x186: {  	v5 =	vld [tilespmem:s4+$0x7E10];
	[tilespmem:s14+$0x14650] =	vst v2;
	v0 =	vadd.f32 v4, v0  }
0x187: {  	v2 =	vld [tilespmem:s4+$0x1A10]  }
0x188: {  	v4 =	vld [tilespmem:s4+$0x7E20];
	v1 =	vadd.f32 v6, v1;
	[tilespmem:s14+$0x14660] =	vst v0;
	s14 =	smov.u32 s4  }
0x189: {  	v0 =	vld [tilespmem:s14+$0x1A20]  }
0x18a: {  	v3 =	vadd.f32 v3, v7;
	v6 =	vld [tilespmem:s14+$0x7E30];
	[tilespmem:s14+$0x14670] =	vst v1  }
0x18b: {  	v1 =	vld [tilespmem:s14+$0x1A30]  }
0x18c: {  	[tilespmem:s14+$0x14600] =	vst v3;
	v2 =	vadd.f32 v2, v5;
	v5 =	vld [tilespmem:s14+$0x7E40]  }
0x18d: {  	v7 =	vld [tilespmem:s14+$0x1A40]  }
.Ltmp5:
0x18e: {  	[tilespmem:s14+$0x14610] =	vst v2;
	v0 =	vadd.f32 v0, v4;
	v2 =	vld [tilespmem:s14+$0x7E50];
	(pc) =	sbr.rel @p0 .LBB2_13-.Ltmp5, $4  }
0x18f: {  	v3 =	vld [tilespmem:s14+$0x1A50]  }
0x190: {  	[tilespmem:s14+$0x14620] =	vst v0;
	v6 =	vadd.f32 v1, v6;
	v0 =	vld [tilespmem:s14+$0x7E60]  }
0x191: {  	s4 =	sshra.s32 s7, $0x2;
	v4 =	vld [tilespmem:s14+$0x1A60]  }
0x192: {  	s7 =	sadd.s32 $0x200, s7;
	v1 =	vld [tilespmem:s4+$0x7E70];
	[tilespmem:s14+$0x14630] =	vst v6;
	v5 =	vadd.f32 v7, v5  }
0x193: {  	v6 =	vld [tilespmem:s4+$0x1A70]  }
0x194: {  	v7 =	vld [tilespmem:s4+$0x7E00];
	[tilespmem:s14+$0x14640] =	vst v5;
	v2 =	vadd.f32 v3, v2  }
0x195: {  	v3 =	vld [tilespmem:s4+$0x1A00]  }
0x196: {  	v5 =	vld [tilespmem:s4+$0x7E10];
	[tilespmem:s14+$0x14650] =	vst v2;
	v0 =	vadd.f32 v4, v0  }
0x197: {  	v2 =	vld [tilespmem:s4+$0x1A10]  }
0x198: {  	v4 =	vld [tilespmem:s4+$0x7E20];
	[tilespmem:s14+$0x14660] =	vst v0  }
0x199: {  	v0 =	vadd.f32 v6, v1;
	v1 =	vld [tilespmem:s4+$0x1A20]  }
0x19a: {  	v6 =	vld [tilespmem:s4+$0x7E30]  }
0x19b: {  	v3 =	vadd.f32 v3, v7;
	[tilespmem:s4+$0x14670] =	vst v0;
	v0 =	vld [tilespmem:s4+$0x1A30]  }
0x19c: {  	v7 =	vld [tilespmem:s4+$0x1A60]  }
0x19d: {  	[tilespmem:s4+$0x14600] =	vst v3;
	v2 =	vadd.f32 v2, v5;
	v3 =	vld [tilespmem:s4+$0x7E40]  }
0x19e: {  	v5 =	vld [tilespmem:s4+$0x1A40]  }
0x19f: {  	[tilespmem:s4+$0x14610] =	vst v2;
	v1 =	vadd.f32 v1, v4;
	v2 =	vld [tilespmem:s4+$0x7E50]  }
0x1a0: {  	v4 =	vld [tilespmem:s4+$0x1A50]  }
0x1a1: {  	[tilespmem:s4+$0x14620] =	vst v1;
	v1 =	vld [tilespmem:s4+$0x7E60];
	_ =	sdelay $0x1  }
0x1a2: {  	v0 =	vadd.f32 v0, v6  }
0x1a3: {  	s17 =	sshll.u32 s30, $0x1;
	v3 =	vadd.f32 v5, v3  }
0x1a4: {  	s7 =	sadd.s32 s6, s17;
	[tilespmem:s4+$0x14630] =	vst v0;
	v0 =	vadd.f32 v4, v2  }
0x1a5: {  	s7 =	smul.u32 $0xC80, s7;
	[tilespmem:s4+$0x14640] =	vst v3;
	v1 =	vadd.f32 v7, v1  }
0x1a6: {  	[tilespmem:s4+$0x14650] =	vst v0  }
0x1a7: {  	s8 =	smul.u32 $0xD00, s30;
	s9 =	sadd.s32 s2, s7;
	s14 =	simm.s32 $0x0;
	[tilespmem:s4+$0x14660] =	vst v1  }
0x1a8: {  	[hbm4b:s9+s14] =	stream.linear.scatter [tilespmem:s0], [sflag:$0x3], $0x6400, $0x38;
	[tilespmem:$0x1DC00] =	vst v63  }
0x1a9: {  	s14 =	sshra.s32 s8, $0x2  }
0x1aa: {  	s9 =	sadd.s32 $0x340, s14  }
0x1ab: {  	[tilespmem:s16], [sflag:$0x1] =	stream.indirect.gather [hbm4b:s5+s15], $0x40, s9, s15, $0xb8;
	[tilespmem:$0x1DC00] =	vst v63  }
0x1ac: {  	s7 =	sadd.s32 $0x3A8, s14  }
0x1ad: {  	[tilespmem:s18], [sflag:$0x1] =	stream.indirect.gather [hbm4b:s5+s15], $0x40, s7, s15, $0xb8;
	[tilespmem:$0x1DC00] =	vst v63  }
0x1ae: {  	s8 =	sadd.s32 $0x410, s14  }
0x1af: {  	[tilespmem:s20], [sflag:$0x1] =	stream.indirect.gather [hbm4b:s5+s15], $0x40, s8, s15, $0xb8;
	[tilespmem:$0x1DC00] =	vst v63  }
0x1b0: {  	s9 =	sadd.s32 $0x478, s14  }
0x1b1: {  	[tilespmem:s22], [sflag:$0x1] =	stream.indirect.gather [hbm4b:s5+s15], $0x40, s9, s15, $0xb8;
	[tilespmem:$0x1DC00] =	vst v63  }
0x1b2: {  	_ =	swait.ge [sflag:s23], $0x1900  }
0x1b3: {  	[sflag:s23] =	ssyncset.done $0x0  }
0x1b4: {  	[sflag:s23] =	ssyncadd.s32 $0xFFFFE700  }
0x1b5: {  	_ =	swait.ge [sflag:s23], $0x1900  }
0x1b6: {  	[sflag:s23] =	ssyncset.done $0x0  }
0x1b7: {  	[sflag:s23] =	ssyncadd.s32 $0xFFFFE700  }
0x1b8: {  	_ =	swait.ge [sflag:s23], $0x1900  }
0x1b9: {  	[sflag:s23] =	ssyncset.done $0x0  }
0x1ba: {  	[sflag:s23] =	ssyncadd.s32 $0xFFFFE700  }
0x1bb: {  	_ =	swait.ge [sflag:s23], $0x1900  }
0x1bc: {  	[sflag:s23] =	ssyncset.done $0x0  }
0x1bd: {  	[sflag:s23] =	ssyncadd.s32 $0xFFFFE700  }
0x1be: {  	_ =	swait.ge [sflag:s21], $0x6400  }
0x1bf: {  	[sflag:s21] =	ssyncset.done $0x0  }
0x1c0: {  	s4 =	simm.s32 $0x0;
	[sflag:s21] =	ssyncadd.s32 $0xFFFF9C00  }
0x1c1: {  	v0 =	vld [tilespmem:s4+$0xB070]  }
0x1c2: {  	v1 =	vld [tilespmem:s4+$0x1A70]  }
0x1c3: {  	v2 =	vld [tilespmem:s4+$0xB000]  }
0x1c4: {  	v3 =	vld [tilespmem:s4+$0x1A00]  }
0x1c5: {  	v4 =	vld [tilespmem:s4+$0xB010]  }
0x1c6: {  	v5 =	vld [tilespmem:s4+$0x1A10]  }
0x1c7: {  	v6 =	vld [tilespmem:s4+$0xB020]  }
0x1c8: {  	v7 =	vld [tilespmem:s4+$0xB030]  }
0x1c9: {  	v0 =	vadd.f32 v1, v0;
	v1 =	vld [tilespmem:s4+$0x1A20]  }
0x1ca: {  	v8 =	vld [tilespmem:s4+$0x1A30]  }
0x1cb: {  	v9 =	vld [tilespmem:s4+$0x1A40];
	v2 =	vadd.f32 v3, v2  }
0x1cc: {  	[tilespmem:s4+$0x17870] =	vst v0;
	v0 =	vadd.f32 v5, v4;
	v5 =	vld [tilespmem:s4+$0xB040]  }
0x1cd: {  	v3 =	vld [tilespmem:s4+$0x1A50];
	[tilespmem:s4+$0x17800] =	vst v2  }
0x1ce: {  	v2 =	vld [tilespmem:s4+$0xB050];
	[tilespmem:s4+$0x17810] =	vst v0;
	v0 =	vadd.f32 v1, v6  }
0x1cf: {  	v4 =	vld [tilespmem:s4+$0x1A60];
	v6 =	vadd.f32 v8, v7  }
0x1d0: {  	s7 =	simm.s32 $0x80;
	[tilespmem:s4+$0x17820] =	vst v0;
	v0 =	vld [tilespmem:s4+$0xB060]  }
0x1d1: {  	s8 =	simm.s32 $0x0;
	s9 =	simm.s32 $0x400;
	v5 =	vadd.f32 v9, v5;
	v1 =	vld [tilespmem:s7+$0xB070];
	[tilespmem:s4+$0x17830] =	vst v6  }
.LBB2_15:
0x1d2: {  	p0 =	sne.s32 s9, $0xC600;
	v6 =	vld [tilespmem:s7+$0x1A70]  }
0x1d3: {  	v7 =	vld [tilespmem:s7+$0xB000];
	[tilespmem:s8+$0x17840] =	vst v5;
	v2 =	vadd.f32 v3, v2  }
0x1d4: {  	v3 =	vld [tilespmem:s7+$0x1A00]  }
0x1d5: {  	v5 =	vld [tilespmem:s7+$0xB010];
	[tilespmem:s8+$0x17850] =	vst v2;
	v0 =	vadd.f32 v4, v0  }
0x1d6: {  	v2 =	vld [tilespmem:s7+$0x1A10]  }
0x1d7: {  	v4 =	vld [tilespmem:s7+$0xB020];
	v1 =	vadd.f32 v6, v1;
	[tilespmem:s8+$0x17860] =	vst v0;
	s8 =	smov.u32 s7  }
0x1d8: {  	v0 =	vld [tilespmem:s8+$0x1A20]  }
0x1d9: {  	v3 =	vadd.f32 v3, v7;
	v6 =	vld [tilespmem:s8+$0xB030];
	[tilespmem:s8+$0x17870] =	vst v1  }
0x1da: {  	v1 =	vld [tilespmem:s8+$0x1A30]  }
0x1db: {  	[tilespmem:s8+$0x17800] =	vst v3;
	v2 =	vadd.f32 v2, v5;
	v5 =	vld [tilespmem:s8+$0xB040]  }
0x1dc: {  	v7 =	vld [tilespmem:s8+$0x1A40]  }
.Ltmp6:
0x1dd: {  	[tilespmem:s8+$0x17810] =	vst v2;
	v0 =	vadd.f32 v0, v4;
	v2 =	vld [tilespmem:s8+$0xB050];
	(pc) =	sbr.rel @p0 .LBB2_15-.Ltmp6, $4  }
0x1de: {  	v3 =	vld [tilespmem:s8+$0x1A50]  }
0x1df: {  	[tilespmem:s8+$0x17820] =	vst v0;
	v6 =	vadd.f32 v1, v6;
	v0 =	vld [tilespmem:s8+$0xB060]  }
0x1e0: {  	s7 =	sshra.s32 s9, $0x2;
	v4 =	vld [tilespmem:s8+$0x1A60]  }
0x1e1: {  	s9 =	sadd.s32 $0x200, s9;
	v1 =	vld [tilespmem:s7+$0xB070];
	[tilespmem:s8+$0x17830] =	vst v6;
	v5 =	vadd.f32 v7, v5  }
0x1e2: {  	v6 =	vld [tilespmem:s7+$0x1A70]  }
0x1e3: {  	v7 =	vld [tilespmem:s7+$0xB000];
	[tilespmem:s8+$0x17840] =	vst v5;
	v2 =	vadd.f32 v3, v2  }
0x1e4: {  	v3 =	vld [tilespmem:s7+$0x1A00]  }
0x1e5: {  	v5 =	vld [tilespmem:s7+$0xB010];
	[tilespmem:s8+$0x17850] =	vst v2;
	v0 =	vadd.f32 v4, v0  }
0x1e6: {  	v2 =	vld [tilespmem:s7+$0x1A10]  }
0x1e7: {  	v4 =	vld [tilespmem:s7+$0xB020];
	[tilespmem:s8+$0x17860] =	vst v0  }
0x1e8: {  	v0 =	vadd.f32 v6, v1;
	v1 =	vld [tilespmem:s7+$0x1A20]  }
0x1e9: {  	v6 =	vld [tilespmem:s7+$0xB030]  }
0x1ea: {  	v3 =	vadd.f32 v3, v7;
	[tilespmem:s7+$0x17870] =	vst v0;
	v0 =	vld [tilespmem:s7+$0x1A30]  }
0x1eb: {  	v7 =	vld [tilespmem:s7+$0x1A60]  }
0x1ec: {  	[tilespmem:s7+$0x17800] =	vst v3;
	v2 =	vadd.f32 v2, v5;
	v3 =	vld [tilespmem:s7+$0xB040]  }
0x1ed: {  	v5 =	vld [tilespmem:s7+$0x1A40]  }
0x1ee: {  	[tilespmem:s7+$0x17810] =	vst v2;
	v1 =	vadd.f32 v1, v4;
	v2 =	vld [tilespmem:s7+$0xB050]  }
0x1ef: {  	v4 =	vld [tilespmem:s7+$0x1A50]  }
0x1f0: {  	[tilespmem:s7+$0x17820] =	vst v1;
	v1 =	vld [tilespmem:s7+$0xB060];
	_ =	sdelay $0x1  }
0x1f1: {  	v0 =	vadd.f32 v0, v6  }
0x1f2: {  	v3 =	vadd.f32 v5, v3  }
0x1f3: {  	[tilespmem:s7+$0x17830] =	vst v0;
	v0 =	vadd.f32 v4, v2  }
0x1f4: {  	[tilespmem:s7+$0x17840] =	vst v3;
	v1 =	vadd.f32 v7, v1  }
0x1f5: {  	[tilespmem:s7+$0x17850] =	vst v0  }
0x1f6: {  	[tilespmem:s7+$0x17860] =	vst v1  }
0x1f7: {  	v0 =	vld [tilespmem:s4+$0xE270]  }
0x1f8: {  	v1 =	vld [tilespmem:s4+$0x1A70]  }
0x1f9: {  	v2 =	vld [tilespmem:s4+$0xE200]  }
0x1fa: {  	v3 =	vld [tilespmem:s4+$0x1A00]  }
0x1fb: {  	v4 =	vld [tilespmem:s4+$0xE210]  }
0x1fc: {  	v5 =	vld [tilespmem:s4+$0x1A10]  }
0x1fd: {  	v6 =	vld [tilespmem:s4+$0xE220]  }
0x1fe: {  	v7 =	vld [tilespmem:s4+$0xE230]  }
0x1ff: {  	v0 =	vadd.f32 v1, v0;
	v1 =	vld [tilespmem:s4+$0x1A20]  }
0x200: {  	v8 =	vld [tilespmem:s4+$0x1A30]  }
0x201: {  	v9 =	vld [tilespmem:s4+$0x1A40];
	v2 =	vadd.f32 v3, v2  }
0x202: {  	[tilespmem:s4+$0x1AA70] =	vst v0;
	v0 =	vadd.f32 v5, v4;
	v5 =	vld [tilespmem:s4+$0xE240]  }
0x203: {  	v3 =	vld [tilespmem:s4+$0x1A50];
	[tilespmem:s4+$0x1AA00] =	vst v2  }
0x204: {  	v2 =	vld [tilespmem:s4+$0xE250];
	[tilespmem:s4+$0x1AA10] =	vst v0;
	v0 =	vadd.f32 v1, v6  }
0x205: {  	v4 =	vld [tilespmem:s4+$0x1A60];
	v6 =	vadd.f32 v8, v7  }
0x206: {  	s7 =	simm.s32 $0x80;
	[tilespmem:s4+$0x1AA20] =	vst v0;
	v0 =	vld [tilespmem:s4+$0xE260]  }
0x207: {  	s8 =	simm.s32 $0x400;
	v5 =	vadd.f32 v9, v5;
	v1 =	vld [tilespmem:s7+$0xE270];
	[tilespmem:s4+$0x1AA30] =	vst v6  }
.LBB2_17:
0x208: {  	p0 =	sne.s32 s8, $0xC600;
	v6 =	vld [tilespmem:s7+$0x1A70]  }
0x209: {  	v7 =	vld [tilespmem:s7+$0xE200];
	[tilespmem:s4+$0x1AA40] =	vst v5;
	v2 =	vadd.f32 v3, v2  }
0x20a: {  	v3 =	vld [tilespmem:s7+$0x1A00]  }
0x20b: {  	v5 =	vld [tilespmem:s7+$0xE210];
	[tilespmem:s4+$0x1AA50] =	vst v2;
	v0 =	vadd.f32 v4, v0  }
0x20c: {  	v2 =	vld [tilespmem:s7+$0x1A10]  }
0x20d: {  	v4 =	vld [tilespmem:s7+$0xE220];
	v1 =	vadd.f32 v6, v1;
	[tilespmem:s4+$0x1AA60] =	vst v0;
	s4 =	smov.u32 s7  }
0x20e: {  	v0 =	vld [tilespmem:s4+$0x1A20]  }
0x20f: {  	v3 =	vadd.f32 v3, v7;
	v6 =	vld [tilespmem:s4+$0xE230];
	[tilespmem:s4+$0x1AA70] =	vst v1  }
0x210: {  	v1 =	vld [tilespmem:s4+$0x1A30]  }
0x211: {  	[tilespmem:s4+$0x1AA00] =	vst v3;
	v2 =	vadd.f32 v2, v5;
	v5 =	vld [tilespmem:s4+$0xE240]  }
0x212: {  	v7 =	vld [tilespmem:s4+$0x1A40]  }
.Ltmp7:
0x213: {  	[tilespmem:s4+$0x1AA10] =	vst v2;
	v0 =	vadd.f32 v0, v4;
	v2 =	vld [tilespmem:s4+$0xE250];
	(pc) =	sbr.rel @p0 .LBB2_17-.Ltmp7, $4  }
0x214: {  	v3 =	vld [tilespmem:s4+$0x1A50]  }
0x215: {  	[tilespmem:s4+$0x1AA20] =	vst v0;
	v6 =	vadd.f32 v1, v6;
	v0 =	vld [tilespmem:s4+$0xE260]  }
0x216: {  	s7 =	sshra.s32 s8, $0x2;
	v4 =	vld [tilespmem:s4+$0x1A60]  }
0x217: {  	s8 =	sadd.s32 $0x200, s8;
	v1 =	vld [tilespmem:s7+$0xE270];
	[tilespmem:s4+$0x1AA30] =	vst v6;
	v5 =	vadd.f32 v7, v5  }
0x218: {  	v6 =	vld [tilespmem:s7+$0x1A70]  }
0x219: {  	v7 =	vld [tilespmem:s7+$0xE200];
	[tilespmem:s4+$0x1AA40] =	vst v5;
	v2 =	vadd.f32 v3, v2  }
0x21a: {  	v51 =	vld [tilespmem:s7+$0x1A00]  }
0x21b: {  	v5 =	vld [tilespmem:s7+$0xE210];
	[tilespmem:s4+$0x1AA50] =	vst v2;
	v0 =	vadd.f32 v4, v0  }
0x21c: {  	v2 =	vld [tilespmem:s7+$0x1A10]  }
0x21d: {  	v52 =	vld [tilespmem:s7+$0xE220];
	[tilespmem:s4+$0x1AA60] =	vst v0  }
0x21e: {  	v54 =	vld [tilespmem:s7+$0x1A20]  }
0x21f: {  	v55 =	vld [tilespmem:s7+$0xE230]  }
0x220: {  	v56 =	vld [tilespmem:s7+$0x1A30]  }
0x221: {  	v57 =	vld [tilespmem:s7+$0xE240]  }
0x222: {  	v58 =	vld [tilespmem:s7+$0x1A40]  }
0x223: {  	v59 =	vld [tilespmem:s7+$0xE250]  }
0x224: {  	v53 =	vadd.f32 v6, v1;
	v60 =	vld [tilespmem:s7+$0x1A50]  }
0x225: {  	v61 =	vld [tilespmem:s7+$0xE260];
	v3 =	vadd.f32 v51, v7  }
0x226: {  	v62 =	vld [tilespmem:s7+$0x1A60];
	[tilespmem:s7+$0x1AA70] =	vst v53;
	v2 =	vadd.f32 v2, v5  }
0x227: {  	[tilespmem:s7+$0x1AA00] =	vst v3;
	v1 =	vadd.f32 v54, v52  }
0x228: {  	[tilespmem:s7+$0x1AA10] =	vst v2;
	v0 =	vadd.f32 v56, v55  }
0x229: {  	s17 =	sadd.s32 s17, s6;
	v3 =	vadd.f32 v58, v57;
	[tilespmem:s7+$0x1AA20] =	vst v1  }
0x22a: {  	s4 =	smul.u32 $0xC80, s17;
	v63 =	vadd.f32 v60, v59;
	[tilespmem:s7+$0x1AA30] =	vst v0  }
0x22b: {  	[tilespmem:s7+$0x1AA40] =	vst v3;
	v1 =	vadd.f32 v62, v61  }
0x22c: {  	s4 =	sadd.s32 s2, s4;
	[tilespmem:s7+$0x1AA50] =	vst v63  }
0x22d: {  	s4 =	sadd.s32 $0xC80, s4;
	[tilespmem:s7+$0x1AA60] =	vst v1  }
0x22e: {  	[hbm4b:s4+s3] =	stream.linear.scatter [tilespmem:s25], [sflag:$0x4], $0x6400, $0x38;
	[tilespmem:$0x1DC00] =	vst v63  }
0x22f: {  	s30 =	sadd.s32 $0x1, s30;
	s7 =	sadd.s32 $0x4E0, s14  }
0x230: {  	[tilespmem:s24], [sflag:$0x2] =	stream.indirect.gather [hbm4b:s5+s15], $0x40, s7, s15, $0xb8;
	[tilespmem:$0x1DC00] =	vst v63  }
0x231: {  	s8 =	sadd.s32 $0x548, s14;
	p0 =	sne.s32 s30, $0x7  }
0x232: {  	[tilespmem:s26], [sflag:$0x2] =	stream.indirect.gather [hbm4b:s5+s15], $0x40, s8, s15, $0xb8;
	[tilespmem:$0x1DC00] =	vst v63  }
.Ltmp8:
0x233: {  	_ = 	snop;
	(pc) =	sbr.rel @p0 .LBB2_10-.Ltmp8, $4  }
0x234: {  	s9 =	sadd.s32 $0x5B0, s14  }
0x235: {  	[tilespmem:s29], [sflag:$0x2] =	stream.indirect.gather [hbm4b:s5+s15], $0x40, s9, s15, $0xb8;
	[tilespmem:$0x1DC00] =	vst v63  }
0x236: {  	s17 =	sadd.s32 $0x618, s14  }
0x237: {  	[tilespmem:s31], [sflag:$0x2] =	stream.indirect.gather [hbm4b:s5+s15], $0x40, s17, s15, $0xb8;
	[tilespmem:$0x1DC00] =	vst v63  }
0x238: {  	_ =	swait.ge [sflag:s1], $0x1900  }
0x239: {  	[sflag:s1] =	ssyncset.done $0x0  }
0x23a: {  	[sflag:s1] =	ssyncadd.s32 $0xFFFFE700  }
0x23b: {  	_ =	swait.ge [sflag:s1], $0x1900  }
0x23c: {  	[sflag:s1] =	ssyncset.done $0x0  }
0x23d: {  	[sflag:s1] =	ssyncadd.s32 $0xFFFFE700  }
0x23e: {  	_ =	swait.ge [sflag:s1], $0x1900  }
0x23f: {  	[sflag:s1] =	ssyncset.done $0x0  }
0x240: {  	[sflag:s1] =	ssyncadd.s32 $0xFFFFE700  }
0x241: {  	_ =	swait.ge [sflag:s1], $0x1900  }
0x242: {  	[sflag:s1] =	ssyncset.done $0x0  }
0x243: {  	[sflag:s1] =	ssyncadd.s32 $0xFFFFE700  }
0x244: {  	_ =	swait.ge [sflag:s19], $0x6400  }
0x245: {  	[sflag:s19] =	ssyncset.done $0x0  }
0x246: {  	s4 =	simm.s32 $0x0;
	[sflag:s19] =	ssyncadd.s32 $0xFFFF9C00  }
0x247: {  	v0 =	vld [tilespmem:s4+$0x4C70]  }
0x248: {  	v1 =	vld [tilespmem:s4+$0x1A70]  }
0x249: {  	v2 =	vld [tilespmem:s4+$0x4C00]  }
0x24a: {  	v3 =	vld [tilespmem:s4+$0x1A00]  }
0x24b: {  	v4 =	vld [tilespmem:s4+$0x4C10]  }
0x24c: {  	v5 =	vld [tilespmem:s4+$0x1A10]  }
0x24d: {  	v6 =	vld [tilespmem:s4+$0x4C20]  }
0x24e: {  	v7 =	vld [tilespmem:s4+$0x4C30]  }
0x24f: {  	v0 =	vadd.f32 v1, v0;
	v1 =	vld [tilespmem:s4+$0x1A20]  }
0x250: {  	v8 =	vld [tilespmem:s4+$0x1A30]  }
0x251: {  	v9 =	vld [tilespmem:s4+$0x1A40];
	v2 =	vadd.f32 v3, v2  }
0x252: {  	[tilespmem:s4+$0x11470] =	vst v0;
	v0 =	vadd.f32 v5, v4;
	v5 =	vld [tilespmem:s4+$0x4C40]  }
0x253: {  	v3 =	vld [tilespmem:s4+$0x1A50];
	[tilespmem:s4+$0x11400] =	vst v2  }
0x254: {  	v2 =	vld [tilespmem:s4+$0x4C50];
	[tilespmem:s4+$0x11410] =	vst v0;
	v0 =	vadd.f32 v1, v6  }
0x255: {  	v4 =	vld [tilespmem:s4+$0x1A60];
	v6 =	vadd.f32 v8, v7  }
0x256: {  	s7 =	simm.s32 $0x80;
	[tilespmem:s4+$0x11420] =	vst v0;
	v0 =	vld [tilespmem:s4+$0x4C60]  }
0x257: {  	s9 =	simm.s32 $0x400;
	s8 =	simm.s32 $0x0;
	v5 =	vadd.f32 v9, v5;
	v1 =	vld [tilespmem:s7+$0x4C70];
	[tilespmem:s4+$0x11430] =	vst v6  }
.LBB2_20:
0x258: {  	p0 =	sne.s32 s9, $0xC600;
	v6 =	vld [tilespmem:s7+$0x1A70]  }
0x259: {  	v7 =	vld [tilespmem:s7+$0x4C00];
	[tilespmem:s8+$0x11440] =	vst v5;
	v2 =	vadd.f32 v3, v2  }
0x25a: {  	v3 =	vld [tilespmem:s7+$0x1A00]  }
0x25b: {  	v5 =	vld [tilespmem:s7+$0x4C10];
	[tilespmem:s8+$0x11450] =	vst v2;
	v0 =	vadd.f32 v4, v0  }
0x25c: {  	v2 =	vld [tilespmem:s7+$0x1A10]  }
0x25d: {  	v4 =	vld [tilespmem:s7+$0x4C20];
	v1 =	vadd.f32 v6, v1;
	[tilespmem:s8+$0x11460] =	vst v0;
	s8 =	smov.u32 s7  }
0x25e: {  	v0 =	vld [tilespmem:s8+$0x1A20]  }
0x25f: {  	v3 =	vadd.f32 v3, v7;
	v6 =	vld [tilespmem:s8+$0x4C30];
	[tilespmem:s8+$0x11470] =	vst v1  }
0x260: {  	v1 =	vld [tilespmem:s8+$0x1A30]  }
0x261: {  	[tilespmem:s8+$0x11400] =	vst v3;
	v2 =	vadd.f32 v2, v5;
	v5 =	vld [tilespmem:s8+$0x4C40]  }
0x262: {  	v7 =	vld [tilespmem:s8+$0x1A40]  }
.Ltmp9:
0x263: {  	[tilespmem:s8+$0x11410] =	vst v2;
	v0 =	vadd.f32 v0, v4;
	v2 =	vld [tilespmem:s8+$0x4C50];
	(pc) =	sbr.rel @p0 .LBB2_20-.Ltmp9, $4  }
0x264: {  	v3 =	vld [tilespmem:s8+$0x1A50]  }
0x265: {  	[tilespmem:s8+$0x11420] =	vst v0;
	v6 =	vadd.f32 v1, v6;
	v0 =	vld [tilespmem:s8+$0x4C60]  }
0x266: {  	s7 =	sshra.s32 s9, $0x2;
	v4 =	vld [tilespmem:s8+$0x1A60]  }
0x267: {  	s9 =	sadd.s32 $0x200, s9;
	v1 =	vld [tilespmem:s7+$0x4C70];
	[tilespmem:s8+$0x11430] =	vst v6;
	v5 =	vadd.f32 v7, v5  }
0x268: {  	v6 =	vld [tilespmem:s7+$0x1A70]  }
0x269: {  	v7 =	vld [tilespmem:s7+$0x4C00];
	[tilespmem:s8+$0x11440] =	vst v5;
	v2 =	vadd.f32 v3, v2  }
0x26a: {  	v3 =	vld [tilespmem:s7+$0x1A00]  }
0x26b: {  	v5 =	vld [tilespmem:s7+$0x4C10];
	[tilespmem:s8+$0x11450] =	vst v2;
	v0 =	vadd.f32 v4, v0  }
0x26c: {  	v2 =	vld [tilespmem:s7+$0x1A10]  }
0x26d: {  	v4 =	vld [tilespmem:s7+$0x4C20];
	[tilespmem:s8+$0x11460] =	vst v0  }
0x26e: {  	v0 =	vadd.f32 v6, v1;
	v1 =	vld [tilespmem:s7+$0x1A20]  }
0x26f: {  	v6 =	vld [tilespmem:s7+$0x4C30]  }
0x270: {  	v3 =	vadd.f32 v3, v7;
	[tilespmem:s7+$0x11470] =	vst v0;
	v0 =	vld [tilespmem:s7+$0x1A30]  }
0x271: {  	v7 =	vld [tilespmem:s7+$0x1A60]  }
0x272: {  	[tilespmem:s7+$0x11400] =	vst v3;
	v2 =	vadd.f32 v2, v5;
	v3 =	vld [tilespmem:s7+$0x4C40]  }
0x273: {  	v5 =	vld [tilespmem:s7+$0x1A40]  }
0x274: {  	[tilespmem:s7+$0x11410] =	vst v2;
	v1 =	vadd.f32 v1, v4;
	v2 =	vld [tilespmem:s7+$0x4C50]  }
0x275: {  	v4 =	vld [tilespmem:s7+$0x1A50]  }
0x276: {  	[tilespmem:s7+$0x11420] =	vst v1;
	v1 =	vld [tilespmem:s7+$0x4C60];
	_ =	sdelay $0x1  }
0x277: {  	v0 =	vadd.f32 v0, v6  }
0x278: {  	v3 =	vadd.f32 v5, v3  }
0x279: {  	[tilespmem:s7+$0x11430] =	vst v0;
	v0 =	vadd.f32 v4, v2  }
0x27a: {  	[tilespmem:s7+$0x11440] =	vst v3;
	v1 =	vadd.f32 v7, v1  }
0x27b: {  	[tilespmem:s7+$0x11450] =	vst v0  }
0x27c: {  	[tilespmem:s7+$0x11460] =	vst v1  }
0x27d: {  	v0 =	vld [tilespmem:s4+$0x7E70]  }
0x27e: {  	v1 =	vld [tilespmem:s4+$0x1A70]  }
0x27f: {  	v2 =	vld [tilespmem:s4+$0x7E00]  }
0x280: {  	v3 =	vld [tilespmem:s4+$0x1A00]  }
0x281: {  	v4 =	vld [tilespmem:s4+$0x7E10]  }
0x282: {  	v5 =	vld [tilespmem:s4+$0x1A10]  }
0x283: {  	v6 =	vld [tilespmem:s4+$0x7E20]  }
0x284: {  	v7 =	vld [tilespmem:s4+$0x7E30]  }
0x285: {  	v0 =	vadd.f32 v1, v0;
	v1 =	vld [tilespmem:s4+$0x1A20]  }
0x286: {  	v8 =	vld [tilespmem:s4+$0x1A30]  }
0x287: {  	v9 =	vld [tilespmem:s4+$0x1A40];
	v2 =	vadd.f32 v3, v2  }
0x288: {  	[tilespmem:s4+$0x14670] =	vst v0;
	v0 =	vadd.f32 v5, v4;
	v5 =	vld [tilespmem:s4+$0x7E40]  }
0x289: {  	v3 =	vld [tilespmem:s4+$0x1A50];
	[tilespmem:s4+$0x14600] =	vst v2  }
0x28a: {  	v2 =	vld [tilespmem:s4+$0x7E50];
	[tilespmem:s4+$0x14610] =	vst v0;
	v0 =	vadd.f32 v1, v6  }
0x28b: {  	v4 =	vld [tilespmem:s4+$0x1A60];
	v6 =	vadd.f32 v8, v7  }
0x28c: {  	s7 =	simm.s32 $0x80;
	[tilespmem:s4+$0x14620] =	vst v0;
	v0 =	vld [tilespmem:s4+$0x7E60]  }
0x28d: {  	s8 =	simm.s32 $0x400;
	v5 =	vadd.f32 v9, v5;
	v1 =	vld [tilespmem:s7+$0x7E70];
	[tilespmem:s4+$0x14630] =	vst v6  }
.LBB2_22:
0x28e: {  	p0 =	sne.s32 s8, $0xC600;
	v6 =	vld [tilespmem:s7+$0x1A70]  }
0x28f: {  	v7 =	vld [tilespmem:s7+$0x7E00];
	[tilespmem:s4+$0x14640] =	vst v5;
	v2 =	vadd.f32 v3, v2  }
0x290: {  	v3 =	vld [tilespmem:s7+$0x1A00]  }
0x291: {  	v5 =	vld [tilespmem:s7+$0x7E10];
	[tilespmem:s4+$0x14650] =	vst v2;
	v0 =	vadd.f32 v4, v0  }
0x292: {  	v2 =	vld [tilespmem:s7+$0x1A10]  }
0x293: {  	v4 =	vld [tilespmem:s7+$0x7E20];
	v1 =	vadd.f32 v6, v1;
	[tilespmem:s4+$0x14660] =	vst v0;
	s4 =	smov.u32 s7  }
0x294: {  	v0 =	vld [tilespmem:s4+$0x1A20]  }
0x295: {  	v3 =	vadd.f32 v3, v7;
	v6 =	vld [tilespmem:s4+$0x7E30];
	[tilespmem:s4+$0x14670] =	vst v1  }
0x296: {  	v1 =	vld [tilespmem:s4+$0x1A30]  }
0x297: {  	[tilespmem:s4+$0x14600] =	vst v3;
	v2 =	vadd.f32 v2, v5;
	v5 =	vld [tilespmem:s4+$0x7E40]  }
0x298: {  	v7 =	vld [tilespmem:s4+$0x1A40]  }
.Ltmp10:
0x299: {  	[tilespmem:s4+$0x14610] =	vst v2;
	v0 =	vadd.f32 v0, v4;
	v2 =	vld [tilespmem:s4+$0x7E50];
	(pc) =	sbr.rel @p0 .LBB2_22-.Ltmp10, $4  }
0x29a: {  	v3 =	vld [tilespmem:s4+$0x1A50]  }
0x29b: {  	[tilespmem:s4+$0x14620] =	vst v0;
	v6 =	vadd.f32 v1, v6;
	v0 =	vld [tilespmem:s4+$0x7E60]  }
0x29c: {  	s7 =	sshra.s32 s8, $0x2;
	v4 =	vld [tilespmem:s4+$0x1A60]  }
0x29d: {  	s8 =	sadd.s32 $0x200, s8;
	v1 =	vld [tilespmem:s7+$0x7E70];
	[tilespmem:s4+$0x14630] =	vst v6;
	v5 =	vadd.f32 v7, v5  }
0x29e: {  	v6 =	vld [tilespmem:s7+$0x1A70]  }
0x29f: {  	v7 =	vld [tilespmem:s7+$0x7E00];
	[tilespmem:s4+$0x14640] =	vst v5;
	v2 =	vadd.f32 v3, v2  }
0x2a0: {  	v3 =	vld [tilespmem:s7+$0x1A00]  }
0x2a1: {  	v5 =	vld [tilespmem:s7+$0x7E10];
	[tilespmem:s4+$0x14650] =	vst v2;
	v0 =	vadd.f32 v4, v0  }
0x2a2: {  	v2 =	vld [tilespmem:s7+$0x1A10]  }
0x2a3: {  	v4 =	vld [tilespmem:s7+$0x7E20];
	[tilespmem:s4+$0x14660] =	vst v0  }
0x2a4: {  	v0 =	vadd.f32 v6, v1;
	v1 =	vld [tilespmem:s7+$0x1A20]  }
0x2a5: {  	v6 =	vld [tilespmem:s7+$0x7E30]  }
0x2a6: {  	v3 =	vadd.f32 v3, v7;
	[tilespmem:s7+$0x14670] =	vst v0;
	v0 =	vld [tilespmem:s7+$0x1A30]  }
0x2a7: {  	v7 =	vld [tilespmem:s7+$0x1A60]  }
0x2a8: {  	[tilespmem:s7+$0x14600] =	vst v3;
	v2 =	vadd.f32 v2, v5;
	v3 =	vld [tilespmem:s7+$0x7E40]  }
0x2a9: {  	v5 =	vld [tilespmem:s7+$0x1A40]  }
0x2aa: {  	[tilespmem:s7+$0x14610] =	vst v2;
	v1 =	vadd.f32 v1, v4;
	v2 =	vld [tilespmem:s7+$0x7E50]  }
0x2ab: {  	v4 =	vld [tilespmem:s7+$0x1A50]  }
0x2ac: {  	[tilespmem:s7+$0x14620] =	vst v1;
	v1 =	vld [tilespmem:s7+$0x7E60];
	_ =	sdelay $0x1  }
0x2ad: {  	v0 =	vadd.f32 v0, v6  }
0x2ae: {  	v3 =	vadd.f32 v5, v3  }
0x2af: {  	[tilespmem:s7+$0x14630] =	vst v0;
	v0 =	vadd.f32 v4, v2  }
0x2b0: {  	[tilespmem:s7+$0x14640] =	vst v3;
	v1 =	vadd.f32 v7, v1  }
0x2b1: {  	[tilespmem:s7+$0x14650] =	vst v0  }
0x2b2: {  	s30 =	simm.s32 $0x0;
	[tilespmem:s7+$0x14660] =	vst v1  }
0x2b3: {  	[hbm4b:s10+s30] =	stream.linear.scatter [tilespmem:s0], [sflag:$0x3], $0x6400, $0x38;
	[tilespmem:$0x1DC00] =	vst v63  }
0x2b4: {  	_ =	swait.ge [sflag:s23], $0x1900  }
0x2b5: {  	[sflag:s23] =	ssyncset.done $0x0  }
0x2b6: {  	[sflag:s23] =	ssyncadd.s32 $0xFFFFE700  }
0x2b7: {  	_ =	swait.ge [sflag:s23], $0x1900  }
0x2b8: {  	[sflag:s23] =	ssyncset.done $0x0  }
0x2b9: {  	[sflag:s23] =	ssyncadd.s32 $0xFFFFE700  }
0x2ba: {  	_ =	swait.ge [sflag:s23], $0x1900  }
0x2bb: {  	[sflag:s23] =	ssyncset.done $0x0  }
0x2bc: {  	[sflag:s23] =	ssyncadd.s32 $0xFFFFE700  }
0x2bd: {  	_ =	swait.ge [sflag:s23], $0x1900  }
0x2be: {  	[sflag:s23] =	ssyncset.done $0x0  }
0x2bf: {  	[sflag:s23] =	ssyncadd.s32 $0xFFFFE700  }
0x2c0: {  	_ =	swait.ge [sflag:s21], $0x6400  }
0x2c1: {  	[sflag:s21] =	ssyncset.done $0x0  }
0x2c2: {  	s4 =	simm.s32 $0x0;
	[sflag:s21] =	ssyncadd.s32 $0xFFFF9C00  }
0x2c3: {  	v0 =	vld [tilespmem:s4+$0xB070]  }
0x2c4: {  	v1 =	vld [tilespmem:s4+$0x1A70]  }
0x2c5: {  	v2 =	vld [tilespmem:s4+$0xB000]  }
0x2c6: {  	v3 =	vld [tilespmem:s4+$0x1A00]  }
0x2c7: {  	v4 =	vld [tilespmem:s4+$0xB010]  }
0x2c8: {  	v5 =	vld [tilespmem:s4+$0x1A10]  }
0x2c9: {  	v6 =	vld [tilespmem:s4+$0xB020]  }
0x2ca: {  	v7 =	vld [tilespmem:s4+$0xB030]  }
0x2cb: {  	v0 =	vadd.f32 v1, v0;
	v1 =	vld [tilespmem:s4+$0x1A20]  }
0x2cc: {  	v8 =	vld [tilespmem:s4+$0x1A30]  }
0x2cd: {  	v9 =	vld [tilespmem:s4+$0x1A40];
	v2 =	vadd.f32 v3, v2  }
0x2ce: {  	[tilespmem:s4+$0x17870] =	vst v0;
	v0 =	vadd.f32 v5, v4;
	v5 =	vld [tilespmem:s4+$0xB040]  }
0x2cf: {  	v3 =	vld [tilespmem:s4+$0x1A50];
	[tilespmem:s4+$0x17800] =	vst v2  }
0x2d0: {  	v2 =	vld [tilespmem:s4+$0xB050];
	[tilespmem:s4+$0x17810] =	vst v0;
	v0 =	vadd.f32 v1, v6  }
0x2d1: {  	v4 =	vld [tilespmem:s4+$0x1A60];
	v6 =	vadd.f32 v8, v7  }
0x2d2: {  	s7 =	simm.s32 $0x80;
	[tilespmem:s4+$0x17820] =	vst v0;
	v0 =	vld [tilespmem:s4+$0xB060]  }
0x2d3: {  	s9 =	simm.s32 $0x400;
	s8 =	simm.s32 $0x0;
	v5 =	vadd.f32 v9, v5;
	v1 =	vld [tilespmem:s7+$0xB070];
	[tilespmem:s4+$0x17830] =	vst v6  }
.LBB2_24:
0x2d4: {  	p0 =	sne.s32 s9, $0xC600;
	v6 =	vld [tilespmem:s7+$0x1A70]  }
0x2d5: {  	v7 =	vld [tilespmem:s7+$0xB000];
	[tilespmem:s8+$0x17840] =	vst v5;
	v2 =	vadd.f32 v3, v2  }
0x2d6: {  	v3 =	vld [tilespmem:s7+$0x1A00]  }
0x2d7: {  	v5 =	vld [tilespmem:s7+$0xB010];
	[tilespmem:s8+$0x17850] =	vst v2;
	v0 =	vadd.f32 v4, v0  }
0x2d8: {  	v2 =	vld [tilespmem:s7+$0x1A10]  }
0x2d9: {  	v4 =	vld [tilespmem:s7+$0xB020];
	v1 =	vadd.f32 v6, v1;
	[tilespmem:s8+$0x17860] =	vst v0;
	s8 =	smov.u32 s7  }
0x2da: {  	v0 =	vld [tilespmem:s8+$0x1A20]  }
0x2db: {  	v3 =	vadd.f32 v3, v7;
	v6 =	vld [tilespmem:s8+$0xB030];
	[tilespmem:s8+$0x17870] =	vst v1  }
0x2dc: {  	v1 =	vld [tilespmem:s8+$0x1A30]  }
0x2dd: {  	[tilespmem:s8+$0x17800] =	vst v3;
	v2 =	vadd.f32 v2, v5;
	v5 =	vld [tilespmem:s8+$0xB040]  }
0x2de: {  	v7 =	vld [tilespmem:s8+$0x1A40]  }
.Ltmp11:
0x2df: {  	[tilespmem:s8+$0x17810] =	vst v2;
	v0 =	vadd.f32 v0, v4;
	v2 =	vld [tilespmem:s8+$0xB050];
	(pc) =	sbr.rel @p0 .LBB2_24-.Ltmp11, $4  }
0x2e0: {  	v3 =	vld [tilespmem:s8+$0x1A50]  }
0x2e1: {  	[tilespmem:s8+$0x17820] =	vst v0;
	v6 =	vadd.f32 v1, v6;
	v0 =	vld [tilespmem:s8+$0xB060]  }
0x2e2: {  	s7 =	sshra.s32 s9, $0x2;
	v4 =	vld [tilespmem:s8+$0x1A60]  }
0x2e3: {  	s9 =	sadd.s32 $0x200, s9;
	v1 =	vld [tilespmem:s7+$0xB070];
	[tilespmem:s8+$0x17830] =	vst v6;
	v5 =	vadd.f32 v7, v5  }
0x2e4: {  	v6 =	vld [tilespmem:s7+$0x1A70]  }
0x2e5: {  	v7 =	vld [tilespmem:s7+$0xB000];
	[tilespmem:s8+$0x17840] =	vst v5;
	v2 =	vadd.f32 v3, v2  }
0x2e6: {  	v3 =	vld [tilespmem:s7+$0x1A00]  }
0x2e7: {  	v5 =	vld [tilespmem:s7+$0xB010];
	[tilespmem:s8+$0x17850] =	vst v2;
	v0 =	vadd.f32 v4, v0  }
0x2e8: {  	v2 =	vld [tilespmem:s7+$0x1A10]  }
0x2e9: {  	v4 =	vld [tilespmem:s7+$0xB020];
	[tilespmem:s8+$0x17860] =	vst v0  }
0x2ea: {  	v0 =	vadd.f32 v6, v1;
	v1 =	vld [tilespmem:s7+$0x1A20]  }
0x2eb: {  	v6 =	vld [tilespmem:s7+$0xB030]  }
0x2ec: {  	v3 =	vadd.f32 v3, v7;
	[tilespmem:s7+$0x17870] =	vst v0;
	v0 =	vld [tilespmem:s7+$0x1A30]  }
0x2ed: {  	v7 =	vld [tilespmem:s7+$0x1A60]  }
0x2ee: {  	[tilespmem:s7+$0x17800] =	vst v3;
	v2 =	vadd.f32 v2, v5;
	v3 =	vld [tilespmem:s7+$0xB040]  }
0x2ef: {  	v5 =	vld [tilespmem:s7+$0x1A40]  }
0x2f0: {  	[tilespmem:s7+$0x17810] =	vst v2;
	v1 =	vadd.f32 v1, v4;
	v2 =	vld [tilespmem:s7+$0xB050]  }
0x2f1: {  	v4 =	vld [tilespmem:s7+$0x1A50]  }
0x2f2: {  	[tilespmem:s7+$0x17820] =	vst v1;
	v1 =	vld [tilespmem:s7+$0xB060];
	_ =	sdelay $0x1  }
0x2f3: {  	v0 =	vadd.f32 v0, v6  }
0x2f4: {  	v3 =	vadd.f32 v5, v3  }
0x2f5: {  	[tilespmem:s7+$0x17830] =	vst v0;
	v0 =	vadd.f32 v4, v2  }
0x2f6: {  	[tilespmem:s7+$0x17840] =	vst v3;
	v1 =	vadd.f32 v7, v1  }
0x2f7: {  	[tilespmem:s7+$0x17850] =	vst v0  }
0x2f8: {  	[tilespmem:s7+$0x17860] =	vst v1  }
0x2f9: {  	v0 =	vld [tilespmem:s4+$0xE270]  }
0x2fa: {  	v1 =	vld [tilespmem:s4+$0x1A70]  }
0x2fb: {  	v2 =	vld [tilespmem:s4+$0xE200]  }
0x2fc: {  	v3 =	vld [tilespmem:s4+$0x1A00]  }
0x2fd: {  	v4 =	vld [tilespmem:s4+$0xE210]  }
0x2fe: {  	v5 =	vld [tilespmem:s4+$0x1A10]  }
0x2ff: {  	v6 =	vld [tilespmem:s4+$0xE220]  }
0x300: {  	v7 =	vld [tilespmem:s4+$0xE230]  }
0x301: {  	v0 =	vadd.f32 v1, v0;
	v1 =	vld [tilespmem:s4+$0x1A20]  }
0x302: {  	v8 =	vld [tilespmem:s4+$0x1A30]  }
0x303: {  	v9 =	vld [tilespmem:s4+$0x1A40];
	v2 =	vadd.f32 v3, v2  }
0x304: {  	[tilespmem:s4+$0x1AA70] =	vst v0;
	v0 =	vadd.f32 v5, v4;
	v5 =	vld [tilespmem:s4+$0xE240]  }
0x305: {  	v3 =	vld [tilespmem:s4+$0x1A50];
	[tilespmem:s4+$0x1AA00] =	vst v2  }
0x306: {  	v2 =	vld [tilespmem:s4+$0xE250];
	[tilespmem:s4+$0x1AA10] =	vst v0;
	v0 =	vadd.f32 v1, v6  }
0x307: {  	v4 =	vld [tilespmem:s4+$0x1A60];
	v6 =	vadd.f32 v8, v7  }
0x308: {  	s7 =	simm.s32 $0x80;
	[tilespmem:s4+$0x1AA20] =	vst v0;
	v0 =	vld [tilespmem:s4+$0xE260]  }
0x309: {  	s8 =	simm.s32 $0x400;
	v5 =	vadd.f32 v9, v5;
	v1 =	vld [tilespmem:s7+$0xE270];
	[tilespmem:s4+$0x1AA30] =	vst v6  }
.LBB2_26:
0x30a: {  	p0 =	sne.s32 s8, $0xC600;
	v6 =	vld [tilespmem:s7+$0x1A70]  }
0x30b: {  	v7 =	vld [tilespmem:s7+$0xE200];
	[tilespmem:s4+$0x1AA40] =	vst v5;
	v2 =	vadd.f32 v3, v2  }
0x30c: {  	v3 =	vld [tilespmem:s7+$0x1A00]  }
0x30d: {  	v5 =	vld [tilespmem:s7+$0xE210];
	[tilespmem:s4+$0x1AA50] =	vst v2;
	v0 =	vadd.f32 v4, v0  }
0x30e: {  	v2 =	vld [tilespmem:s7+$0x1A10]  }
0x30f: {  	v4 =	vld [tilespmem:s7+$0xE220];
	v1 =	vadd.f32 v6, v1;
	[tilespmem:s4+$0x1AA60] =	vst v0;
	s4 =	smov.u32 s7  }
0x310: {  	v0 =	vld [tilespmem:s4+$0x1A20]  }
0x311: {  	v3 =	vadd.f32 v3, v7;
	v6 =	vld [tilespmem:s4+$0xE230];
	[tilespmem:s4+$0x1AA70] =	vst v1  }
0x312: {  	v1 =	vld [tilespmem:s4+$0x1A30]  }
0x313: {  	[tilespmem:s4+$0x1AA00] =	vst v3;
	v2 =	vadd.f32 v2, v5;
	v5 =	vld [tilespmem:s4+$0xE240]  }
0x314: {  	v7 =	vld [tilespmem:s4+$0x1A40]  }
.Ltmp12:
0x315: {  	[tilespmem:s4+$0x1AA10] =	vst v2;
	v0 =	vadd.f32 v0, v4;
	v2 =	vld [tilespmem:s4+$0xE250];
	(pc) =	sbr.rel @p0 .LBB2_26-.Ltmp12, $4  }
0x316: {  	v3 =	vld [tilespmem:s4+$0x1A50]  }
0x317: {  	[tilespmem:s4+$0x1AA20] =	vst v0;
	v6 =	vadd.f32 v1, v6;
	v0 =	vld [tilespmem:s4+$0xE260]  }
0x318: {  	s7 =	sshra.s32 s8, $0x2;
	v4 =	vld [tilespmem:s4+$0x1A60]  }
0x319: {  	s8 =	sadd.s32 $0x200, s8;
	v1 =	vld [tilespmem:s7+$0xE270];
	[tilespmem:s4+$0x1AA30] =	vst v6;
	v5 =	vadd.f32 v7, v5  }
0x31a: {  	v6 =	vld [tilespmem:s7+$0x1A70]  }
0x31b: {  	v7 =	vld [tilespmem:s7+$0xE200];
	[tilespmem:s4+$0x1AA40] =	vst v5;
	v2 =	vadd.f32 v3, v2  }
0x31c: {  	v51 =	vld [tilespmem:s7+$0x1A00]  }
0x31d: {  	v5 =	vld [tilespmem:s7+$0xE210];
	[tilespmem:s4+$0x1AA50] =	vst v2;
	v0 =	vadd.f32 v4, v0  }
0x31e: {  	v2 =	vld [tilespmem:s7+$0x1A10]  }
0x31f: {  	v52 =	vld [tilespmem:s7+$0xE220];
	[tilespmem:s4+$0x1AA60] =	vst v0  }
0x320: {  	v54 =	vld [tilespmem:s7+$0x1A20]  }
0x321: {  	v55 =	vld [tilespmem:s7+$0xE230]  }
0x322: {  	v56 =	vld [tilespmem:s7+$0x1A30]  }
0x323: {  	v57 =	vld [tilespmem:s7+$0xE240]  }
0x324: {  	v58 =	vld [tilespmem:s7+$0x1A40]  }
0x325: {  	v59 =	vld [tilespmem:s7+$0xE250]  }
0x326: {  	v53 =	vadd.f32 v6, v1;
	v60 =	vld [tilespmem:s7+$0x1A50]  }
0x327: {  	v61 =	vld [tilespmem:s7+$0xE260];
	v3 =	vadd.f32 v51, v7  }
0x328: {  	v62 =	vld [tilespmem:s7+$0x1A60];
	[tilespmem:s7+$0x1AA70] =	vst v53;
	v2 =	vadd.f32 v2, v5  }
0x329: {  	[tilespmem:s7+$0x1AA00] =	vst v3;
	v1 =	vadd.f32 v54, v52  }
0x32a: {  	[tilespmem:s7+$0x1AA10] =	vst v2;
	v0 =	vadd.f32 v56, v55  }
0x32b: {  	v3 =	vadd.f32 v58, v57;
	[tilespmem:s7+$0x1AA20] =	vst v1  }
0x32c: {  	v63 =	vadd.f32 v60, v59;
	[tilespmem:s7+$0x1AA30] =	vst v0  }
0x32d: {  	[tilespmem:s7+$0x1AA40] =	vst v3;
	v1 =	vadd.f32 v62, v61  }
0x32e: {  	[tilespmem:s7+$0x1AA50] =	vst v63  }
0x32f: {  	s28 =	sadd.s32 $0x1, s28;
	[tilespmem:s7+$0x1AA60] =	vst v1  }
0x330: {  	[hbm4b:s11+s3] =	stream.linear.scatter [tilespmem:s25], [sflag:$0x4], $0x6400, $0x38;
	[tilespmem:$0x1DC00] =	vst v63  }
0x331: {  	p0 =	sne.s32 s28, s12;
	_ =	swait.ge [sflag:s19], $0x6400  }
.Ltmp13:
0x332: {  	[sflag:s19] =	ssyncset.done $0x0;
	(pc) =	sbr.rel @p0 .LBB2_1-.Ltmp13, $4  }
0x333: {  	[sflag:s19] =	ssyncadd.s32 $0xFFFF9C00  }
0x334: {  	_ =	swait.ge [sflag:s21], $0x6400  }
0x335: {  	[sflag:s21] =	ssyncset.done $0x0  }
0x336: {  	[sflag:s21] =	ssyncadd.s32 $0xFFFF9C00  }
0x337: {  	_ =	sfence.sel $0x180000  }
0x338: {  	[bflag:$0x0] =	sbarrier.arrive $0xFFFF  }
0x339: {  	_ =	strace $0x9000004A  }
0x33a: {  	s0 =	stileid.u32;
	[bflag:$0x2] =	sbarrier.arrive $0xFFFF  }
0x33b: {  	p0 =	sne.s32 s0, $0x0;
	s0 =	rddreg [dreg:$0x2]  }
0x33c: {  	s0 =	sadd.s32 @!p0 $0x100000, s0  }
0x33d: {  	[sflag:s0] =	ssyncadd.tile.s32 @!p0 $0x1;
	_ =	shalt  }
.Lfunc_end2:
_tile_overlayer_lowered:
.L_overlay_start_2:
0x33e: {  	(tag) =	ssettag $0x2  }
0x33f: {  	s0 =	rddreg [dreg:$0x0];
	s2 =	stileid.u32  }
0x340: {  	s1 =	rddreg [dreg:$0x1];
	p0 =	sne.s32 s2, $0x0  }
0x341: {  	s3 =	rddreg [dreg:$0x2];
	[bflag:$0x3] =	sbarrier.arrive $0xFFFF;
	s2 =	simm.s32 @!p0 $0x1C05  }
0x342: {  	[timem:s3], [sflag:s2] =	dma.local @!p0 [hbm:s0], s1  }
0x343: {  	s0 =	simm.s32 @!p0 $0x5  }
0x344: {  	_ =	swait.ge @!p0 [sflag:s0], s1  }
0x345: {  	s1 =	ssub.s32 @!p0 $0x0, s1;
	[sflag:s0] =	ssyncset.done @!p0 $0x0  }
0x346: {  	[sflag:s0] =	ssyncadd.s32 @!p0 s1  }
0x347: {  	[bflag:$0x3] =	sbarrier.arrive $0xFFFF  }
0x348: {  	_ =	shalt  }

// kernel: sparse-core-data-format-call.1.cloned.1.call-start
scs
called_computation.1_lowered:
.L_overlay_start_0:
0x0: {  	s2 =	sld [smem:$0x3FD9]  }
0x1: {  	s3 =	sld [smem:$0x3FFE];
	_ =	sdelay $0x1  }
0x2: {  	s1 =	srdreg.scid  }
0x3: {  	s0 =	sand.u32 $0x1, s1  }
0x4: {  	s18 =	sshll.u32 s0, $0xA;
	s2 =	sadd.s32 s3, s2  }
0x5: {  	s2 =	sadd.s32 s2, s18  }
0x6: {  	[smem:$0x3FC6] =	sst s2  }
0x7: {  	_ = 	snop  }
0x8: {  	s2 =	sld [smem:$0x3FC8];
	(tm) =	ssettm $0x1  }
0x9: {  	s19 =	sld [smem:$0x3FFB];
	_ =	sdelay $0x3  }
0xa: {  	_ =	strace s19  }
0xb: {  	s3 =	sld [smem:$0x3FFC];
	_ =	sdelay $0x3  }
0xc: {  	_ =	strace s3  }
0xd: {  	s3 =	sld [smem:$0x3FFD];
	_ =	sdelay $0x3  }
0xe: {  	_ =	strace s3  }
0xf: {  	_ =	strace $0x8FFFFFFF  }
0x10: {  	s20 =	sld [smem:$0x3FDB];
	_ =	sdelay $0x1  }
0x11: {  	s4 =	simm.s32 $_scs_section_size  }
0x12: {  	s5 =	simm.s32 $_size__tile_overlayer_lowered;
	s6 =	simm.s32 $_tile_overlayer_lowered  }
0x13: {  	s23 =	simm.s32 $0x1BFF;
	s22 =	sshll.u32 s6, $0x1;
	s3 =	sadd.s32 s4, s20  }
0x14: {  	s7 =	simm.s32 $0x0;
	s21 =	sshll.u32 s5, $0x1;
	s5 =	sadd.s32 s22, s3  }
0x15: {  	[timem:s7], [sflag:s23] =	dma.local [hbm:s5], s21  }
0x16: {  	_ =	swait.ge [sflag:s23], s21  }
0x17: {  	s4 =	ssub.s32 $0x0, s21;
	[sflag:s23] =	ssyncset.done $0x0  }
0x18: {  	[sflag:s23] =	ssyncadd.s32 s4;
	_ =	sdelay $0x1  }
0x19: {  	s24 =	simm.s32 $0x1B8B  }
0x1a: {  	_ =	swait.ge [sflag:s24], $0x1  }
0x1b: {  	[sflag:s24] =	ssyncset.done $0x0  }
0x1c: {  	s26 =	simm.s32 $0x1B8E;
	s25 =	sld [smem:$0x3FFE];
	[sflag:s24] =	ssyncadd.s32 $0xFFFFFFFF  }
0x1d: {  	s27 =	simm.s32 $execute0_lowered;
	[smem:$0x3FD2] =	sst s26  }
0x1e: {  	s5 =	sshll.u32 s27, $0x1;
	_ =	strace $0x80000046;
	[dreg:$0x1] =	wrdreg $0xFFFFFFFF  }
0x1f: {  	s28 =	simm.s32 $_size_execute0_lowered;
	s3 =	sadd.s32 s3, s5;
	[dreg:$0x0] =	wrdreg $0x0  }
0x20: {  	s5 =	sshll.u32 s28, $0x1;
	[dreg:$0x2] =	wrdreg s3  }
0x21: {  	[dreg:$0x3] =	wrdreg s5  }
0x22: {  	[dreg:$0x4] =	wrdreg $0xC0  }
0x23: {  	_ =	task [dreg:s7], $0x5FFFF  }
0x24: {  	[dreg:$0x1] =	wrdreg $0xFFFFFFFF  }
0x25: {  	[dreg:$0x0] =	wrdreg $0x60  }
0x26: {  	[dreg:$0x2] =	wrdreg s2  }
0x27: {  	[dreg:$0x3] =	wrdreg s25  }
0x28: {  	[dreg:$0x4] =	wrdreg $0x9  }
0x29: {  	_ =	task.clear_ibuf [dreg:s7], $0x5FFFF;
	_ =	strace $0x90000046  }
0x2a: {  	s29 =	simm.s32 $0x9;
	_ =	strace $0x80000048  }
0x2b: {  	_ =	swait.ge [sflag:s29], $0x1  }
0x2c: {  	[sflag:s29] =	ssyncadd.s32 $0xFFFFFFFF  }
0x2d: {  	_ =	strace $0x90000048  }
0x2e: {  	_ =	sfence  }
0x2f: {  	s30 =	sld [smem:$0x0];
	_ =	sdelay $0x2  }
0x30: {  	s31 =	sshll.u32 s1, $0xD;
	s1 =	sshrl.u32 s1, $0x2  }
0x31: {  	s3 =	sand.u32 $0x4000, s31;
	s1 =	sadd.s32 s1, s30  }
0x32: {  	s0 =	sor.u32 s3, s0;
	s1 =	sshll.u32 s1, $0x11  }
0x33: {  	s0 =	sor.u32 s1, s0  }
0x34: {  	s0 =	sadd.s32 $0x8F2B, s0  }
0x35: {  	[sflag:s0] =	ssyncadd.remote.s32 $0x1  }
0x36: {  	_ =	sfence.sel $0xFFFF  }
0x37: {  	[dreg:$0x0] =	wrdreg $0xFFFFFFFF;
	(pc) =	sbr.abs _section_cstart, $3  }
0x38: {  	[dreg:$0x1] =	wrdreg $0xFFFFFFFF  }
0x39: {  	_ =	task.clear_ibuf [dreg:s7], $0x2FFFF;
	_ =	strace $0x9FFFFFFF  }
0x3a: {  	(tm) =	ssettm $0x7FFFFFFF  }
0x3b: {  	_ =	shalt  }
tec
execute0_lowered:
.L_overlay_start_1:
0x0: {  	(tag) =	ssettag $0x1  }
0x1: {  	s0 =	srdreg.scid;
	s2 =	rddreg [dreg:$0x0]  }
0x2: {  	s5 =	rddreg [dreg:$0x1];
	s1 =	stileid.u32  }
0x3: {  	s4 =	simm.s32 $0x1;
	s6 =	simm.s32 $0x2;
	s15 =	simm.s32 $0x0  }
0x4: {  	p0 =	por $0x0, $0x0;
	s8 =	simm.s32 $0x80;
	s0 =	sshll.u32 s0, $0x4  }
0x5: {  	s14 =	simm.s32 $0x0;
	s9 =	simm.s32 $0x0;
	s3 =	sand.u32 $0x10, s0  }
.Ltmp0:
0x6: {  	s10 =	simm.s32 $0x0;
	s3 =	sor.u32 s1, s3;
	(pc) =	sbr.rel .LBB1_1-.Ltmp0, $4  }
0x7: {  	s0 =	rddreg [dreg:$0x2];
	_ =	strace $0x80000047;
	s3 =	sshll.u32 s3, $0x7  }
0x8: {  	s12 =	simm.s32 $0x0;
	[sflag:s4] =	ssyncpa.u1 $0x0;
	s7 =	ssub.s32 $0xF4200, s3  }
0x9: {  	s13 =	simm.s32 $0x0;
	[sflag:s6] =	ssyncpa.u1 $0x0;
	s6 =	sshrl.u32 s7, $0xC  }
0xa: {  	s5 =	sadd.s32 $0x1000, s5;
	s11 =	smov.u32 s3;
	s7 =	sadd.s32 $0x2, s6  }
.LBB1_5:
0xb: {  	p1 =	slt.u32 s13, $0x2  }
0xc: {  	s17 =	smov.u32 s15;
	p2 =	sgt.s32 @!p1 s15, $0xF41C0;
	s16 =	sshra.s32 @!p1 s15, $0x1F  }
0xd: {  	p3 =	sgt.s32 @!p1 s14, $0x40;
	s18 =	sshra.s32 @!p1 s14, $0x1F;
	p2 =	por !p2, p1  }
0xe: {  	s15 =	sand.u32 @!p1 s16, s15;
	p3 =	por !p3, p1;
	s16 =	smov.u32 s14  }
0xf: {  	s14 =	sand.u32 @!p1 s18, s14;
	s17 =	simm.s32 @p2 $0xF41C0;
	s16 =	simm.s32 @p3 $0x40  }
0x10: {  	s15 =	ssub.s32 @!p1 s17, s15;
	s14 =	ssub.s32 @!p1 s16, s14  }
0x11: {  	s18 =	smov.u32 s12;
	s16 =	sadd.s32 @!p1 $0xFFF0BE40, s15;
	s17 =	sadd.s32 @!p1 $0xFFFFFFC0, s14  }
0x12: {  	s15 =	ssub.s32 @!p1 $0xF4240, s15;
	p2 =	sgt.s32 @!p1 s16, $0x7F;
	p3 =	sgt.s32 @!p1 s17, $0x3F  }
0x13: {  	s14 =	ssub.s32 @!p1 $0x80, s14;
	p2 =	por !p2, p1;
	p3 =	por !p3, p1  }
0x14: {  	s16 =	sadd.s32 $0x1000, s11;
	s15 =	simm.s32 @!p2 $0x0;
	s14 =	simm.s32 @!p3 $0x0  }
0x15: {  	p2 =	sgt.s32 s16, $0xF423F;
	s14 =	smul.u32 @!p1 s14, s15;
	s15 =	sadd.s32 $0x40, s12  }
0x16: {  	s18 =	smov.u32 @p2 s15  }
0x17: {  	s16 =	smov.u32 @p2 s3;
	p2 =	sgt.s32 s18, $0x3F  }
0x18: {  	s18 =	simm.s32 @p2 $0x0;
	p2 =	sne.s32 s13, s7  }
.Ltmp1:
0x19: {  	p0 =	por !p0, !p0;
	s17 =	simm.s32 @!p1 $0x2;
	(pc) =	sbr.rel @!p2 .LBB1_6-.Ltmp1, $4  }
0x1a: {  	s15 =	smov.u32 s9;
	s9 =	smov.u32 s11;
	s14 =	sand.u32 @!p1 $0x3FFFFFFF, s14  }
0x1b: {  	s11 =	smov.u32 s16;
	_ =	swait.ge @!p1 [sflag:s17], s14;
	s19 =	ssub.s32 @!p1 $0x0, s14  }
0x1c: {  	s14 =	smov.u32 s10;
	s13 =	sadd.s32 $0x1, s13;
	[sflag:s17] =	ssyncset.done @!p1 $0x0  }
0x1d: {  	s10 =	smov.u32 s12;
	s12 =	smov.u32 s18;
	[sflag:s17] =	ssyncadd.s32 @!p1 s19  }
.LBB1_1:
0x1e: {  	p1 =	sgt.u32 s13, s6  }
0x1f: {  	s16 =	sshrl.u32 @!p1 s12, $0x3  }
0x20: {  	s17 =	sshll.u32 @!p1 s11, $0x3;
	s16 =	smul.u32 @!p1 $0x7A1400, s16  }
0x21: {  	s18 =	sshll.u32 @!p1 s12, $0x7;
	s17 =	sand.u32 @!p1 $0xFFFFFC00, s17  }
0x22: {  	s16 =	sadd.s32 @!p1 s16, s17;
	s17 =	sand.u32 @!p1 $0x380, s18  }
0x23: {  	s18 =	sand.u32 @!p1 $0x7F, s11;
	s16 =	sor.u32 @!p1 s17, s16  }
0x24: {  	s17 =	sor.u32 @!p1 s18, s16  }
0x25: {  	s18 =	smulhi.u32 @!p1 $0x218D6287, s17;
	_ =	sdelay $0x1  }
0x26: {  	s16 =	smulhi.u32 @!p1 $0x218D6287, s16;
	s18 =	sshrl.u32 @!p1 s18, $0x11  }
0x27: {  	s18 =	smul.u32 @!p1 $0xF4280, s18  }
0x28: {  	s19 =	sxor.u32 @!p1 $0xFFFFFFFF, s13;
	s16 =	sshrl.u32 @!p1 s16, $0x11  }
0x29: {  	s19 =	sshll.u32 @!p1 s19, $0xD;
	s16 =	sand.u32 @!p1 $0x3F, s16;
	s17 =	ssub.s32 @!p1 s17, s18  }
0x2a: {  	s16 =	smul.u32 @!p1 $0x1E850, s16;
	s18 =	sshrl.u32 @!p1 s17, $0x3;
	s17 =	sand.u32 @!p1 $0x7, s17  }
0x2b: {  	s19 =	sand.u32 @!p1 $0x2000, s19;
	s18 =	sadd.s32 @!p1 s2, s18;
	s17 =	sshll.u32 @!p1 s17, $0x12  }
0x2c: {  	s16 =	sadd.s32 @!p1 s16, s18;
	s17 =	sor.u32 @!p1 $0x400, s17;
	s18 =	simm.s32 @!p1 $0x7A1400  }
0x2d: {  	[tilespmem:s19], [sflag:$0x1] =	stream.strided.gather @!p1 [hbm4b:s16+s17], $0x2000, s18, s17, $0x38;
	[tilespmem:$0x8100] =	vst v63  }
0x2e: {  	p1 =	seq.s32 s13, $0x0  }
0x2f: {  	p2 =	sge.u32 @!p1 s13, s7  }
0x30: {  	p1 =	por p1, p2  }
.Ltmp2:
0x31: {  	_ = 	snop;
	(pc) =	sbr.rel @p1 .LBB1_5-.Ltmp2, $1  }
0x32: {  	_ =	sdelay $0x3  }
0x33: {  	s16 =	simm.s32 $0x1  }
0x34: {  	_ =	swait.ge [sflag:s4], $0x2000;
	s16 =	simm.s32 @!p0 $0x0  }
0x35: {  	[sflag:s4] =	ssyncset.done $0x0;
	s17 =	sshll.u32 s16, $0xD  }
0x36: {  	[sflag:s4] =	ssyncadd.s32 $0xFFFFE000;
	s17 =	sor.u32 $0x40, s17  }
0x37: {  	s16 =	smul.u32 $0x8200, s16;
	v0 =	vld [tilespmem:s17+$0x30]  }
0x38: {  	v1 =	vld [tilespmem:s17+$0xFFFFFFD0]  }
0x39: {  	s16 =	sshrl.u32 s16, $0x2;
	v5 =	vld [tilespmem:s17+$0xFFFFFFE0]  }
0x3a: {  	v6 =	vld [tilespmem:s17+$0xFFFFFFF0];
	s19 =	sor.u32 $0x4000, s16  }
0x3b: {  	s31 =	sand.u32 $0x1, s13;
	v4 =	vld [tilespmem:s17+$0x0];
	s18 =	sadd.s32 $0x0, s19  }
0x3c: {  	v3 =	vld [tilespmem:s17+$0x10];
	s16 =	smul.u32 $0x8200, s31;
	[tilespmem:s18+$0x1C70 ss:$0x41] =	vst.msk $0xffff, v0  }
0x3d: {  	v2 =	vld [tilespmem:s17+$0x20];
	[tilespmem:s18+$0x410 ss:$0x41] =	vst.msk $0xffff, v1  }
0x3e: {  	s16 =	sshrl.u32 s16, $0x2;
	v1 =	vld [tilespmem:s17+$0xFFFFFFC0];
	[tilespmem:s18+$0x820 ss:$0x41] =	vst.msk $0xffff, v5;
	s17 =	sadd.s32 $0x80, s17  }
0x3f: {  	s20 =	simm.s32 $0x4;
	s21 =	simm.s32 $0x8;
	s16 =	sor.u32 $0x4000, s16;
	[tilespmem:s18+$0xC30 ss:$0x41] =	vst.msk $0xffff, v6;
	v0 =	vld [tilespmem:s17+$0x30]  }
.LBB1_3:
0x40: {  	p1 =	sne.s32 s21, $0xFC;
	v5 =	vld [tilespmem:s17+$0xFFFFFFD0];
	[tilespmem:s18+$0x1040 ss:$0x41] =	vst.msk $0xffff, v4  }
0x41: {  	v6 =	vld [tilespmem:s17+$0xFFFFFFE0];
	[tilespmem:s18+$0x1450 ss:$0x41] =	vst.msk $0xffff, v3  }
0x42: {  	s22 =	sshra.s32 s20, $0x2;
	s20 =	smov.u32 s21;
	v7 =	vld [tilespmem:s17+$0xFFFFFFF0];
	[tilespmem:s18+$0x1860 ss:$0x41] =	vst.msk $0xffff, v2  }
.Ltmp3:
0x43: {  	v4 =	vld [tilespmem:s17+$0x0];
	[tilespmem:s18+$0x0 ss:$0x41] =	vst.msk $0xffff, v1;
	s18 =	sadd.s32 s22, s19;
	(pc) =	sbr.rel @p1 .LBB1_3-.Ltmp3, $4  }
0x44: {  	v3 =	vld [tilespmem:s17+$0x10];
	[tilespmem:s18+$0x1C70 ss:$0x41] =	vst.msk $0xffff, v0  }
0x45: {  	[tilespmem:s18+$0x410 ss:$0x41] =	vst.msk $0xffff, v5;
	v2 =	vld [tilespmem:s17+$0x20]  }
0x46: {  	v1 =	vld [tilespmem:s17+$0xFFFFFFC0];
	[tilespmem:s18+$0x820 ss:$0x41] =	vst.msk $0xffff, v6;
	s17 =	sadd.s32 $0x80, s17  }
0x47: {  	s21 =	sadd.s32 $0x4, s21;
	v0 =	vld [tilespmem:s17+$0x30];
	[tilespmem:s18+$0xC30 ss:$0x41] =	vst.msk $0xffff, v7  }
0x48: {  	s21 =	sshll.u32 s9, $0x7;
	s22 =	sshll.u32 s10, $0x3;
	s20 =	sshra.s32 s20, $0x2  }
0x49: {  	p1 =	sgt.s32 s9, $0xF41C0;
	s30 =	sshra.s32 s9, $0x1F;
	s25 =	sshra.s32 s10, $0x1F  }
0x4a: {  	v5 =	vld [tilespmem:s17+$0xFFFFFFD0];
	s28 =	sshrl.u32 s10, $0x3;
	s23 =	sand.u32 $0xFFFFFC00, s21;
	s22 =	sand.u32 $0xFFFFFC00, s22  }
0x4b: {  	[tilespmem:s18+$0x1040 ss:$0x41] =	vst.msk $0xffff, v4;
	v58 =	vld [tilespmem:s17+$0xFFFFFFE0];
	s21 =	sand.u32 $0x380, s21;
	s19 =	sadd.s32 s20, s19;
	s22 =	sadd.s32 s22, s23  }
0x4c: {  	v59 =	vld [tilespmem:s17+$0xFFFFFFF0];
	[tilespmem:s18+$0x1450 ss:$0x41] =	vst.msk $0xffff, v3;
	s29 =	sor.u32 s21, s22;
	s21 =	smov.u32 s9;
	s22 =	sand.u32 s30, s9  }
0x4d: {  	v60 =	vld [tilespmem:s17+$0x0];
	[tilespmem:s18+$0x1860 ss:$0x41] =	vst.msk $0xffff, v2;
	s30 =	sand.u32 $0x7, s10;
	s20 =	sshrl.u32 s29, $0x7;
	s21 =	simm.s32 @!p1 $0xF41C0  }
0x4e: {  	v61 =	vld [tilespmem:s17+$0x10];
	[tilespmem:s18+$0x0 ss:$0x41] =	vst.msk $0xffff, v1;
	p1 =	sgt.s32 s10, $0x40;
	s24 =	ssub.s32 s21, s22;
	s21 =	smov.u32 s10  }
0x4f: {  	v62 =	vld [tilespmem:s17+$0x20];
	[tilespmem:s19+$0x1C70 ss:$0x41] =	vst.msk $0xffff, v0;
	s31 =	smulhi.u32 $0x218DEF5, s20;
	s22 =	sand.u32 s25, s10;
	s21 =	simm.s32 @!p1 $0x40  }
0x50: {  	v63 =	vld [tilespmem:s17+$0xFFFFFFC0];
	[tilespmem:s19+$0x410 ss:$0x41] =	vst.msk $0xffff, v5;
	s26 =	sadd.s32 $0xFFF0BE40, s24;
	s17 =	ssub.s32 $0xF4240, s24;
	s21 =	ssub.s32 s21, s22  }
0x51: {  	[tilespmem:s19+$0x820 ss:$0x41] =	vst.msk $0xffff, v58;
	s23 =	sshrl.u32 s31, $0xD;
	p1 =	sgt.s32 s26, $0x7F;
	s27 =	sadd.s32 $0xFFFFFFC0, s21  }
0x52: {  	[tilespmem:s19+$0xC30 ss:$0x41] =	vst.msk $0xffff, v59;
	s23 =	smul.u32 $0xF4240, s23;
	s18 =	ssub.s32 $0x80, s21;
	p2 =	sgt.s32 s27, $0x3F  }
.Ltmp4:
0x53: {  	[tilespmem:s19+$0x1040 ss:$0x41] =	vst.msk $0xffff, v60;
	s17 =	simm.s32 @p1 $0x0;
	s18 =	simm.s32 @p2 $0x0;
	(pc) =	sbr.rel .LBB1_5-.Ltmp4, $4  }
0x54: {  	s29 =	sand.u32 $0xF, s28;
	[tilespmem:s19+$0x1450 ss:$0x41] =	vst.msk $0xffff, v61;
	s20 =	ssub.s32 s20, s23;
	s17 =	smul.u32 s18, s17  }
0x55: {  	[tilespmem:s19+$0x1860 ss:$0x41] =	vst.msk $0xffff, v62;
	s21 =	sshll.u32 s30, $0x12;
	s20 =	sshll.u32 s20, $0x4;
	s18 =	sadd.s32 s5, s29  }
0x56: {  	[tilespmem:s19+$0x0 ss:$0x41] =	vst.msk $0xffff, v63;
	s31 =	sor.u32 $0x40, s21;
	s18 =	sadd.s32 s20, s18;
	s17 =	sand.u32 $0x3FFFFFFF, s17  }
0x57: {  	[hbm4b:s18+s31] =	stream.strided.scatter [tilespmem:s16], [sflag:$0x2], s17, s8, s31, $0x18;
	[tilespmem:$0x8100] =	vst v63  }
.LBB1_6:
0x58: {  	_ =	sfence.sel $0x180000  }
0x59: {  	s2 =	simm.s32 $0x1;
	[bflag:$0x0] =	sbarrier.arrive $0xFFFF  }
0x5a: {  	s31 =	simm.s32 $0x2;
	[sflag:s2] =	ssyncpa.u1 $0x1  }
0x5b: {  	[sflag:s31] =	ssyncpa.u1 $0x1  }
0x5c: {  	p0 =	sne.s32 s1, $0x0;
	_ =	strace $0x90000047  }
0x5d: {  	s0 =	sadd.s32 @!p0 $0x100000, s0;
	[bflag:$0x2] =	sbarrier.arrive $0xFFFF  }
0x5e: {  	[sflag:s0] =	ssyncadd.tile.s32 @!p0 $0x1;
	_ =	shalt  }
.Lfunc_end1:
_tile_overlayer_lowered:
.L_overlay_start_2:
0x5f: {  	(tag) =	ssettag $0x2  }
0x60: {  	s0 =	rddreg [dreg:$0x0];
	s2 =	stileid.u32  }
0x61: {  	s1 =	rddreg [dreg:$0x1];
	p0 =	sne.s32 s2, $0x0  }
0x62: {  	s3 =	rddreg [dreg:$0x2];
	[bflag:$0x3] =	sbarrier.arrive $0xFFFF;
	s2 =	simm.s32 @!p0 $0x1C01  }
0x63: {  	[timem:s3], [sflag:s2] =	dma.local @!p0 [hbm:s0], s1  }
0x64: {  	s0 =	simm.s32 @!p0 $0x1  }
0x65: {  	_ =	swait.ge @!p0 [sflag:s0], s1  }
0x66: {  	s1 =	ssub.s32 @!p0 $0x0, s1;
	[sflag:s0] =	ssyncset.done @!p0 $0x0  }
0x67: {  	[sflag:s0] =	ssyncadd.s32 @!p0 s1  }
0x68: {  	[bflag:$0x3] =	sbarrier.arrive $0xFFFF  }
0x69: {  	_ =	shalt  }

// kernel: sparse-core-data-format-call.cloned.1.call-start
scs
called_computation_lowered:
.L_overlay_start_0:
0x0: {  	s2 =	sld [smem:$0x3FD9]  }
0x1: {  	s3 =	sld [smem:$0x3FFE];
	_ =	sdelay $0x1  }
0x2: {  	s1 =	srdreg.scid  }
0x3: {  	s0 =	sand.u32 $0x1, s1  }
0x4: {  	s18 =	sshll.u32 s0, $0xA;
	s2 =	sadd.s32 s3, s2  }
0x5: {  	s2 =	sadd.s32 s2, s18  }
0x6: {  	[smem:$0x3FC6] =	sst s2  }
0x7: {  	_ = 	snop  }
0x8: {  	s2 =	sld [smem:$0x3FD0];
	(tm) =	ssettm $0x1  }
0x9: {  	s19 =	sld [smem:$0x3FFB];
	_ =	sdelay $0x3  }
0xa: {  	_ =	strace s19  }
0xb: {  	s3 =	sld [smem:$0x3FFC];
	_ =	sdelay $0x3  }
0xc: {  	_ =	strace s3  }
0xd: {  	s3 =	sld [smem:$0x3FFD];
	_ =	sdelay $0x3  }
0xe: {  	_ =	strace s3  }
0xf: {  	_ =	strace $0x8FFFFFFF  }
0x10: {  	s20 =	sld [smem:$0x3FDB];
	_ =	sdelay $0x1  }
0x11: {  	s4 =	simm.s32 $_scs_section_size  }
0x12: {  	s5 =	simm.s32 $_size__tile_overlayer_lowered;
	s6 =	simm.s32 $_tile_overlayer_lowered  }
0x13: {  	s23 =	simm.s32 $0x1BFF;
	s22 =	sshll.u32 s6, $0x1;
	s3 =	sadd.s32 s4, s20  }
0x14: {  	s7 =	simm.s32 $0x0;
	s21 =	sshll.u32 s5, $0x1;
	s5 =	sadd.s32 s22, s3  }
0x15: {  	[timem:s7], [sflag:s23] =	dma.local [hbm:s5], s21  }
0x16: {  	_ =	swait.ge [sflag:s23], s21  }
0x17: {  	s4 =	ssub.s32 $0x0, s21;
	[sflag:s23] =	ssyncset.done $0x0  }
0x18: {  	[sflag:s23] =	ssyncadd.s32 s4;
	_ =	sdelay $0x1  }
0x19: {  	s24 =	simm.s32 $0x1B8B  }
0x1a: {  	_ =	swait.ge [sflag:s24], $0x1  }
0x1b: {  	[sflag:s24] =	ssyncset.done $0x0  }
0x1c: {  	s26 =	simm.s32 $0x1B8E;
	s25 =	sld [smem:$0x3FFE];
	[sflag:s24] =	ssyncadd.s32 $0xFFFFFFFF  }
0x1d: {  	s27 =	simm.s32 $execute0_lowered;
	[smem:$0x3FD2] =	sst s26  }
0x1e: {  	s5 =	sshll.u32 s27, $0x1;
	_ =	strace $0x8000004C;
	[dreg:$0x1] =	wrdreg $0xFFFFFFFF  }
0x1f: {  	s28 =	simm.s32 $_size_execute0_lowered;
	s3 =	sadd.s32 s3, s5;
	[dreg:$0x0] =	wrdreg $0x0  }
0x20: {  	s5 =	sshll.u32 s28, $0x1;
	[dreg:$0x2] =	wrdreg s3  }
0x21: {  	[dreg:$0x3] =	wrdreg s5  }
0x22: {  	[dreg:$0x4] =	wrdreg $0xC0  }
0x23: {  	_ =	task [dreg:s7], $0x5FFFF  }
0x24: {  	[dreg:$0x1] =	wrdreg $0xFFFFFFFF  }
0x25: {  	[dreg:$0x0] =	wrdreg $0x60  }
0x26: {  	[dreg:$0x2] =	wrdreg s25  }
0x27: {  	[dreg:$0x3] =	wrdreg s2  }
0x28: {  	[dreg:$0x4] =	wrdreg $0x9  }
0x29: {  	_ =	task.clear_ibuf [dreg:s7], $0x5FFFF;
	_ =	strace $0x9000004C  }
0x2a: {  	s29 =	simm.s32 $0x9;
	_ =	strace $0x8000004E  }
0x2b: {  	_ =	swait.ge [sflag:s29], $0x1  }
0x2c: {  	[sflag:s29] =	ssyncadd.s32 $0xFFFFFFFF  }
0x2d: {  	_ =	strace $0x9000004E  }
0x2e: {  	_ =	sfence  }
0x2f: {  	s30 =	sld [smem:$0x0];
	_ =	sdelay $0x2  }
0x30: {  	s31 =	sshll.u32 s1, $0xD;
	s1 =	sshrl.u32 s1, $0x2  }
0x31: {  	s3 =	sand.u32 $0x4000, s31;
	s1 =	sadd.s32 s1, s30  }
0x32: {  	s0 =	sor.u32 s3, s0;
	s1 =	sshll.u32 s1, $0x11  }
0x33: {  	s0 =	sor.u32 s1, s0  }
0x34: {  	s0 =	sadd.s32 $0x8F2B, s0  }
0x35: {  	[sflag:s0] =	ssyncadd.remote.s32 $0x1  }
0x36: {  	_ =	sfence.sel $0xFFFF  }
0x37: {  	[dreg:$0x0] =	wrdreg $0xFFFFFFFF;
	(pc) =	sbr.abs _section_cstart, $3  }
0x38: {  	[dreg:$0x1] =	wrdreg $0xFFFFFFFF  }
0x39: {  	_ =	task.clear_ibuf [dreg:s7], $0x2FFFF;
	_ =	strace $0x9FFFFFFF  }
0x3a: {  	(tm) =	ssettm $0x7FFFFFFF  }
0x3b: {  	_ =	shalt  }
tec
execute0_lowered:
.L_overlay_start_1:
0x0: {  	(tag) =	ssettag $0x1  }
0x1: {  	s0 =	stileid.u32;
	s6 =	rddreg [dreg:$0x0]  }
0x2: {  	s2 =	rddreg [dreg:$0x1];
	s5 =	srdreg.scid  }
0x3: {  	s31 =	simm.s32 $0x2;
	s13 =	simm.s32 $0x0;
	s1 =	sshll.u32 s0, $0x7  }
0x4: {  	s14 =	simm.s32 $0x0;
	s12 =	simm.s32 $0x0;
	s3 =	sand.u32 $0x380, s1  }
0x5: {  	s5 =	sshll.u32 s5, $0x4;
	s6 =	sadd.s32 $0x1000, s6;
	s4 =	ssub.s32 $0x400, s3  }
0x6: {  	s1 =	rddreg [dreg:$0x2];
	_ =	strace $0x8000004D;
	s7 =	sand.u32 $0x380, s4  }
0x7: {  	s5 =	sand.u32 $0x10, s5;
	p0 =	sne.s32 s7, $0x0;
	s7 =	simm.s32 $0x1  }
.Ltmp0:
0x8: {  	s8 =	sshrl.u32 s4, $0xA;
	s7 =	simm.s32 @!p0 $0x0;
	(pc) =	sbr.rel .LBB1_1-.Ltmp0, $4  }
0x9: {  	s9 =	sor.u32 s0, s5;
	s4 =	simm.s32 $0x1;
	s30 =	sadd.s32 s7, s8  }
0xa: {  	s11 =	smov.u32 s3;
	[sflag:s4] =	ssyncpa.u1 $0x0;
	s5 =	smul.u32 $0x32, s30  }
0xb: {  	[sflag:s31] =	ssyncpa.u1 $0x0;
	p0 =	por $0x0, $0x0;
	s7 =	sshrl.u32 s9, $0x3  }
0xc: {  	s9 =	simm.s32 $0x2000;
	s10 =	smov.u32 s7;
	s8 =	sor.u32 $0x1, s5  }
.LBB1_4:
0xd: {  	s17 =	sand.u32 $0x1F80, s14;
	s13 =	sshll.u32 s13, $0xD  }
0xe: {  	[tilespmem:s16+$0x810 ss:$0x81] =	vst.msk $0xffff, v2;
	s18 =	sshrl.u32 s14, $0x3;
	s31 =	sand.u32 $0x7, s14;
	s17 =	sadd.s32 s2, s17  }
0xf: {  	[tilespmem:s16+$0x1020 ss:$0x81] =	vst.msk $0xffff, v0;
	s18 =	sand.u32 $0xF, s18;
	s14 =	sshll.u32 s31, $0x12;
	s13 =	sadd.s32 s13, s17  }
0x10: {  	[tilespmem:s16+$0x0 ss:$0x81] =	vst.msk $0xffff, v1;
	s14 =	sor.u32 $0x400, s14;
	s13 =	sadd.s32 s18, s13  }
0x11: {  	[hbm4b:s13+s14] =	stream.strided.scatter [tilespmem:s15], [sflag:$0x2], $0x2000, s9, s14, $0x20;
	[tilespmem:$0x8080] =	vst v63  }
.LBB1_5:
0x12: {  	s15 =	sadd.s32 $0x4, s10  }
0x13: {  	s13 =	sadd.s32 $0x400, s11;
	s17 =	smov.u32 s11;
	p2 =	sgt.s32 s15, $0xC7  }
0x14: {  	s17 =	smov.u32 @p2 s13  }
0x15: {  	s15 =	smov.u32 @p2 s7;
	p2 =	sgt.s32 s17, $0x3FF  }
0x16: {  	s17 =	smov.u32 @p2 s3;
	p2 =	sne.s32 s12, s8  }
.Ltmp1:
0x17: {  	p1 =	slt.u32 s12, $0x2;
	(pc) =	sbr.rel @!p2 .LBB1_6-.Ltmp1, $4  }
0x18: {  	s16 =	simm.s32 @!p1 $0x2  }
0x19: {  	s14 =	smov.u32 s11;
	p0 =	por !p0, !p0;
	_ =	swait.ge @!p1 [sflag:s16], $0x2000  }
0x1a: {  	s13 =	smov.u32 s10;
	[sflag:s16] =	ssyncset.done @!p1 $0x0;
	s10 =	smov.u32 s15  }
0x1b: {  	s12 =	sadd.s32 $0x1, s12;
	[sflag:s16] =	ssyncadd.s32 @!p1 $0xFFFFE000;
	s11 =	smov.u32 s17  }
.LBB1_1:
0x1c: {  	p1 =	sge.u32 s12, s5  }
0x1d: {  	s15 =	sand.u32 @!p1 $0x1FFFFFF, s10  }
0x1e: {  	s16 =	smulhi.u32 @!p1 $0x147AE15, s15;
	_ =	sdelay $0x1  }
0x1f: {  	s16 =	smul.u32 @!p1 $0xC8, s16  }
0x20: {  	s17 =	sxor.u32 @!p1 $0xFFFFFFFF, s12;
	s18 =	smul.u32 @!p1 $0xC80, s11  }
0x21: {  	s31 =	sadd.s32 $0xFFFFFFFF, s12;
	s17 =	sshll.u32 @!p1 s17, $0xD;
	s15 =	ssub.s32 @!p1 s15, s16  }
0x22: {  	s16 =	sand.u32 @!p1 $0x2000, s17;
	s17 =	sadd.s32 @!p1 s6, s18;
	s15 =	sshll.u32 @!p1 s15, $0x4  }
0x23: {  	s18 =	simm.s32 @!p1 $0x6400;
	s15 =	sadd.s32 @!p1 s15, s17;
	s17 =	simm.s32 @!p1 $0x40  }
0x24: {  	[tilespmem:s16], [sflag:$0x1] =	stream.strided.gather @!p1 [hbm4b:s15+s17], $0x2000, s18, s17, $0x38;
	[tilespmem:$0x8080] =	vst v63  }
0x25: {  	p1 =	sge.u32 s31, s5  }
.Ltmp2:
0x26: {  	_ = 	snop;
	(pc) =	sbr.rel @p1 .LBB1_5-.Ltmp2, $1  }
0x27: {  	_ =	sdelay $0x3  }
0x28: {  	s15 =	simm.s32 $0x1  }
0x29: {  	_ =	swait.ge [sflag:s4], $0x2000;
	s15 =	simm.s32 @!p0 $0x0  }
0x2a: {  	[sflag:s4] =	ssyncset.done $0x0;
	s16 =	sshll.u32 s15, $0xD  }
0x2b: {  	[sflag:s4] =	ssyncadd.s32 $0xFFFFE000;
	s19 =	sor.u32 $0x20, s16  }
0x2c: {  	s15 =	smul.u32 $0x8100, s15;
	v3 =	vld [tilespmem:s19+$0x10]  }
0x2d: {  	s30 =	sand.u32 $0x1, s12;
	v2 =	vld [tilespmem:s19+$0xFFFFFFF0]  }
0x2e: {  	s16 =	smul.u32 $0x8100, s30;
	s15 =	sshrl.u32 s15, $0x2;
	v0 =	vld [tilespmem:s19+$0x0]  }
0x2f: {  	v1 =	vld [tilespmem:s19+$0xFFFFFFE0];
	s17 =	sor.u32 $0x4000, s15  }
0x30: {  	s31 =	sshrl.u32 s16, $0x2;
	s16 =	sadd.s32 $0x0, s17  }
0x31: {  	s18 =	simm.s32 $0x4;
	s19 =	sadd.s32 $0x40, s19;
	s15 =	sor.u32 $0x4000, s31;
	[tilespmem:s16+$0x1830 ss:$0x81] =	vst.msk $0xffff, v3  }
.LBB1_3:
0x32: {  	v3 =	vld [tilespmem:s19+$0x10];
	p1 =	sne.s32 s18, $0x1FC;
	[tilespmem:s16+$0x810 ss:$0x81] =	vst.msk $0xffff, v2;
	s20 =	smov.u32 s18;
	s18 =	sadd.s32 $0x4, s18  }
.Ltmp3:
0x33: {  	v2 =	vld [tilespmem:s19+$0xFFFFFFF0];
	[tilespmem:s16+$0x1020 ss:$0x81] =	vst.msk $0xffff, v0;
	(pc) =	sbr.rel @p1 .LBB1_3-.Ltmp3, $4  }
0x34: {  	v0 =	vld [tilespmem:s19+$0x0];
	[tilespmem:s16+$0x0 ss:$0x81] =	vst.msk $0xffff, v1  }
0x35: {  	s16 =	sshra.s32 s20, $0x2;
	v1 =	vld [tilespmem:s19+$0xFFFFFFE0]  }
0x36: {  	s16 =	sadd.s32 s16, s17  }
0x37: {  	s19 =	sadd.s32 $0x40, s19;
	[tilespmem:s16+$0x1830 ss:$0x81] =	vst.msk $0xffff, v3  }
.Ltmp4:
0x38: {  	_ = 	snop;
	(pc) =	sbr.rel .LBB1_4-.Ltmp4, $1  }
0x39: {  	_ =	sdelay $0x3  }
.LBB1_6:
0x3a: {  	_ =	sfence.sel $0x180000  }
0x3b: {  	s2 =	simm.s32 $0x1;
	[bflag:$0x0] =	sbarrier.arrive $0xFFFF  }
0x3c: {  	s31 =	simm.s32 $0x2;
	[sflag:s2] =	ssyncpa.u1 $0x1  }
0x3d: {  	[sflag:s31] =	ssyncpa.u1 $0x1  }
0x3e: {  	p0 =	sne.s32 s0, $0x0;
	_ =	strace $0x9000004D  }
0x3f: {  	s0 =	sadd.s32 @!p0 $0x100000, s1;
	[bflag:$0x2] =	sbarrier.arrive $0xFFFF  }
0x40: {  	[sflag:s0] =	ssyncadd.tile.s32 @!p0 $0x1;
	_ =	shalt  }
.Lfunc_end1:
_tile_overlayer_lowered:
.L_overlay_start_2:
0x41: {  	(tag) =	ssettag $0x2  }
0x42: {  	s0 =	rddreg [dreg:$0x0];
	s2 =	stileid.u32  }
0x43: {  	s1 =	rddreg [dreg:$0x1];
	p0 =	sne.s32 s2, $0x0  }
0x44: {  	s3 =	rddreg [dreg:$0x2];
	[bflag:$0x3] =	sbarrier.arrive $0xFFFF;
	s2 =	simm.s32 @!p0 $0x1C01  }
0x45: {  	[timem:s3], [sflag:s2] =	dma.local @!p0 [hbm:s0], s1  }
0x46: {  	s0 =	simm.s32 @!p0 $0x1  }
0x47: {  	_ =	swait.ge @!p0 [sflag:s0], s1  }
0x48: {  	s1 =	ssub.s32 @!p0 $0x0, s1;
	[sflag:s0] =	ssyncset.done @!p0 $0x0  }
0x49: {  	[sflag:s0] =	ssyncadd.s32 @!p0 s1  }
0x4a: {  	[bflag:$0x3] =	sbarrier.arrive $0xFFFF  }
0x4b: {  	_ =	shalt  }

</sc_bundles>
